<compile_context>
chip_gen: v7x
topology: tpu7x:2x2x1
jax: 0.10.2.dev20260603
libtpu: 0.0.44.dev20260713+nightly
codegen_flags: <defaults>
</compile_context>

<pallas_src>
import functools

import jax
import jax.numpy as jnp
from jax import lax
from jax.experimental import pallas as pl
from jax.experimental.pallas import tpu as pltpu
from jax.experimental.pallas import tpu_sc as plsc

NE = 10000
D = 128
NREG = 5000
NP = 10240
ACC = 10240
NC = 2
NS = 16
NW = NC * NS
CH = 128
RPT = ACC // NS
CPT = RPT // CH

_f32 = jnp.float32
_i32 = jnp.int32



@functools.lru_cache(maxsize=None)
def _sc_agg(K: int):
    mesh = plsc.VectorSubcoreMesh(core_axis_name="c", subcore_axis_name="s",
                                  num_cores=NC, num_subcores=NS)

    def body(y, srcH, dstH, out_f, src_v, dst_v, rows_v, acc_f, sem):
        c = lax.axis_index("c")
        s = lax.axis_index("s")
        wid = s * NC + c

        def zrow(k, _):
            rows_v[k // 8, pl.ds((k % 8) * 16, 16)] = jnp.zeros((16,), _f32)
            return _
        lax.fori_loop(0, CH * 8, zrow, None)

        r0 = s * RPT

        def zacc(t, _):
            pltpu.sync_copy(rows_v, acc_f.at[pl.ds(r0 + t * CH, CH)])
            return _
        lax.fori_loop(0, CPT, zacc, None)

        plsc.subcore_barrier()

        def step(j, _):
            pltpu.sync_copy(srcH.at[wid, j], src_v)
            pltpu.sync_copy(dstH.at[wid, j], dst_v)
            pltpu.async_copy(y.at[src_v], rows_v, sem).wait()
            pltpu.sync_copy(rows_v, acc_f.at[dst_v], add=True)
            return _
        lax.fori_loop(0, K, step, None)

        plsc.subcore_barrier()

        o0 = c * ACC + s * RPT

        def out_t(t, _):
            pltpu.sync_copy(acc_f.at[pl.ds(r0 + t * CH, CH)], rows_v)
            pltpu.sync_copy(rows_v, out_f.at[pl.ds(o0 + t * CH, CH)])
            return _
        lax.fori_loop(0, CPT, out_t, None)

    return pl.kernel(
        body,
        out_type=jax.ShapeDtypeStruct((NC * ACC, D), _f32),
        mesh=mesh,
        scratch_types=[
            pltpu.VMEM((CH,), _i32),
            pltpu.VMEM((CH,), _i32),
            pltpu.VMEM((CH, D), _f32),
            pltpu.VMEM_SHARED((ACC, D), _f32),
            pltpu.SemaphoreType.DMA,
        ])


@functools.lru_cache(maxsize=None)
def _sc_deg(K: int):
    mesh = plsc.VectorSubcoreMesh(core_axis_name="c", subcore_axis_name="s",
                                  num_cores=NC, num_subcores=NS)

    def body(dstH, out_f, dst_v, rows_v, acc_f):
        c = lax.axis_index("c")
        s = lax.axis_index("s")
        wid = s * NC + c

        def zrow(k, _):
            rows_v[k // 8, pl.ds((k % 8) * 16, 16)] = jnp.zeros((16,), _f32)
            return _
        lax.fori_loop(0, CH * 8, zrow, None)

        r0 = s * RPT

        def zacc(t, _):
            pltpu.sync_copy(rows_v, acc_f.at[pl.ds(r0 + t * CH, CH)])
            return _
        lax.fori_loop(0, CPT, zacc, None)

        def frow(k, _):
            rows_v[k // 8, pl.ds((k % 8) * 16, 16)] = jnp.ones((16,), _f32)
            return _
        lax.fori_loop(0, CH * 8, frow, None)

        plsc.subcore_barrier()

        def step(j, _):
            pltpu.sync_copy(dstH.at[wid, j], dst_v)
            pltpu.sync_copy(rows_v, acc_f.at[dst_v], add=True)
            return _
        lax.fori_loop(0, K, step, None)

        plsc.subcore_barrier()

        o0 = c * ACC + s * RPT

        def out_t(t, _):
            pltpu.sync_copy(acc_f.at[pl.ds(r0 + t * CH, CH)], rows_v)
            pltpu.sync_copy(rows_v, out_f.at[pl.ds(o0 + t * CH, CH)])
            return _
        lax.fori_loop(0, CPT, out_t, None)

    return pl.kernel(
        body,
        out_type=jax.ShapeDtypeStruct((NC * ACC, D), _f32),
        mesh=mesh,
        scratch_types=[
            pltpu.VMEM((CH,), _i32),
            pltpu.VMEM((CH, D), _f32),
            pltpu.VMEM_SHARED((ACC, D), _f32),
        ])


@functools.lru_cache(maxsize=None)
def _sc_gather():
    CG = 64
    KG = NP // (NW * CG)
    mesh = plsc.VectorSubcoreMesh(core_axis_name="c", subcore_axis_name="s",
                                  num_cores=NC, num_subcores=NS)

    def body(table, idxH, out, idx_v, rows_v, sem):
        c = lax.axis_index("c")
        s = lax.axis_index("s")
        wid = s * NC + c
        base = wid * (KG * CG)

        def step(j, _):
            pltpu.sync_copy(idxH.at[wid, j], idx_v)
            pltpu.async_copy(table.at[idx_v], rows_v, sem).wait()
            pltpu.sync_copy(rows_v, out.at[pl.ds(base + j * CG, CG)])
            return _
        lax.fori_loop(0, KG, step, None)

    return pl.kernel(
        body,
        out_type=jax.ShapeDtypeStruct((NP, D), _f32),
        mesh=mesh,
        scratch_types=[
            pltpu.VMEM((CG,), _i32),
            pltpu.VMEM((CG, D), _f32),
            pltpu.SemaphoreType.DMA,
        ])



_BLK = 2048


def _mm2(x, wrel, wroot):
    def body(x_ref, wa, wb, oa, ob):
        xv = x_ref[...]
        oa[...] = jnp.dot(xv, wa[...], preferred_element_type=_f32)
        ob[...] = jnp.dot(xv, wb[...], preferred_element_type=_f32)

    g = NP // _BLK
    return pl.pallas_call(
        body,
        grid=(g,),
        in_specs=[
            pl.BlockSpec((_BLK, D), lambda i: (i, 0)),
            pl.BlockSpec((D, D), lambda i: (0, 0)),
            pl.BlockSpec((D, D), lambda i: (0, 0)),
        ],
        out_specs=[
            pl.BlockSpec((_BLK, D), lambda i: (i, 0)),
            pl.BlockSpec((_BLK, D), lambda i: (i, 0)),
        ],
        out_shape=[jax.ShapeDtypeStruct((NP, D), _f32)] * 2,
    )(x, wrel, wroot)


def _combine(root, feat, deg8, b, act):
    def body(r_ref, f0_ref, f1_ref, d0_ref, d1_ref, b_ref, o_ref):
        deg = jnp.maximum(d0_ref[:, 0:1] + d1_ref[:, 0:1], 1.0)
        o_ref[...] = act(r_ref[...] + (f0_ref[...] + f1_ref[...]) / deg
                         + b_ref[...])

    g = NP // _BLK
    nb = ACC // _BLK
    return pl.pallas_call(
        body,
        grid=(g,),
        in_specs=[
            pl.BlockSpec((_BLK, D), lambda i: (i, 0)),
            pl.BlockSpec((_BLK, D), lambda i: (i, 0)),
            pl.BlockSpec((_BLK, D), lambda i: (i + nb, 0)),
            pl.BlockSpec((_BLK, 8), lambda i: (i, 0)),
            pl.BlockSpec((_BLK, 8), lambda i: (i + nb, 0)),
            pl.BlockSpec((1, D), lambda i: (0, 0)),
        ],
        out_specs=pl.BlockSpec((_BLK, D), lambda i: (i, 0)),
        out_shape=jax.ShapeDtypeStruct((NP, D), _f32),
    )(root, feat, feat, deg8, deg8, b)


def _head(f0, f1, e2, task, mp_emb, q_W, q_b, pred_W, pred_b,
          sa_W1, sa_b1, sa_W2, er_Wa, er_Wb, er_b):
    rs = 1.0 / (D ** 0.5)

    def body(f0r, f1r, e2r, tkr, mpr, qwr, qbr, pwr, pbr,
             w1r, b1r, w2r, ear, ebr, ebi, out):
        q = jnp.dot(mpr[...], qwr[...], preferred_element_type=_f32) + qbr[...]
        f0v = f0r[...]
        f1v = f1r[...]
        s0 = jnp.sum(f0v * q[0:1, :], axis=1, keepdims=True) * rs
        s1 = jnp.sum(f1v * q[1:2, :], axis=1, keepdims=True) * rs
        m = jnp.maximum(s0, s1)
        e0 = jnp.exp(s0 - m)
        e1 = jnp.exp(s1 - m)
        z = e0 + e1
        h = (e0 / z) * f0v + (e1 / z) * f1v
        ereg = jnp.dot(h, pwr[...], preferred_element_type=_f32) + pbr[...]
        tk = tkr[...]
        t0 = jnp.dot(jnp.tanh(
            jnp.dot(ereg, w1r[...], preferred_element_type=_f32) + b1r[...]),
            w2r[...], preferred_element_type=_f32)
        t1 = jnp.dot(jnp.tanh(
            jnp.dot(tk, w1r[...], preferred_element_type=_f32) + b1r[...]),
            w2r[...], preferred_element_type=_f32)
        w0 = jnp.sum(t0, axis=0, keepdims=True) * (1.0 / NREG)
        w1 = jnp.sum(t1, axis=0, keepdims=True) * (1.0 / NREG)
        mw = jnp.maximum(w0, w1)
        g0 = jnp.exp(w0 - mw)
        g1 = jnp.exp(w1 - mw)
        gz = g0 + g1
        ereg2 = (g0 / gz) * ereg + (g1 / gz) * tk
        out[...] = (jnp.dot(ereg2, ear[...], preferred_element_type=_f32)
                    + jnp.dot(e2r[...], ebr[...],
                              preferred_element_type=_f32)
                    + ebi[...])

    row_spec = pl.BlockSpec((NREG, D), lambda: (0, 0))
    return pl.pallas_call(
        body,
        in_specs=[
            row_spec, row_spec, row_spec, row_spec,
            pl.BlockSpec((2, D), lambda: (0, 0)),
            pl.BlockSpec((D, D), lambda: (0, 0)),
            pl.BlockSpec((1, D), lambda: (0, 0)),
            pl.BlockSpec((D, D), lambda: (0, 0)),
            pl.BlockSpec((1, D), lambda: (0, 0)),
            pl.BlockSpec((D, D), lambda: (0, 0)),
            pl.BlockSpec((1, D), lambda: (0, 0)),
            pl.BlockSpec((D, 1), lambda: (0, 0)),
            pl.BlockSpec((D, 1), lambda: (0, 0)),
            pl.BlockSpec((D, 1), lambda: (0, 0)),
            pl.BlockSpec((1, 1), lambda: (0, 0)),
        ],
        out_specs=pl.BlockSpec((NREG, 1), lambda: (0, 0)),
        out_shape=jax.ShapeDtypeStruct((NREG, 1), _f32),
    )(f0, f1, e2, task, mp_emb, q_W, q_b, pred_W, pred_b,
      sa_W1, sa_b1, sa_W2, er_Wa, er_Wb, er_b)



def _pad_edges(ei, K):
    total = NW * K * CH
    src = ei[0].astype(_i32)
    dst = ei[1].astype(_i32)
    e = src.shape[0]
    src = jnp.concatenate([src, jnp.zeros((total - e,), _i32)])
    dst = jnp.concatenate([dst, jnp.full((total - e,), NE, _i32)])
    return src.reshape(NW, K, CH), dst.reshape(NW, K, CH)


def _pad_idx(idx):
    CG = 64
    KG = NP // (NW * CG)
    idx = jnp.concatenate(
        [idx.astype(_i32), jnp.zeros((NP - idx.shape[0],), _i32)])
    return idx.reshape(NW, KG, CG)


def _rgcn_pair(x, ei_pad, K, W0r, W0l, b0, W1r, W1l, b1, act):
    srcH, dstH = ei_pad
    agg = _sc_agg(K)
    deg8 = _sc_deg(K)(dstH)[:, :8]

    y, root = _mm2(x, W0l, W0r)
    feat = agg(y, srcH, dstH)
    x1 = _combine(root, feat, deg8, b0.reshape(1, D), act)

    y, root = _mm2(x1, W1l, W1r)
    feat = agg(y, srcH, dstH)
    x2 = _combine(root, feat, deg8, b1.reshape(1, D), act)
    return x2


def kernel(edge_index, gs0_edge_index, gs0_eids, gs1_edge_index, gs1_eids,
           metapath_emb, task_emb, E_table,
           rgcn0_Wroot, rgcn0_Wrel, rgcn0_b, rgcn1_Wroot, rgcn1_Wrel, rgcn1_b,
           mp0_Wroot, mp0_Wrel, mp0_b, mp1_Wroot, mp1_Wrel, mp1_b,
           mp2_Wroot, mp2_Wrel, mp2_b, mp3_Wroot, mp3_Wrel, mp3_b,
           q_W, q_b, pred_W, pred_b, sa_W1, sa_b1, sa_W2, er_W, er_b):
    KG_ = -(-edge_index.shape[1] // (NW * CH))
    KM_ = -(-gs0_edge_index.shape[1] // (NW * CH))

    eig = _pad_edges(edge_index, KG_)
    ei0 = _pad_edges(gs0_edge_index, KM_)
    ei1 = _pad_edges(gs1_edge_index, KM_)

    x = jnp.concatenate([E_table, jnp.zeros((NP - NE, D), _f32)], axis=0)

    E2 = _rgcn_pair(x, eig, KG_, rgcn0_Wroot, rgcn0_Wrel, rgcn0_b,
                    rgcn1_Wroot, rgcn1_Wrel, rgcn1_b, jnp.tanh)

    gather = _sc_gather()
    relu = jax.nn.relu
    f0 = gather(E2, _pad_idx(gs0_eids))
    f0 = _rgcn_pair(f0, ei0, KM_, mp0_Wroot, mp0_Wrel, mp0_b,
                    mp1_Wroot, mp1_Wrel, mp1_b, relu)
    f1 = gather(E2, _pad_idx(gs1_eids))
    f1 = _rgcn_pair(f1, ei1, KM_, mp2_Wroot, mp2_Wrel, mp2_b,
                    mp3_Wroot, mp3_Wrel, mp3_b, relu)

    pred = _head(f0[:NREG], f1[:NREG], E2[:NREG], task_emb,
                 metapath_emb, q_W, q_b.reshape(1, D),
                 pred_W, pred_b.reshape(1, D),
                 sa_W1, sa_b1.reshape(1, D), sa_W2,
                 er_W[:D], er_W[D:], er_b.reshape(1, 1))
    return pred

# --- scband reference (transcript-rebuilt; emitter-appended) ---
"""Pipeline reference for scband-han-26242250178590 (READ-ONLY COPY).

The authoritative reference and input builder live on the scoring server;
editing this copy changes nothing except your own understanding.
"""

import jax, jax.numpy as jnp
import numpy as np

NE = 10000
EDIM = 128
HID = 128
NREG = 5000
E_GLOBAL = 320000
E_MP = 160000

W_NAMES = ["rgcn0_Wroot", "rgcn0_Wrel", "rgcn0_b", "rgcn1_Wroot", "rgcn1_Wrel", "rgcn1_b",
           "mp0_Wroot", "mp0_Wrel", "mp0_b", "mp1_Wroot", "mp1_Wrel", "mp1_b",
           "mp2_Wroot", "mp2_Wrel", "mp2_b", "mp3_Wroot", "mp3_Wrel", "mp3_b",
           "q_W", "q_b", "pred_W", "pred_b", "sa_W1", "sa_b1", "sa_W2", "er_W", "er_b"]

def _glorot(key, shape):
    fan_in = shape[0]
    fan_out = shape[1] if len(shape) > 1 else shape[0]
    std = float(np.sqrt(2.0 / (fan_in + fan_out)))
    return jax.random.normal(key, shape, dtype=jnp.float32) * std

def setup_inputs(seed: int = 0):
    key = jax.random.key(seed)
    ks = jax.random.split(key, 48)
    inp = {}
    inp["edge_index"] = jax.random.randint(ks[0], (2, E_GLOBAL), 0, NE)
    inp["gs0_edge_index"] = jax.random.randint(ks[1], (2, E_MP), 0, NE)
    inp["gs0_eids"] = jax.random.randint(ks[2], (NE,), 0, NE)
    inp["gs1_edge_index"] = jax.random.randint(ks[3], (2, E_MP), 0, NE)
    inp["gs1_eids"] = jax.random.randint(ks[4], (NE,), 0, NE)
    inp["metapath_emb"] = jax.random.normal(ks[5], (2, EDIM), dtype=jnp.float32)
    inp["task_emb"] = jax.random.normal(ks[6], (NREG, EDIM), dtype=jnp.float32)
    inp["E_table"] = _glorot(ks[7], (NE, EDIM))
    i = 8
    for l in range(2):
        inp["rgcn%d_Wroot" % l] = _glorot(ks[i], (EDIM, EDIM)); i += 1
        inp["rgcn%d_Wrel" % l] = _glorot(ks[i], (EDIM, EDIM)); i += 1
        inp["rgcn%d_b" % l] = jnp.zeros((EDIM,), dtype=jnp.float32)
    for l in range(4):
        inp["mp%d_Wroot" % l] = _glorot(ks[i], (EDIM, HID)); i += 1
        inp["mp%d_Wrel" % l] = _glorot(ks[i], (EDIM, HID)); i += 1
        inp["mp%d_b" % l] = jnp.zeros((HID,), dtype=jnp.float32)
    inp["q_W"] = _glorot(ks[i], (EDIM, HID)); i += 1
    inp["q_b"] = jnp.zeros((HID,), dtype=jnp.float32)
    inp["pred_W"] = _glorot(ks[i], (HID, EDIM)); i += 1
    inp["pred_b"] = jnp.zeros((EDIM,), dtype=jnp.float32)
    inp["sa_W1"] = _glorot(ks[i], (EDIM, 128)); i += 1
    inp["sa_b1"] = jnp.zeros((128,), dtype=jnp.float32)
    inp["sa_W2"] = _glorot(ks[i], (128, 1)); i += 1
    inp["er_W"] = _glorot(ks[i], (2 * EDIM, 1)); i += 1
    inp["er_b"] = jnp.zeros((1,), dtype=jnp.float32)
    return inp

def _rgcn(x, ei, Wroot, Wrel, b):
    src = ei[0]
    dst = ei[1]
    msg = jnp.take(x, src, axis=0) @ Wrel
    agg = jax.ops.segment_sum(msg, dst, num_segments=x.shape[0])
    deg = jax.ops.segment_sum(jnp.ones((ei.shape[1],), dtype=x.dtype), dst, num_segments=x.shape[0])
    agg = agg / jnp.maximum(deg, 1.0)[:, None]
    return x @ Wroot + agg + b

def _forward(E_table, metapath_emb, task_emb, ws, edge_index, gs0_edge_index, gs0_eids, gs1_edge_index, gs1_eids):
    (rgcn0_Wroot, rgcn0_Wrel, rgcn0_b, rgcn1_Wroot, rgcn1_Wrel, rgcn1_b,
     mp0_Wroot, mp0_Wrel, mp0_b, mp1_Wroot, mp1_Wrel, mp1_b,
     mp2_Wroot, mp2_Wrel, mp2_b, mp3_Wroot, mp3_Wrel, mp3_b,
     q_W, q_b, pred_W, pred_b, sa_W1, sa_b1, sa_W2, er_W, er_b) = ws
    E = E_table
    E = jnp.tanh(_rgcn(E, edge_index, rgcn0_Wroot, rgcn0_Wrel, rgcn0_b))
    E = jnp.tanh(_rgcn(E, edge_index, rgcn1_Wroot, rgcn1_Wrel, rgcn1_b))
    f0 = jnp.take(E, gs0_eids, axis=0)
    f0 = jax.nn.relu(_rgcn(f0, gs0_edge_index, mp0_Wroot, mp0_Wrel, mp0_b))
    f0 = jax.nn.relu(_rgcn(f0, gs0_edge_index, mp1_Wroot, mp1_Wrel, mp1_b))
    f1 = jnp.take(E, gs1_eids, axis=0)
    f1 = jax.nn.relu(_rgcn(f1, gs1_edge_index, mp2_Wroot, mp2_Wrel, mp2_b))
    f1 = jax.nn.relu(_rgcn(f1, gs1_edge_index, mp3_Wroot, mp3_Wrel, mp3_b))
    emb = jnp.stack([f0[:NREG], f1[:NREG]], axis=1)
    q = metapath_emb @ q_W + q_b
    scores = jnp.einsum("id,nid->ni", q, emb) / np.sqrt(float(emb.shape[2]))
    beta = jax.nn.softmax(scores, axis=1)
    h = jnp.sum(beta[:, :, None] * emb, axis=1)
    E_reg = h @ pred_W + pred_b
    z = jnp.stack([E_reg, task_emb], axis=1)
    w = jnp.mean(jnp.tanh(z @ sa_W1 + sa_b1) @ sa_W2, axis=0)
    beta2 = jax.nn.softmax(w, axis=0)
    E_reg2 = jnp.sum(beta2[None, :, :] * z, axis=1)
    E_cat = jnp.concatenate([E_reg2, E[:NREG]], axis=1)
    pred = E_cat @ er_W + er_b
    return pred

def reference(edge_index, gs0_edge_index, gs0_eids, gs1_edge_index, gs1_eids,
              metapath_emb, task_emb, E_table,
              rgcn0_Wroot, rgcn0_Wrel, rgcn0_b, rgcn1_Wroot, rgcn1_Wrel, rgcn1_b,
              mp0_Wroot, mp0_Wrel, mp0_b, mp1_Wroot, mp1_Wrel, mp1_b,
              mp2_Wroot, mp2_Wrel, mp2_b, mp3_Wroot, mp3_Wrel, mp3_b,
              q_W, q_b, pred_W, pred_b, sa_W1, sa_b1, sa_W2, er_W, er_b):
    ws = (rgcn0_Wroot, rgcn0_Wrel, rgcn0_b, rgcn1_Wroot, rgcn1_Wrel, rgcn1_b,
          mp0_Wroot, mp0_Wrel, mp0_b, mp1_Wroot, mp1_Wrel, mp1_b,
          mp2_Wroot, mp2_Wrel, mp2_b, mp3_Wroot, mp3_Wrel, mp3_b,
          q_W, q_b, pred_W, pred_b, sa_W1, sa_b1, sa_W2, er_W, er_b)
    return _forward(E_table, metapath_emb, task_emb, ws,
                    edge_index, gs0_edge_index, gs0_eids,
                    gs1_edge_index, gs1_eids)

if __name__ == "__main__":
    import jax
    _d = setup_inputs()
    print(jax.jit(kernel)(*tuple(_d.values())))

</pallas_src>

<mosaic_0001>
#map = affine_map<(d0, d1) -> (0, 0, 0)>
#map1 = affine_map<(d0, d1) -> (0, 0)>
module attributes {stable_mosaic.version = 14 : i64} {
  func.func @body(%arg0: i32, %arg1: i32, %arg2: memref<32x79x128xi32, #tpu.memory_space<hbm>>, %arg3: memref<20480x128xf32, #tpu.memory_space<hbm>>, %arg4: memref<128xi32, #tpu.memory_space<vmem>>, %arg5: memref<128x128xf32, #tpu.memory_space<vmem>>, %arg6: memref<10240x128xf32, #tpu.memory_space<vmem_shared>>) attributes {dimension_semantics = [#tpu.dimension_semantics<core_parallel>, #tpu.dimension_semantics<subcore_parallel>], iteration_bounds = array<i64: 2, 16>, scalar_prefetch = 0 : i64, scratch_operands = 3 : i64, tpu.core_type = #tpu.core_type<sc_vector_subcore>, window_params = [{transform_indices = #map}, {transform_indices = #map1}]} {
    %mul3A = arith.constant 2 : i32
    %mul3A_0 = arith.muli %arg1, %mul3A : i32
    %add3A = arith.addi %mul3A_0, %arg0 : i32
    %scan3A = arith.constant 0 : i32
    %scan3A_1 = arith.constant 1024 : i32
    %scan3A_2 = arith.addi %scan3A, %scan3A_1 : i32
    %scan3A_3 = arith.constant 1 : i32
    scf.for %scan3A_33 = %scan3A to %scan3A_2 step %scan3A_3  : i32 {
      %broadcast_in_dim3A = arith.constant 0.000000e+00 : f32
      %broadcast_in_dim3A_34 = vector.broadcast %broadcast_in_dim3A : f32 to vector<16xf32>
      %jit3A = arith.constant 8 : i32
      %div3A = arith.divsi %scan3A_33, %jit3A : i32
      %sign3A = arith.constant 0 : i32
      %sign3A_35 = arith.cmpi sgt, %scan3A_33, %sign3A : i32
      %sign3A_36 = arith.extui %sign3A_35 : i1 to i32
      %sign3A_37 = arith.constant 0 : i32
      %sign3A_38 = arith.cmpi slt, %scan3A_33, %sign3A_37 : i32
      %sign3A_39 = arith.extui %sign3A_38 : i1 to i32
      %sign3A_40 = arith.subi %sign3A_36, %sign3A_39 : i32
      %sign3A_41 = arith.constant 0 : i32
      %sign3A_42 = arith.cmpi sgt, %jit3A, %sign3A_41 : i32
      %sign3A_43 = arith.extui %sign3A_42 : i1 to i32
      %sign3A_44 = arith.constant 0 : i32
      %sign3A_45 = arith.cmpi slt, %jit3A, %sign3A_44 : i32
      %sign3A_46 = arith.extui %sign3A_45 : i1 to i32
      %sign3A_47 = arith.subi %sign3A_43, %sign3A_46 : i32
      %ne3A = arith.cmpi ne, %sign3A_40, %sign3A_47 : i32
      %rem3A = arith.remsi %scan3A_33, %jit3A : i32
      %ne3A_48 = arith.constant 0 : i32
      %ne3A_49 = arith.cmpi ne, %rem3A, %ne3A_48 : i32
      %and3A = arith.andi %ne3A, %ne3A_49 : i1
      %sub3A = arith.constant 1 : i32
      %sub3A_50 = arith.subi %div3A, %sub3A : i32
      %select_n3A = arith.select %and3A, %sub3A_50, %div3A : i32
      %jit3A_51 = arith.constant 8 : i32
      %eq3A = arith.constant 0 : i32
      %eq3A_52 = arith.cmpi eq, %jit3A_51, %eq3A : i32
      %jit3A_53 = arith.constant 1 : i32
      %select_n3A_54 = arith.select %eq3A_52, %jit3A_53, %jit3A_51 : i32
      %rem3A_55 = arith.remsi %scan3A_33, %select_n3A_54 : i32
      %ne3A_56 = arith.constant 0 : i32
      %ne3A_57 = arith.cmpi ne, %rem3A_55, %ne3A_56 : i32
      %lt3A = arith.constant 0 : i32
      %lt3A_58 = arith.cmpi slt, %rem3A_55, %lt3A : i32
      %lt3A_59 = arith.constant 0 : i32
      %lt3A_60 = arith.cmpi slt, %select_n3A_54, %lt3A_59 : i32
      %ne3A_61 = arith.xori %lt3A_58, %lt3A_60 : i1
      %and3A_62 = arith.andi %ne3A_61, %ne3A_57 : i1
      %add3A_63 = arith.addi %rem3A_55, %select_n3A_54 : i32
      %select_n3A_64 = arith.select %and3A_62, %add3A_63, %rem3A_55 : i32
      %mul3A_65 = arith.constant 16 : i32
      %mul3A_66 = arith.muli %select_n3A_64, %mul3A_65 : i32
      %swap3A = arith.index_cast %select_n3A : i32 to index
      %swap3A_67 = arith.index_cast %mul3A_66 : i32 to index
      %swap3A_68 = tpu.vector_load %arg5[%swap3A, %swap3A_67] {strides = array<i32>} : memref<128x128xf32, #tpu.memory_space<vmem>>, vector<1x16xf32>,
      %swap3A_69 = vector.shape_cast %swap3A_68 : vector<1x16xf32> to vector<16xf32>
      %swap3A_70 = vector.shape_cast %broadcast_in_dim3A_34 : vector<16xf32> to vector<1x16xf32>
      tpu.vector_store %arg5[%swap3A, %swap3A_67], %swap3A_70 {strides = array<i32>} : memref<128x128xf32, #tpu.memory_space<vmem>>, vector<1x16xf32>,
    }
    %scan3A_4 = arith.constant 1024 : i32
    %mul3A_5 = arith.constant 640 : i32
    %mul3A_6 = arith.muli %arg1, %mul3A_5 : i32
    %scan3A_7 = arith.constant 0 : i32
    %scan3A_8 = arith.constant 5 : i32
    %scan3A_9 = arith.addi %scan3A_7, %scan3A_8 : i32
    %scan3A_10 = arith.constant 1 : i32
    scf.for %scan3A_33 = %scan3A_7 to %scan3A_9 step %scan3A_10  : i32 {
      %mul3A_34 = arith.constant 128 : i32
      %mul3A_35 = arith.muli %scan3A_33, %mul3A_34 : i32
      %add3A_36 = arith.addi %mul3A_6, %mul3A_35 : i32
      "tpu.region"() ({
        %run_scoped3A = tpu.sem_alloc : memref<!tpu.dma_semaphore, #tpu.memory_space<semaphore_mem>>
        %dma_start3A = arith.constant 0 : i32
        %dma_start3A_37 = tpu.memref_slice %arg6[%add3A_36, %dma_start3A] : memref<10240x128xf32, #tpu.memory_space<vmem_shared>> -> memref<128x128xf32, #tpu.memory_space<vmem_shared>>
        %dma_start3A_38 = arith.constant 0 : i32
        %dma_start3A_39 = tpu.memref_slice %arg6[%add3A_36, %dma_start3A_38] : memref<10240x128xf32, #tpu.memory_space<vmem_shared>> -> memref<128x128xf32, #tpu.memory_space<vmem_shared>>
        tpu.enqueue_dma source(%arg5 : memref<128x128xf32, #tpu.memory_space<vmem>>) target(%dma_start3A_39 : memref<128x128xf32, #tpu.memory_space<vmem_shared>>) target_semaphore(%run_scoped3A : memref<!tpu.dma_semaphore, #tpu.memory_space<semaphore_mem>>)
        %dma_wait3A = arith.constant 0 : i32
        %dma_wait3A_40 = tpu.memref_slice %arg6[%add3A_36, %dma_wait3A] : memref<10240x128xf32, #tpu.memory_space<vmem_shared>> -> memref<128x128xf32, #tpu.memory_space<vmem_shared>>
        %dma_wait3A_41 = arith.constant 0 : i32
        %dma_wait3A_42 = tpu.memref_slice %arg6[%add3A_36, %dma_wait3A_41] : memref<10240x128xf32, #tpu.memory_space<vmem_shared>> -> memref<128x128xf32, #tpu.memory_space<vmem_shared>>
        tpu.wait_dma2 semaphore(%run_scoped3A : memref<!tpu.dma_semaphore, #tpu.memory_space<semaphore_mem>>) src(%arg5 : memref<128x128xf32, #tpu.memory_space<vmem>>) dst(%dma_wait3A_42 : memref<128x128xf32, #tpu.memory_space<vmem_shared>>)
        tpu.yield
      }) : () -> ()
    }
    %scan3A_11 = arith.constant 5 : i32
    %scan3A_12 = arith.constant 0 : i32
    %scan3A_13 = arith.constant 1024 : i32
    %scan3A_14 = arith.addi %scan3A_12, %scan3A_13 : i32
    %scan3A_15 = arith.constant 1 : i32
    scf.for %scan3A_33 = %scan3A_12 to %scan3A_14 step %scan3A_15  : i32 {
      %broadcast_in_dim3A = arith.constant 1.000000e+00 : f32
      %broadcast_in_dim3A_34 = vector.broadcast %broadcast_in_dim3A : f32 to vector<16xf32>
      %jit3A = arith.constant 8 : i32
      %div3A = arith.divsi %scan3A_33, %jit3A : i32
      %sign3A = arith.constant 0 : i32
      %sign3A_35 = arith.cmpi sgt, %scan3A_33, %sign3A : i32
      %sign3A_36 = arith.extui %sign3A_35 : i1 to i32
      %sign3A_37 = arith.constant 0 : i32
      %sign3A_38 = arith.cmpi slt, %scan3A_33, %sign3A_37 : i32
      %sign3A_39 = arith.extui %sign3A_38 : i1 to i32
      %sign3A_40 = arith.subi %sign3A_36, %sign3A_39 : i32
      %sign3A_41 = arith.constant 0 : i32
      %sign3A_42 = arith.cmpi sgt, %jit3A, %sign3A_41 : i32
      %sign3A_43 = arith.extui %sign3A_42 : i1 to i32
      %sign3A_44 = arith.constant 0 : i32
      %sign3A_45 = arith.cmpi slt, %jit3A, %sign3A_44 : i32
      %sign3A_46 = arith.extui %sign3A_45 : i1 to i32
      %sign3A_47 = arith.subi %sign3A_43, %sign3A_46 : i32
      %ne3A = arith.cmpi ne, %sign3A_40, %sign3A_47 : i32
      %rem3A = arith.remsi %scan3A_33, %jit3A : i32
      %ne3A_48 = arith.constant 0 : i32
      %ne3A_49 = arith.cmpi ne, %rem3A, %ne3A_48 : i32
      %and3A = arith.andi %ne3A, %ne3A_49 : i1
      %sub3A = arith.constant 1 : i32
      %sub3A_50 = arith.subi %div3A, %sub3A : i32
      %select_n3A = arith.select %and3A, %sub3A_50, %div3A : i32
      %jit3A_51 = arith.constant 8 : i32
      %eq3A = arith.constant 0 : i32
      %eq3A_52 = arith.cmpi eq, %jit3A_51, %eq3A : i32
      %jit3A_53 = arith.constant 1 : i32
      %select_n3A_54 = arith.select %eq3A_52, %jit3A_53, %jit3A_51 : i32
      %rem3A_55 = arith.remsi %scan3A_33, %select_n3A_54 : i32
      %ne3A_56 = arith.constant 0 : i32
      %ne3A_57 = arith.cmpi ne, %rem3A_55, %ne3A_56 : i32
      %lt3A = arith.constant 0 : i32
      %lt3A_58 = arith.cmpi slt, %rem3A_55, %lt3A : i32
      %lt3A_59 = arith.constant 0 : i32
      %lt3A_60 = arith.cmpi slt, %select_n3A_54, %lt3A_59 : i32
      %ne3A_61 = arith.xori %lt3A_58, %lt3A_60 : i1
      %and3A_62 = arith.andi %ne3A_61, %ne3A_57 : i1
      %add3A_63 = arith.addi %rem3A_55, %select_n3A_54 : i32
      %select_n3A_64 = arith.select %and3A_62, %add3A_63, %rem3A_55 : i32
      %mul3A_65 = arith.constant 16 : i32
      %mul3A_66 = arith.muli %select_n3A_64, %mul3A_65 : i32
      %swap3A = arith.index_cast %select_n3A : i32 to index
      %swap3A_67 = arith.index_cast %mul3A_66 : i32 to index
      %swap3A_68 = tpu.vector_load %arg5[%swap3A, %swap3A_67] {strides = array<i32>} : memref<128x128xf32, #tpu.memory_space<vmem>>, vector<1x16xf32>,
      %swap3A_69 = vector.shape_cast %swap3A_68 : vector<1x16xf32> to vector<16xf32>
      %swap3A_70 = vector.shape_cast %broadcast_in_dim3A_34 : vector<16xf32> to vector<1x16xf32>
      tpu.vector_store %arg5[%swap3A, %swap3A_67], %swap3A_70 {strides = array<i32>} : memref<128x128xf32, #tpu.memory_space<vmem>>, vector<1x16xf32>,
    }
    %scan3A_16 = arith.constant 1024 : i32
    %barrier3A = arith.constant 0 : index
    tpu.barrier barrier_id(%barrier3A)
    %scan3A_17 = arith.constant 0 : i32
    %scan3A_18 = arith.constant 79 : i32
    %scan3A_19 = arith.addi %scan3A_17, %scan3A_18 : i32
    %scan3A_20 = arith.constant 1 : i32
    scf.for %scan3A_33 = %scan3A_17 to %scan3A_19 step %scan3A_20  : i32 {
      "tpu.region"() ({
        %run_scoped3A = tpu.sem_alloc : memref<!tpu.dma_semaphore, #tpu.memory_space<semaphore_mem>>
        %dma_start3A = arith.constant 0 : i32
        %dma_start3A_34 = tpu.memref_slice %arg2[%add3A, %scan3A_33, %dma_start3A] : memref<32x79x128xi32, #tpu.memory_space<hbm>> -> memref<1x1x128xi32, #tpu.memory_space<hbm>>
        %dma_start3A_35 = tpu.memref_squeeze %dma_start3A_34 : memref<1x1x128xi32, #tpu.memory_space<hbm>> -> memref<128xi32, #tpu.memory_space<hbm>>
        %dma_start3A_36 = arith.constant 0 : i32
        %dma_start3A_37 = tpu.memref_slice %arg2[%add3A, %scan3A_33, %dma_start3A_36] : memref<32x79x128xi32, #tpu.memory_space<hbm>> -> memref<1x1x128xi32, #tpu.memory_space<hbm>>
        %dma_start3A_38 = tpu.memref_squeeze %dma_start3A_37 : memref<1x1x128xi32, #tpu.memory_space<hbm>> -> memref<128xi32, #tpu.memory_space<hbm>>
        tpu.enqueue_dma source(%dma_start3A_38 : memref<128xi32, #tpu.memory_space<hbm>>) target(%arg4 : memref<128xi32, #tpu.memory_space<vmem>>) target_semaphore(%run_scoped3A : memref<!tpu.dma_semaphore, #tpu.memory_space<semaphore_mem>>)
        %dma_wait3A = arith.constant 0 : i32
        %dma_wait3A_39 = tpu.memref_slice %arg2[%add3A, %scan3A_33, %dma_wait3A] : memref<32x79x128xi32, #tpu.memory_space<hbm>> -> memref<1x1x128xi32, #tpu.memory_space<hbm>>
        %dma_wait3A_40 = tpu.memref_squeeze %dma_wait3A_39 : memref<1x1x128xi32, #tpu.memory_space<hbm>> -> memref<128xi32, #tpu.memory_space<hbm>>
        %dma_wait3A_41 = arith.constant 0 : i32
        %dma_wait3A_42 = tpu.memref_slice %arg2[%add3A, %scan3A_33, %dma_wait3A_41] : memref<32x79x128xi32, #tpu.memory_space<hbm>> -> memref<1x1x128xi32, #tpu.memory_space<hbm>>
        %dma_wait3A_43 = tpu.memref_squeeze %dma_wait3A_42 : memref<1x1x128xi32, #tpu.memory_space<hbm>> -> memref<128xi32, #tpu.memory_space<hbm>>
        tpu.wait_dma2 semaphore(%run_scoped3A : memref<!tpu.dma_semaphore, #tpu.memory_space<semaphore_mem>>) src(%dma_wait3A_43 : memref<128xi32, #tpu.memory_space<hbm>>) dst(%arg4 : memref<128xi32, #tpu.memory_space<vmem>>)
        tpu.yield
      }) : () -> ()
      "tpu.region"() ({
        %run_scoped3A = tpu.sem_alloc : memref<!tpu.dma_semaphore, #tpu.memory_space<semaphore_mem>>
        %dma_start3A = arith.constant 0 : i32
        %dma_start3A_34 = arith.constant 0 : i32
        %dma_start3A_35 = tpu.memref_slice %arg6[%dma_start3A, %dma_start3A_34] : memref<10240x128xf32, #tpu.memory_space<vmem_shared>> -> memref<10240x128xf32, #tpu.memory_space<vmem_shared>>
        tpu.enqueue_indirect_dma source(%arg5 : memref<128x128xf32, #tpu.memory_space<vmem>>) target(%dma_start3A_35 : memref<10240x128xf32, #tpu.memory_space<vmem_shared>>) offsets(%arg4 : memref<128xi32, #tpu.memory_space<vmem>>) semaphore(%run_scoped3A : memref<!tpu.dma_semaphore, #tpu.memory_space<semaphore_mem>>) {add = true}
        %dma_wait3A = arith.constant 0 : i32
        %dma_wait3A_36 = arith.constant 0 : i32
        %dma_wait3A_37 = tpu.memref_slice %arg6[%dma_wait3A, %dma_wait3A_36] : memref<10240x128xf32, #tpu.memory_space<vmem_shared>> -> memref<10240x128xf32, #tpu.memory_space<vmem_shared>>
        tpu.wait_indirect_dma semaphore(%run_scoped3A : memref<!tpu.dma_semaphore, #tpu.memory_space<semaphore_mem>>) src(%arg5 : memref<128x128xf32, #tpu.memory_space<vmem>>) dst(%dma_wait3A_37 : memref<10240x128xf32, #tpu.memory_space<vmem_shared>>)
        tpu.yield
      }) : () -> ()
    }
    %scan3A_21 = arith.constant 79 : i32
    %barrier3A_22 = arith.constant 0 : index
    tpu.barrier barrier_id(%barrier3A_22)
    %mul3A_23 = arith.constant 10240 : i32
    %mul3A_24 = arith.muli %arg0, %mul3A_23 : i32
    %mul3A_25 = arith.constant 640 : i32
    %mul3A_26 = arith.muli %arg1, %mul3A_25 : i32
    %add3A_27 = arith.addi %mul3A_24, %mul3A_26 : i32
    %scan3A_28 = arith.constant 0 : i32
    %scan3A_29 = arith.constant 5 : i32
    %scan3A_30 = arith.addi %scan3A_28, %scan3A_29 : i32
    %scan3A_31 = arith.constant 1 : i32
    scf.for %scan3A_33 = %scan3A_28 to %scan3A_30 step %scan3A_31  : i32 {
      %mul3A_34 = arith.constant 128 : i32
      %mul3A_35 = arith.muli %scan3A_33, %mul3A_34 : i32
      %add3A_36 = arith.addi %mul3A_6, %mul3A_35 : i32
      "tpu.region"() ({
        %run_scoped3A = tpu.sem_alloc : memref<!tpu.dma_semaphore, #tpu.memory_space<semaphore_mem>>
        %dma_start3A = arith.constant 0 : i32
        %dma_start3A_40 = tpu.memref_slice %arg6[%add3A_36, %dma_start3A] : memref<10240x128xf32, #tpu.memory_space<vmem_shared>> -> memref<128x128xf32, #tpu.memory_space<vmem_shared>>
        %dma_start3A_41 = arith.constant 0 : i32
        %dma_start3A_42 = tpu.memref_slice %arg6[%add3A_36, %dma_start3A_41] : memref<10240x128xf32, #tpu.memory_space<vmem_shared>> -> memref<128x128xf32, #tpu.memory_space<vmem_shared>>
        tpu.enqueue_dma source(%dma_start3A_42 : memref<128x128xf32, #tpu.memory_space<vmem_shared>>) target(%arg5 : memref<128x128xf32, #tpu.memory_space<vmem>>) target_semaphore(%run_scoped3A : memref<!tpu.dma_semaphore, #tpu.memory_space<semaphore_mem>>)
        %dma_wait3A = arith.constant 0 : i32
        %dma_wait3A_43 = tpu.memref_slice %arg6[%add3A_36, %dma_wait3A] : memref<10240x128xf32, #tpu.memory_space<vmem_shared>> -> memref<128x128xf32, #tpu.memory_space<vmem_shared>>
        %dma_wait3A_44 = arith.constant 0 : i32
        %dma_wait3A_45 = tpu.memref_slice %arg6[%add3A_36, %dma_wait3A_44] : memref<10240x128xf32, #tpu.memory_space<vmem_shared>> -> memref<128x128xf32, #tpu.memory_space<vmem_shared>>
        tpu.wait_dma2 semaphore(%run_scoped3A : memref<!tpu.dma_semaphore, #tpu.memory_space<semaphore_mem>>) src(%dma_wait3A_45 : memref<128x128xf32, #tpu.memory_space<vmem_shared>>) dst(%arg5 : memref<128x128xf32, #tpu.memory_space<vmem>>)
        tpu.yield
      }) : () -> ()
      %mul3A_37 = arith.constant 128 : i32
      %mul3A_38 = arith.muli %scan3A_33, %mul3A_37 : i32
      %add3A_39 = arith.addi %add3A_27, %mul3A_38 : i32
      "tpu.region"() ({
        %run_scoped3A = tpu.sem_alloc : memref<!tpu.dma_semaphore, #tpu.memory_space<semaphore_mem>>
        %dma_start3A = arith.constant 0 : i32
        %dma_start3A_40 = tpu.memref_slice %arg3[%add3A_39, %dma_start3A] : memref<20480x128xf32, #tpu.memory_space<hbm>> -> memref<128x128xf32, #tpu.memory_space<hbm>>
        %dma_start3A_41 = arith.constant 0 : i32
        %dma_start3A_42 = tpu.memref_slice %arg3[%add3A_39, %dma_start3A_41] : memref<20480x128xf32, #tpu.memory_space<hbm>> -> memref<128x128xf32, #tpu.memory_space<hbm>>
        tpu.enqueue_dma source(%arg5 : memref<128x128xf32, #tpu.memory_space<vmem>>) target(%dma_start3A_42 : memref<128x128xf32, #tpu.memory_space<hbm>>) target_semaphore(%run_scoped3A : memref<!tpu.dma_semaphore, #tpu.memory_space<semaphore_mem>>)
        %dma_wait3A = arith.constant 0 : i32
        %dma_wait3A_43 = tpu.memref_slice %arg3[%add3A_39, %dma_wait3A] : memref<20480x128xf32, #tpu.memory_space<hbm>> -> memref<128x128xf32, #tpu.memory_space<hbm>>
        %dma_wait3A_44 = arith.constant 0 : i32
        %dma_wait3A_45 = tpu.memref_slice %arg3[%add3A_39, %dma_wait3A_44] : memref<20480x128xf32, #tpu.memory_space<hbm>> -> memref<128x128xf32, #tpu.memory_space<hbm>>
        tpu.wait_dma2 semaphore(%run_scoped3A : memref<!tpu.dma_semaphore, #tpu.memory_space<semaphore_mem>>) src(%arg5 : memref<128x128xf32, #tpu.memory_space<vmem>>) dst(%dma_wait3A_45 : memref<128x128xf32, #tpu.memory_space<hbm>>)
        tpu.yield
      }) : () -> ()
    }
    %scan3A_32 = arith.constant 5 : i32
    return
  }
}

#map = affine_map<(d0, d1) -> (0, 0)>
#map1 = affine_map<(d0, d1) -> (0, 0, 0)>
module attributes {stable_mosaic.version = 14 : i64} {
  func.func @body(%arg0: i32, %arg1: i32, %arg2: memref<10240x128xf32, #tpu.memory_space<hbm>>, %arg3: memref<32x79x128xi32, #tpu.memory_space<hbm>>, %arg4: memref<32x79x128xi32, #tpu.memory_space<hbm>>, %arg5: memref<20480x128xf32, #tpu.memory_space<hbm>>, %arg6: memref<128xi32, #tpu.memory_space<vmem>>, %arg7: memref<128xi32, #tpu.memory_space<vmem>>, %arg8: memref<128x128xf32, #tpu.memory_space<vmem>>, %arg9: memref<10240x128xf32, #tpu.memory_space<vmem_shared>>, %arg10: memref<!tpu.dma_semaphore, #tpu.memory_space<semaphore_mem>>) attributes {dimension_semantics = [#tpu.dimension_semantics<core_parallel>, #tpu.dimension_semantics<subcore_parallel>], iteration_bounds = array<i64: 2, 16>, scalar_prefetch = 0 : i64, scratch_operands = 5 : i64, tpu.core_type = #tpu.core_type<sc_vector_subcore>, window_params = [{transform_indices = #map}, {transform_indices = #map1}, {transform_indices = #map1}, {transform_indices = #map}]} {
    %mul3A = arith.constant 2 : i32
    %mul3A_0 = arith.muli %arg1, %mul3A : i32
    %add3A = arith.addi %mul3A_0, %arg0 : i32
    %scan3A = arith.constant 0 : i32
    %scan3A_1 = arith.constant 1024 : i32
    %scan3A_2 = arith.addi %scan3A, %scan3A_1 : i32
    %scan3A_3 = arith.constant 1 : i32
    scf.for %scan3A_28 = %scan3A to %scan3A_2 step %scan3A_3  : i32 {
      %broadcast_in_dim3A = arith.constant 0.000000e+00 : f32
      %broadcast_in_dim3A_29 = vector.broadcast %broadcast_in_dim3A : f32 to vector<16xf32>
      %jit3A = arith.constant 8 : i32
      %div3A = arith.divsi %scan3A_28, %jit3A : i32
      %sign3A = arith.constant 0 : i32
      %sign3A_30 = arith.cmpi sgt, %scan3A_28, %sign3A : i32
      %sign3A_31 = arith.extui %sign3A_30 : i1 to i32
      %sign3A_32 = arith.constant 0 : i32
      %sign3A_33 = arith.cmpi slt, %scan3A_28, %sign3A_32 : i32
      %sign3A_34 = arith.extui %sign3A_33 : i1 to i32
      %sign3A_35 = arith.subi %sign3A_31, %sign3A_34 : i32
      %sign3A_36 = arith.constant 0 : i32
      %sign3A_37 = arith.cmpi sgt, %jit3A, %sign3A_36 : i32
      %sign3A_38 = arith.extui %sign3A_37 : i1 to i32
      %sign3A_39 = arith.constant 0 : i32
      %sign3A_40 = arith.cmpi slt, %jit3A, %sign3A_39 : i32
      %sign3A_41 = arith.extui %sign3A_40 : i1 to i32
      %sign3A_42 = arith.subi %sign3A_38, %sign3A_41 : i32
      %ne3A = arith.cmpi ne, %sign3A_35, %sign3A_42 : i32
      %rem3A = arith.remsi %scan3A_28, %jit3A : i32
      %ne3A_43 = arith.constant 0 : i32
      %ne3A_44 = arith.cmpi ne, %rem3A, %ne3A_43 : i32
      %and3A = arith.andi %ne3A, %ne3A_44 : i1
      %sub3A = arith.constant 1 : i32
      %sub3A_45 = arith.subi %div3A, %sub3A : i32
      %select_n3A = arith.select %and3A, %sub3A_45, %div3A : i32
      %jit3A_46 = arith.constant 8 : i32
      %eq3A = arith.constant 0 : i32
      %eq3A_47 = arith.cmpi eq, %jit3A_46, %eq3A : i32
      %jit3A_48 = arith.constant 1 : i32
      %select_n3A_49 = arith.select %eq3A_47, %jit3A_48, %jit3A_46 : i32
      %rem3A_50 = arith.remsi %scan3A_28, %select_n3A_49 : i32
      %ne3A_51 = arith.constant 0 : i32
      %ne3A_52 = arith.cmpi ne, %rem3A_50, %ne3A_51 : i32
      %lt3A = arith.constant 0 : i32
      %lt3A_53 = arith.cmpi slt, %rem3A_50, %lt3A : i32
      %lt3A_54 = arith.constant 0 : i32
      %lt3A_55 = arith.cmpi slt, %select_n3A_49, %lt3A_54 : i32
      %ne3A_56 = arith.xori %lt3A_53, %lt3A_55 : i1
      %and3A_57 = arith.andi %ne3A_56, %ne3A_52 : i1
      %add3A_58 = arith.addi %rem3A_50, %select_n3A_49 : i32
      %select_n3A_59 = arith.select %and3A_57, %add3A_58, %rem3A_50 : i32
      %mul3A_60 = arith.constant 16 : i32
      %mul3A_61 = arith.muli %select_n3A_59, %mul3A_60 : i32
      %swap3A = arith.index_cast %select_n3A : i32 to index
      %swap3A_62 = arith.index_cast %mul3A_61 : i32 to index
      %swap3A_63 = tpu.vector_load %arg8[%swap3A, %swap3A_62] {strides = array<i32>} : memref<128x128xf32, #tpu.memory_space<vmem>>, vector<1x16xf32>,
      %swap3A_64 = vector.shape_cast %swap3A_63 : vector<1x16xf32> to vector<16xf32>
      %swap3A_65 = vector.shape_cast %broadcast_in_dim3A_29 : vector<16xf32> to vector<1x16xf32>
      tpu.vector_store %arg8[%swap3A, %swap3A_62], %swap3A_65 {strides = array<i32>} : memref<128x128xf32, #tpu.memory_space<vmem>>, vector<1x16xf32>,
    }
    %scan3A_4 = arith.constant 1024 : i32
    %mul3A_5 = arith.constant 640 : i32
    %mul3A_6 = arith.muli %arg1, %mul3A_5 : i32
    %scan3A_7 = arith.constant 0 : i32
    %scan3A_8 = arith.constant 5 : i32
    %scan3A_9 = arith.addi %scan3A_7, %scan3A_8 : i32
    %scan3A_10 = arith.constant 1 : i32
    scf.for %scan3A_28 = %scan3A_7 to %scan3A_9 step %scan3A_10  : i32 {
      %mul3A_29 = arith.constant 128 : i32
      %mul3A_30 = arith.muli %scan3A_28, %mul3A_29 : i32
      %add3A_31 = arith.addi %mul3A_6, %mul3A_30 : i32
      "tpu.region"() ({
        %run_scoped3A = tpu.sem_alloc : memref<!tpu.dma_semaphore, #tpu.memory_space<semaphore_mem>>
        %dma_start3A = arith.constant 0 : i32
        %dma_start3A_32 = tpu.memref_slice %arg9[%add3A_31, %dma_start3A] : memref<10240x128xf32, #tpu.memory_space<vmem_shared>> -> memref<128x128xf32, #tpu.memory_space<vmem_shared>>
        %dma_start3A_33 = arith.constant 0 : i32
        %dma_start3A_34 = tpu.memref_slice %arg9[%add3A_31, %dma_start3A_33] : memref<10240x128xf32, #tpu.memory_space<vmem_shared>> -> memref<128x128xf32, #tpu.memory_space<vmem_shared>>
        tpu.enqueue_dma source(%arg8 : memref<128x128xf32, #tpu.memory_space<vmem>>) target(%dma_start3A_34 : memref<128x128xf32, #tpu.memory_space<vmem_shared>>) target_semaphore(%run_scoped3A : memref<!tpu.dma_semaphore, #tpu.memory_space<semaphore_mem>>)
        %dma_wait3A = arith.constant 0 : i32
        %dma_wait3A_35 = tpu.memref_slice %arg9[%add3A_31, %dma_wait3A] : memref<10240x128xf32, #tpu.memory_space<vmem_shared>> -> memref<128x128xf32, #tpu.memory_space<vmem_shared>>
        %dma_wait3A_36 = arith.constant 0 : i32
        %dma_wait3A_37 = tpu.memref_slice %arg9[%add3A_31, %dma_wait3A_36] : memref<10240x128xf32, #tpu.memory_space<vmem_shared>> -> memref<128x128xf32, #tpu.memory_space<vmem_shared>>
        tpu.wait_dma2 semaphore(%run_scoped3A : memref<!tpu.dma_semaphore, #tpu.memory_space<semaphore_mem>>) src(%arg8 : memref<128x128xf32, #tpu.memory_space<vmem>>) dst(%dma_wait3A_37 : memref<128x128xf32, #tpu.memory_space<vmem_shared>>)
        tpu.yield
      }) : () -> ()
    }
    %scan3A_11 = arith.constant 5 : i32
    %barrier3A = arith.constant 0 : index
    tpu.barrier barrier_id(%barrier3A)
    %scan3A_12 = arith.constant 0 : i32
    %scan3A_13 = arith.constant 79 : i32
    %scan3A_14 = arith.addi %scan3A_12, %scan3A_13 : i32
    %scan3A_15 = arith.constant 1 : i32
    scf.for %scan3A_28 = %scan3A_12 to %scan3A_14 step %scan3A_15  : i32 {
      "tpu.region"() ({
        %run_scoped3A = tpu.sem_alloc : memref<!tpu.dma_semaphore, #tpu.memory_space<semaphore_mem>>
        %dma_start3A_33 = arith.constant 0 : i32
        %dma_start3A_34 = tpu.memref_slice %arg3[%add3A, %scan3A_28, %dma_start3A_33] : memref<32x79x128xi32, #tpu.memory_space<hbm>> -> memref<1x1x128xi32, #tpu.memory_space<hbm>>
        %dma_start3A_35 = tpu.memref_squeeze %dma_start3A_34 : memref<1x1x128xi32, #tpu.memory_space<hbm>> -> memref<128xi32, #tpu.memory_space<hbm>>
        %dma_start3A_36 = arith.constant 0 : i32
        %dma_start3A_37 = tpu.memref_slice %arg3[%add3A, %scan3A_28, %dma_start3A_36] : memref<32x79x128xi32, #tpu.memory_space<hbm>> -> memref<1x1x128xi32, #tpu.memory_space<hbm>>
        %dma_start3A_38 = tpu.memref_squeeze %dma_start3A_37 : memref<1x1x128xi32, #tpu.memory_space<hbm>> -> memref<128xi32, #tpu.memory_space<hbm>>
        tpu.enqueue_dma source(%dma_start3A_38 : memref<128xi32, #tpu.memory_space<hbm>>) target(%arg6 : memref<128xi32, #tpu.memory_space<vmem>>) target_semaphore(%run_scoped3A : memref<!tpu.dma_semaphore, #tpu.memory_space<semaphore_mem>>)
        %dma_wait3A_39 = arith.constant 0 : i32
        %dma_wait3A_40 = tpu.memref_slice %arg3[%add3A, %scan3A_28, %dma_wait3A_39] : memref<32x79x128xi32, #tpu.memory_space<hbm>> -> memref<1x1x128xi32, #tpu.memory_space<hbm>>
        %dma_wait3A_41 = tpu.memref_squeeze %dma_wait3A_40 : memref<1x1x128xi32, #tpu.memory_space<hbm>> -> memref<128xi32, #tpu.memory_space<hbm>>
        %dma_wait3A_42 = arith.constant 0 : i32
        %dma_wait3A_43 = tpu.memref_slice %arg3[%add3A, %scan3A_28, %dma_wait3A_42] : memref<32x79x128xi32, #tpu.memory_space<hbm>> -> memref<1x1x128xi32, #tpu.memory_space<hbm>>
        %dma_wait3A_44 = tpu.memref_squeeze %dma_wait3A_43 : memref<1x1x128xi32, #tpu.memory_space<hbm>> -> memref<128xi32, #tpu.memory_space<hbm>>
        tpu.wait_dma2 semaphore(%run_scoped3A : memref<!tpu.dma_semaphore, #tpu.memory_space<semaphore_mem>>) src(%dma_wait3A_44 : memref<128xi32, #tpu.memory_space<hbm>>) dst(%arg6 : memref<128xi32, #tpu.memory_space<vmem>>)
        tpu.yield
      }) : () -> ()
      "tpu.region"() ({
        %run_scoped3A = tpu.sem_alloc : memref<!tpu.dma_semaphore, #tpu.memory_space<semaphore_mem>>
        %dma_start3A_33 = arith.constant 0 : i32
        %dma_start3A_34 = tpu.memref_slice %arg4[%add3A, %scan3A_28, %dma_start3A_33] : memref<32x79x128xi32, #tpu.memory_space<hbm>> -> memref<1x1x128xi32, #tpu.memory_space<hbm>>
        %dma_start3A_35 = tpu.memref_squeeze %dma_start3A_34 : memref<1x1x128xi32, #tpu.memory_space<hbm>> -> memref<128xi32, #tpu.memory_space<hbm>>
        %dma_start3A_36 = arith.constant 0 : i32
        %dma_start3A_37 = tpu.memref_slice %arg4[%add3A, %scan3A_28, %dma_start3A_36] : memref<32x79x128xi32, #tpu.memory_space<hbm>> -> memref<1x1x128xi32, #tpu.memory_space<hbm>>
        %dma_start3A_38 = tpu.memref_squeeze %dma_start3A_37 : memref<1x1x128xi32, #tpu.memory_space<hbm>> -> memref<128xi32, #tpu.memory_space<hbm>>
        tpu.enqueue_dma source(%dma_start3A_38 : memref<128xi32, #tpu.memory_space<hbm>>) target(%arg7 : memref<128xi32, #tpu.memory_space<vmem>>) target_semaphore(%run_scoped3A : memref<!tpu.dma_semaphore, #tpu.memory_space<semaphore_mem>>)
        %dma_wait3A_39 = arith.constant 0 : i32
        %dma_wait3A_40 = tpu.memref_slice %arg4[%add3A, %scan3A_28, %dma_wait3A_39] : memref<32x79x128xi32, #tpu.memory_space<hbm>> -> memref<1x1x128xi32, #tpu.memory_space<hbm>>
        %dma_wait3A_41 = tpu.memref_squeeze %dma_wait3A_40 : memref<1x1x128xi32, #tpu.memory_space<hbm>> -> memref<128xi32, #tpu.memory_space<hbm>>
        %dma_wait3A_42 = arith.constant 0 : i32
        %dma_wait3A_43 = tpu.memref_slice %arg4[%add3A, %scan3A_28, %dma_wait3A_42] : memref<32x79x128xi32, #tpu.memory_space<hbm>> -> memref<1x1x128xi32, #tpu.memory_space<hbm>>
        %dma_wait3A_44 = tpu.memref_squeeze %dma_wait3A_43 : memref<1x1x128xi32, #tpu.memory_space<hbm>> -> memref<128xi32, #tpu.memory_space<hbm>>
        tpu.wait_dma2 semaphore(%run_scoped3A : memref<!tpu.dma_semaphore, #tpu.memory_space<semaphore_mem>>) src(%dma_wait3A_44 : memref<128xi32, #tpu.memory_space<hbm>>) dst(%arg7 : memref<128xi32, #tpu.memory_space<vmem>>)
        tpu.yield
      }) : () -> ()
      %dma_start3A = arith.constant 0 : i32
      %dma_start3A_29 = arith.constant 0 : i32
      %dma_start3A_30 = tpu.memref_slice %arg2[%dma_start3A, %dma_start3A_29] : memref<10240x128xf32, #tpu.memory_space<hbm>> -> memref<10240x128xf32, #tpu.memory_space<hbm>>
      tpu.enqueue_indirect_dma source(%dma_start3A_30 : memref<10240x128xf32, #tpu.memory_space<hbm>>) target(%arg8 : memref<128x128xf32, #tpu.memory_space<vmem>>) offsets(%arg6 : memref<128xi32, #tpu.memory_space<vmem>>) semaphore(%arg10 : memref<!tpu.dma_semaphore, #tpu.memory_space<semaphore_mem>>)
      %dma_wait3A = arith.constant 0 : i32
      %dma_wait3A_31 = arith.constant 0 : i32
      %dma_wait3A_32 = tpu.memref_slice %arg2[%dma_wait3A, %dma_wait3A_31] : memref<10240x128xf32, #tpu.memory_space<hbm>> -> memref<10240x128xf32, #tpu.memory_space<hbm>>
      tpu.wait_indirect_dma semaphore(%arg10 : memref<!tpu.dma_semaphore, #tpu.memory_space<semaphore_mem>>) src(%dma_wait3A_32 : memref<10240x128xf32, #tpu.memory_space<hbm>>) dst(%arg8 : memref<128x128xf32, #tpu.memory_space<vmem>>)
      "tpu.region"() ({
        %run_scoped3A = tpu.sem_alloc : memref<!tpu.dma_semaphore, #tpu.memory_space<semaphore_mem>>
        %dma_start3A_33 = arith.constant 0 : i32
        %dma_start3A_34 = arith.constant 0 : i32
        %dma_start3A_35 = tpu.memref_slice %arg9[%dma_start3A_33, %dma_start3A_34] : memref<10240x128xf32, #tpu.memory_space<vmem_shared>> -> memref<10240x128xf32, #tpu.memory_space<vmem_shared>>
        tpu.enqueue_indirect_dma source(%arg8 : memref<128x128xf32, #tpu.memory_space<vmem>>) target(%dma_start3A_35 : memref<10240x128xf32, #tpu.memory_space<vmem_shared>>) offsets(%arg7 : memref<128xi32, #tpu.memory_space<vmem>>) semaphore(%run_scoped3A : memref<!tpu.dma_semaphore, #tpu.memory_space<semaphore_mem>>) {add = true}
        %dma_wait3A_36 = arith.constant 0 : i32
        %dma_wait3A_37 = arith.constant 0 : i32
        %dma_wait3A_38 = tpu.memref_slice %arg9[%dma_wait3A_36, %dma_wait3A_37] : memref<10240x128xf32, #tpu.memory_space<vmem_shared>> -> memref<10240x128xf32, #tpu.memory_space<vmem_shared>>
        tpu.wait_indirect_dma semaphore(%run_scoped3A : memref<!tpu.dma_semaphore, #tpu.memory_space<semaphore_mem>>) src(%arg8 : memref<128x128xf32, #tpu.memory_space<vmem>>) dst(%dma_wait3A_38 : memref<10240x128xf32, #tpu.memory_space<vmem_shared>>)
        tpu.yield
      }) : () -> ()
    }
    %scan3A_16 = arith.constant 79 : i32
    %barrier3A_17 = arith.constant 0 : index
    tpu.barrier barrier_id(%barrier3A_17)
    %mul3A_18 = arith.constant 10240 : i32
    %mul3A_19 = arith.muli %arg0, %mul3A_18 : i32
    %mul3A_20 = arith.constant 640 : i32
    %mul3A_21 = arith.muli %arg1, %mul3A_20 : i32
    %add3A_22 = arith.addi %mul3A_19, %mul3A_21 : i32
    %scan3A_23 = arith.constant 0 : i32
    %scan3A_24 = arith.constant 5 : i32
    %scan3A_25 = arith.addi %scan3A_23, %scan3A_24 : i32
    %scan3A_26 = arith.constant 1 : i32
    scf.for %scan3A_28 = %scan3A_23 to %scan3A_25 step %scan3A_26  : i32 {
      %mul3A_29 = arith.constant 128 : i32
      %mul3A_30 = arith.muli %scan3A_28, %mul3A_29 : i32
      %add3A_31 = arith.addi %mul3A_6, %mul3A_30 : i32
      "tpu.region"() ({
        %run_scoped3A = tpu.sem_alloc : memref<!tpu.dma_semaphore, #tpu.memory_space<semaphore_mem>>
        %dma_start3A = arith.constant 0 : i32
        %dma_start3A_35 = tpu.memref_slice %arg9[%add3A_31, %dma_start3A] : memref<10240x128xf32, #tpu.memory_space<vmem_shared>> -> memref<128x128xf32, #tpu.memory_space<vmem_shared>>
        %dma_start3A_36 = arith.constant 0 : i32
        %dma_start3A_37 = tpu.memref_slice %arg9[%add3A_31, %dma_start3A_36] : memref<10240x128xf32, #tpu.memory_space<vmem_shared>> -> memref<128x128xf32, #tpu.memory_space<vmem_shared>>
        tpu.enqueue_dma source(%dma_start3A_37 : memref<128x128xf32, #tpu.memory_space<vmem_shared>>) target(%arg8 : memref<128x128xf32, #tpu.memory_space<vmem>>) target_semaphore(%run_scoped3A : memref<!tpu.dma_semaphore, #tpu.memory_space<semaphore_mem>>)
        %dma_wait3A = arith.constant 0 : i32
        %dma_wait3A_38 = tpu.memref_slice %arg9[%add3A_31, %dma_wait3A] : memref<10240x128xf32, #tpu.memory_space<vmem_shared>> -> memref<128x128xf32, #tpu.memory_space<vmem_shared>>
        %dma_wait3A_39 = arith.constant 0 : i32
        %dma_wait3A_40 = tpu.memref_slice %arg9[%add3A_31, %dma_wait3A_39] : memref<10240x128xf32, #tpu.memory_space<vmem_shared>> -> memref<128x128xf32, #tpu.memory_space<vmem_shared>>
        tpu.wait_dma2 semaphore(%run_scoped3A : memref<!tpu.dma_semaphore, #tpu.memory_space<semaphore_mem>>) src(%dma_wait3A_40 : memref<128x128xf32, #tpu.memory_space<vmem_shared>>) dst(%arg8 : memref<128x128xf32, #tpu.memory_space<vmem>>)
        tpu.yield
      }) : () -> ()
      %mul3A_32 = arith.constant 128 : i32
      %mul3A_33 = arith.muli %scan3A_28, %mul3A_32 : i32
      %add3A_34 = arith.addi %add3A_22, %mul3A_33 : i32
      "tpu.region"() ({
        %run_scoped3A = tpu.sem_alloc : memref<!tpu.dma_semaphore, #tpu.memory_space<semaphore_mem>>
        %dma_start3A = arith.constant 0 : i32
        %dma_start3A_35 = tpu.memref_slice %arg5[%add3A_34, %dma_start3A] : memref<20480x128xf32, #tpu.memory_space<hbm>> -> memref<128x128xf32, #tpu.memory_space<hbm>>
        %dma_start3A_36 = arith.constant 0 : i32
        %dma_start3A_37 = tpu.memref_slice %arg5[%add3A_34, %dma_start3A_36] : memref<20480x128xf32, #tpu.memory_space<hbm>> -> memref<128x128xf32, #tpu.memory_space<hbm>>
        tpu.enqueue_dma source(%arg8 : memref<128x128xf32, #tpu.memory_space<vmem>>) target(%dma_start3A_37 : memref<128x128xf32, #tpu.memory_space<hbm>>) target_semaphore(%run_scoped3A : memref<!tpu.dma_semaphore, #tpu.memory_space<semaphore_mem>>)
        %dma_wait3A = arith.constant 0 : i32
        %dma_wait3A_38 = tpu.memref_slice %arg5[%add3A_34, %dma_wait3A] : memref<20480x128xf32, #tpu.memory_space<hbm>> -> memref<128x128xf32, #tpu.memory_space<hbm>>
        %dma_wait3A_39 = arith.constant 0 : i32
        %dma_wait3A_40 = tpu.memref_slice %arg5[%add3A_34, %dma_wait3A_39] : memref<20480x128xf32, #tpu.memory_space<hbm>> -> memref<128x128xf32, #tpu.memory_space<hbm>>
        tpu.wait_dma2 semaphore(%run_scoped3A : memref<!tpu.dma_semaphore, #tpu.memory_space<semaphore_mem>>) src(%arg8 : memref<128x128xf32, #tpu.memory_space<vmem>>) dst(%dma_wait3A_40 : memref<128x128xf32, #tpu.memory_space<hbm>>)
        tpu.yield
      }) : () -> ()
    }
    %scan3A_27 = arith.constant 5 : i32
    return
  }
}

#map = affine_map<(d0, d1) -> (0, 0)>
#map1 = affine_map<(d0, d1) -> (0, 0, 0)>
module attributes {stable_mosaic.version = 14 : i64} {
  func.func @body(%arg0: i32, %arg1: i32, %arg2: memref<10240x128xf32, #tpu.memory_space<hbm>>, %arg3: memref<32x79x128xi32, #tpu.memory_space<hbm>>, %arg4: memref<32x79x128xi32, #tpu.memory_space<hbm>>, %arg5: memref<20480x128xf32, #tpu.memory_space<hbm>>, %arg6: memref<128xi32, #tpu.memory_space<vmem>>, %arg7: memref<128xi32, #tpu.memory_space<vmem>>, %arg8: memref<128x128xf32, #tpu.memory_space<vmem>>, %arg9: memref<10240x128xf32, #tpu.memory_space<vmem_shared>>, %arg10: memref<!tpu.dma_semaphore, #tpu.memory_space<semaphore_mem>>) attributes {dimension_semantics = [#tpu.dimension_semantics<core_parallel>, #tpu.dimension_semantics<subcore_parallel>], iteration_bounds = array<i64: 2, 16>, scalar_prefetch = 0 : i64, scratch_operands = 5 : i64, tpu.core_type = #tpu.core_type<sc_vector_subcore>, window_params = [{transform_indices = #map}, {transform_indices = #map1}, {transform_indices = #map1}, {transform_indices = #map}]} {
    %mul3A = arith.constant 2 : i32
    %mul3A_0 = arith.muli %arg1, %mul3A : i32
    %add3A = arith.addi %mul3A_0, %arg0 : i32
    %scan3A = arith.constant 0 : i32
    %scan3A_1 = arith.constant 1024 : i32
    %scan3A_2 = arith.addi %scan3A, %scan3A_1 : i32
    %scan3A_3 = arith.constant 1 : i32
    scf.for %scan3A_28 = %scan3A to %scan3A_2 step %scan3A_3  : i32 {
      %broadcast_in_dim3A = arith.constant 0.000000e+00 : f32
      %broadcast_in_dim3A_29 = vector.broadcast %broadcast_in_dim3A : f32 to vector<16xf32>
      %jit3A = arith.constant 8 : i32
      %div3A = arith.divsi %scan3A_28, %jit3A : i32
      %sign3A = arith.constant 0 : i32
      %sign3A_30 = arith.cmpi sgt, %scan3A_28, %sign3A : i32
      %sign3A_31 = arith.extui %sign3A_30 : i1 to i32
      %sign3A_32 = arith.constant 0 : i32
      %sign3A_33 = arith.cmpi slt, %scan3A_28, %sign3A_32 : i32
      %sign3A_34 = arith.extui %sign3A_33 : i1 to i32
      %sign3A_35 = arith.subi %sign3A_31, %sign3A_34 : i32
      %sign3A_36 = arith.constant 0 : i32
      %sign3A_37 = arith.cmpi sgt, %jit3A, %sign3A_36 : i32
      %sign3A_38 = arith.extui %sign3A_37 : i1 to i32
      %sign3A_39 = arith.constant 0 : i32
      %sign3A_40 = arith.cmpi slt, %jit3A, %sign3A_39 : i32
      %sign3A_41 = arith.extui %sign3A_40 : i1 to i32
      %sign3A_42 = arith.subi %sign3A_38, %sign3A_41 : i32
      %ne3A = arith.cmpi ne, %sign3A_35, %sign3A_42 : i32
      %rem3A = arith.remsi %scan3A_28, %jit3A : i32
      %ne3A_43 = arith.constant 0 : i32
      %ne3A_44 = arith.cmpi ne, %rem3A, %ne3A_43 : i32
      %and3A = arith.andi %ne3A, %ne3A_44 : i1
      %sub3A = arith.constant 1 : i32
      %sub3A_45 = arith.subi %div3A, %sub3A : i32
      %select_n3A = arith.select %and3A, %sub3A_45, %div3A : i32
      %jit3A_46 = arith.constant 8 : i32
      %eq3A = arith.constant 0 : i32
      %eq3A_47 = arith.cmpi eq, %jit3A_46, %eq3A : i32
      %jit3A_48 = arith.constant 1 : i32
      %select_n3A_49 = arith.select %eq3A_47, %jit3A_48, %jit3A_46 : i32
      %rem3A_50 = arith.remsi %scan3A_28, %select_n3A_49 : i32
      %ne3A_51 = arith.constant 0 : i32
      %ne3A_52 = arith.cmpi ne, %rem3A_50, %ne3A_51 : i32
      %lt3A = arith.constant 0 : i32
      %lt3A_53 = arith.cmpi slt, %rem3A_50, %lt3A : i32
      %lt3A_54 = arith.constant 0 : i32
      %lt3A_55 = arith.cmpi slt, %select_n3A_49, %lt3A_54 : i32
      %ne3A_56 = arith.xori %lt3A_53, %lt3A_55 : i1
      %and3A_57 = arith.andi %ne3A_56, %ne3A_52 : i1
      %add3A_58 = arith.addi %rem3A_50, %select_n3A_49 : i32
      %select_n3A_59 = arith.select %and3A_57, %add3A_58, %rem3A_50 : i32
      %mul3A_60 = arith.constant 16 : i32
      %mul3A_61 = arith.muli %select_n3A_59, %mul3A_60 : i32
      %swap3A = arith.index_cast %select_n3A : i32 to index
      %swap3A_62 = arith.index_cast %mul3A_61 : i32 to index
      %swap3A_63 = tpu.vector_load %arg8[%swap3A, %swap3A_62] {strides = array<i32>} : memref<128x128xf32, #tpu.memory_space<vmem>>, vector<1x16xf32>,
      %swap3A_64 = vector.shape_cast %swap3A_63 : vector<1x16xf32> to vector<16xf32>
      %swap3A_65 = vector.shape_cast %broadcast_in_dim3A_29 : vector<16xf32> to vector<1x16xf32>
      tpu.vector_store %arg8[%swap3A, %swap3A_62], %swap3A_65 {strides = array<i32>} : memref<128x128xf32, #tpu.memory_space<vmem>>, vector<1x16xf32>,
    }
    %scan3A_4 = arith.constant 1024 : i32
    %mul3A_5 = arith.constant 640 : i32
    %mul3A_6 = arith.muli %arg1, %mul3A_5 : i32
    %scan3A_7 = arith.constant 0 : i32
    %scan3A_8 = arith.constant 5 : i32
    %scan3A_9 = arith.addi %scan3A_7, %scan3A_8 : i32
    %scan3A_10 = arith.constant 1 : i32
    scf.for %scan3A_28 = %scan3A_7 to %scan3A_9 step %scan3A_10  : i32 {
      %mul3A_29 = arith.constant 128 : i32
      %mul3A_30 = arith.muli %scan3A_28, %mul3A_29 : i32
      %add3A_31 = arith.addi %mul3A_6, %mul3A_30 : i32
      "tpu.region"() ({
        %run_scoped3A = tpu.sem_alloc : memref<!tpu.dma_semaphore, #tpu.memory_space<semaphore_mem>>
        %dma_start3A = arith.constant 0 : i32
        %dma_start3A_32 = tpu.memref_slice %arg9[%add3A_31, %dma_start3A] : memref<10240x128xf32, #tpu.memory_space<vmem_shared>> -> memref<128x128xf32, #tpu.memory_space<vmem_shared>>
        %dma_start3A_33 = arith.constant 0 : i32
        %dma_start3A_34 = tpu.memref_slice %arg9[%add3A_31, %dma_start3A_33] : memref<10240x128xf32, #tpu.memory_space<vmem_shared>> -> memref<128x128xf32, #tpu.memory_space<vmem_shared>>
        tpu.enqueue_dma source(%arg8 : memref<128x128xf32, #tpu.memory_space<vmem>>) target(%dma_start3A_34 : memref<128x128xf32, #tpu.memory_space<vmem_shared>>) target_semaphore(%run_scoped3A : memref<!tpu.dma_semaphore, #tpu.memory_space<semaphore_mem>>)
        %dma_wait3A = arith.constant 0 : i32
        %dma_wait3A_35 = tpu.memref_slice %arg9[%add3A_31, %dma_wait3A] : memref<10240x128xf32, #tpu.memory_space<vmem_shared>> -> memref<128x128xf32, #tpu.memory_space<vmem_shared>>
        %dma_wait3A_36 = arith.constant 0 : i32
        %dma_wait3A_37 = tpu.memref_slice %arg9[%add3A_31, %dma_wait3A_36] : memref<10240x128xf32, #tpu.memory_space<vmem_shared>> -> memref<128x128xf32, #tpu.memory_space<vmem_shared>>
        tpu.wait_dma2 semaphore(%run_scoped3A : memref<!tpu.dma_semaphore, #tpu.memory_space<semaphore_mem>>) src(%arg8 : memref<128x128xf32, #tpu.memory_space<vmem>>) dst(%dma_wait3A_37 : memref<128x128xf32, #tpu.memory_space<vmem_shared>>)
        tpu.yield
      }) : () -> ()
    }
    %scan3A_11 = arith.constant 5 : i32
    %barrier3A = arith.constant 0 : index
    tpu.barrier barrier_id(%barrier3A)
    %scan3A_12 = arith.constant 0 : i32
    %scan3A_13 = arith.constant 79 : i32
    %scan3A_14 = arith.addi %scan3A_12, %scan3A_13 : i32
    %scan3A_15 = arith.constant 1 : i32
    scf.for %scan3A_28 = %scan3A_12 to %scan3A_14 step %scan3A_15  : i32 {
      "tpu.region"() ({
        %run_scoped3A = tpu.sem_alloc : memref<!tpu.dma_semaphore, #tpu.memory_space<semaphore_mem>>
        %dma_start3A_33 = arith.constant 0 : i32
        %dma_start3A_34 = tpu.memref_slice %arg3[%add3A, %scan3A_28, %dma_start3A_33] : memref<32x79x128xi32, #tpu.memory_space<hbm>> -> memref<1x1x128xi32, #tpu.memory_space<hbm>>
        %dma_start3A_35 = tpu.memref_squeeze %dma_start3A_34 : memref<1x1x128xi32, #tpu.memory_space<hbm>> -> memref<128xi32, #tpu.memory_space<hbm>>
        %dma_start3A_36 = arith.constant 0 : i32
        %dma_start3A_37 = tpu.memref_slice %arg3[%add3A, %scan3A_28, %dma_start3A_36] : memref<32x79x128xi32, #tpu.memory_space<hbm>> -> memref<1x1x128xi32, #tpu.memory_space<hbm>>
        %dma_start3A_38 = tpu.memref_squeeze %dma_start3A_37 : memref<1x1x128xi32, #tpu.memory_space<hbm>> -> memref<128xi32, #tpu.memory_space<hbm>>
        tpu.enqueue_dma source(%dma_start3A_38 : memref<128xi32, #tpu.memory_space<hbm>>) target(%arg6 : memref<128xi32, #tpu.memory_space<vmem>>) target_semaphore(%run_scoped3A : memref<!tpu.dma_semaphore, #tpu.memory_space<semaphore_mem>>)
        %dma_wait3A_39 = arith.constant 0 : i32
        %dma_wait3A_40 = tpu.memref_slice %arg3[%add3A, %scan3A_28, %dma_wait3A_39] : memref<32x79x128xi32, #tpu.memory_space<hbm>> -> memref<1x1x128xi32, #tpu.memory_space<hbm>>
        %dma_wait3A_41 = tpu.memref_squeeze %dma_wait3A_40 : memref<1x1x128xi32, #tpu.memory_space<hbm>> -> memref<128xi32, #tpu.memory_space<hbm>>
        %dma_wait3A_42 = arith.constant 0 : i32
        %dma_wait3A_43 = tpu.memref_slice %arg3[%add3A, %scan3A_28, %dma_wait3A_42] : memref<32x79x128xi32, #tpu.memory_space<hbm>> -> memref<1x1x128xi32, #tpu.memory_space<hbm>>
        %dma_wait3A_44 = tpu.memref_squeeze %dma_wait3A_43 : memref<1x1x128xi32, #tpu.memory_space<hbm>> -> memref<128xi32, #tpu.memory_space<hbm>>
        tpu.wait_dma2 semaphore(%run_scoped3A : memref<!tpu.dma_semaphore, #tpu.memory_space<semaphore_mem>>) src(%dma_wait3A_44 : memref<128xi32, #tpu.memory_space<hbm>>) dst(%arg6 : memref<128xi32, #tpu.memory_space<vmem>>)
        tpu.yield
      }) : () -> ()
      "tpu.region"() ({
        %run_scoped3A = tpu.sem_alloc : memref<!tpu.dma_semaphore, #tpu.memory_space<semaphore_mem>>
        %dma_start3A_33 = arith.constant 0 : i32
        %dma_start3A_34 = tpu.memref_slice %arg4[%add3A, %scan3A_28, %dma_start3A_33] : memref<32x79x128xi32, #tpu.memory_space<hbm>> -> memref<1x1x128xi32, #tpu.memory_space<hbm>>
        %dma_start3A_35 = tpu.memref_squeeze %dma_start3A_34 : memref<1x1x128xi32, #tpu.memory_space<hbm>> -> memref<128xi32, #tpu.memory_space<hbm>>
        %dma_start3A_36 = arith.constant 0 : i32
        %dma_start3A_37 = tpu.memref_slice %arg4[%add3A, %scan3A_28, %dma_start3A_36] : memref<32x79x128xi32, #tpu.memory_space<hbm>> -> memref<1x1x128xi32, #tpu.memory_space<hbm>>
        %dma_start3A_38 = tpu.memref_squeeze %dma_start3A_37 : memref<1x1x128xi32, #tpu.memory_space<hbm>> -> memref<128xi32, #tpu.memory_space<hbm>>
        tpu.enqueue_dma source(%dma_start3A_38 : memref<128xi32, #tpu.memory_space<hbm>>) target(%arg7 : memref<128xi32, #tpu.memory_space<vmem>>) target_semaphore(%run_scoped3A : memref<!tpu.dma_semaphore, #tpu.memory_space<semaphore_mem>>)
        %dma_wait3A_39 = arith.constant 0 : i32
        %dma_wait3A_40 = tpu.memref_slice %arg4[%add3A, %scan3A_28, %dma_wait3A_39] : memref<32x79x128xi32, #tpu.memory_space<hbm>> -> memref<1x1x128xi32, #tpu.memory_space<hbm>>
        %dma_wait3A_41 = tpu.memref_squeeze %dma_wait3A_40 : memref<1x1x128xi32, #tpu.memory_space<hbm>> -> memref<128xi32, #tpu.memory_space<hbm>>
        %dma_wait3A_42 = arith.constant 0 : i32
        %dma_wait3A_43 = tpu.memref_slice %arg4[%add3A, %scan3A_28, %dma_wait3A_42] : memref<32x79x128xi32, #tpu.memory_space<hbm>> -> memref<1x1x128xi32, #tpu.memory_space<hbm>>
        %dma_wait3A_44 = tpu.memref_squeeze %dma_wait3A_43 : memref<1x1x128xi32, #tpu.memory_space<hbm>> -> memref<128xi32, #tpu.memory_space<hbm>>
        tpu.wait_dma2 semaphore(%run_scoped3A : memref<!tpu.dma_semaphore, #tpu.memory_space<semaphore_mem>>) src(%dma_wait3A_44 : memref<128xi32, #tpu.memory_space<hbm>>) dst(%arg7 : memref<128xi32, #tpu.memory_space<vmem>>)
        tpu.yield
      }) : () -> ()
      %dma_start3A = arith.constant 0 : i32
      %dma_start3A_29 = arith.constant 0 : i32
      %dma_start3A_30 = tpu.memref_slice %arg2[%dma_start3A, %dma_start3A_29] : memref<10240x128xf32, #tpu.memory_space<hbm>> -> memref<10240x128xf32, #tpu.memory_space<hbm>>
      tpu.enqueue_indirect_dma source(%dma_start3A_30 : memref<10240x128xf32, #tpu.memory_space<hbm>>) target(%arg8 : memref<128x128xf32, #tpu.memory_space<vmem>>) offsets(%arg6 : memref<128xi32, #tpu.memory_space<vmem>>) semaphore(%arg10 : memref<!tpu.dma_semaphore, #tpu.memory_space<semaphore_mem>>)
      %dma_wait3A = arith.constant 0 : i32
      %dma_wait3A_31 = arith.constant 0 : i32
      %dma_wait3A_32 = tpu.memref_slice %arg2[%dma_wait3A, %dma_wait3A_31] : memref<10240x128xf32, #tpu.memory_space<hbm>> -> memref<10240x128xf32, #tpu.memory_space<hbm>>
      tpu.wait_indirect_dma semaphore(%arg10 : memref<!tpu.dma_semaphore, #tpu.memory_space<semaphore_mem>>) src(%dma_wait3A_32 : memref<10240x128xf32, #tpu.memory_space<hbm>>) dst(%arg8 : memref<128x128xf32, #tpu.memory_space<vmem>>)
      "tpu.region"() ({
        %run_scoped3A = tpu.sem_alloc : memref<!tpu.dma_semaphore, #tpu.memory_space<semaphore_mem>>
        %dma_start3A_33 = arith.constant 0 : i32
        %dma_start3A_34 = arith.constant 0 : i32
        %dma_start3A_35 = tpu.memref_slice %arg9[%dma_start3A_33, %dma_start3A_34] : memref<10240x128xf32, #tpu.memory_space<vmem_shared>> -> memref<10240x128xf32, #tpu.memory_space<vmem_shared>>
        tpu.enqueue_indirect_dma source(%arg8 : memref<128x128xf32, #tpu.memory_space<vmem>>) target(%dma_start3A_35 : memref<10240x128xf32, #tpu.memory_space<vmem_shared>>) offsets(%arg7 : memref<128xi32, #tpu.memory_space<vmem>>) semaphore(%run_scoped3A : memref<!tpu.dma_semaphore, #tpu.memory_space<semaphore_mem>>) {add = true}
        %dma_wait3A_36 = arith.constant 0 : i32
        %dma_wait3A_37 = arith.constant 0 : i32
        %dma_wait3A_38 = tpu.memref_slice %arg9[%dma_wait3A_36, %dma_wait3A_37] : memref<10240x128xf32, #tpu.memory_space<vmem_shared>> -> memref<10240x128xf32, #tpu.memory_space<vmem_shared>>
        tpu.wait_indirect_dma semaphore(%run_scoped3A : memref<!tpu.dma_semaphore, #tpu.memory_space<semaphore_mem>>) src(%arg8 : memref<128x128xf32, #tpu.memory_space<vmem>>) dst(%dma_wait3A_38 : memref<10240x128xf32, #tpu.memory_space<vmem_shared>>)
        tpu.yield
      }) : () -> ()
    }
    %scan3A_16 = arith.constant 79 : i32
    %barrier3A_17 = arith.constant 0 : index
    tpu.barrier barrier_id(%barrier3A_17)
    %mul3A_18 = arith.constant 10240 : i32
    %mul3A_19 = arith.muli %arg0, %mul3A_18 : i32
    %mul3A_20 = arith.constant 640 : i32
    %mul3A_21 = arith.muli %arg1, %mul3A_20 : i32
    %add3A_22 = arith.addi %mul3A_19, %mul3A_21 : i32
    %scan3A_23 = arith.constant 0 : i32
    %scan3A_24 = arith.constant 5 : i32
    %scan3A_25 = arith.addi %scan3A_23, %scan3A_24 : i32
    %scan3A_26 = arith.constant 1 : i32
    scf.for %scan3A_28 = %scan3A_23 to %scan3A_25 step %scan3A_26  : i32 {
      %mul3A_29 = arith.constant 128 : i32
      %mul3A_30 = arith.muli %scan3A_28, %mul3A_29 : i32
      %add3A_31 = arith.addi %mul3A_6, %mul3A_30 : i32
      "tpu.region"() ({
        %run_scoped3A = tpu.sem_alloc : memref<!tpu.dma_semaphore, #tpu.memory_space<semaphore_mem>>
        %dma_start3A = arith.constant 0 : i32
        %dma_start3A_35 = tpu.memref_slice %arg9[%add3A_31, %dma_start3A] : memref<10240x128xf32, #tpu.memory_space<vmem_shared>> -> memref<128x128xf32, #tpu.memory_space<vmem_shared>>
        %dma_start3A_36 = arith.constant 0 : i32
        %dma_start3A_37 = tpu.memref_slice %arg9[%add3A_31, %dma_start3A_36] : memref<10240x128xf32, #tpu.memory_space<vmem_shared>> -> memref<128x128xf32, #tpu.memory_space<vmem_shared>>
        tpu.enqueue_dma source(%dma_start3A_37 : memref<128x128xf32, #tpu.memory_space<vmem_shared>>) target(%arg8 : memref<128x128xf32, #tpu.memory_space<vmem>>) target_semaphore(%run_scoped3A : memref<!tpu.dma_semaphore, #tpu.memory_space<semaphore_mem>>)
        %dma_wait3A = arith.constant 0 : i32
        %dma_wait3A_38 = tpu.memref_slice %arg9[%add3A_31, %dma_wait3A] : memref<10240x128xf32, #tpu.memory_space<vmem_shared>> -> memref<128x128xf32, #tpu.memory_space<vmem_shared>>
        %dma_wait3A_39 = arith.constant 0 : i32
        %dma_wait3A_40 = tpu.memref_slice %arg9[%add3A_31, %dma_wait3A_39] : memref<10240x128xf32, #tpu.memory_space<vmem_shared>> -> memref<128x128xf32, #tpu.memory_space<vmem_shared>>
        tpu.wait_dma2 semaphore(%run_scoped3A : memref<!tpu.dma_semaphore, #tpu.memory_space<semaphore_mem>>) src(%dma_wait3A_40 : memref<128x128xf32, #tpu.memory_space<vmem_shared>>) dst(%arg8 : memref<128x128xf32, #tpu.memory_space<vmem>>)
        tpu.yield
      }) : () -> ()
      %mul3A_32 = arith.constant 128 : i32
      %mul3A_33 = arith.muli %scan3A_28, %mul3A_32 : i32
      %add3A_34 = arith.addi %add3A_22, %mul3A_33 : i32
      "tpu.region"() ({
        %run_scoped3A = tpu.sem_alloc : memref<!tpu.dma_semaphore, #tpu.memory_space<semaphore_mem>>
        %dma_start3A = arith.constant 0 : i32
        %dma_start3A_35 = tpu.memref_slice %arg5[%add3A_34, %dma_start3A] : memref<20480x128xf32, #tpu.memory_space<hbm>> -> memref<128x128xf32, #tpu.memory_space<hbm>>
        %dma_start3A_36 = arith.constant 0 : i32
        %dma_start3A_37 = tpu.memref_slice %arg5[%add3A_34, %dma_start3A_36] : memref<20480x128xf32, #tpu.memory_space<hbm>> -> memref<128x128xf32, #tpu.memory_space<hbm>>
        tpu.enqueue_dma source(%arg8 : memref<128x128xf32, #tpu.memory_space<vmem>>) target(%dma_start3A_37 : memref<128x128xf32, #tpu.memory_space<hbm>>) target_semaphore(%run_scoped3A : memref<!tpu.dma_semaphore, #tpu.memory_space<semaphore_mem>>)
        %dma_wait3A = arith.constant 0 : i32
        %dma_wait3A_38 = tpu.memref_slice %arg5[%add3A_34, %dma_wait3A] : memref<20480x128xf32, #tpu.memory_space<hbm>> -> memref<128x128xf32, #tpu.memory_space<hbm>>
        %dma_wait3A_39 = arith.constant 0 : i32
        %dma_wait3A_40 = tpu.memref_slice %arg5[%add3A_34, %dma_wait3A_39] : memref<20480x128xf32, #tpu.memory_space<hbm>> -> memref<128x128xf32, #tpu.memory_space<hbm>>
        tpu.wait_dma2 semaphore(%run_scoped3A : memref<!tpu.dma_semaphore, #tpu.memory_space<semaphore_mem>>) src(%arg8 : memref<128x128xf32, #tpu.memory_space<vmem>>) dst(%dma_wait3A_40 : memref<128x128xf32, #tpu.memory_space<hbm>>)
        tpu.yield
      }) : () -> ()
    }
    %scan3A_27 = arith.constant 5 : i32
    return
  }
}

#map = affine_map<(d0, d1) -> (0, 0)>
#map1 = affine_map<(d0, d1) -> (0, 0, 0)>
module attributes {stable_mosaic.version = 14 : i64} {
  func.func @body(%arg0: i32, %arg1: i32, %arg2: memref<10240x128xf32, #tpu.memory_space<hbm>>, %arg3: memref<32x5x64xi32, #tpu.memory_space<hbm>>, %arg4: memref<10240x128xf32, #tpu.memory_space<hbm>>, %arg5: memref<64xi32, #tpu.memory_space<vmem>>, %arg6: memref<64x128xf32, #tpu.memory_space<vmem>>, %arg7: memref<!tpu.dma_semaphore, #tpu.memory_space<semaphore_mem>>) attributes {dimension_semantics = [#tpu.dimension_semantics<core_parallel>, #tpu.dimension_semantics<subcore_parallel>], iteration_bounds = array<i64: 2, 16>, scalar_prefetch = 0 : i64, scratch_operands = 3 : i64, tpu.core_type = #tpu.core_type<sc_vector_subcore>, window_params = [{transform_indices = #map}, {transform_indices = #map1}, {transform_indices = #map}]} {
    %mul3A = arith.constant 2 : i32
    %mul3A_0 = arith.muli %arg1, %mul3A : i32
    %add3A = arith.addi %mul3A_0, %arg0 : i32
    %mul3A_1 = arith.constant 320 : i32
    %mul3A_2 = arith.muli %add3A, %mul3A_1 : i32
    %scan3A = arith.constant 0 : i32
    %scan3A_3 = arith.constant 5 : i32
    %scan3A_4 = arith.addi %scan3A, %scan3A_3 : i32
    %scan3A_5 = arith.constant 1 : i32
    scf.for %scan3A_7 = %scan3A to %scan3A_4 step %scan3A_5  : i32 {
      "tpu.region"() ({
        %run_scoped3A = tpu.sem_alloc : memref<!tpu.dma_semaphore, #tpu.memory_space<semaphore_mem>>
        %dma_start3A_15 = arith.constant 0 : i32
        %dma_start3A_16 = tpu.memref_slice %arg3[%add3A, %scan3A_7, %dma_start3A_15] : memref<32x5x64xi32, #tpu.memory_space<hbm>> -> memref<1x1x64xi32, #tpu.memory_space<hbm>>
        %dma_start3A_17 = tpu.memref_squeeze %dma_start3A_16 : memref<1x1x64xi32, #tpu.memory_space<hbm>> -> memref<64xi32, #tpu.memory_space<hbm>>
        %dma_start3A_18 = arith.constant 0 : i32
        %dma_start3A_19 = tpu.memref_slice %arg3[%add3A, %scan3A_7, %dma_start3A_18] : memref<32x5x64xi32, #tpu.memory_space<hbm>> -> memref<1x1x64xi32, #tpu.memory_space<hbm>>
        %dma_start3A_20 = tpu.memref_squeeze %dma_start3A_19 : memref<1x1x64xi32, #tpu.memory_space<hbm>> -> memref<64xi32, #tpu.memory_space<hbm>>
        tpu.enqueue_dma source(%dma_start3A_20 : memref<64xi32, #tpu.memory_space<hbm>>) target(%arg5 : memref<64xi32, #tpu.memory_space<vmem>>) target_semaphore(%run_scoped3A : memref<!tpu.dma_semaphore, #tpu.memory_space<semaphore_mem>>)
        %dma_wait3A_21 = arith.constant 0 : i32
        %dma_wait3A_22 = tpu.memref_slice %arg3[%add3A, %scan3A_7, %dma_wait3A_21] : memref<32x5x64xi32, #tpu.memory_space<hbm>> -> memref<1x1x64xi32, #tpu.memory_space<hbm>>
        %dma_wait3A_23 = tpu.memref_squeeze %dma_wait3A_22 : memref<1x1x64xi32, #tpu.memory_space<hbm>> -> memref<64xi32, #tpu.memory_space<hbm>>
        %dma_wait3A_24 = arith.constant 0 : i32
        %dma_wait3A_25 = tpu.memref_slice %arg3[%add3A, %scan3A_7, %dma_wait3A_24] : memref<32x5x64xi32, #tpu.memory_space<hbm>> -> memref<1x1x64xi32, #tpu.memory_space<hbm>>
        %dma_wait3A_26 = tpu.memref_squeeze %dma_wait3A_25 : memref<1x1x64xi32, #tpu.memory_space<hbm>> -> memref<64xi32, #tpu.memory_space<hbm>>
        tpu.wait_dma2 semaphore(%run_scoped3A : memref<!tpu.dma_semaphore, #tpu.memory_space<semaphore_mem>>) src(%dma_wait3A_26 : memref<64xi32, #tpu.memory_space<hbm>>) dst(%arg5 : memref<64xi32, #tpu.memory_space<vmem>>)
        tpu.yield
      }) : () -> ()
      %dma_start3A = arith.constant 0 : i32
      %dma_start3A_8 = arith.constant 0 : i32
      %dma_start3A_9 = tpu.memref_slice %arg2[%dma_start3A, %dma_start3A_8] : memref<10240x128xf32, #tpu.memory_space<hbm>> -> memref<10240x128xf32, #tpu.memory_space<hbm>>
      tpu.enqueue_indirect_dma source(%dma_start3A_9 : memref<10240x128xf32, #tpu.memory_space<hbm>>) target(%arg6 : memref<64x128xf32, #tpu.memory_space<vmem>>) offsets(%arg5 : memref<64xi32, #tpu.memory_space<vmem>>) semaphore(%arg7 : memref<!tpu.dma_semaphore, #tpu.memory_space<semaphore_mem>>)
      %dma_wait3A = arith.constant 0 : i32
      %dma_wait3A_10 = arith.constant 0 : i32
      %dma_wait3A_11 = tpu.memref_slice %arg2[%dma_wait3A, %dma_wait3A_10] : memref<10240x128xf32, #tpu.memory_space<hbm>> -> memref<10240x128xf32, #tpu.memory_space<hbm>>
      tpu.wait_indirect_dma semaphore(%arg7 : memref<!tpu.dma_semaphore, #tpu.memory_space<semaphore_mem>>) src(%dma_wait3A_11 : memref<10240x128xf32, #tpu.memory_space<hbm>>) dst(%arg6 : memref<64x128xf32, #tpu.memory_space<vmem>>)
      %mul3A_12 = arith.constant 64 : i32
      %mul3A_13 = arith.muli %scan3A_7, %mul3A_12 : i32
      %add3A_14 = arith.addi %mul3A_2, %mul3A_13 : i32
      "tpu.region"() ({
        %run_scoped3A = tpu.sem_alloc : memref<!tpu.dma_semaphore, #tpu.memory_space<semaphore_mem>>
        %dma_start3A_15 = arith.constant 0 : i32
        %dma_start3A_16 = tpu.memref_slice %arg4[%add3A_14, %dma_start3A_15] : memref<10240x128xf32, #tpu.memory_space<hbm>> -> memref<64x128xf32, #tpu.memory_space<hbm>>
        %dma_start3A_17 = arith.constant 0 : i32
        %dma_start3A_18 = tpu.memref_slice %arg4[%add3A_14, %dma_start3A_17] : memref<10240x128xf32, #tpu.memory_space<hbm>> -> memref<64x128xf32, #tpu.memory_space<hbm>>
        tpu.enqueue_dma source(%arg6 : memref<64x128xf32, #tpu.memory_space<vmem>>) target(%dma_start3A_18 : memref<64x128xf32, #tpu.memory_space<hbm>>) target_semaphore(%run_scoped3A : memref<!tpu.dma_semaphore, #tpu.memory_space<semaphore_mem>>)
        %dma_wait3A_19 = arith.constant 0 : i32
        %dma_wait3A_20 = tpu.memref_slice %arg4[%add3A_14, %dma_wait3A_19] : memref<10240x128xf32, #tpu.memory_space<hbm>> -> memref<64x128xf32, #tpu.memory_space<hbm>>
        %dma_wait3A_21 = arith.constant 0 : i32
        %dma_wait3A_22 = tpu.memref_slice %arg4[%add3A_14, %dma_wait3A_21] : memref<10240x128xf32, #tpu.memory_space<hbm>> -> memref<64x128xf32, #tpu.memory_space<hbm>>
        tpu.wait_dma2 semaphore(%run_scoped3A : memref<!tpu.dma_semaphore, #tpu.memory_space<semaphore_mem>>) src(%arg6 : memref<64x128xf32, #tpu.memory_space<vmem>>) dst(%dma_wait3A_22 : memref<64x128xf32, #tpu.memory_space<hbm>>)
        tpu.yield
      }) : () -> ()
    }
    %scan3A_6 = arith.constant 5 : i32
    return
  }
}

#map = affine_map<(d0, d1) -> (0, 0)>
#map1 = affine_map<(d0, d1) -> (0, 0, 0)>
module attributes {stable_mosaic.version = 14 : i64} {
  func.func @body(%arg0: i32, %arg1: i32, %arg2: memref<10240x128xf32, #tpu.memory_space<hbm>>, %arg3: memref<32x5x64xi32, #tpu.memory_space<hbm>>, %arg4: memref<10240x128xf32, #tpu.memory_space<hbm>>, %arg5: memref<64xi32, #tpu.memory_space<vmem>>, %arg6: memref<64x128xf32, #tpu.memory_space<vmem>>, %arg7: memref<!tpu.dma_semaphore, #tpu.memory_space<semaphore_mem>>) attributes {dimension_semantics = [#tpu.dimension_semantics<core_parallel>, #tpu.dimension_semantics<subcore_parallel>], iteration_bounds = array<i64: 2, 16>, scalar_prefetch = 0 : i64, scratch_operands = 3 : i64, tpu.core_type = #tpu.core_type<sc_vector_subcore>, window_params = [{transform_indices = #map}, {transform_indices = #map1}, {transform_indices = #map}]} {
    %mul3A = arith.constant 2 : i32
    %mul3A_0 = arith.muli %arg1, %mul3A : i32
    %add3A = arith.addi %mul3A_0, %arg0 : i32
    %mul3A_1 = arith.constant 320 : i32
    %mul3A_2 = arith.muli %add3A, %mul3A_1 : i32
    %scan3A = arith.constant 0 : i32
    %scan3A_3 = arith.constant 5 : i32
    %scan3A_4 = arith.addi %scan3A, %scan3A_3 : i32
    %scan3A_5 = arith.constant 1 : i32
    scf.for %scan3A_7 = %scan3A to %scan3A_4 step %scan3A_5  : i32 {
      "tpu.region"() ({
        %run_scoped3A = tpu.sem_alloc : memref<!tpu.dma_semaphore, #tpu.memory_space<semaphore_mem>>
        %dma_start3A_15 = arith.constant 0 : i32
        %dma_start3A_16 = tpu.memref_slice %arg3[%add3A, %scan3A_7, %dma_start3A_15] : memref<32x5x64xi32, #tpu.memory_space<hbm>> -> memref<1x1x64xi32, #tpu.memory_space<hbm>>
        %dma_start3A_17 = tpu.memref_squeeze %dma_start3A_16 : memref<1x1x64xi32, #tpu.memory_space<hbm>> -> memref<64xi32, #tpu.memory_space<hbm>>
        %dma_start3A_18 = arith.constant 0 : i32
        %dma_start3A_19 = tpu.memref_slice %arg3[%add3A, %scan3A_7, %dma_start3A_18] : memref<32x5x64xi32, #tpu.memory_space<hbm>> -> memref<1x1x64xi32, #tpu.memory_space<hbm>>
        %dma_start3A_20 = tpu.memref_squeeze %dma_start3A_19 : memref<1x1x64xi32, #tpu.memory_space<hbm>> -> memref<64xi32, #tpu.memory_space<hbm>>
        tpu.enqueue_dma source(%dma_start3A_20 : memref<64xi32, #tpu.memory_space<hbm>>) target(%arg5 : memref<64xi32, #tpu.memory_space<vmem>>) target_semaphore(%run_scoped3A : memref<!tpu.dma_semaphore, #tpu.memory_space<semaphore_mem>>)
        %dma_wait3A_21 = arith.constant 0 : i32
        %dma_wait3A_22 = tpu.memref_slice %arg3[%add3A, %scan3A_7, %dma_wait3A_21] : memref<32x5x64xi32, #tpu.memory_space<hbm>> -> memref<1x1x64xi32, #tpu.memory_space<hbm>>
        %dma_wait3A_23 = tpu.memref_squeeze %dma_wait3A_22 : memref<1x1x64xi32, #tpu.memory_space<hbm>> -> memref<64xi32, #tpu.memory_space<hbm>>
        %dma_wait3A_24 = arith.constant 0 : i32
        %dma_wait3A_25 = tpu.memref_slice %arg3[%add3A, %scan3A_7, %dma_wait3A_24] : memref<32x5x64xi32, #tpu.memory_space<hbm>> -> memref<1x1x64xi32, #tpu.memory_space<hbm>>
        %dma_wait3A_26 = tpu.memref_squeeze %dma_wait3A_25 : memref<1x1x64xi32, #tpu.memory_space<hbm>> -> memref<64xi32, #tpu.memory_space<hbm>>
        tpu.wait_dma2 semaphore(%run_scoped3A : memref<!tpu.dma_semaphore, #tpu.memory_space<semaphore_mem>>) src(%dma_wait3A_26 : memref<64xi32, #tpu.memory_space<hbm>>) dst(%arg5 : memref<64xi32, #tpu.memory_space<vmem>>)
        tpu.yield
      }) : () -> ()
      %dma_start3A = arith.constant 0 : i32
      %dma_start3A_8 = arith.constant 0 : i32
      %dma_start3A_9 = tpu.memref_slice %arg2[%dma_start3A, %dma_start3A_8] : memref<10240x128xf32, #tpu.memory_space<hbm>> -> memref<10240x128xf32, #tpu.memory_space<hbm>>
      tpu.enqueue_indirect_dma source(%dma_start3A_9 : memref<10240x128xf32, #tpu.memory_space<hbm>>) target(%arg6 : memref<64x128xf32, #tpu.memory_space<vmem>>) offsets(%arg5 : memref<64xi32, #tpu.memory_space<vmem>>) semaphore(%arg7 : memref<!tpu.dma_semaphore, #tpu.memory_space<semaphore_mem>>)
      %dma_wait3A = arith.constant 0 : i32
      %dma_wait3A_10 = arith.constant 0 : i32
      %dma_wait3A_11 = tpu.memref_slice %arg2[%dma_wait3A, %dma_wait3A_10] : memref<10240x128xf32, #tpu.memory_space<hbm>> -> memref<10240x128xf32, #tpu.memory_space<hbm>>
      tpu.wait_indirect_dma semaphore(%arg7 : memref<!tpu.dma_semaphore, #tpu.memory_space<semaphore_mem>>) src(%dma_wait3A_11 : memref<10240x128xf32, #tpu.memory_space<hbm>>) dst(%arg6 : memref<64x128xf32, #tpu.memory_space<vmem>>)
      %mul3A_12 = arith.constant 64 : i32
      %mul3A_13 = arith.muli %scan3A_7, %mul3A_12 : i32
      %add3A_14 = arith.addi %mul3A_2, %mul3A_13 : i32
      "tpu.region"() ({
        %run_scoped3A = tpu.sem_alloc : memref<!tpu.dma_semaphore, #tpu.memory_space<semaphore_mem>>
        %dma_start3A_15 = arith.constant 0 : i32
        %dma_start3A_16 = tpu.memref_slice %arg4[%add3A_14, %dma_start3A_15] : memref<10240x128xf32, #tpu.memory_space<hbm>> -> memref<64x128xf32, #tpu.memory_space<hbm>>
        %dma_start3A_17 = arith.constant 0 : i32
        %dma_start3A_18 = tpu.memref_slice %arg4[%add3A_14, %dma_start3A_17] : memref<10240x128xf32, #tpu.memory_space<hbm>> -> memref<64x128xf32, #tpu.memory_space<hbm>>
        tpu.enqueue_dma source(%arg6 : memref<64x128xf32, #tpu.memory_space<vmem>>) target(%dma_start3A_18 : memref<64x128xf32, #tpu.memory_space<hbm>>) target_semaphore(%run_scoped3A : memref<!tpu.dma_semaphore, #tpu.memory_space<semaphore_mem>>)
        %dma_wait3A_19 = arith.constant 0 : i32
        %dma_wait3A_20 = tpu.memref_slice %arg4[%add3A_14, %dma_wait3A_19] : memref<10240x128xf32, #tpu.memory_space<hbm>> -> memref<64x128xf32, #tpu.memory_space<hbm>>
        %dma_wait3A_21 = arith.constant 0 : i32
        %dma_wait3A_22 = tpu.memref_slice %arg4[%add3A_14, %dma_wait3A_21] : memref<10240x128xf32, #tpu.memory_space<hbm>> -> memref<64x128xf32, #tpu.memory_space<hbm>>
        tpu.wait_dma2 semaphore(%run_scoped3A : memref<!tpu.dma_semaphore, #tpu.memory_space<semaphore_mem>>) src(%arg6 : memref<64x128xf32, #tpu.memory_space<vmem>>) dst(%dma_wait3A_22 : memref<64x128xf32, #tpu.memory_space<hbm>>)
        tpu.yield
      }) : () -> ()
    }
    %scan3A_6 = arith.constant 5 : i32
    return
  }
}

#map = affine_map<(d0, d1) -> (0, 0, 0)>
#map1 = affine_map<(d0, d1) -> (0, 0)>
module attributes {stable_mosaic.version = 14 : i64} {
  func.func @body(%arg0: i32, %arg1: i32, %arg2: memref<32x40x128xi32, #tpu.memory_space<hbm>>, %arg3: memref<20480x128xf32, #tpu.memory_space<hbm>>, %arg4: memref<128xi32, #tpu.memory_space<vmem>>, %arg5: memref<128x128xf32, #tpu.memory_space<vmem>>, %arg6: memref<10240x128xf32, #tpu.memory_space<vmem_shared>>) attributes {dimension_semantics = [#tpu.dimension_semantics<core_parallel>, #tpu.dimension_semantics<subcore_parallel>], iteration_bounds = array<i64: 2, 16>, scalar_prefetch = 0 : i64, scratch_operands = 3 : i64, tpu.core_type = #tpu.core_type<sc_vector_subcore>, window_params = [{transform_indices = #map}, {transform_indices = #map1}]} {
    %mul3A = arith.constant 2 : i32
    %mul3A_0 = arith.muli %arg1, %mul3A : i32
    %add3A = arith.addi %mul3A_0, %arg0 : i32
    %scan3A = arith.constant 0 : i32
    %scan3A_1 = arith.constant 1024 : i32
    %scan3A_2 = arith.addi %scan3A, %scan3A_1 : i32
    %scan3A_3 = arith.constant 1 : i32
    scf.for %scan3A_33 = %scan3A to %scan3A_2 step %scan3A_3  : i32 {
      %broadcast_in_dim3A = arith.constant 0.000000e+00 : f32
      %broadcast_in_dim3A_34 = vector.broadcast %broadcast_in_dim3A : f32 to vector<16xf32>
      %jit3A = arith.constant 8 : i32
      %div3A = arith.divsi %scan3A_33, %jit3A : i32
      %sign3A = arith.constant 0 : i32
      %sign3A_35 = arith.cmpi sgt, %scan3A_33, %sign3A : i32
      %sign3A_36 = arith.extui %sign3A_35 : i1 to i32
      %sign3A_37 = arith.constant 0 : i32
      %sign3A_38 = arith.cmpi slt, %scan3A_33, %sign3A_37 : i32
      %sign3A_39 = arith.extui %sign3A_38 : i1 to i32
      %sign3A_40 = arith.subi %sign3A_36, %sign3A_39 : i32
      %sign3A_41 = arith.constant 0 : i32
      %sign3A_42 = arith.cmpi sgt, %jit3A, %sign3A_41 : i32
      %sign3A_43 = arith.extui %sign3A_42 : i1 to i32
      %sign3A_44 = arith.constant 0 : i32
      %sign3A_45 = arith.cmpi slt, %jit3A, %sign3A_44 : i32
      %sign3A_46 = arith.extui %sign3A_45 : i1 to i32
      %sign3A_47 = arith.subi %sign3A_43, %sign3A_46 : i32
      %ne3A = arith.cmpi ne, %sign3A_40, %sign3A_47 : i32
      %rem3A = arith.remsi %scan3A_33, %jit3A : i32
      %ne3A_48 = arith.constant 0 : i32
      %ne3A_49 = arith.cmpi ne, %rem3A, %ne3A_48 : i32
      %and3A = arith.andi %ne3A, %ne3A_49 : i1
      %sub3A = arith.constant 1 : i32
      %sub3A_50 = arith.subi %div3A, %sub3A : i32
      %select_n3A = arith.select %and3A, %sub3A_50, %div3A : i32
      %jit3A_51 = arith.constant 8 : i32
      %eq3A = arith.constant 0 : i32
      %eq3A_52 = arith.cmpi eq, %jit3A_51, %eq3A : i32
      %jit3A_53 = arith.constant 1 : i32
      %select_n3A_54 = arith.select %eq3A_52, %jit3A_53, %jit3A_51 : i32
      %rem3A_55 = arith.remsi %scan3A_33, %select_n3A_54 : i32
      %ne3A_56 = arith.constant 0 : i32
      %ne3A_57 = arith.cmpi ne, %rem3A_55, %ne3A_56 : i32
      %lt3A = arith.constant 0 : i32
      %lt3A_58 = arith.cmpi slt, %rem3A_55, %lt3A : i32
      %lt3A_59 = arith.constant 0 : i32
      %lt3A_60 = arith.cmpi slt, %select_n3A_54, %lt3A_59 : i32
      %ne3A_61 = arith.xori %lt3A_58, %lt3A_60 : i1
      %and3A_62 = arith.andi %ne3A_61, %ne3A_57 : i1
      %add3A_63 = arith.addi %rem3A_55, %select_n3A_54 : i32
      %select_n3A_64 = arith.select %and3A_62, %add3A_63, %rem3A_55 : i32
      %mul3A_65 = arith.constant 16 : i32
      %mul3A_66 = arith.muli %select_n3A_64, %mul3A_65 : i32
      %swap3A = arith.index_cast %select_n3A : i32 to index
      %swap3A_67 = arith.index_cast %mul3A_66 : i32 to index
      %swap3A_68 = tpu.vector_load %arg5[%swap3A, %swap3A_67] {strides = array<i32>} : memref<128x128xf32, #tpu.memory_space<vmem>>, vector<1x16xf32>,
      %swap3A_69 = vector.shape_cast %swap3A_68 : vector<1x16xf32> to vector<16xf32>
      %swap3A_70 = vector.shape_cast %broadcast_in_dim3A_34 : vector<16xf32> to vector<1x16xf32>
      tpu.vector_store %arg5[%swap3A, %swap3A_67], %swap3A_70 {strides = array<i32>} : memref<128x128xf32, #tpu.memory_space<vmem>>, vector<1x16xf32>,
    }
    %scan3A_4 = arith.constant 1024 : i32
    %mul3A_5 = arith.constant 640 : i32
    %mul3A_6 = arith.muli %arg1, %mul3A_5 : i32
    %scan3A_7 = arith.constant 0 : i32
    %scan3A_8 = arith.constant 5 : i32
    %scan3A_9 = arith.addi %scan3A_7, %scan3A_8 : i32
    %scan3A_10 = arith.constant 1 : i32
    scf.for %scan3A_33 = %scan3A_7 to %scan3A_9 step %scan3A_10  : i32 {
      %mul3A_34 = arith.constant 128 : i32
      %mul3A_35 = arith.muli %scan3A_33, %mul3A_34 : i32
      %add3A_36 = arith.addi %mul3A_6, %mul3A_35 : i32
      "tpu.region"() ({
        %run_scoped3A = tpu.sem_alloc : memref<!tpu.dma_semaphore, #tpu.memory_space<semaphore_mem>>
        %dma_start3A = arith.constant 0 : i32
        %dma_start3A_37 = tpu.memref_slice %arg6[%add3A_36, %dma_start3A] : memref<10240x128xf32, #tpu.memory_space<vmem_shared>> -> memref<128x128xf32, #tpu.memory_space<vmem_shared>>
        %dma_start3A_38 = arith.constant 0 : i32
        %dma_start3A_39 = tpu.memref_slice %arg6[%add3A_36, %dma_start3A_38] : memref<10240x128xf32, #tpu.memory_space<vmem_shared>> -> memref<128x128xf32, #tpu.memory_space<vmem_shared>>
        tpu.enqueue_dma source(%arg5 : memref<128x128xf32, #tpu.memory_space<vmem>>) target(%dma_start3A_39 : memref<128x128xf32, #tpu.memory_space<vmem_shared>>) target_semaphore(%run_scoped3A : memref<!tpu.dma_semaphore, #tpu.memory_space<semaphore_mem>>)
        %dma_wait3A = arith.constant 0 : i32
        %dma_wait3A_40 = tpu.memref_slice %arg6[%add3A_36, %dma_wait3A] : memref<10240x128xf32, #tpu.memory_space<vmem_shared>> -> memref<128x128xf32, #tpu.memory_space<vmem_shared>>
        %dma_wait3A_41 = arith.constant 0 : i32
        %dma_wait3A_42 = tpu.memref_slice %arg6[%add3A_36, %dma_wait3A_41] : memref<10240x128xf32, #tpu.memory_space<vmem_shared>> -> memref<128x128xf32, #tpu.memory_space<vmem_shared>>
        tpu.wait_dma2 semaphore(%run_scoped3A : memref<!tpu.dma_semaphore, #tpu.memory_space<semaphore_mem>>) src(%arg5 : memref<128x128xf32, #tpu.memory_space<vmem>>) dst(%dma_wait3A_42 : memref<128x128xf32, #tpu.memory_space<vmem_shared>>)
        tpu.yield
      }) : () -> ()
    }
    %scan3A_11 = arith.constant 5 : i32
    %scan3A_12 = arith.constant 0 : i32
    %scan3A_13 = arith.constant 1024 : i32
    %scan3A_14 = arith.addi %scan3A_12, %scan3A_13 : i32
    %scan3A_15 = arith.constant 1 : i32
    scf.for %scan3A_33 = %scan3A_12 to %scan3A_14 step %scan3A_15  : i32 {
      %broadcast_in_dim3A = arith.constant 1.000000e+00 : f32
      %broadcast_in_dim3A_34 = vector.broadcast %broadcast_in_dim3A : f32 to vector<16xf32>
      %jit3A = arith.constant 8 : i32
      %div3A = arith.divsi %scan3A_33, %jit3A : i32
      %sign3A = arith.constant 0 : i32
      %sign3A_35 = arith.cmpi sgt, %scan3A_33, %sign3A : i32
      %sign3A_36 = arith.extui %sign3A_35 : i1 to i32
      %sign3A_37 = arith.constant 0 : i32
      %sign3A_38 = arith.cmpi slt, %scan3A_33, %sign3A_37 : i32
      %sign3A_39 = arith.extui %sign3A_38 : i1 to i32
      %sign3A_40 = arith.subi %sign3A_36, %sign3A_39 : i32
      %sign3A_41 = arith.constant 0 : i32
      %sign3A_42 = arith.cmpi sgt, %jit3A, %sign3A_41 : i32
      %sign3A_43 = arith.extui %sign3A_42 : i1 to i32
      %sign3A_44 = arith.constant 0 : i32
      %sign3A_45 = arith.cmpi slt, %jit3A, %sign3A_44 : i32
      %sign3A_46 = arith.extui %sign3A_45 : i1 to i32
      %sign3A_47 = arith.subi %sign3A_43, %sign3A_46 : i32
      %ne3A = arith.cmpi ne, %sign3A_40, %sign3A_47 : i32
      %rem3A = arith.remsi %scan3A_33, %jit3A : i32
      %ne3A_48 = arith.constant 0 : i32
      %ne3A_49 = arith.cmpi ne, %rem3A, %ne3A_48 : i32
      %and3A = arith.andi %ne3A, %ne3A_49 : i1
      %sub3A = arith.constant 1 : i32
      %sub3A_50 = arith.subi %div3A, %sub3A : i32
      %select_n3A = arith.select %and3A, %sub3A_50, %div3A : i32
      %jit3A_51 = arith.constant 8 : i32
      %eq3A = arith.constant 0 : i32
      %eq3A_52 = arith.cmpi eq, %jit3A_51, %eq3A : i32
      %jit3A_53 = arith.constant 1 : i32
      %select_n3A_54 = arith.select %eq3A_52, %jit3A_53, %jit3A_51 : i32
      %rem3A_55 = arith.remsi %scan3A_33, %select_n3A_54 : i32
      %ne3A_56 = arith.constant 0 : i32
      %ne3A_57 = arith.cmpi ne, %rem3A_55, %ne3A_56 : i32
      %lt3A = arith.constant 0 : i32
      %lt3A_58 = arith.cmpi slt, %rem3A_55, %lt3A : i32
      %lt3A_59 = arith.constant 0 : i32
      %lt3A_60 = arith.cmpi slt, %select_n3A_54, %lt3A_59 : i32
      %ne3A_61 = arith.xori %lt3A_58, %lt3A_60 : i1
      %and3A_62 = arith.andi %ne3A_61, %ne3A_57 : i1
      %add3A_63 = arith.addi %rem3A_55, %select_n3A_54 : i32
      %select_n3A_64 = arith.select %and3A_62, %add3A_63, %rem3A_55 : i32
      %mul3A_65 = arith.constant 16 : i32
      %mul3A_66 = arith.muli %select_n3A_64, %mul3A_65 : i32
      %swap3A = arith.index_cast %select_n3A : i32 to index
      %swap3A_67 = arith.index_cast %mul3A_66 : i32 to index
      %swap3A_68 = tpu.vector_load %arg5[%swap3A, %swap3A_67] {strides = array<i32>} : memref<128x128xf32, #tpu.memory_space<vmem>>, vector<1x16xf32>,
      %swap3A_69 = vector.shape_cast %swap3A_68 : vector<1x16xf32> to vector<16xf32>
      %swap3A_70 = vector.shape_cast %broadcast_in_dim3A_34 : vector<16xf32> to vector<1x16xf32>
      tpu.vector_store %arg5[%swap3A, %swap3A_67], %swap3A_70 {strides = array<i32>} : memref<128x128xf32, #tpu.memory_space<vmem>>, vector<1x16xf32>,
    }
    %scan3A_16 = arith.constant 1024 : i32
    %barrier3A = arith.constant 0 : index
    tpu.barrier barrier_id(%barrier3A)
    %scan3A_17 = arith.constant 0 : i32
    %scan3A_18 = arith.constant 40 : i32
    %scan3A_19 = arith.addi %scan3A_17, %scan3A_18 : i32
    %scan3A_20 = arith.constant 1 : i32
    scf.for %scan3A_33 = %scan3A_17 to %scan3A_19 step %scan3A_20  : i32 {
      "tpu.region"() ({
        %run_scoped3A = tpu.sem_alloc : memref<!tpu.dma_semaphore, #tpu.memory_space<semaphore_mem>>
        %dma_start3A = arith.constant 0 : i32
        %dma_start3A_34 = tpu.memref_slice %arg2[%add3A, %scan3A_33, %dma_start3A] : memref<32x40x128xi32, #tpu.memory_space<hbm>> -> memref<1x1x128xi32, #tpu.memory_space<hbm>>
        %dma_start3A_35 = tpu.memref_squeeze %dma_start3A_34 : memref<1x1x128xi32, #tpu.memory_space<hbm>> -> memref<128xi32, #tpu.memory_space<hbm>>
        %dma_start3A_36 = arith.constant 0 : i32
        %dma_start3A_37 = tpu.memref_slice %arg2[%add3A, %scan3A_33, %dma_start3A_36] : memref<32x40x128xi32, #tpu.memory_space<hbm>> -> memref<1x1x128xi32, #tpu.memory_space<hbm>>
        %dma_start3A_38 = tpu.memref_squeeze %dma_start3A_37 : memref<1x1x128xi32, #tpu.memory_space<hbm>> -> memref<128xi32, #tpu.memory_space<hbm>>
        tpu.enqueue_dma source(%dma_start3A_38 : memref<128xi32, #tpu.memory_space<hbm>>) target(%arg4 : memref<128xi32, #tpu.memory_space<vmem>>) target_semaphore(%run_scoped3A : memref<!tpu.dma_semaphore, #tpu.memory_space<semaphore_mem>>)
        %dma_wait3A = arith.constant 0 : i32
        %dma_wait3A_39 = tpu.memref_slice %arg2[%add3A, %scan3A_33, %dma_wait3A] : memref<32x40x128xi32, #tpu.memory_space<hbm>> -> memref<1x1x128xi32, #tpu.memory_space<hbm>>
        %dma_wait3A_40 = tpu.memref_squeeze %dma_wait3A_39 : memref<1x1x128xi32, #tpu.memory_space<hbm>> -> memref<128xi32, #tpu.memory_space<hbm>>
        %dma_wait3A_41 = arith.constant 0 : i32
        %dma_wait3A_42 = tpu.memref_slice %arg2[%add3A, %scan3A_33, %dma_wait3A_41] : memref<32x40x128xi32, #tpu.memory_space<hbm>> -> memref<1x1x128xi32, #tpu.memory_space<hbm>>
        %dma_wait3A_43 = tpu.memref_squeeze %dma_wait3A_42 : memref<1x1x128xi32, #tpu.memory_space<hbm>> -> memref<128xi32, #tpu.memory_space<hbm>>
        tpu.wait_dma2 semaphore(%run_scoped3A : memref<!tpu.dma_semaphore, #tpu.memory_space<semaphore_mem>>) src(%dma_wait3A_43 : memref<128xi32, #tpu.memory_space<hbm>>) dst(%arg4 : memref<128xi32, #tpu.memory_space<vmem>>)
        tpu.yield
      }) : () -> ()
      "tpu.region"() ({
        %run_scoped3A = tpu.sem_alloc : memref<!tpu.dma_semaphore, #tpu.memory_space<semaphore_mem>>
        %dma_start3A = arith.constant 0 : i32
        %dma_start3A_34 = arith.constant 0 : i32
        %dma_start3A_35 = tpu.memref_slice %arg6[%dma_start3A, %dma_start3A_34] : memref<10240x128xf32, #tpu.memory_space<vmem_shared>> -> memref<10240x128xf32, #tpu.memory_space<vmem_shared>>
        tpu.enqueue_indirect_dma source(%arg5 : memref<128x128xf32, #tpu.memory_space<vmem>>) target(%dma_start3A_35 : memref<10240x128xf32, #tpu.memory_space<vmem_shared>>) offsets(%arg4 : memref<128xi32, #tpu.memory_space<vmem>>) semaphore(%run_scoped3A : memref<!tpu.dma_semaphore, #tpu.memory_space<semaphore_mem>>) {add = true}
        %dma_wait3A = arith.constant 0 : i32
        %dma_wait3A_36 = arith.constant 0 : i32
        %dma_wait3A_37 = tpu.memref_slice %arg6[%dma_wait3A, %dma_wait3A_36] : memref<10240x128xf32, #tpu.memory_space<vmem_shared>> -> memref<10240x128xf32, #tpu.memory_space<vmem_shared>>
        tpu.wait_indirect_dma semaphore(%run_scoped3A : memref<!tpu.dma_semaphore, #tpu.memory_space<semaphore_mem>>) src(%arg5 : memref<128x128xf32, #tpu.memory_space<vmem>>) dst(%dma_wait3A_37 : memref<10240x128xf32, #tpu.memory_space<vmem_shared>>)
        tpu.yield
      }) : () -> ()
    }
    %scan3A_21 = arith.constant 40 : i32
    %barrier3A_22 = arith.constant 0 : index
    tpu.barrier barrier_id(%barrier3A_22)
    %mul3A_23 = arith.constant 10240 : i32
    %mul3A_24 = arith.muli %arg0, %mul3A_23 : i32
    %mul3A_25 = arith.constant 640 : i32
    %mul3A_26 = arith.muli %arg1, %mul3A_25 : i32
    %add3A_27 = arith.addi %mul3A_24, %mul3A_26 : i32
    %scan3A_28 = arith.constant 0 : i32
    %scan3A_29 = arith.constant 5 : i32
    %scan3A_30 = arith.addi %scan3A_28, %scan3A_29 : i32
    %scan3A_31 = arith.constant 1 : i32
    scf.for %scan3A_33 = %scan3A_28 to %scan3A_30 step %scan3A_31  : i32 {
      %mul3A_34 = arith.constant 128 : i32
      %mul3A_35 = arith.muli %scan3A_33, %mul3A_34 : i32
      %add3A_36 = arith.addi %mul3A_6, %mul3A_35 : i32
      "tpu.region"() ({
        %run_scoped3A = tpu.sem_alloc : memref<!tpu.dma_semaphore, #tpu.memory_space<semaphore_mem>>
        %dma_start3A = arith.constant 0 : i32
        %dma_start3A_40 = tpu.memref_slice %arg6[%add3A_36, %dma_start3A] : memref<10240x128xf32, #tpu.memory_space<vmem_shared>> -> memref<128x128xf32, #tpu.memory_space<vmem_shared>>
        %dma_start3A_41 = arith.constant 0 : i32
        %dma_start3A_42 = tpu.memref_slice %arg6[%add3A_36, %dma_start3A_41] : memref<10240x128xf32, #tpu.memory_space<vmem_shared>> -> memref<128x128xf32, #tpu.memory_space<vmem_shared>>
        tpu.enqueue_dma source(%dma_start3A_42 : memref<128x128xf32, #tpu.memory_space<vmem_shared>>) target(%arg5 : memref<128x128xf32, #tpu.memory_space<vmem>>) target_semaphore(%run_scoped3A : memref<!tpu.dma_semaphore, #tpu.memory_space<semaphore_mem>>)
        %dma_wait3A = arith.constant 0 : i32
        %dma_wait3A_43 = tpu.memref_slice %arg6[%add3A_36, %dma_wait3A] : memref<10240x128xf32, #tpu.memory_space<vmem_shared>> -> memref<128x128xf32, #tpu.memory_space<vmem_shared>>
        %dma_wait3A_44 = arith.constant 0 : i32
        %dma_wait3A_45 = tpu.memref_slice %arg6[%add3A_36, %dma_wait3A_44] : memref<10240x128xf32, #tpu.memory_space<vmem_shared>> -> memref<128x128xf32, #tpu.memory_space<vmem_shared>>
        tpu.wait_dma2 semaphore(%run_scoped3A : memref<!tpu.dma_semaphore, #tpu.memory_space<semaphore_mem>>) src(%dma_wait3A_45 : memref<128x128xf32, #tpu.memory_space<vmem_shared>>) dst(%arg5 : memref<128x128xf32, #tpu.memory_space<vmem>>)
        tpu.yield
      }) : () -> ()
      %mul3A_37 = arith.constant 128 : i32
      %mul3A_38 = arith.muli %scan3A_33, %mul3A_37 : i32
      %add3A_39 = arith.addi %add3A_27, %mul3A_38 : i32
      "tpu.region"() ({
        %run_scoped3A = tpu.sem_alloc : memref<!tpu.dma_semaphore, #tpu.memory_space<semaphore_mem>>
        %dma_start3A = arith.constant 0 : i32
        %dma_start3A_40 = tpu.memref_slice %arg3[%add3A_39, %dma_start3A] : memref<20480x128xf32, #tpu.memory_space<hbm>> -> memref<128x128xf32, #tpu.memory_space<hbm>>
        %dma_start3A_41 = arith.constant 0 : i32
        %dma_start3A_42 = tpu.memref_slice %arg3[%add3A_39, %dma_start3A_41] : memref<20480x128xf32, #tpu.memory_space<hbm>> -> memref<128x128xf32, #tpu.memory_space<hbm>>
        tpu.enqueue_dma source(%arg5 : memref<128x128xf32, #tpu.memory_space<vmem>>) target(%dma_start3A_42 : memref<128x128xf32, #tpu.memory_space<hbm>>) target_semaphore(%run_scoped3A : memref<!tpu.dma_semaphore, #tpu.memory_space<semaphore_mem>>)
        %dma_wait3A = arith.constant 0 : i32
        %dma_wait3A_43 = tpu.memref_slice %arg3[%add3A_39, %dma_wait3A] : memref<20480x128xf32, #tpu.memory_space<hbm>> -> memref<128x128xf32, #tpu.memory_space<hbm>>
        %dma_wait3A_44 = arith.constant 0 : i32
        %dma_wait3A_45 = tpu.memref_slice %arg3[%add3A_39, %dma_wait3A_44] : memref<20480x128xf32, #tpu.memory_space<hbm>> -> memref<128x128xf32, #tpu.memory_space<hbm>>
        tpu.wait_dma2 semaphore(%run_scoped3A : memref<!tpu.dma_semaphore, #tpu.memory_space<semaphore_mem>>) src(%arg5 : memref<128x128xf32, #tpu.memory_space<vmem>>) dst(%dma_wait3A_45 : memref<128x128xf32, #tpu.memory_space<hbm>>)
        tpu.yield
      }) : () -> ()
    }
    %scan3A_32 = arith.constant 5 : i32
    return
  }
}

#map = affine_map<(d0, d1) -> (0, 0)>
#map1 = affine_map<(d0, d1) -> (0, 0, 0)>
module attributes {stable_mosaic.version = 14 : i64} {
  func.func @body(%arg0: i32, %arg1: i32, %arg2: memref<10240x128xf32, #tpu.memory_space<hbm>>, %arg3: memref<32x40x128xi32, #tpu.memory_space<hbm>>, %arg4: memref<32x40x128xi32, #tpu.memory_space<hbm>>, %arg5: memref<20480x128xf32, #tpu.memory_space<hbm>>, %arg6: memref<128xi32, #tpu.memory_space<vmem>>, %arg7: memref<128xi32, #tpu.memory_space<vmem>>, %arg8: memref<128x128xf32, #tpu.memory_space<vmem>>, %arg9: memref<10240x128xf32, #tpu.memory_space<vmem_shared>>, %arg10: memref<!tpu.dma_semaphore, #tpu.memory_space<semaphore_mem>>) attributes {dimension_semantics = [#tpu.dimension_semantics<core_parallel>, #tpu.dimension_semantics<subcore_parallel>], iteration_bounds = array<i64: 2, 16>, scalar_prefetch = 0 : i64, scratch_operands = 5 : i64, tpu.core_type = #tpu.core_type<sc_vector_subcore>, window_params = [{transform_indices = #map}, {transform_indices = #map1}, {transform_indices = #map1}, {transform_indices = #map}]} {
    %mul3A = arith.constant 2 : i32
    %mul3A_0 = arith.muli %arg1, %mul3A : i32
    %add3A = arith.addi %mul3A_0, %arg0 : i32
    %scan3A = arith.constant 0 : i32
    %scan3A_1 = arith.constant 1024 : i32
    %scan3A_2 = arith.addi %scan3A, %scan3A_1 : i32
    %scan3A_3 = arith.constant 1 : i32
    scf.for %scan3A_28 = %scan3A to %scan3A_2 step %scan3A_3  : i32 {
      %broadcast_in_dim3A = arith.constant 0.000000e+00 : f32
      %broadcast_in_dim3A_29 = vector.broadcast %broadcast_in_dim3A : f32 to vector<16xf32>
      %jit3A = arith.constant 8 : i32
      %div3A = arith.divsi %scan3A_28, %jit3A : i32
      %sign3A = arith.constant 0 : i32
      %sign3A_30 = arith.cmpi sgt, %scan3A_28, %sign3A : i32
      %sign3A_31 = arith.extui %sign3A_30 : i1 to i32
      %sign3A_32 = arith.constant 0 : i32
      %sign3A_33 = arith.cmpi slt, %scan3A_28, %sign3A_32 : i32
      %sign3A_34 = arith.extui %sign3A_33 : i1 to i32
      %sign3A_35 = arith.subi %sign3A_31, %sign3A_34 : i32
      %sign3A_36 = arith.constant 0 : i32
      %sign3A_37 = arith.cmpi sgt, %jit3A, %sign3A_36 : i32
      %sign3A_38 = arith.extui %sign3A_37 : i1 to i32
      %sign3A_39 = arith.constant 0 : i32
      %sign3A_40 = arith.cmpi slt, %jit3A, %sign3A_39 : i32
      %sign3A_41 = arith.extui %sign3A_40 : i1 to i32
      %sign3A_42 = arith.subi %sign3A_38, %sign3A_41 : i32
      %ne3A = arith.cmpi ne, %sign3A_35, %sign3A_42 : i32
      %rem3A = arith.remsi %scan3A_28, %jit3A : i32
      %ne3A_43 = arith.constant 0 : i32
      %ne3A_44 = arith.cmpi ne, %rem3A, %ne3A_43 : i32
      %and3A = arith.andi %ne3A, %ne3A_44 : i1
      %sub3A = arith.constant 1 : i32
      %sub3A_45 = arith.subi %div3A, %sub3A : i32
      %select_n3A = arith.select %and3A, %sub3A_45, %div3A : i32
      %jit3A_46 = arith.constant 8 : i32
      %eq3A = arith.constant 0 : i32
      %eq3A_47 = arith.cmpi eq, %jit3A_46, %eq3A : i32
      %jit3A_48 = arith.constant 1 : i32
      %select_n3A_49 = arith.select %eq3A_47, %jit3A_48, %jit3A_46 : i32
      %rem3A_50 = arith.remsi %scan3A_28, %select_n3A_49 : i32
      %ne3A_51 = arith.constant 0 : i32
      %ne3A_52 = arith.cmpi ne, %rem3A_50, %ne3A_51 : i32
      %lt3A = arith.constant 0 : i32
      %lt3A_53 = arith.cmpi slt, %rem3A_50, %lt3A : i32
      %lt3A_54 = arith.constant 0 : i32
      %lt3A_55 = arith.cmpi slt, %select_n3A_49, %lt3A_54 : i32
      %ne3A_56 = arith.xori %lt3A_53, %lt3A_55 : i1
      %and3A_57 = arith.andi %ne3A_56, %ne3A_52 : i1
      %add3A_58 = arith.addi %rem3A_50, %select_n3A_49 : i32
      %select_n3A_59 = arith.select %and3A_57, %add3A_58, %rem3A_50 : i32
      %mul3A_60 = arith.constant 16 : i32
      %mul3A_61 = arith.muli %select_n3A_59, %mul3A_60 : i32
      %swap3A = arith.index_cast %select_n3A : i32 to index
      %swap3A_62 = arith.index_cast %mul3A_61 : i32 to index
      %swap3A_63 = tpu.vector_load %arg8[%swap3A, %swap3A_62] {strides = array<i32>} : memref<128x128xf32, #tpu.memory_space<vmem>>, vector<1x16xf32>,
      %swap3A_64 = vector.shape_cast %swap3A_63 : vector<1x16xf32> to vector<16xf32>
      %swap3A_65 = vector.shape_cast %broadcast_in_dim3A_29 : vector<16xf32> to vector<1x16xf32>
      tpu.vector_store %arg8[%swap3A, %swap3A_62], %swap3A_65 {strides = array<i32>} : memref<128x128xf32, #tpu.memory_space<vmem>>, vector<1x16xf32>,
    }
    %scan3A_4 = arith.constant 1024 : i32
    %mul3A_5 = arith.constant 640 : i32
    %mul3A_6 = arith.muli %arg1, %mul3A_5 : i32
    %scan3A_7 = arith.constant 0 : i32
    %scan3A_8 = arith.constant 5 : i32
    %scan3A_9 = arith.addi %scan3A_7, %scan3A_8 : i32
    %scan3A_10 = arith.constant 1 : i32
    scf.for %scan3A_28 = %scan3A_7 to %scan3A_9 step %scan3A_10  : i32 {
      %mul3A_29 = arith.constant 128 : i32
      %mul3A_30 = arith.muli %scan3A_28, %mul3A_29 : i32
      %add3A_31 = arith.addi %mul3A_6, %mul3A_30 : i32
      "tpu.region"() ({
        %run_scoped3A = tpu.sem_alloc : memref<!tpu.dma_semaphore, #tpu.memory_space<semaphore_mem>>
        %dma_start3A = arith.constant 0 : i32
        %dma_start3A_32 = tpu.memref_slice %arg9[%add3A_31, %dma_start3A] : memref<10240x128xf32, #tpu.memory_space<vmem_shared>> -> memref<128x128xf32, #tpu.memory_space<vmem_shared>>
        %dma_start3A_33 = arith.constant 0 : i32
        %dma_start3A_34 = tpu.memref_slice %arg9[%add3A_31, %dma_start3A_33] : memref<10240x128xf32, #tpu.memory_space<vmem_shared>> -> memref<128x128xf32, #tpu.memory_space<vmem_shared>>
        tpu.enqueue_dma source(%arg8 : memref<128x128xf32, #tpu.memory_space<vmem>>) target(%dma_start3A_34 : memref<128x128xf32, #tpu.memory_space<vmem_shared>>) target_semaphore(%run_scoped3A : memref<!tpu.dma_semaphore, #tpu.memory_space<semaphore_mem>>)
        %dma_wait3A = arith.constant 0 : i32
        %dma_wait3A_35 = tpu.memref_slice %arg9[%add3A_31, %dma_wait3A] : memref<10240x128xf32, #tpu.memory_space<vmem_shared>> -> memref<128x128xf32, #tpu.memory_space<vmem_shared>>
        %dma_wait3A_36 = arith.constant 0 : i32
        %dma_wait3A_37 = tpu.memref_slice %arg9[%add3A_31, %dma_wait3A_36] : memref<10240x128xf32, #tpu.memory_space<vmem_shared>> -> memref<128x128xf32, #tpu.memory_space<vmem_shared>>
        tpu.wait_dma2 semaphore(%run_scoped3A : memref<!tpu.dma_semaphore, #tpu.memory_space<semaphore_mem>>) src(%arg8 : memref<128x128xf32, #tpu.memory_space<vmem>>) dst(%dma_wait3A_37 : memref<128x128xf32, #tpu.memory_space<vmem_shared>>)
        tpu.yield
      }) : () -> ()
    }
    %scan3A_11 = arith.constant 5 : i32
    %barrier3A = arith.constant 0 : index
    tpu.barrier barrier_id(%barrier3A)
    %scan3A_12 = arith.constant 0 : i32
    %scan3A_13 = arith.constant 40 : i32
    %scan3A_14 = arith.addi %scan3A_12, %scan3A_13 : i32
    %scan3A_15 = arith.constant 1 : i32
    scf.for %scan3A_28 = %scan3A_12 to %scan3A_14 step %scan3A_15  : i32 {
      "tpu.region"() ({
        %run_scoped3A = tpu.sem_alloc : memref<!tpu.dma_semaphore, #tpu.memory_space<semaphore_mem>>
        %dma_start3A_33 = arith.constant 0 : i32
        %dma_start3A_34 = tpu.memref_slice %arg3[%add3A, %scan3A_28, %dma_start3A_33] : memref<32x40x128xi32, #tpu.memory_space<hbm>> -> memref<1x1x128xi32, #tpu.memory_space<hbm>>
        %dma_start3A_35 = tpu.memref_squeeze %dma_start3A_34 : memref<1x1x128xi32, #tpu.memory_space<hbm>> -> memref<128xi32, #tpu.memory_space<hbm>>
        %dma_start3A_36 = arith.constant 0 : i32
        %dma_start3A_37 = tpu.memref_slice %arg3[%add3A, %scan3A_28, %dma_start3A_36] : memref<32x40x128xi32, #tpu.memory_space<hbm>> -> memref<1x1x128xi32, #tpu.memory_space<hbm>>
        %dma_start3A_38 = tpu.memref_squeeze %dma_start3A_37 : memref<1x1x128xi32, #tpu.memory_space<hbm>> -> memref<128xi32, #tpu.memory_space<hbm>>
        tpu.enqueue_dma source(%dma_start3A_38 : memref<128xi32, #tpu.memory_space<hbm>>) target(%arg6 : memref<128xi32, #tpu.memory_space<vmem>>) target_semaphore(%run_scoped3A : memref<!tpu.dma_semaphore, #tpu.memory_space<semaphore_mem>>)
        %dma_wait3A_39 = arith.constant 0 : i32
        %dma_wait3A_40 = tpu.memref_slice %arg3[%add3A, %scan3A_28, %dma_wait3A_39] : memref<32x40x128xi32, #tpu.memory_space<hbm>> -> memref<1x1x128xi32, #tpu.memory_space<hbm>>
        %dma_wait3A_41 = tpu.memref_squeeze %dma_wait3A_40 : memref<1x1x128xi32, #tpu.memory_space<hbm>> -> memref<128xi32, #tpu.memory_space<hbm>>
        %dma_wait3A_42 = arith.constant 0 : i32
        %dma_wait3A_43 = tpu.memref_slice %arg3[%add3A, %scan3A_28, %dma_wait3A_42] : memref<32x40x128xi32, #tpu.memory_space<hbm>> -> memref<1x1x128xi32, #tpu.memory_space<hbm>>
        %dma_wait3A_44 = tpu.memref_squeeze %dma_wait3A_43 : memref<1x1x128xi32, #tpu.memory_space<hbm>> -> memref<128xi32, #tpu.memory_space<hbm>>
        tpu.wait_dma2 semaphore(%run_scoped3A : memref<!tpu.dma_semaphore, #tpu.memory_space<semaphore_mem>>) src(%dma_wait3A_44 : memref<128xi32, #tpu.memory_space<hbm>>) dst(%arg6 : memref<128xi32, #tpu.memory_space<vmem>>)
        tpu.yield
      }) : () -> ()
      "tpu.region"() ({
        %run_scoped3A = tpu.sem_alloc : memref<!tpu.dma_semaphore, #tpu.memory_space<semaphore_mem>>
        %dma_start3A_33 = arith.constant 0 : i32
        %dma_start3A_34 = tpu.memref_slice %arg4[%add3A, %scan3A_28, %dma_start3A_33] : memref<32x40x128xi32, #tpu.memory_space<hbm>> -> memref<1x1x128xi32, #tpu.memory_space<hbm>>
        %dma_start3A_35 = tpu.memref_squeeze %dma_start3A_34 : memref<1x1x128xi32, #tpu.memory_space<hbm>> -> memref<128xi32, #tpu.memory_space<hbm>>
        %dma_start3A_36 = arith.constant 0 : i32
        %dma_start3A_37 = tpu.memref_slice %arg4[%add3A, %scan3A_28, %dma_start3A_36] : memref<32x40x128xi32, #tpu.memory_space<hbm>> -> memref<1x1x128xi32, #tpu.memory_space<hbm>>
        %dma_start3A_38 = tpu.memref_squeeze %dma_start3A_37 : memref<1x1x128xi32, #tpu.memory_space<hbm>> -> memref<128xi32, #tpu.memory_space<hbm>>
        tpu.enqueue_dma source(%dma_start3A_38 : memref<128xi32, #tpu.memory_space<hbm>>) target(%arg7 : memref<128xi32, #tpu.memory_space<vmem>>) target_semaphore(%run_scoped3A : memref<!tpu.dma_semaphore, #tpu.memory_space<semaphore_mem>>)
        %dma_wait3A_39 = arith.constant 0 : i32
        %dma_wait3A_40 = tpu.memref_slice %arg4[%add3A, %scan3A_28, %dma_wait3A_39] : memref<32x40x128xi32, #tpu.memory_space<hbm>> -> memref<1x1x128xi32, #tpu.memory_space<hbm>>
        %dma_wait3A_41 = tpu.memref_squeeze %dma_wait3A_40 : memref<1x1x128xi32, #tpu.memory_space<hbm>> -> memref<128xi32, #tpu.memory_space<hbm>>
        %dma_wait3A_42 = arith.constant 0 : i32
        %dma_wait3A_43 = tpu.memref_slice %arg4[%add3A, %scan3A_28, %dma_wait3A_42] : memref<32x40x128xi32, #tpu.memory_space<hbm>> -> memref<1x1x128xi32, #tpu.memory_space<hbm>>
        %dma_wait3A_44 = tpu.memref_squeeze %dma_wait3A_43 : memref<1x1x128xi32, #tpu.memory_space<hbm>> -> memref<128xi32, #tpu.memory_space<hbm>>
        tpu.wait_dma2 semaphore(%run_scoped3A : memref<!tpu.dma_semaphore, #tpu.memory_space<semaphore_mem>>) src(%dma_wait3A_44 : memref<128xi32, #tpu.memory_space<hbm>>) dst(%arg7 : memref<128xi32, #tpu.memory_space<vmem>>)
        tpu.yield
      }) : () -> ()
      %dma_start3A = arith.constant 0 : i32
      %dma_start3A_29 = arith.constant 0 : i32
      %dma_start3A_30 = tpu.memref_slice %arg2[%dma_start3A, %dma_start3A_29] : memref<10240x128xf32, #tpu.memory_space<hbm>> -> memref<10240x128xf32, #tpu.memory_space<hbm>>
      tpu.enqueue_indirect_dma source(%dma_start3A_30 : memref<10240x128xf32, #tpu.memory_space<hbm>>) target(%arg8 : memref<128x128xf32, #tpu.memory_space<vmem>>) offsets(%arg6 : memref<128xi32, #tpu.memory_space<vmem>>) semaphore(%arg10 : memref<!tpu.dma_semaphore, #tpu.memory_space<semaphore_mem>>)
      %dma_wait3A = arith.constant 0 : i32
      %dma_wait3A_31 = arith.constant 0 : i32
      %dma_wait3A_32 = tpu.memref_slice %arg2[%dma_wait3A, %dma_wait3A_31] : memref<10240x128xf32, #tpu.memory_space<hbm>> -> memref<10240x128xf32, #tpu.memory_space<hbm>>
      tpu.wait_indirect_dma semaphore(%arg10 : memref<!tpu.dma_semaphore, #tpu.memory_space<semaphore_mem>>) src(%dma_wait3A_32 : memref<10240x128xf32, #tpu.memory_space<hbm>>) dst(%arg8 : memref<128x128xf32, #tpu.memory_space<vmem>>)
      "tpu.region"() ({
        %run_scoped3A = tpu.sem_alloc : memref<!tpu.dma_semaphore, #tpu.memory_space<semaphore_mem>>
        %dma_start3A_33 = arith.constant 0 : i32
        %dma_start3A_34 = arith.constant 0 : i32
        %dma_start3A_35 = tpu.memref_slice %arg9[%dma_start3A_33, %dma_start3A_34] : memref<10240x128xf32, #tpu.memory_space<vmem_shared>> -> memref<10240x128xf32, #tpu.memory_space<vmem_shared>>
        tpu.enqueue_indirect_dma source(%arg8 : memref<128x128xf32, #tpu.memory_space<vmem>>) target(%dma_start3A_35 : memref<10240x128xf32, #tpu.memory_space<vmem_shared>>) offsets(%arg7 : memref<128xi32, #tpu.memory_space<vmem>>) semaphore(%run_scoped3A : memref<!tpu.dma_semaphore, #tpu.memory_space<semaphore_mem>>) {add = true}
        %dma_wait3A_36 = arith.constant 0 : i32
        %dma_wait3A_37 = arith.constant 0 : i32
        %dma_wait3A_38 = tpu.memref_slice %arg9[%dma_wait3A_36, %dma_wait3A_37] : memref<10240x128xf32, #tpu.memory_space<vmem_shared>> -> memref<10240x128xf32, #tpu.memory_space<vmem_shared>>
        tpu.wait_indirect_dma semaphore(%run_scoped3A : memref<!tpu.dma_semaphore, #tpu.memory_space<semaphore_mem>>) src(%arg8 : memref<128x128xf32, #tpu.memory_space<vmem>>) dst(%dma_wait3A_38 : memref<10240x128xf32, #tpu.memory_space<vmem_shared>>)
        tpu.yield
      }) : () -> ()
    }
    %scan3A_16 = arith.constant 40 : i32
    %barrier3A_17 = arith.constant 0 : index
    tpu.barrier barrier_id(%barrier3A_17)
    %mul3A_18 = arith.constant 10240 : i32
    %mul3A_19 = arith.muli %arg0, %mul3A_18 : i32
    %mul3A_20 = arith.constant 640 : i32
    %mul3A_21 = arith.muli %arg1, %mul3A_20 : i32
    %add3A_22 = arith.addi %mul3A_19, %mul3A_21 : i32
    %scan3A_23 = arith.constant 0 : i32
    %scan3A_24 = arith.constant 5 : i32
    %scan3A_25 = arith.addi %scan3A_23, %scan3A_24 : i32
    %scan3A_26 = arith.constant 1 : i32
    scf.for %scan3A_28 = %scan3A_23 to %scan3A_25 step %scan3A_26  : i32 {
      %mul3A_29 = arith.constant 128 : i32
      %mul3A_30 = arith.muli %scan3A_28, %mul3A_29 : i32
      %add3A_31 = arith.addi %mul3A_6, %mul3A_30 : i32
      "tpu.region"() ({
        %run_scoped3A = tpu.sem_alloc : memref<!tpu.dma_semaphore, #tpu.memory_space<semaphore_mem>>
        %dma_start3A = arith.constant 0 : i32
        %dma_start3A_35 = tpu.memref_slice %arg9[%add3A_31, %dma_start3A] : memref<10240x128xf32, #tpu.memory_space<vmem_shared>> -> memref<128x128xf32, #tpu.memory_space<vmem_shared>>
        %dma_start3A_36 = arith.constant 0 : i32
        %dma_start3A_37 = tpu.memref_slice %arg9[%add3A_31, %dma_start3A_36] : memref<10240x128xf32, #tpu.memory_space<vmem_shared>> -> memref<128x128xf32, #tpu.memory_space<vmem_shared>>
        tpu.enqueue_dma source(%dma_start3A_37 : memref<128x128xf32, #tpu.memory_space<vmem_shared>>) target(%arg8 : memref<128x128xf32, #tpu.memory_space<vmem>>) target_semaphore(%run_scoped3A : memref<!tpu.dma_semaphore, #tpu.memory_space<semaphore_mem>>)
        %dma_wait3A = arith.constant 0 : i32
        %dma_wait3A_38 = tpu.memref_slice %arg9[%add3A_31, %dma_wait3A] : memref<10240x128xf32, #tpu.memory_space<vmem_shared>> -> memref<128x128xf32, #tpu.memory_space<vmem_shared>>
        %dma_wait3A_39 = arith.constant 0 : i32
        %dma_wait3A_40 = tpu.memref_slice %arg9[%add3A_31, %dma_wait3A_39] : memref<10240x128xf32, #tpu.memory_space<vmem_shared>> -> memref<128x128xf32, #tpu.memory_space<vmem_shared>>
        tpu.wait_dma2 semaphore(%run_scoped3A : memref<!tpu.dma_semaphore, #tpu.memory_space<semaphore_mem>>) src(%dma_wait3A_40 : memref<128x128xf32, #tpu.memory_space<vmem_shared>>) dst(%arg8 : memref<128x128xf32, #tpu.memory_space<vmem>>)
        tpu.yield
      }) : () -> ()
      %mul3A_32 = arith.constant 128 : i32
      %mul3A_33 = arith.muli %scan3A_28, %mul3A_32 : i32
      %add3A_34 = arith.addi %add3A_22, %mul3A_33 : i32
      "tpu.region"() ({
        %run_scoped3A = tpu.sem_alloc : memref<!tpu.dma_semaphore, #tpu.memory_space<semaphore_mem>>
        %dma_start3A = arith.constant 0 : i32
        %dma_start3A_35 = tpu.memref_slice %arg5[%add3A_34, %dma_start3A] : memref<20480x128xf32, #tpu.memory_space<hbm>> -> memref<128x128xf32, #tpu.memory_space<hbm>>
        %dma_start3A_36 = arith.constant 0 : i32
        %dma_start3A_37 = tpu.memref_slice %arg5[%add3A_34, %dma_start3A_36] : memref<20480x128xf32, #tpu.memory_space<hbm>> -> memref<128x128xf32, #tpu.memory_space<hbm>>
        tpu.enqueue_dma source(%arg8 : memref<128x128xf32, #tpu.memory_space<vmem>>) target(%dma_start3A_37 : memref<128x128xf32, #tpu.memory_space<hbm>>) target_semaphore(%run_scoped3A : memref<!tpu.dma_semaphore, #tpu.memory_space<semaphore_mem>>)
        %dma_wait3A = arith.constant 0 : i32
        %dma_wait3A_38 = tpu.memref_slice %arg5[%add3A_34, %dma_wait3A] : memref<20480x128xf32, #tpu.memory_space<hbm>> -> memref<128x128xf32, #tpu.memory_space<hbm>>
        %dma_wait3A_39 = arith.constant 0 : i32
        %dma_wait3A_40 = tpu.memref_slice %arg5[%add3A_34, %dma_wait3A_39] : memref<20480x128xf32, #tpu.memory_space<hbm>> -> memref<128x128xf32, #tpu.memory_space<hbm>>
        tpu.wait_dma2 semaphore(%run_scoped3A : memref<!tpu.dma_semaphore, #tpu.memory_space<semaphore_mem>>) src(%arg8 : memref<128x128xf32, #tpu.memory_space<vmem>>) dst(%dma_wait3A_40 : memref<128x128xf32, #tpu.memory_space<hbm>>)
        tpu.yield
      }) : () -> ()
    }
    %scan3A_27 = arith.constant 5 : i32
    return
  }
}

#map = affine_map<(d0, d1) -> (0, 0, 0)>
#map1 = affine_map<(d0, d1) -> (0, 0)>
module attributes {stable_mosaic.version = 14 : i64} {
  func.func @body(%arg0: i32, %arg1: i32, %arg2: memref<32x40x128xi32, #tpu.memory_space<hbm>>, %arg3: memref<20480x128xf32, #tpu.memory_space<hbm>>, %arg4: memref<128xi32, #tpu.memory_space<vmem>>, %arg5: memref<128x128xf32, #tpu.memory_space<vmem>>, %arg6: memref<10240x128xf32, #tpu.memory_space<vmem_shared>>) attributes {dimension_semantics = [#tpu.dimension_semantics<core_parallel>, #tpu.dimension_semantics<subcore_parallel>], iteration_bounds = array<i64: 2, 16>, scalar_prefetch = 0 : i64, scratch_operands = 3 : i64, tpu.core_type = #tpu.core_type<sc_vector_subcore>, window_params = [{transform_indices = #map}, {transform_indices = #map1}]} {
    %mul3A = arith.constant 2 : i32
    %mul3A_0 = arith.muli %arg1, %mul3A : i32
    %add3A = arith.addi %mul3A_0, %arg0 : i32
    %scan3A = arith.constant 0 : i32
    %scan3A_1 = arith.constant 1024 : i32
    %scan3A_2 = arith.addi %scan3A, %scan3A_1 : i32
    %scan3A_3 = arith.constant 1 : i32
    scf.for %scan3A_33 = %scan3A to %scan3A_2 step %scan3A_3  : i32 {
      %broadcast_in_dim3A = arith.constant 0.000000e+00 : f32
      %broadcast_in_dim3A_34 = vector.broadcast %broadcast_in_dim3A : f32 to vector<16xf32>
      %jit3A = arith.constant 8 : i32
      %div3A = arith.divsi %scan3A_33, %jit3A : i32
      %sign3A = arith.constant 0 : i32
      %sign3A_35 = arith.cmpi sgt, %scan3A_33, %sign3A : i32
      %sign3A_36 = arith.extui %sign3A_35 : i1 to i32
      %sign3A_37 = arith.constant 0 : i32
      %sign3A_38 = arith.cmpi slt, %scan3A_33, %sign3A_37 : i32
      %sign3A_39 = arith.extui %sign3A_38 : i1 to i32
      %sign3A_40 = arith.subi %sign3A_36, %sign3A_39 : i32
      %sign3A_41 = arith.constant 0 : i32
      %sign3A_42 = arith.cmpi sgt, %jit3A, %sign3A_41 : i32
      %sign3A_43 = arith.extui %sign3A_42 : i1 to i32
      %sign3A_44 = arith.constant 0 : i32
      %sign3A_45 = arith.cmpi slt, %jit3A, %sign3A_44 : i32
      %sign3A_46 = arith.extui %sign3A_45 : i1 to i32
      %sign3A_47 = arith.subi %sign3A_43, %sign3A_46 : i32
      %ne3A = arith.cmpi ne, %sign3A_40, %sign3A_47 : i32
      %rem3A = arith.remsi %scan3A_33, %jit3A : i32
      %ne3A_48 = arith.constant 0 : i32
      %ne3A_49 = arith.cmpi ne, %rem3A, %ne3A_48 : i32
      %and3A = arith.andi %ne3A, %ne3A_49 : i1
      %sub3A = arith.constant 1 : i32
      %sub3A_50 = arith.subi %div3A, %sub3A : i32
      %select_n3A = arith.select %and3A, %sub3A_50, %div3A : i32
      %jit3A_51 = arith.constant 8 : i32
      %eq3A = arith.constant 0 : i32
      %eq3A_52 = arith.cmpi eq, %jit3A_51, %eq3A : i32
      %jit3A_53 = arith.constant 1 : i32
      %select_n3A_54 = arith.select %eq3A_52, %jit3A_53, %jit3A_51 : i32
      %rem3A_55 = arith.remsi %scan3A_33, %select_n3A_54 : i32
      %ne3A_56 = arith.constant 0 : i32
      %ne3A_57 = arith.cmpi ne, %rem3A_55, %ne3A_56 : i32
      %lt3A = arith.constant 0 : i32
      %lt3A_58 = arith.cmpi slt, %rem3A_55, %lt3A : i32
      %lt3A_59 = arith.constant 0 : i32
      %lt3A_60 = arith.cmpi slt, %select_n3A_54, %lt3A_59 : i32
      %ne3A_61 = arith.xori %lt3A_58, %lt3A_60 : i1
      %and3A_62 = arith.andi %ne3A_61, %ne3A_57 : i1
      %add3A_63 = arith.addi %rem3A_55, %select_n3A_54 : i32
      %select_n3A_64 = arith.select %and3A_62, %add3A_63, %rem3A_55 : i32
      %mul3A_65 = arith.constant 16 : i32
      %mul3A_66 = arith.muli %select_n3A_64, %mul3A_65 : i32
      %swap3A = arith.index_cast %select_n3A : i32 to index
      %swap3A_67 = arith.index_cast %mul3A_66 : i32 to index
      %swap3A_68 = tpu.vector_load %arg5[%swap3A, %swap3A_67] {strides = array<i32>} : memref<128x128xf32, #tpu.memory_space<vmem>>, vector<1x16xf32>,
      %swap3A_69 = vector.shape_cast %swap3A_68 : vector<1x16xf32> to vector<16xf32>
      %swap3A_70 = vector.shape_cast %broadcast_in_dim3A_34 : vector<16xf32> to vector<1x16xf32>
      tpu.vector_store %arg5[%swap3A, %swap3A_67], %swap3A_70 {strides = array<i32>} : memref<128x128xf32, #tpu.memory_space<vmem>>, vector<1x16xf32>,
    }
    %scan3A_4 = arith.constant 1024 : i32
    %mul3A_5 = arith.constant 640 : i32
    %mul3A_6 = arith.muli %arg1, %mul3A_5 : i32
    %scan3A_7 = arith.constant 0 : i32
    %scan3A_8 = arith.constant 5 : i32
    %scan3A_9 = arith.addi %scan3A_7, %scan3A_8 : i32
    %scan3A_10 = arith.constant 1 : i32
    scf.for %scan3A_33 = %scan3A_7 to %scan3A_9 step %scan3A_10  : i32 {
      %mul3A_34 = arith.constant 128 : i32
      %mul3A_35 = arith.muli %scan3A_33, %mul3A_34 : i32
      %add3A_36 = arith.addi %mul3A_6, %mul3A_35 : i32
      "tpu.region"() ({
        %run_scoped3A = tpu.sem_alloc : memref<!tpu.dma_semaphore, #tpu.memory_space<semaphore_mem>>
        %dma_start3A = arith.constant 0 : i32
        %dma_start3A_37 = tpu.memref_slice %arg6[%add3A_36, %dma_start3A] : memref<10240x128xf32, #tpu.memory_space<vmem_shared>> -> memref<128x128xf32, #tpu.memory_space<vmem_shared>>
        %dma_start3A_38 = arith.constant 0 : i32
        %dma_start3A_39 = tpu.memref_slice %arg6[%add3A_36, %dma_start3A_38] : memref<10240x128xf32, #tpu.memory_space<vmem_shared>> -> memref<128x128xf32, #tpu.memory_space<vmem_shared>>
        tpu.enqueue_dma source(%arg5 : memref<128x128xf32, #tpu.memory_space<vmem>>) target(%dma_start3A_39 : memref<128x128xf32, #tpu.memory_space<vmem_shared>>) target_semaphore(%run_scoped3A : memref<!tpu.dma_semaphore, #tpu.memory_space<semaphore_mem>>)
        %dma_wait3A = arith.constant 0 : i32
        %dma_wait3A_40 = tpu.memref_slice %arg6[%add3A_36, %dma_wait3A] : memref<10240x128xf32, #tpu.memory_space<vmem_shared>> -> memref<128x128xf32, #tpu.memory_space<vmem_shared>>
        %dma_wait3A_41 = arith.constant 0 : i32
        %dma_wait3A_42 = tpu.memref_slice %arg6[%add3A_36, %dma_wait3A_41] : memref<10240x128xf32, #tpu.memory_space<vmem_shared>> -> memref<128x128xf32, #tpu.memory_space<vmem_shared>>
        tpu.wait_dma2 semaphore(%run_scoped3A : memref<!tpu.dma_semaphore, #tpu.memory_space<semaphore_mem>>) src(%arg5 : memref<128x128xf32, #tpu.memory_space<vmem>>) dst(%dma_wait3A_42 : memref<128x128xf32, #tpu.memory_space<vmem_shared>>)
        tpu.yield
      }) : () -> ()
    }
    %scan3A_11 = arith.constant 5 : i32
    %scan3A_12 = arith.constant 0 : i32
    %scan3A_13 = arith.constant 1024 : i32
    %scan3A_14 = arith.addi %scan3A_12, %scan3A_13 : i32
    %scan3A_15 = arith.constant 1 : i32
    scf.for %scan3A_33 = %scan3A_12 to %scan3A_14 step %scan3A_15  : i32 {
      %broadcast_in_dim3A = arith.constant 1.000000e+00 : f32
      %broadcast_in_dim3A_34 = vector.broadcast %broadcast_in_dim3A : f32 to vector<16xf32>
      %jit3A = arith.constant 8 : i32
      %div3A = arith.divsi %scan3A_33, %jit3A : i32
      %sign3A = arith.constant 0 : i32
      %sign3A_35 = arith.cmpi sgt, %scan3A_33, %sign3A : i32
      %sign3A_36 = arith.extui %sign3A_35 : i1 to i32
      %sign3A_37 = arith.constant 0 : i32
      %sign3A_38 = arith.cmpi slt, %scan3A_33, %sign3A_37 : i32
      %sign3A_39 = arith.extui %sign3A_38 : i1 to i32
      %sign3A_40 = arith.subi %sign3A_36, %sign3A_39 : i32
      %sign3A_41 = arith.constant 0 : i32
      %sign3A_42 = arith.cmpi sgt, %jit3A, %sign3A_41 : i32
      %sign3A_43 = arith.extui %sign3A_42 : i1 to i32
      %sign3A_44 = arith.constant 0 : i32
      %sign3A_45 = arith.cmpi slt, %jit3A, %sign3A_44 : i32
      %sign3A_46 = arith.extui %sign3A_45 : i1 to i32
      %sign3A_47 = arith.subi %sign3A_43, %sign3A_46 : i32
      %ne3A = arith.cmpi ne, %sign3A_40, %sign3A_47 : i32
      %rem3A = arith.remsi %scan3A_33, %jit3A : i32
      %ne3A_48 = arith.constant 0 : i32
      %ne3A_49 = arith.cmpi ne, %rem3A, %ne3A_48 : i32
      %and3A = arith.andi %ne3A, %ne3A_49 : i1
      %sub3A = arith.constant 1 : i32
      %sub3A_50 = arith.subi %div3A, %sub3A : i32
      %select_n3A = arith.select %and3A, %sub3A_50, %div3A : i32
      %jit3A_51 = arith.constant 8 : i32
      %eq3A = arith.constant 0 : i32
      %eq3A_52 = arith.cmpi eq, %jit3A_51, %eq3A : i32
      %jit3A_53 = arith.constant 1 : i32
      %select_n3A_54 = arith.select %eq3A_52, %jit3A_53, %jit3A_51 : i32
      %rem3A_55 = arith.remsi %scan3A_33, %select_n3A_54 : i32
      %ne3A_56 = arith.constant 0 : i32
      %ne3A_57 = arith.cmpi ne, %rem3A_55, %ne3A_56 : i32
      %lt3A = arith.constant 0 : i32
      %lt3A_58 = arith.cmpi slt, %rem3A_55, %lt3A : i32
      %lt3A_59 = arith.constant 0 : i32
      %lt3A_60 = arith.cmpi slt, %select_n3A_54, %lt3A_59 : i32
      %ne3A_61 = arith.xori %lt3A_58, %lt3A_60 : i1
      %and3A_62 = arith.andi %ne3A_61, %ne3A_57 : i1
      %add3A_63 = arith.addi %rem3A_55, %select_n3A_54 : i32
      %select_n3A_64 = arith.select %and3A_62, %add3A_63, %rem3A_55 : i32
      %mul3A_65 = arith.constant 16 : i32
      %mul3A_66 = arith.muli %select_n3A_64, %mul3A_65 : i32
      %swap3A = arith.index_cast %select_n3A : i32 to index
      %swap3A_67 = arith.index_cast %mul3A_66 : i32 to index
      %swap3A_68 = tpu.vector_load %arg5[%swap3A, %swap3A_67] {strides = array<i32>} : memref<128x128xf32, #tpu.memory_space<vmem>>, vector<1x16xf32>,
      %swap3A_69 = vector.shape_cast %swap3A_68 : vector<1x16xf32> to vector<16xf32>
      %swap3A_70 = vector.shape_cast %broadcast_in_dim3A_34 : vector<16xf32> to vector<1x16xf32>
      tpu.vector_store %arg5[%swap3A, %swap3A_67], %swap3A_70 {strides = array<i32>} : memref<128x128xf32, #tpu.memory_space<vmem>>, vector<1x16xf32>,
    }
    %scan3A_16 = arith.constant 1024 : i32
    %barrier3A = arith.constant 0 : index
    tpu.barrier barrier_id(%barrier3A)
    %scan3A_17 = arith.constant 0 : i32
    %scan3A_18 = arith.constant 40 : i32
    %scan3A_19 = arith.addi %scan3A_17, %scan3A_18 : i32
    %scan3A_20 = arith.constant 1 : i32
    scf.for %scan3A_33 = %scan3A_17 to %scan3A_19 step %scan3A_20  : i32 {
      "tpu.region"() ({
        %run_scoped3A = tpu.sem_alloc : memref<!tpu.dma_semaphore, #tpu.memory_space<semaphore_mem>>
        %dma_start3A = arith.constant 0 : i32
        %dma_start3A_34 = tpu.memref_slice %arg2[%add3A, %scan3A_33, %dma_start3A] : memref<32x40x128xi32, #tpu.memory_space<hbm>> -> memref<1x1x128xi32, #tpu.memory_space<hbm>>
        %dma_start3A_35 = tpu.memref_squeeze %dma_start3A_34 : memref<1x1x128xi32, #tpu.memory_space<hbm>> -> memref<128xi32, #tpu.memory_space<hbm>>
        %dma_start3A_36 = arith.constant 0 : i32
        %dma_start3A_37 = tpu.memref_slice %arg2[%add3A, %scan3A_33, %dma_start3A_36] : memref<32x40x128xi32, #tpu.memory_space<hbm>> -> memref<1x1x128xi32, #tpu.memory_space<hbm>>
        %dma_start3A_38 = tpu.memref_squeeze %dma_start3A_37 : memref<1x1x128xi32, #tpu.memory_space<hbm>> -> memref<128xi32, #tpu.memory_space<hbm>>
        tpu.enqueue_dma source(%dma_start3A_38 : memref<128xi32, #tpu.memory_space<hbm>>) target(%arg4 : memref<128xi32, #tpu.memory_space<vmem>>) target_semaphore(%run_scoped3A : memref<!tpu.dma_semaphore, #tpu.memory_space<semaphore_mem>>)
        %dma_wait3A = arith.constant 0 : i32
        %dma_wait3A_39 = tpu.memref_slice %arg2[%add3A, %scan3A_33, %dma_wait3A] : memref<32x40x128xi32, #tpu.memory_space<hbm>> -> memref<1x1x128xi32, #tpu.memory_space<hbm>>
        %dma_wait3A_40 = tpu.memref_squeeze %dma_wait3A_39 : memref<1x1x128xi32, #tpu.memory_space<hbm>> -> memref<128xi32, #tpu.memory_space<hbm>>
        %dma_wait3A_41 = arith.constant 0 : i32
        %dma_wait3A_42 = tpu.memref_slice %arg2[%add3A, %scan3A_33, %dma_wait3A_41] : memref<32x40x128xi32, #tpu.memory_space<hbm>> -> memref<1x1x128xi32, #tpu.memory_space<hbm>>
        %dma_wait3A_43 = tpu.memref_squeeze %dma_wait3A_42 : memref<1x1x128xi32, #tpu.memory_space<hbm>> -> memref<128xi32, #tpu.memory_space<hbm>>
        tpu.wait_dma2 semaphore(%run_scoped3A : memref<!tpu.dma_semaphore, #tpu.memory_space<semaphore_mem>>) src(%dma_wait3A_43 : memref<128xi32, #tpu.memory_space<hbm>>) dst(%arg4 : memref<128xi32, #tpu.memory_space<vmem>>)
        tpu.yield
      }) : () -> ()
      "tpu.region"() ({
        %run_scoped3A = tpu.sem_alloc : memref<!tpu.dma_semaphore, #tpu.memory_space<semaphore_mem>>
        %dma_start3A = arith.constant 0 : i32
        %dma_start3A_34 = arith.constant 0 : i32
        %dma_start3A_35 = tpu.memref_slice %arg6[%dma_start3A, %dma_start3A_34] : memref<10240x128xf32, #tpu.memory_space<vmem_shared>> -> memref<10240x128xf32, #tpu.memory_space<vmem_shared>>
        tpu.enqueue_indirect_dma source(%arg5 : memref<128x128xf32, #tpu.memory_space<vmem>>) target(%dma_start3A_35 : memref<10240x128xf32, #tpu.memory_space<vmem_shared>>) offsets(%arg4 : memref<128xi32, #tpu.memory_space<vmem>>) semaphore(%run_scoped3A : memref<!tpu.dma_semaphore, #tpu.memory_space<semaphore_mem>>) {add = true}
        %dma_wait3A = arith.constant 0 : i32
        %dma_wait3A_36 = arith.constant 0 : i32
        %dma_wait3A_37 = tpu.memref_slice %arg6[%dma_wait3A, %dma_wait3A_36] : memref<10240x128xf32, #tpu.memory_space<vmem_shared>> -> memref<10240x128xf32, #tpu.memory_space<vmem_shared>>
        tpu.wait_indirect_dma semaphore(%run_scoped3A : memref<!tpu.dma_semaphore, #tpu.memory_space<semaphore_mem>>) src(%arg5 : memref<128x128xf32, #tpu.memory_space<vmem>>) dst(%dma_wait3A_37 : memref<10240x128xf32, #tpu.memory_space<vmem_shared>>)
        tpu.yield
      }) : () -> ()
    }
    %scan3A_21 = arith.constant 40 : i32
    %barrier3A_22 = arith.constant 0 : index
    tpu.barrier barrier_id(%barrier3A_22)
    %mul3A_23 = arith.constant 10240 : i32
    %mul3A_24 = arith.muli %arg0, %mul3A_23 : i32
    %mul3A_25 = arith.constant 640 : i32
    %mul3A_26 = arith.muli %arg1, %mul3A_25 : i32
    %add3A_27 = arith.addi %mul3A_24, %mul3A_26 : i32
    %scan3A_28 = arith.constant 0 : i32
    %scan3A_29 = arith.constant 5 : i32
    %scan3A_30 = arith.addi %scan3A_28, %scan3A_29 : i32
    %scan3A_31 = arith.constant 1 : i32
    scf.for %scan3A_33 = %scan3A_28 to %scan3A_30 step %scan3A_31  : i32 {
      %mul3A_34 = arith.constant 128 : i32
      %mul3A_35 = arith.muli %scan3A_33, %mul3A_34 : i32
      %add3A_36 = arith.addi %mul3A_6, %mul3A_35 : i32
      "tpu.region"() ({
        %run_scoped3A = tpu.sem_alloc : memref<!tpu.dma_semaphore, #tpu.memory_space<semaphore_mem>>
        %dma_start3A = arith.constant 0 : i32
        %dma_start3A_40 = tpu.memref_slice %arg6[%add3A_36, %dma_start3A] : memref<10240x128xf32, #tpu.memory_space<vmem_shared>> -> memref<128x128xf32, #tpu.memory_space<vmem_shared>>
        %dma_start3A_41 = arith.constant 0 : i32
        %dma_start3A_42 = tpu.memref_slice %arg6[%add3A_36, %dma_start3A_41] : memref<10240x128xf32, #tpu.memory_space<vmem_shared>> -> memref<128x128xf32, #tpu.memory_space<vmem_shared>>
        tpu.enqueue_dma source(%dma_start3A_42 : memref<128x128xf32, #tpu.memory_space<vmem_shared>>) target(%arg5 : memref<128x128xf32, #tpu.memory_space<vmem>>) target_semaphore(%run_scoped3A : memref<!tpu.dma_semaphore, #tpu.memory_space<semaphore_mem>>)
        %dma_wait3A = arith.constant 0 : i32
        %dma_wait3A_43 = tpu.memref_slice %arg6[%add3A_36, %dma_wait3A] : memref<10240x128xf32, #tpu.memory_space<vmem_shared>> -> memref<128x128xf32, #tpu.memory_space<vmem_shared>>
        %dma_wait3A_44 = arith.constant 0 : i32
        %dma_wait3A_45 = tpu.memref_slice %arg6[%add3A_36, %dma_wait3A_44] : memref<10240x128xf32, #tpu.memory_space<vmem_shared>> -> memref<128x128xf32, #tpu.memory_space<vmem_shared>>
        tpu.wait_dma2 semaphore(%run_scoped3A : memref<!tpu.dma_semaphore, #tpu.memory_space<semaphore_mem>>) src(%dma_wait3A_45 : memref<128x128xf32, #tpu.memory_space<vmem_shared>>) dst(%arg5 : memref<128x128xf32, #tpu.memory_space<vmem>>)
        tpu.yield
      }) : () -> ()
      %mul3A_37 = arith.constant 128 : i32
      %mul3A_38 = arith.muli %scan3A_33, %mul3A_37 : i32
      %add3A_39 = arith.addi %add3A_27, %mul3A_38 : i32
      "tpu.region"() ({
        %run_scoped3A = tpu.sem_alloc : memref<!tpu.dma_semaphore, #tpu.memory_space<semaphore_mem>>
        %dma_start3A = arith.constant 0 : i32
        %dma_start3A_40 = tpu.memref_slice %arg3[%add3A_39, %dma_start3A] : memref<20480x128xf32, #tpu.memory_space<hbm>> -> memref<128x128xf32, #tpu.memory_space<hbm>>
        %dma_start3A_41 = arith.constant 0 : i32
        %dma_start3A_42 = tpu.memref_slice %arg3[%add3A_39, %dma_start3A_41] : memref<20480x128xf32, #tpu.memory_space<hbm>> -> memref<128x128xf32, #tpu.memory_space<hbm>>
        tpu.enqueue_dma source(%arg5 : memref<128x128xf32, #tpu.memory_space<vmem>>) target(%dma_start3A_42 : memref<128x128xf32, #tpu.memory_space<hbm>>) target_semaphore(%run_scoped3A : memref<!tpu.dma_semaphore, #tpu.memory_space<semaphore_mem>>)
        %dma_wait3A = arith.constant 0 : i32
        %dma_wait3A_43 = tpu.memref_slice %arg3[%add3A_39, %dma_wait3A] : memref<20480x128xf32, #tpu.memory_space<hbm>> -> memref<128x128xf32, #tpu.memory_space<hbm>>
        %dma_wait3A_44 = arith.constant 0 : i32
        %dma_wait3A_45 = tpu.memref_slice %arg3[%add3A_39, %dma_wait3A_44] : memref<20480x128xf32, #tpu.memory_space<hbm>> -> memref<128x128xf32, #tpu.memory_space<hbm>>
        tpu.wait_dma2 semaphore(%run_scoped3A : memref<!tpu.dma_semaphore, #tpu.memory_space<semaphore_mem>>) src(%arg5 : memref<128x128xf32, #tpu.memory_space<vmem>>) dst(%dma_wait3A_45 : memref<128x128xf32, #tpu.memory_space<hbm>>)
        tpu.yield
      }) : () -> ()
    }
    %scan3A_32 = arith.constant 5 : i32
    return
  }
}

#map = affine_map<(d0, d1) -> (0, 0)>
#map1 = affine_map<(d0, d1) -> (0, 0, 0)>
module attributes {stable_mosaic.version = 14 : i64} {
  func.func @body(%arg0: i32, %arg1: i32, %arg2: memref<10240x128xf32, #tpu.memory_space<hbm>>, %arg3: memref<32x40x128xi32, #tpu.memory_space<hbm>>, %arg4: memref<32x40x128xi32, #tpu.memory_space<hbm>>, %arg5: memref<20480x128xf32, #tpu.memory_space<hbm>>, %arg6: memref<128xi32, #tpu.memory_space<vmem>>, %arg7: memref<128xi32, #tpu.memory_space<vmem>>, %arg8: memref<128x128xf32, #tpu.memory_space<vmem>>, %arg9: memref<10240x128xf32, #tpu.memory_space<vmem_shared>>, %arg10: memref<!tpu.dma_semaphore, #tpu.memory_space<semaphore_mem>>) attributes {dimension_semantics = [#tpu.dimension_semantics<core_parallel>, #tpu.dimension_semantics<subcore_parallel>], iteration_bounds = array<i64: 2, 16>, scalar_prefetch = 0 : i64, scratch_operands = 5 : i64, tpu.core_type = #tpu.core_type<sc_vector_subcore>, window_params = [{transform_indices = #map}, {transform_indices = #map1}, {transform_indices = #map1}, {transform_indices = #map}]} {
    %mul3A = arith.constant 2 : i32
    %mul3A_0 = arith.muli %arg1, %mul3A : i32
    %add3A = arith.addi %mul3A_0, %arg0 : i32
    %scan3A = arith.constant 0 : i32
    %scan3A_1 = arith.constant 1024 : i32
    %scan3A_2 = arith.addi %scan3A, %scan3A_1 : i32
    %scan3A_3 = arith.constant 1 : i32
    scf.for %scan3A_28 = %scan3A to %scan3A_2 step %scan3A_3  : i32 {
      %broadcast_in_dim3A = arith.constant 0.000000e+00 : f32
      %broadcast_in_dim3A_29 = vector.broadcast %broadcast_in_dim3A : f32 to vector<16xf32>
      %jit3A = arith.constant 8 : i32
      %div3A = arith.divsi %scan3A_28, %jit3A : i32
      %sign3A = arith.constant 0 : i32
      %sign3A_30 = arith.cmpi sgt, %scan3A_28, %sign3A : i32
      %sign3A_31 = arith.extui %sign3A_30 : i1 to i32
      %sign3A_32 = arith.constant 0 : i32
      %sign3A_33 = arith.cmpi slt, %scan3A_28, %sign3A_32 : i32
      %sign3A_34 = arith.extui %sign3A_33 : i1 to i32
      %sign3A_35 = arith.subi %sign3A_31, %sign3A_34 : i32
      %sign3A_36 = arith.constant 0 : i32
      %sign3A_37 = arith.cmpi sgt, %jit3A, %sign3A_36 : i32
      %sign3A_38 = arith.extui %sign3A_37 : i1 to i32
      %sign3A_39 = arith.constant 0 : i32
      %sign3A_40 = arith.cmpi slt, %jit3A, %sign3A_39 : i32
      %sign3A_41 = arith.extui %sign3A_40 : i1 to i32
      %sign3A_42 = arith.subi %sign3A_38, %sign3A_41 : i32
      %ne3A = arith.cmpi ne, %sign3A_35, %sign3A_42 : i32
      %rem3A = arith.remsi %scan3A_28, %jit3A : i32
      %ne3A_43 = arith.constant 0 : i32
      %ne3A_44 = arith.cmpi ne, %rem3A, %ne3A_43 : i32
      %and3A = arith.andi %ne3A, %ne3A_44 : i1
      %sub3A = arith.constant 1 : i32
      %sub3A_45 = arith.subi %div3A, %sub3A : i32
      %select_n3A = arith.select %and3A, %sub3A_45, %div3A : i32
      %jit3A_46 = arith.constant 8 : i32
      %eq3A = arith.constant 0 : i32
      %eq3A_47 = arith.cmpi eq, %jit3A_46, %eq3A : i32
      %jit3A_48 = arith.constant 1 : i32
      %select_n3A_49 = arith.select %eq3A_47, %jit3A_48, %jit3A_46 : i32
      %rem3A_50 = arith.remsi %scan3A_28, %select_n3A_49 : i32
      %ne3A_51 = arith.constant 0 : i32
      %ne3A_52 = arith.cmpi ne, %rem3A_50, %ne3A_51 : i32
      %lt3A = arith.constant 0 : i32
      %lt3A_53 = arith.cmpi slt, %rem3A_50, %lt3A : i32
      %lt3A_54 = arith.constant 0 : i32
      %lt3A_55 = arith.cmpi slt, %select_n3A_49, %lt3A_54 : i32
      %ne3A_56 = arith.xori %lt3A_53, %lt3A_55 : i1
      %and3A_57 = arith.andi %ne3A_56, %ne3A_52 : i1
      %add3A_58 = arith.addi %rem3A_50, %select_n3A_49 : i32
      %select_n3A_59 = arith.select %and3A_57, %add3A_58, %rem3A_50 : i32
      %mul3A_60 = arith.constant 16 : i32
      %mul3A_61 = arith.muli %select_n3A_59, %mul3A_60 : i32
      %swap3A = arith.index_cast %select_n3A : i32 to index
      %swap3A_62 = arith.index_cast %mul3A_61 : i32 to index
      %swap3A_63 = tpu.vector_load %arg8[%swap3A, %swap3A_62] {strides = array<i32>} : memref<128x128xf32, #tpu.memory_space<vmem>>, vector<1x16xf32>,
      %swap3A_64 = vector.shape_cast %swap3A_63 : vector<1x16xf32> to vector<16xf32>
      %swap3A_65 = vector.shape_cast %broadcast_in_dim3A_29 : vector<16xf32> to vector<1x16xf32>
      tpu.vector_store %arg8[%swap3A, %swap3A_62], %swap3A_65 {strides = array<i32>} : memref<128x128xf32, #tpu.memory_space<vmem>>, vector<1x16xf32>,
    }
    %scan3A_4 = arith.constant 1024 : i32
    %mul3A_5 = arith.constant 640 : i32
    %mul3A_6 = arith.muli %arg1, %mul3A_5 : i32
    %scan3A_7 = arith.constant 0 : i32
    %scan3A_8 = arith.constant 5 : i32
    %scan3A_9 = arith.addi %scan3A_7, %scan3A_8 : i32
    %scan3A_10 = arith.constant 1 : i32
    scf.for %scan3A_28 = %scan3A_7 to %scan3A_9 step %scan3A_10  : i32 {
      %mul3A_29 = arith.constant 128 : i32
      %mul3A_30 = arith.muli %scan3A_28, %mul3A_29 : i32
      %add3A_31 = arith.addi %mul3A_6, %mul3A_30 : i32
      "tpu.region"() ({
        %run_scoped3A = tpu.sem_alloc : memref<!tpu.dma_semaphore, #tpu.memory_space<semaphore_mem>>
        %dma_start3A = arith.constant 0 : i32
        %dma_start3A_32 = tpu.memref_slice %arg9[%add3A_31, %dma_start3A] : memref<10240x128xf32, #tpu.memory_space<vmem_shared>> -> memref<128x128xf32, #tpu.memory_space<vmem_shared>>
        %dma_start3A_33 = arith.constant 0 : i32
        %dma_start3A_34 = tpu.memref_slice %arg9[%add3A_31, %dma_start3A_33] : memref<10240x128xf32, #tpu.memory_space<vmem_shared>> -> memref<128x128xf32, #tpu.memory_space<vmem_shared>>
        tpu.enqueue_dma source(%arg8 : memref<128x128xf32, #tpu.memory_space<vmem>>) target(%dma_start3A_34 : memref<128x128xf32, #tpu.memory_space<vmem_shared>>) target_semaphore(%run_scoped3A : memref<!tpu.dma_semaphore, #tpu.memory_space<semaphore_mem>>)
        %dma_wait3A = arith.constant 0 : i32
        %dma_wait3A_35 = tpu.memref_slice %arg9[%add3A_31, %dma_wait3A] : memref<10240x128xf32, #tpu.memory_space<vmem_shared>> -> memref<128x128xf32, #tpu.memory_space<vmem_shared>>
        %dma_wait3A_36 = arith.constant 0 : i32
        %dma_wait3A_37 = tpu.memref_slice %arg9[%add3A_31, %dma_wait3A_36] : memref<10240x128xf32, #tpu.memory_space<vmem_shared>> -> memref<128x128xf32, #tpu.memory_space<vmem_shared>>
        tpu.wait_dma2 semaphore(%run_scoped3A : memref<!tpu.dma_semaphore, #tpu.memory_space<semaphore_mem>>) src(%arg8 : memref<128x128xf32, #tpu.memory_space<vmem>>) dst(%dma_wait3A_37 : memref<128x128xf32, #tpu.memory_space<vmem_shared>>)
        tpu.yield
      }) : () -> ()
    }
    %scan3A_11 = arith.constant 5 : i32
    %barrier3A = arith.constant 0 : index
    tpu.barrier barrier_id(%barrier3A)
    %scan3A_12 = arith.constant 0 : i32
    %scan3A_13 = arith.constant 40 : i32
    %scan3A_14 = arith.addi %scan3A_12, %scan3A_13 : i32
    %scan3A_15 = arith.constant 1 : i32
    scf.for %scan3A_28 = %scan3A_12 to %scan3A_14 step %scan3A_15  : i32 {
      "tpu.region"() ({
        %run_scoped3A = tpu.sem_alloc : memref<!tpu.dma_semaphore, #tpu.memory_space<semaphore_mem>>
        %dma_start3A_33 = arith.constant 0 : i32
        %dma_start3A_34 = tpu.memref_slice %arg3[%add3A, %scan3A_28, %dma_start3A_33] : memref<32x40x128xi32, #tpu.memory_space<hbm>> -> memref<1x1x128xi32, #tpu.memory_space<hbm>>
        %dma_start3A_35 = tpu.memref_squeeze %dma_start3A_34 : memref<1x1x128xi32, #tpu.memory_space<hbm>> -> memref<128xi32, #tpu.memory_space<hbm>>
        %dma_start3A_36 = arith.constant 0 : i32
        %dma_start3A_37 = tpu.memref_slice %arg3[%add3A, %scan3A_28, %dma_start3A_36] : memref<32x40x128xi32, #tpu.memory_space<hbm>> -> memref<1x1x128xi32, #tpu.memory_space<hbm>>
        %dma_start3A_38 = tpu.memref_squeeze %dma_start3A_37 : memref<1x1x128xi32, #tpu.memory_space<hbm>> -> memref<128xi32, #tpu.memory_space<hbm>>
        tpu.enqueue_dma source(%dma_start3A_38 : memref<128xi32, #tpu.memory_space<hbm>>) target(%arg6 : memref<128xi32, #tpu.memory_space<vmem>>) target_semaphore(%run_scoped3A : memref<!tpu.dma_semaphore, #tpu.memory_space<semaphore_mem>>)
        %dma_wait3A_39 = arith.constant 0 : i32
        %dma_wait3A_40 = tpu.memref_slice %arg3[%add3A, %scan3A_28, %dma_wait3A_39] : memref<32x40x128xi32, #tpu.memory_space<hbm>> -> memref<1x1x128xi32, #tpu.memory_space<hbm>>
        %dma_wait3A_41 = tpu.memref_squeeze %dma_wait3A_40 : memref<1x1x128xi32, #tpu.memory_space<hbm>> -> memref<128xi32, #tpu.memory_space<hbm>>
        %dma_wait3A_42 = arith.constant 0 : i32
        %dma_wait3A_43 = tpu.memref_slice %arg3[%add3A, %scan3A_28, %dma_wait3A_42] : memref<32x40x128xi32, #tpu.memory_space<hbm>> -> memref<1x1x128xi32, #tpu.memory_space<hbm>>
        %dma_wait3A_44 = tpu.memref_squeeze %dma_wait3A_43 : memref<1x1x128xi32, #tpu.memory_space<hbm>> -> memref<128xi32, #tpu.memory_space<hbm>>
        tpu.wait_dma2 semaphore(%run_scoped3A : memref<!tpu.dma_semaphore, #tpu.memory_space<semaphore_mem>>) src(%dma_wait3A_44 : memref<128xi32, #tpu.memory_space<hbm>>) dst(%arg6 : memref<128xi32, #tpu.memory_space<vmem>>)
        tpu.yield
      }) : () -> ()
      "tpu.region"() ({
        %run_scoped3A = tpu.sem_alloc : memref<!tpu.dma_semaphore, #tpu.memory_space<semaphore_mem>>
        %dma_start3A_33 = arith.constant 0 : i32
        %dma_start3A_34 = tpu.memref_slice %arg4[%add3A, %scan3A_28, %dma_start3A_33] : memref<32x40x128xi32, #tpu.memory_space<hbm>> -> memref<1x1x128xi32, #tpu.memory_space<hbm>>
        %dma_start3A_35 = tpu.memref_squeeze %dma_start3A_34 : memref<1x1x128xi32, #tpu.memory_space<hbm>> -> memref<128xi32, #tpu.memory_space<hbm>>
        %dma_start3A_36 = arith.constant 0 : i32
        %dma_start3A_37 = tpu.memref_slice %arg4[%add3A, %scan3A_28, %dma_start3A_36] : memref<32x40x128xi32, #tpu.memory_space<hbm>> -> memref<1x1x128xi32, #tpu.memory_space<hbm>>
        %dma_start3A_38 = tpu.memref_squeeze %dma_start3A_37 : memref<1x1x128xi32, #tpu.memory_space<hbm>> -> memref<128xi32, #tpu.memory_space<hbm>>
        tpu.enqueue_dma source(%dma_start3A_38 : memref<128xi32, #tpu.memory_space<hbm>>) target(%arg7 : memref<128xi32, #tpu.memory_space<vmem>>) target_semaphore(%run_scoped3A : memref<!tpu.dma_semaphore, #tpu.memory_space<semaphore_mem>>)
        %dma_wait3A_39 = arith.constant 0 : i32
        %dma_wait3A_40 = tpu.memref_slice %arg4[%add3A, %scan3A_28, %dma_wait3A_39] : memref<32x40x128xi32, #tpu.memory_space<hbm>> -> memref<1x1x128xi32, #tpu.memory_space<hbm>>
        %dma_wait3A_41 = tpu.memref_squeeze %dma_wait3A_40 : memref<1x1x128xi32, #tpu.memory_space<hbm>> -> memref<128xi32, #tpu.memory_space<hbm>>
        %dma_wait3A_42 = arith.constant 0 : i32
        %dma_wait3A_43 = tpu.memref_slice %arg4[%add3A, %scan3A_28, %dma_wait3A_42] : memref<32x40x128xi32, #tpu.memory_space<hbm>> -> memref<1x1x128xi32, #tpu.memory_space<hbm>>
        %dma_wait3A_44 = tpu.memref_squeeze %dma_wait3A_43 : memref<1x1x128xi32, #tpu.memory_space<hbm>> -> memref<128xi32, #tpu.memory_space<hbm>>
        tpu.wait_dma2 semaphore(%run_scoped3A : memref<!tpu.dma_semaphore, #tpu.memory_space<semaphore_mem>>) src(%dma_wait3A_44 : memref<128xi32, #tpu.memory_space<hbm>>) dst(%arg7 : memref<128xi32, #tpu.memory_space<vmem>>)
        tpu.yield
      }) : () -> ()
      %dma_start3A = arith.constant 0 : i32
      %dma_start3A_29 = arith.constant 0 : i32
      %dma_start3A_30 = tpu.memref_slice %arg2[%dma_start3A, %dma_start3A_29] : memref<10240x128xf32, #tpu.memory_space<hbm>> -> memref<10240x128xf32, #tpu.memory_space<hbm>>
      tpu.enqueue_indirect_dma source(%dma_start3A_30 : memref<10240x128xf32, #tpu.memory_space<hbm>>) target(%arg8 : memref<128x128xf32, #tpu.memory_space<vmem>>) offsets(%arg6 : memref<128xi32, #tpu.memory_space<vmem>>) semaphore(%arg10 : memref<!tpu.dma_semaphore, #tpu.memory_space<semaphore_mem>>)
      %dma_wait3A = arith.constant 0 : i32
      %dma_wait3A_31 = arith.constant 0 : i32
      %dma_wait3A_32 = tpu.memref_slice %arg2[%dma_wait3A, %dma_wait3A_31] : memref<10240x128xf32, #tpu.memory_space<hbm>> -> memref<10240x128xf32, #tpu.memory_space<hbm>>
      tpu.wait_indirect_dma semaphore(%arg10 : memref<!tpu.dma_semaphore, #tpu.memory_space<semaphore_mem>>) src(%dma_wait3A_32 : memref<10240x128xf32, #tpu.memory_space<hbm>>) dst(%arg8 : memref<128x128xf32, #tpu.memory_space<vmem>>)
      "tpu.region"() ({
        %run_scoped3A = tpu.sem_alloc : memref<!tpu.dma_semaphore, #tpu.memory_space<semaphore_mem>>
        %dma_start3A_33 = arith.constant 0 : i32
        %dma_start3A_34 = arith.constant 0 : i32
        %dma_start3A_35 = tpu.memref_slice %arg9[%dma_start3A_33, %dma_start3A_34] : memref<10240x128xf32, #tpu.memory_space<vmem_shared>> -> memref<10240x128xf32, #tpu.memory_space<vmem_shared>>
        tpu.enqueue_indirect_dma source(%arg8 : memref<128x128xf32, #tpu.memory_space<vmem>>) target(%dma_start3A_35 : memref<10240x128xf32, #tpu.memory_space<vmem_shared>>) offsets(%arg7 : memref<128xi32, #tpu.memory_space<vmem>>) semaphore(%run_scoped3A : memref<!tpu.dma_semaphore, #tpu.memory_space<semaphore_mem>>) {add = true}
        %dma_wait3A_36 = arith.constant 0 : i32
        %dma_wait3A_37 = arith.constant 0 : i32
        %dma_wait3A_38 = tpu.memref_slice %arg9[%dma_wait3A_36, %dma_wait3A_37] : memref<10240x128xf32, #tpu.memory_space<vmem_shared>> -> memref<10240x128xf32, #tpu.memory_space<vmem_shared>>
        tpu.wait_indirect_dma semaphore(%run_scoped3A : memref<!tpu.dma_semaphore, #tpu.memory_space<semaphore_mem>>) src(%arg8 : memref<128x128xf32, #tpu.memory_space<vmem>>) dst(%dma_wait3A_38 : memref<10240x128xf32, #tpu.memory_space<vmem_shared>>)
        tpu.yield
      }) : () -> ()
    }
    %scan3A_16 = arith.constant 40 : i32
    %barrier3A_17 = arith.constant 0 : index
    tpu.barrier barrier_id(%barrier3A_17)
    %mul3A_18 = arith.constant 10240 : i32
    %mul3A_19 = arith.muli %arg0, %mul3A_18 : i32
    %mul3A_20 = arith.constant 640 : i32
    %mul3A_21 = arith.muli %arg1, %mul3A_20 : i32
    %add3A_22 = arith.addi %mul3A_19, %mul3A_21 : i32
    %scan3A_23 = arith.constant 0 : i32
    %scan3A_24 = arith.constant 5 : i32
    %scan3A_25 = arith.addi %scan3A_23, %scan3A_24 : i32
    %scan3A_26 = arith.constant 1 : i32
    scf.for %scan3A_28 = %scan3A_23 to %scan3A_25 step %scan3A_26  : i32 {
      %mul3A_29 = arith.constant 128 : i32
      %mul3A_30 = arith.muli %scan3A_28, %mul3A_29 : i32
      %add3A_31 = arith.addi %mul3A_6, %mul3A_30 : i32
      "tpu.region"() ({
        %run_scoped3A = tpu.sem_alloc : memref<!tpu.dma_semaphore, #tpu.memory_space<semaphore_mem>>
        %dma_start3A = arith.constant 0 : i32
        %dma_start3A_35 = tpu.memref_slice %arg9[%add3A_31, %dma_start3A] : memref<10240x128xf32, #tpu.memory_space<vmem_shared>> -> memref<128x128xf32, #tpu.memory_space<vmem_shared>>
        %dma_start3A_36 = arith.constant 0 : i32
        %dma_start3A_37 = tpu.memref_slice %arg9[%add3A_31, %dma_start3A_36] : memref<10240x128xf32, #tpu.memory_space<vmem_shared>> -> memref<128x128xf32, #tpu.memory_space<vmem_shared>>
        tpu.enqueue_dma source(%dma_start3A_37 : memref<128x128xf32, #tpu.memory_space<vmem_shared>>) target(%arg8 : memref<128x128xf32, #tpu.memory_space<vmem>>) target_semaphore(%run_scoped3A : memref<!tpu.dma_semaphore, #tpu.memory_space<semaphore_mem>>)
        %dma_wait3A = arith.constant 0 : i32
        %dma_wait3A_38 = tpu.memref_slice %arg9[%add3A_31, %dma_wait3A] : memref<10240x128xf32, #tpu.memory_space<vmem_shared>> -> memref<128x128xf32, #tpu.memory_space<vmem_shared>>
        %dma_wait3A_39 = arith.constant 0 : i32
        %dma_wait3A_40 = tpu.memref_slice %arg9[%add3A_31, %dma_wait3A_39] : memref<10240x128xf32, #tpu.memory_space<vmem_shared>> -> memref<128x128xf32, #tpu.memory_space<vmem_shared>>
        tpu.wait_dma2 semaphore(%run_scoped3A : memref<!tpu.dma_semaphore, #tpu.memory_space<semaphore_mem>>) src(%dma_wait3A_40 : memref<128x128xf32, #tpu.memory_space<vmem_shared>>) dst(%arg8 : memref<128x128xf32, #tpu.memory_space<vmem>>)
        tpu.yield
      }) : () -> ()
      %mul3A_32 = arith.constant 128 : i32
      %mul3A_33 = arith.muli %scan3A_28, %mul3A_32 : i32
      %add3A_34 = arith.addi %add3A_22, %mul3A_33 : i32
      "tpu.region"() ({
        %run_scoped3A = tpu.sem_alloc : memref<!tpu.dma_semaphore, #tpu.memory_space<semaphore_mem>>
        %dma_start3A = arith.constant 0 : i32
        %dma_start3A_35 = tpu.memref_slice %arg5[%add3A_34, %dma_start3A] : memref<20480x128xf32, #tpu.memory_space<hbm>> -> memref<128x128xf32, #tpu.memory_space<hbm>>
        %dma_start3A_36 = arith.constant 0 : i32
        %dma_start3A_37 = tpu.memref_slice %arg5[%add3A_34, %dma_start3A_36] : memref<20480x128xf32, #tpu.memory_space<hbm>> -> memref<128x128xf32, #tpu.memory_space<hbm>>
        tpu.enqueue_dma source(%arg8 : memref<128x128xf32, #tpu.memory_space<vmem>>) target(%dma_start3A_37 : memref<128x128xf32, #tpu.memory_space<hbm>>) target_semaphore(%run_scoped3A : memref<!tpu.dma_semaphore, #tpu.memory_space<semaphore_mem>>)
        %dma_wait3A = arith.constant 0 : i32
        %dma_wait3A_38 = tpu.memref_slice %arg5[%add3A_34, %dma_wait3A] : memref<20480x128xf32, #tpu.memory_space<hbm>> -> memref<128x128xf32, #tpu.memory_space<hbm>>
        %dma_wait3A_39 = arith.constant 0 : i32
        %dma_wait3A_40 = tpu.memref_slice %arg5[%add3A_34, %dma_wait3A_39] : memref<20480x128xf32, #tpu.memory_space<hbm>> -> memref<128x128xf32, #tpu.memory_space<hbm>>
        tpu.wait_dma2 semaphore(%run_scoped3A : memref<!tpu.dma_semaphore, #tpu.memory_space<semaphore_mem>>) src(%arg8 : memref<128x128xf32, #tpu.memory_space<vmem>>) dst(%dma_wait3A_40 : memref<128x128xf32, #tpu.memory_space<hbm>>)
        tpu.yield
      }) : () -> ()
    }
    %scan3A_27 = arith.constant 5 : i32
    return
  }
}

#map = affine_map<(d0, d1) -> (0, 0)>
#map1 = affine_map<(d0, d1) -> (0, 0, 0)>
module attributes {stable_mosaic.version = 14 : i64} {
  func.func @body(%arg0: i32, %arg1: i32, %arg2: memref<10240x128xf32, #tpu.memory_space<hbm>>, %arg3: memref<32x40x128xi32, #tpu.memory_space<hbm>>, %arg4: memref<32x40x128xi32, #tpu.memory_space<hbm>>, %arg5: memref<20480x128xf32, #tpu.memory_space<hbm>>, %arg6: memref<128xi32, #tpu.memory_space<vmem>>, %arg7: memref<128xi32, #tpu.memory_space<vmem>>, %arg8: memref<128x128xf32, #tpu.memory_space<vmem>>, %arg9: memref<10240x128xf32, #tpu.memory_space<vmem_shared>>, %arg10: memref<!tpu.dma_semaphore, #tpu.memory_space<semaphore_mem>>) attributes {dimension_semantics = [#tpu.dimension_semantics<core_parallel>, #tpu.dimension_semantics<subcore_parallel>], iteration_bounds = array<i64: 2, 16>, scalar_prefetch = 0 : i64, scratch_operands = 5 : i64, tpu.core_type = #tpu.core_type<sc_vector_subcore>, window_params = [{transform_indices = #map}, {transform_indices = #map1}, {transform_indices = #map1}, {transform_indices = #map}]} {
    %mul3A = arith.constant 2 : i32
    %mul3A_0 = arith.muli %arg1, %mul3A : i32
    %add3A = arith.addi %mul3A_0, %arg0 : i32
    %scan3A = arith.constant 0 : i32
    %scan3A_1 = arith.constant 1024 : i32
    %scan3A_2 = arith.addi %scan3A, %scan3A_1 : i32
    %scan3A_3 = arith.constant 1 : i32
    scf.for %scan3A_28 = %scan3A to %scan3A_2 step %scan3A_3  : i32 {
      %broadcast_in_dim3A = arith.constant 0.000000e+00 : f32
      %broadcast_in_dim3A_29 = vector.broadcast %broadcast_in_dim3A : f32 to vector<16xf32>
      %jit3A = arith.constant 8 : i32
      %div3A = arith.divsi %scan3A_28, %jit3A : i32
      %sign3A = arith.constant 0 : i32
      %sign3A_30 = arith.cmpi sgt, %scan3A_28, %sign3A : i32
      %sign3A_31 = arith.extui %sign3A_30 : i1 to i32
      %sign3A_32 = arith.constant 0 : i32
      %sign3A_33 = arith.cmpi slt, %scan3A_28, %sign3A_32 : i32
      %sign3A_34 = arith.extui %sign3A_33 : i1 to i32
      %sign3A_35 = arith.subi %sign3A_31, %sign3A_34 : i32
      %sign3A_36 = arith.constant 0 : i32
      %sign3A_37 = arith.cmpi sgt, %jit3A, %sign3A_36 : i32
      %sign3A_38 = arith.extui %sign3A_37 : i1 to i32
      %sign3A_39 = arith.constant 0 : i32
      %sign3A_40 = arith.cmpi slt, %jit3A, %sign3A_39 : i32
      %sign3A_41 = arith.extui %sign3A_40 : i1 to i32
      %sign3A_42 = arith.subi %sign3A_38, %sign3A_41 : i32
      %ne3A = arith.cmpi ne, %sign3A_35, %sign3A_42 : i32
      %rem3A = arith.remsi %scan3A_28, %jit3A : i32
      %ne3A_43 = arith.constant 0 : i32
      %ne3A_44 = arith.cmpi ne, %rem3A, %ne3A_43 : i32
      %and3A = arith.andi %ne3A, %ne3A_44 : i1
      %sub3A = arith.constant 1 : i32
      %sub3A_45 = arith.subi %div3A, %sub3A : i32
      %select_n3A = arith.select %and3A, %sub3A_45, %div3A : i32
      %jit3A_46 = arith.constant 8 : i32
      %eq3A = arith.constant 0 : i32
      %eq3A_47 = arith.cmpi eq, %jit3A_46, %eq3A : i32
      %jit3A_48 = arith.constant 1 : i32
      %select_n3A_49 = arith.select %eq3A_47, %jit3A_48, %jit3A_46 : i32
      %rem3A_50 = arith.remsi %scan3A_28, %select_n3A_49 : i32
      %ne3A_51 = arith.constant 0 : i32
      %ne3A_52 = arith.cmpi ne, %rem3A_50, %ne3A_51 : i32
      %lt3A = arith.constant 0 : i32
      %lt3A_53 = arith.cmpi slt, %rem3A_50, %lt3A : i32
      %lt3A_54 = arith.constant 0 : i32
      %lt3A_55 = arith.cmpi slt, %select_n3A_49, %lt3A_54 : i32
      %ne3A_56 = arith.xori %lt3A_53, %lt3A_55 : i1
      %and3A_57 = arith.andi %ne3A_56, %ne3A_52 : i1
      %add3A_58 = arith.addi %rem3A_50, %select_n3A_49 : i32
      %select_n3A_59 = arith.select %and3A_57, %add3A_58, %rem3A_50 : i32
      %mul3A_60 = arith.constant 16 : i32
      %mul3A_61 = arith.muli %select_n3A_59, %mul3A_60 : i32
      %swap3A = arith.index_cast %select_n3A : i32 to index
      %swap3A_62 = arith.index_cast %mul3A_61 : i32 to index
      %swap3A_63 = tpu.vector_load %arg8[%swap3A, %swap3A_62] {strides = array<i32>} : memref<128x128xf32, #tpu.memory_space<vmem>>, vector<1x16xf32>,
      %swap3A_64 = vector.shape_cast %swap3A_63 : vector<1x16xf32> to vector<16xf32>
      %swap3A_65 = vector.shape_cast %broadcast_in_dim3A_29 : vector<16xf32> to vector<1x16xf32>
      tpu.vector_store %arg8[%swap3A, %swap3A_62], %swap3A_65 {strides = array<i32>} : memref<128x128xf32, #tpu.memory_space<vmem>>, vector<1x16xf32>,
    }
    %scan3A_4 = arith.constant 1024 : i32
    %mul3A_5 = arith.constant 640 : i32
    %mul3A_6 = arith.muli %arg1, %mul3A_5 : i32
    %scan3A_7 = arith.constant 0 : i32
    %scan3A_8 = arith.constant 5 : i32
    %scan3A_9 = arith.addi %scan3A_7, %scan3A_8 : i32
    %scan3A_10 = arith.constant 1 : i32
    scf.for %scan3A_28 = %scan3A_7 to %scan3A_9 step %scan3A_10  : i32 {
      %mul3A_29 = arith.constant 128 : i32
      %mul3A_30 = arith.muli %scan3A_28, %mul3A_29 : i32
      %add3A_31 = arith.addi %mul3A_6, %mul3A_30 : i32
      "tpu.region"() ({
        %run_scoped3A = tpu.sem_alloc : memref<!tpu.dma_semaphore, #tpu.memory_space<semaphore_mem>>
        %dma_start3A = arith.constant 0 : i32
        %dma_start3A_32 = tpu.memref_slice %arg9[%add3A_31, %dma_start3A] : memref<10240x128xf32, #tpu.memory_space<vmem_shared>> -> memref<128x128xf32, #tpu.memory_space<vmem_shared>>
        %dma_start3A_33 = arith.constant 0 : i32
        %dma_start3A_34 = tpu.memref_slice %arg9[%add3A_31, %dma_start3A_33] : memref<10240x128xf32, #tpu.memory_space<vmem_shared>> -> memref<128x128xf32, #tpu.memory_space<vmem_shared>>
        tpu.enqueue_dma source(%arg8 : memref<128x128xf32, #tpu.memory_space<vmem>>) target(%dma_start3A_34 : memref<128x128xf32, #tpu.memory_space<vmem_shared>>) target_semaphore(%run_scoped3A : memref<!tpu.dma_semaphore, #tpu.memory_space<semaphore_mem>>)
        %dma_wait3A = arith.constant 0 : i32
        %dma_wait3A_35 = tpu.memref_slice %arg9[%add3A_31, %dma_wait3A] : memref<10240x128xf32, #tpu.memory_space<vmem_shared>> -> memref<128x128xf32, #tpu.memory_space<vmem_shared>>
        %dma_wait3A_36 = arith.constant 0 : i32
        %dma_wait3A_37 = tpu.memref_slice %arg9[%add3A_31, %dma_wait3A_36] : memref<10240x128xf32, #tpu.memory_space<vmem_shared>> -> memref<128x128xf32, #tpu.memory_space<vmem_shared>>
        tpu.wait_dma2 semaphore(%run_scoped3A : memref<!tpu.dma_semaphore, #tpu.memory_space<semaphore_mem>>) src(%arg8 : memref<128x128xf32, #tpu.memory_space<vmem>>) dst(%dma_wait3A_37 : memref<128x128xf32, #tpu.memory_space<vmem_shared>>)
        tpu.yield
      }) : () -> ()
    }
    %scan3A_11 = arith.constant 5 : i32
    %barrier3A = arith.constant 0 : index
    tpu.barrier barrier_id(%barrier3A)
    %scan3A_12 = arith.constant 0 : i32
    %scan3A_13 = arith.constant 40 : i32
    %scan3A_14 = arith.addi %scan3A_12, %scan3A_13 : i32
    %scan3A_15 = arith.constant 1 : i32
    scf.for %scan3A_28 = %scan3A_12 to %scan3A_14 step %scan3A_15  : i32 {
      "tpu.region"() ({
        %run_scoped3A = tpu.sem_alloc : memref<!tpu.dma_semaphore, #tpu.memory_space<semaphore_mem>>
        %dma_start3A_33 = arith.constant 0 : i32
        %dma_start3A_34 = tpu.memref_slice %arg3[%add3A, %scan3A_28, %dma_start3A_33] : memref<32x40x128xi32, #tpu.memory_space<hbm>> -> memref<1x1x128xi32, #tpu.memory_space<hbm>>
        %dma_start3A_35 = tpu.memref_squeeze %dma_start3A_34 : memref<1x1x128xi32, #tpu.memory_space<hbm>> -> memref<128xi32, #tpu.memory_space<hbm>>
        %dma_start3A_36 = arith.constant 0 : i32
        %dma_start3A_37 = tpu.memref_slice %arg3[%add3A, %scan3A_28, %dma_start3A_36] : memref<32x40x128xi32, #tpu.memory_space<hbm>> -> memref<1x1x128xi32, #tpu.memory_space<hbm>>
        %dma_start3A_38 = tpu.memref_squeeze %dma_start3A_37 : memref<1x1x128xi32, #tpu.memory_space<hbm>> -> memref<128xi32, #tpu.memory_space<hbm>>
        tpu.enqueue_dma source(%dma_start3A_38 : memref<128xi32, #tpu.memory_space<hbm>>) target(%arg6 : memref<128xi32, #tpu.memory_space<vmem>>) target_semaphore(%run_scoped3A : memref<!tpu.dma_semaphore, #tpu.memory_space<semaphore_mem>>)
        %dma_wait3A_39 = arith.constant 0 : i32
        %dma_wait3A_40 = tpu.memref_slice %arg3[%add3A, %scan3A_28, %dma_wait3A_39] : memref<32x40x128xi32, #tpu.memory_space<hbm>> -> memref<1x1x128xi32, #tpu.memory_space<hbm>>
        %dma_wait3A_41 = tpu.memref_squeeze %dma_wait3A_40 : memref<1x1x128xi32, #tpu.memory_space<hbm>> -> memref<128xi32, #tpu.memory_space<hbm>>
        %dma_wait3A_42 = arith.constant 0 : i32
        %dma_wait3A_43 = tpu.memref_slice %arg3[%add3A, %scan3A_28, %dma_wait3A_42] : memref<32x40x128xi32, #tpu.memory_space<hbm>> -> memref<1x1x128xi32, #tpu.memory_space<hbm>>
        %dma_wait3A_44 = tpu.memref_squeeze %dma_wait3A_43 : memref<1x1x128xi32, #tpu.memory_space<hbm>> -> memref<128xi32, #tpu.memory_space<hbm>>
        tpu.wait_dma2 semaphore(%run_scoped3A : memref<!tpu.dma_semaphore, #tpu.memory_space<semaphore_mem>>) src(%dma_wait3A_44 : memref<128xi32, #tpu.memory_space<hbm>>) dst(%arg6 : memref<128xi32, #tpu.memory_space<vmem>>)
        tpu.yield
      }) : () -> ()
      "tpu.region"() ({
        %run_scoped3A = tpu.sem_alloc : memref<!tpu.dma_semaphore, #tpu.memory_space<semaphore_mem>>
        %dma_start3A_33 = arith.constant 0 : i32
        %dma_start3A_34 = tpu.memref_slice %arg4[%add3A, %scan3A_28, %dma_start3A_33] : memref<32x40x128xi32, #tpu.memory_space<hbm>> -> memref<1x1x128xi32, #tpu.memory_space<hbm>>
        %dma_start3A_35 = tpu.memref_squeeze %dma_start3A_34 : memref<1x1x128xi32, #tpu.memory_space<hbm>> -> memref<128xi32, #tpu.memory_space<hbm>>
        %dma_start3A_36 = arith.constant 0 : i32
        %dma_start3A_37 = tpu.memref_slice %arg4[%add3A, %scan3A_28, %dma_start3A_36] : memref<32x40x128xi32, #tpu.memory_space<hbm>> -> memref<1x1x128xi32, #tpu.memory_space<hbm>>
        %dma_start3A_38 = tpu.memref_squeeze %dma_start3A_37 : memref<1x1x128xi32, #tpu.memory_space<hbm>> -> memref<128xi32, #tpu.memory_space<hbm>>
        tpu.enqueue_dma source(%dma_start3A_38 : memref<128xi32, #tpu.memory_space<hbm>>) target(%arg7 : memref<128xi32, #tpu.memory_space<vmem>>) target_semaphore(%run_scoped3A : memref<!tpu.dma_semaphore, #tpu.memory_space<semaphore_mem>>)
        %dma_wait3A_39 = arith.constant 0 : i32
        %dma_wait3A_40 = tpu.memref_slice %arg4[%add3A, %scan3A_28, %dma_wait3A_39] : memref<32x40x128xi32, #tpu.memory_space<hbm>> -> memref<1x1x128xi32, #tpu.memory_space<hbm>>
        %dma_wait3A_41 = tpu.memref_squeeze %dma_wait3A_40 : memref<1x1x128xi32, #tpu.memory_space<hbm>> -> memref<128xi32, #tpu.memory_space<hbm>>
        %dma_wait3A_42 = arith.constant 0 : i32
        %dma_wait3A_43 = tpu.memref_slice %arg4[%add3A, %scan3A_28, %dma_wait3A_42] : memref<32x40x128xi32, #tpu.memory_space<hbm>> -> memref<1x1x128xi32, #tpu.memory_space<hbm>>
        %dma_wait3A_44 = tpu.memref_squeeze %dma_wait3A_43 : memref<1x1x128xi32, #tpu.memory_space<hbm>> -> memref<128xi32, #tpu.memory_space<hbm>>
        tpu.wait_dma2 semaphore(%run_scoped3A : memref<!tpu.dma_semaphore, #tpu.memory_space<semaphore_mem>>) src(%dma_wait3A_44 : memref<128xi32, #tpu.memory_space<hbm>>) dst(%arg7 : memref<128xi32, #tpu.memory_space<vmem>>)
        tpu.yield
      }) : () -> ()
      %dma_start3A = arith.constant 0 : i32
      %dma_start3A_29 = arith.constant 0 : i32
      %dma_start3A_30 = tpu.memref_slice %arg2[%dma_start3A, %dma_start3A_29] : memref<10240x128xf32, #tpu.memory_space<hbm>> -> memref<10240x128xf32, #tpu.memory_space<hbm>>
      tpu.enqueue_indirect_dma source(%dma_start3A_30 : memref<10240x128xf32, #tpu.memory_space<hbm>>) target(%arg8 : memref<128x128xf32, #tpu.memory_space<vmem>>) offsets(%arg6 : memref<128xi32, #tpu.memory_space<vmem>>) semaphore(%arg10 : memref<!tpu.dma_semaphore, #tpu.memory_space<semaphore_mem>>)
      %dma_wait3A = arith.constant 0 : i32
      %dma_wait3A_31 = arith.constant 0 : i32
      %dma_wait3A_32 = tpu.memref_slice %arg2[%dma_wait3A, %dma_wait3A_31] : memref<10240x128xf32, #tpu.memory_space<hbm>> -> memref<10240x128xf32, #tpu.memory_space<hbm>>
      tpu.wait_indirect_dma semaphore(%arg10 : memref<!tpu.dma_semaphore, #tpu.memory_space<semaphore_mem>>) src(%dma_wait3A_32 : memref<10240x128xf32, #tpu.memory_space<hbm>>) dst(%arg8 : memref<128x128xf32, #tpu.memory_space<vmem>>)
      "tpu.region"() ({
        %run_scoped3A = tpu.sem_alloc : memref<!tpu.dma_semaphore, #tpu.memory_space<semaphore_mem>>
        %dma_start3A_33 = arith.constant 0 : i32
        %dma_start3A_34 = arith.constant 0 : i32
        %dma_start3A_35 = tpu.memref_slice %arg9[%dma_start3A_33, %dma_start3A_34] : memref<10240x128xf32, #tpu.memory_space<vmem_shared>> -> memref<10240x128xf32, #tpu.memory_space<vmem_shared>>
        tpu.enqueue_indirect_dma source(%arg8 : memref<128x128xf32, #tpu.memory_space<vmem>>) target(%dma_start3A_35 : memref<10240x128xf32, #tpu.memory_space<vmem_shared>>) offsets(%arg7 : memref<128xi32, #tpu.memory_space<vmem>>) semaphore(%run_scoped3A : memref<!tpu.dma_semaphore, #tpu.memory_space<semaphore_mem>>) {add = true}
        %dma_wait3A_36 = arith.constant 0 : i32
        %dma_wait3A_37 = arith.constant 0 : i32
        %dma_wait3A_38 = tpu.memref_slice %arg9[%dma_wait3A_36, %dma_wait3A_37] : memref<10240x128xf32, #tpu.memory_space<vmem_shared>> -> memref<10240x128xf32, #tpu.memory_space<vmem_shared>>
        tpu.wait_indirect_dma semaphore(%run_scoped3A : memref<!tpu.dma_semaphore, #tpu.memory_space<semaphore_mem>>) src(%arg8 : memref<128x128xf32, #tpu.memory_space<vmem>>) dst(%dma_wait3A_38 : memref<10240x128xf32, #tpu.memory_space<vmem_shared>>)
        tpu.yield
      }) : () -> ()
    }
    %scan3A_16 = arith.constant 40 : i32
    %barrier3A_17 = arith.constant 0 : index
    tpu.barrier barrier_id(%barrier3A_17)
    %mul3A_18 = arith.constant 10240 : i32
    %mul3A_19 = arith.muli %arg0, %mul3A_18 : i32
    %mul3A_20 = arith.constant 640 : i32
    %mul3A_21 = arith.muli %arg1, %mul3A_20 : i32
    %add3A_22 = arith.addi %mul3A_19, %mul3A_21 : i32
    %scan3A_23 = arith.constant 0 : i32
    %scan3A_24 = arith.constant 5 : i32
    %scan3A_25 = arith.addi %scan3A_23, %scan3A_24 : i32
    %scan3A_26 = arith.constant 1 : i32
    scf.for %scan3A_28 = %scan3A_23 to %scan3A_25 step %scan3A_26  : i32 {
      %mul3A_29 = arith.constant 128 : i32
      %mul3A_30 = arith.muli %scan3A_28, %mul3A_29 : i32
      %add3A_31 = arith.addi %mul3A_6, %mul3A_30 : i32
      "tpu.region"() ({
        %run_scoped3A = tpu.sem_alloc : memref<!tpu.dma_semaphore, #tpu.memory_space<semaphore_mem>>
        %dma_start3A = arith.constant 0 : i32
        %dma_start3A_35 = tpu.memref_slice %arg9[%add3A_31, %dma_start3A] : memref<10240x128xf32, #tpu.memory_space<vmem_shared>> -> memref<128x128xf32, #tpu.memory_space<vmem_shared>>
        %dma_start3A_36 = arith.constant 0 : i32
        %dma_start3A_37 = tpu.memref_slice %arg9[%add3A_31, %dma_start3A_36] : memref<10240x128xf32, #tpu.memory_space<vmem_shared>> -> memref<128x128xf32, #tpu.memory_space<vmem_shared>>
        tpu.enqueue_dma source(%dma_start3A_37 : memref<128x128xf32, #tpu.memory_space<vmem_shared>>) target(%arg8 : memref<128x128xf32, #tpu.memory_space<vmem>>) target_semaphore(%run_scoped3A : memref<!tpu.dma_semaphore, #tpu.memory_space<semaphore_mem>>)
        %dma_wait3A = arith.constant 0 : i32
        %dma_wait3A_38 = tpu.memref_slice %arg9[%add3A_31, %dma_wait3A] : memref<10240x128xf32, #tpu.memory_space<vmem_shared>> -> memref<128x128xf32, #tpu.memory_space<vmem_shared>>
        %dma_wait3A_39 = arith.constant 0 : i32
        %dma_wait3A_40 = tpu.memref_slice %arg9[%add3A_31, %dma_wait3A_39] : memref<10240x128xf32, #tpu.memory_space<vmem_shared>> -> memref<128x128xf32, #tpu.memory_space<vmem_shared>>
        tpu.wait_dma2 semaphore(%run_scoped3A : memref<!tpu.dma_semaphore, #tpu.memory_space<semaphore_mem>>) src(%dma_wait3A_40 : memref<128x128xf32, #tpu.memory_space<vmem_shared>>) dst(%arg8 : memref<128x128xf32, #tpu.memory_space<vmem>>)
        tpu.yield
      }) : () -> ()
      %mul3A_32 = arith.constant 128 : i32
      %mul3A_33 = arith.muli %scan3A_28, %mul3A_32 : i32
      %add3A_34 = arith.addi %add3A_22, %mul3A_33 : i32
      "tpu.region"() ({
        %run_scoped3A = tpu.sem_alloc : memref<!tpu.dma_semaphore, #tpu.memory_space<semaphore_mem>>
        %dma_start3A = arith.constant 0 : i32
        %dma_start3A_35 = tpu.memref_slice %arg5[%add3A_34, %dma_start3A] : memref<20480x128xf32, #tpu.memory_space<hbm>> -> memref<128x128xf32, #tpu.memory_space<hbm>>
        %dma_start3A_36 = arith.constant 0 : i32
        %dma_start3A_37 = tpu.memref_slice %arg5[%add3A_34, %dma_start3A_36] : memref<20480x128xf32, #tpu.memory_space<hbm>> -> memref<128x128xf32, #tpu.memory_space<hbm>>
        tpu.enqueue_dma source(%arg8 : memref<128x128xf32, #tpu.memory_space<vmem>>) target(%dma_start3A_37 : memref<128x128xf32, #tpu.memory_space<hbm>>) target_semaphore(%run_scoped3A : memref<!tpu.dma_semaphore, #tpu.memory_space<semaphore_mem>>)
        %dma_wait3A = arith.constant 0 : i32
        %dma_wait3A_38 = tpu.memref_slice %arg5[%add3A_34, %dma_wait3A] : memref<20480x128xf32, #tpu.memory_space<hbm>> -> memref<128x128xf32, #tpu.memory_space<hbm>>
        %dma_wait3A_39 = arith.constant 0 : i32
        %dma_wait3A_40 = tpu.memref_slice %arg5[%add3A_34, %dma_wait3A_39] : memref<20480x128xf32, #tpu.memory_space<hbm>> -> memref<128x128xf32, #tpu.memory_space<hbm>>
        tpu.wait_dma2 semaphore(%run_scoped3A : memref<!tpu.dma_semaphore, #tpu.memory_space<semaphore_mem>>) src(%arg8 : memref<128x128xf32, #tpu.memory_space<vmem>>) dst(%dma_wait3A_40 : memref<128x128xf32, #tpu.memory_space<hbm>>)
        tpu.yield
      }) : () -> ()
    }
    %scan3A_27 = arith.constant 5 : i32
    return
  }
}

#map = affine_map<(d0, d1) -> (0, 0)>
#map1 = affine_map<(d0, d1) -> (0, 0, 0)>
module attributes {stable_mosaic.version = 14 : i64} {
  func.func @body(%arg0: i32, %arg1: i32, %arg2: memref<10240x128xf32, #tpu.memory_space<hbm>>, %arg3: memref<32x40x128xi32, #tpu.memory_space<hbm>>, %arg4: memref<32x40x128xi32, #tpu.memory_space<hbm>>, %arg5: memref<20480x128xf32, #tpu.memory_space<hbm>>, %arg6: memref<128xi32, #tpu.memory_space<vmem>>, %arg7: memref<128xi32, #tpu.memory_space<vmem>>, %arg8: memref<128x128xf32, #tpu.memory_space<vmem>>, %arg9: memref<10240x128xf32, #tpu.memory_space<vmem_shared>>, %arg10: memref<!tpu.dma_semaphore, #tpu.memory_space<semaphore_mem>>) attributes {dimension_semantics = [#tpu.dimension_semantics<core_parallel>, #tpu.dimension_semantics<subcore_parallel>], iteration_bounds = array<i64: 2, 16>, scalar_prefetch = 0 : i64, scratch_operands = 5 : i64, tpu.core_type = #tpu.core_type<sc_vector_subcore>, window_params = [{transform_indices = #map}, {transform_indices = #map1}, {transform_indices = #map1}, {transform_indices = #map}]} {
    %mul3A = arith.constant 2 : i32
    %mul3A_0 = arith.muli %arg1, %mul3A : i32
    %add3A = arith.addi %mul3A_0, %arg0 : i32
    %scan3A = arith.constant 0 : i32
    %scan3A_1 = arith.constant 1024 : i32
    %scan3A_2 = arith.addi %scan3A, %scan3A_1 : i32
    %scan3A_3 = arith.constant 1 : i32
    scf.for %scan3A_28 = %scan3A to %scan3A_2 step %scan3A_3  : i32 {
      %broadcast_in_dim3A = arith.constant 0.000000e+00 : f32
      %broadcast_in_dim3A_29 = vector.broadcast %broadcast_in_dim3A : f32 to vector<16xf32>
      %jit3A = arith.constant 8 : i32
      %div3A = arith.divsi %scan3A_28, %jit3A : i32
      %sign3A = arith.constant 0 : i32
      %sign3A_30 = arith.cmpi sgt, %scan3A_28, %sign3A : i32
      %sign3A_31 = arith.extui %sign3A_30 : i1 to i32
      %sign3A_32 = arith.constant 0 : i32
      %sign3A_33 = arith.cmpi slt, %scan3A_28, %sign3A_32 : i32
      %sign3A_34 = arith.extui %sign3A_33 : i1 to i32
      %sign3A_35 = arith.subi %sign3A_31, %sign3A_34 : i32
      %sign3A_36 = arith.constant 0 : i32
      %sign3A_37 = arith.cmpi sgt, %jit3A, %sign3A_36 : i32
      %sign3A_38 = arith.extui %sign3A_37 : i1 to i32
      %sign3A_39 = arith.constant 0 : i32
      %sign3A_40 = arith.cmpi slt, %jit3A, %sign3A_39 : i32
      %sign3A_41 = arith.extui %sign3A_40 : i1 to i32
      %sign3A_42 = arith.subi %sign3A_38, %sign3A_41 : i32
      %ne3A = arith.cmpi ne, %sign3A_35, %sign3A_42 : i32
      %rem3A = arith.remsi %scan3A_28, %jit3A : i32
      %ne3A_43 = arith.constant 0 : i32
      %ne3A_44 = arith.cmpi ne, %rem3A, %ne3A_43 : i32
      %and3A = arith.andi %ne3A, %ne3A_44 : i1
      %sub3A = arith.constant 1 : i32
      %sub3A_45 = arith.subi %div3A, %sub3A : i32
      %select_n3A = arith.select %and3A, %sub3A_45, %div3A : i32
      %jit3A_46 = arith.constant 8 : i32
      %eq3A = arith.constant 0 : i32
      %eq3A_47 = arith.cmpi eq, %jit3A_46, %eq3A : i32
      %jit3A_48 = arith.constant 1 : i32
      %select_n3A_49 = arith.select %eq3A_47, %jit3A_48, %jit3A_46 : i32
      %rem3A_50 = arith.remsi %scan3A_28, %select_n3A_49 : i32
      %ne3A_51 = arith.constant 0 : i32
      %ne3A_52 = arith.cmpi ne, %rem3A_50, %ne3A_51 : i32
      %lt3A = arith.constant 0 : i32
      %lt3A_53 = arith.cmpi slt, %rem3A_50, %lt3A : i32
      %lt3A_54 = arith.constant 0 : i32
      %lt3A_55 = arith.cmpi slt, %select_n3A_49, %lt3A_54 : i32
      %ne3A_56 = arith.xori %lt3A_53, %lt3A_55 : i1
      %and3A_57 = arith.andi %ne3A_56, %ne3A_52 : i1
      %add3A_58 = arith.addi %rem3A_50, %select_n3A_49 : i32
      %select_n3A_59 = arith.select %and3A_57, %add3A_58, %rem3A_50 : i32
      %mul3A_60 = arith.constant 16 : i32
      %mul3A_61 = arith.muli %select_n3A_59, %mul3A_60 : i32
      %swap3A = arith.index_cast %select_n3A : i32 to index
      %swap3A_62 = arith.index_cast %mul3A_61 : i32 to index
      %swap3A_63 = tpu.vector_load %arg8[%swap3A, %swap3A_62] {strides = array<i32>} : memref<128x128xf32, #tpu.memory_space<vmem>>, vector<1x16xf32>,
      %swap3A_64 = vector.shape_cast %swap3A_63 : vector<1x16xf32> to vector<16xf32>
      %swap3A_65 = vector.shape_cast %broadcast_in_dim3A_29 : vector<16xf32> to vector<1x16xf32>
      tpu.vector_store %arg8[%swap3A, %swap3A_62], %swap3A_65 {strides = array<i32>} : memref<128x128xf32, #tpu.memory_space<vmem>>, vector<1x16xf32>,
    }
    %scan3A_4 = arith.constant 1024 : i32
    %mul3A_5 = arith.constant 640 : i32
    %mul3A_6 = arith.muli %arg1, %mul3A_5 : i32
    %scan3A_7 = arith.constant 0 : i32
    %scan3A_8 = arith.constant 5 : i32
    %scan3A_9 = arith.addi %scan3A_7, %scan3A_8 : i32
    %scan3A_10 = arith.constant 1 : i32
    scf.for %scan3A_28 = %scan3A_7 to %scan3A_9 step %scan3A_10  : i32 {
      %mul3A_29 = arith.constant 128 : i32
      %mul3A_30 = arith.muli %scan3A_28, %mul3A_29 : i32
      %add3A_31 = arith.addi %mul3A_6, %mul3A_30 : i32
      "tpu.region"() ({
        %run_scoped3A = tpu.sem_alloc : memref<!tpu.dma_semaphore, #tpu.memory_space<semaphore_mem>>
        %dma_start3A = arith.constant 0 : i32
        %dma_start3A_32 = tpu.memref_slice %arg9[%add3A_31, %dma_start3A] : memref<10240x128xf32, #tpu.memory_space<vmem_shared>> -> memref<128x128xf32, #tpu.memory_space<vmem_shared>>
        %dma_start3A_33 = arith.constant 0 : i32
        %dma_start3A_34 = tpu.memref_slice %arg9[%add3A_31, %dma_start3A_33] : memref<10240x128xf32, #tpu.memory_space<vmem_shared>> -> memref<128x128xf32, #tpu.memory_space<vmem_shared>>
        tpu.enqueue_dma source(%arg8 : memref<128x128xf32, #tpu.memory_space<vmem>>) target(%dma_start3A_34 : memref<128x128xf32, #tpu.memory_space<vmem_shared>>) target_semaphore(%run_scoped3A : memref<!tpu.dma_semaphore, #tpu.memory_space<semaphore_mem>>)
        %dma_wait3A = arith.constant 0 : i32
        %dma_wait3A_35 = tpu.memref_slice %arg9[%add3A_31, %dma_wait3A] : memref<10240x128xf32, #tpu.memory_space<vmem_shared>> -> memref<128x128xf32, #tpu.memory_space<vmem_shared>>
        %dma_wait3A_36 = arith.constant 0 : i32
        %dma_wait3A_37 = tpu.memref_slice %arg9[%add3A_31, %dma_wait3A_36] : memref<10240x128xf32, #tpu.memory_space<vmem_shared>> -> memref<128x128xf32, #tpu.memory_space<vmem_shared>>
        tpu.wait_dma2 semaphore(%run_scoped3A : memref<!tpu.dma_semaphore, #tpu.memory_space<semaphore_mem>>) src(%arg8 : memref<128x128xf32, #tpu.memory_space<vmem>>) dst(%dma_wait3A_37 : memref<128x128xf32, #tpu.memory_space<vmem_shared>>)
        tpu.yield
      }) : () -> ()
    }
    %scan3A_11 = arith.constant 5 : i32
    %barrier3A = arith.constant 0 : index
    tpu.barrier barrier_id(%barrier3A)
    %scan3A_12 = arith.constant 0 : i32
    %scan3A_13 = arith.constant 40 : i32
    %scan3A_14 = arith.addi %scan3A_12, %scan3A_13 : i32
    %scan3A_15 = arith.constant 1 : i32
    scf.for %scan3A_28 = %scan3A_12 to %scan3A_14 step %scan3A_15  : i32 {
      "tpu.region"() ({
        %run_scoped3A = tpu.sem_alloc : memref<!tpu.dma_semaphore, #tpu.memory_space<semaphore_mem>>
        %dma_start3A_33 = arith.constant 0 : i32
        %dma_start3A_34 = tpu.memref_slice %arg3[%add3A, %scan3A_28, %dma_start3A_33] : memref<32x40x128xi32, #tpu.memory_space<hbm>> -> memref<1x1x128xi32, #tpu.memory_space<hbm>>
        %dma_start3A_35 = tpu.memref_squeeze %dma_start3A_34 : memref<1x1x128xi32, #tpu.memory_space<hbm>> -> memref<128xi32, #tpu.memory_space<hbm>>
        %dma_start3A_36 = arith.constant 0 : i32
        %dma_start3A_37 = tpu.memref_slice %arg3[%add3A, %scan3A_28, %dma_start3A_36] : memref<32x40x128xi32, #tpu.memory_space<hbm>> -> memref<1x1x128xi32, #tpu.memory_space<hbm>>
        %dma_start3A_38 = tpu.memref_squeeze %dma_start3A_37 : memref<1x1x128xi32, #tpu.memory_space<hbm>> -> memref<128xi32, #tpu.memory_space<hbm>>
        tpu.enqueue_dma source(%dma_start3A_38 : memref<128xi32, #tpu.memory_space<hbm>>) target(%arg6 : memref<128xi32, #tpu.memory_space<vmem>>) target_semaphore(%run_scoped3A : memref<!tpu.dma_semaphore, #tpu.memory_space<semaphore_mem>>)
        %dma_wait3A_39 = arith.constant 0 : i32
        %dma_wait3A_40 = tpu.memref_slice %arg3[%add3A, %scan3A_28, %dma_wait3A_39] : memref<32x40x128xi32, #tpu.memory_space<hbm>> -> memref<1x1x128xi32, #tpu.memory_space<hbm>>
        %dma_wait3A_41 = tpu.memref_squeeze %dma_wait3A_40 : memref<1x1x128xi32, #tpu.memory_space<hbm>> -> memref<128xi32, #tpu.memory_space<hbm>>
        %dma_wait3A_42 = arith.constant 0 : i32
        %dma_wait3A_43 = tpu.memref_slice %arg3[%add3A, %scan3A_28, %dma_wait3A_42] : memref<32x40x128xi32, #tpu.memory_space<hbm>> -> memref<1x1x128xi32, #tpu.memory_space<hbm>>
        %dma_wait3A_44 = tpu.memref_squeeze %dma_wait3A_43 : memref<1x1x128xi32, #tpu.memory_space<hbm>> -> memref<128xi32, #tpu.memory_space<hbm>>
        tpu.wait_dma2 semaphore(%run_scoped3A : memref<!tpu.dma_semaphore, #tpu.memory_space<semaphore_mem>>) src(%dma_wait3A_44 : memref<128xi32, #tpu.memory_space<hbm>>) dst(%arg6 : memref<128xi32, #tpu.memory_space<vmem>>)
        tpu.yield
      }) : () -> ()
      "tpu.region"() ({
        %run_scoped3A = tpu.sem_alloc : memref<!tpu.dma_semaphore, #tpu.memory_space<semaphore_mem>>
        %dma_start3A_33 = arith.constant 0 : i32
        %dma_start3A_34 = tpu.memref_slice %arg4[%add3A, %scan3A_28, %dma_start3A_33] : memref<32x40x128xi32, #tpu.memory_space<hbm>> -> memref<1x1x128xi32, #tpu.memory_space<hbm>>
        %dma_start3A_35 = tpu.memref_squeeze %dma_start3A_34 : memref<1x1x128xi32, #tpu.memory_space<hbm>> -> memref<128xi32, #tpu.memory_space<hbm>>
        %dma_start3A_36 = arith.constant 0 : i32
        %dma_start3A_37 = tpu.memref_slice %arg4[%add3A, %scan3A_28, %dma_start3A_36] : memref<32x40x128xi32, #tpu.memory_space<hbm>> -> memref<1x1x128xi32, #tpu.memory_space<hbm>>
        %dma_start3A_38 = tpu.memref_squeeze %dma_start3A_37 : memref<1x1x128xi32, #tpu.memory_space<hbm>> -> memref<128xi32, #tpu.memory_space<hbm>>
        tpu.enqueue_dma source(%dma_start3A_38 : memref<128xi32, #tpu.memory_space<hbm>>) target(%arg7 : memref<128xi32, #tpu.memory_space<vmem>>) target_semaphore(%run_scoped3A : memref<!tpu.dma_semaphore, #tpu.memory_space<semaphore_mem>>)
        %dma_wait3A_39 = arith.constant 0 : i32
        %dma_wait3A_40 = tpu.memref_slice %arg4[%add3A, %scan3A_28, %dma_wait3A_39] : memref<32x40x128xi32, #tpu.memory_space<hbm>> -> memref<1x1x128xi32, #tpu.memory_space<hbm>>
        %dma_wait3A_41 = tpu.memref_squeeze %dma_wait3A_40 : memref<1x1x128xi32, #tpu.memory_space<hbm>> -> memref<128xi32, #tpu.memory_space<hbm>>
        %dma_wait3A_42 = arith.constant 0 : i32
        %dma_wait3A_43 = tpu.memref_slice %arg4[%add3A, %scan3A_28, %dma_wait3A_42] : memref<32x40x128xi32, #tpu.memory_space<hbm>> -> memref<1x1x128xi32, #tpu.memory_space<hbm>>
        %dma_wait3A_44 = tpu.memref_squeeze %dma_wait3A_43 : memref<1x1x128xi32, #tpu.memory_space<hbm>> -> memref<128xi32, #tpu.memory_space<hbm>>
        tpu.wait_dma2 semaphore(%run_scoped3A : memref<!tpu.dma_semaphore, #tpu.memory_space<semaphore_mem>>) src(%dma_wait3A_44 : memref<128xi32, #tpu.memory_space<hbm>>) dst(%arg7 : memref<128xi32, #tpu.memory_space<vmem>>)
        tpu.yield
      }) : () -> ()
      %dma_start3A = arith.constant 0 : i32
      %dma_start3A_29 = arith.constant 0 : i32
      %dma_start3A_30 = tpu.memref_slice %arg2[%dma_start3A, %dma_start3A_29] : memref<10240x128xf32, #tpu.memory_space<hbm>> -> memref<10240x128xf32, #tpu.memory_space<hbm>>
      tpu.enqueue_indirect_dma source(%dma_start3A_30 : memref<10240x128xf32, #tpu.memory_space<hbm>>) target(%arg8 : memref<128x128xf32, #tpu.memory_space<vmem>>) offsets(%arg6 : memref<128xi32, #tpu.memory_space<vmem>>) semaphore(%arg10 : memref<!tpu.dma_semaphore, #tpu.memory_space<semaphore_mem>>)
      %dma_wait3A = arith.constant 0 : i32
      %dma_wait3A_31 = arith.constant 0 : i32
      %dma_wait3A_32 = tpu.memref_slice %arg2[%dma_wait3A, %dma_wait3A_31] : memref<10240x128xf32, #tpu.memory_space<hbm>> -> memref<10240x128xf32, #tpu.memory_space<hbm>>
      tpu.wait_indirect_dma semaphore(%arg10 : memref<!tpu.dma_semaphore, #tpu.memory_space<semaphore_mem>>) src(%dma_wait3A_32 : memref<10240x128xf32, #tpu.memory_space<hbm>>) dst(%arg8 : memref<128x128xf32, #tpu.memory_space<vmem>>)
      "tpu.region"() ({
        %run_scoped3A = tpu.sem_alloc : memref<!tpu.dma_semaphore, #tpu.memory_space<semaphore_mem>>
        %dma_start3A_33 = arith.constant 0 : i32
        %dma_start3A_34 = arith.constant 0 : i32
        %dma_start3A_35 = tpu.memref_slice %arg9[%dma_start3A_33, %dma_start3A_34] : memref<10240x128xf32, #tpu.memory_space<vmem_shared>> -> memref<10240x128xf32, #tpu.memory_space<vmem_shared>>
        tpu.enqueue_indirect_dma source(%arg8 : memref<128x128xf32, #tpu.memory_space<vmem>>) target(%dma_start3A_35 : memref<10240x128xf32, #tpu.memory_space<vmem_shared>>) offsets(%arg7 : memref<128xi32, #tpu.memory_space<vmem>>) semaphore(%run_scoped3A : memref<!tpu.dma_semaphore, #tpu.memory_space<semaphore_mem>>) {add = true}
        %dma_wait3A_36 = arith.constant 0 : i32
        %dma_wait3A_37 = arith.constant 0 : i32
        %dma_wait3A_38 = tpu.memref_slice %arg9[%dma_wait3A_36, %dma_wait3A_37] : memref<10240x128xf32, #tpu.memory_space<vmem_shared>> -> memref<10240x128xf32, #tpu.memory_space<vmem_shared>>
        tpu.wait_indirect_dma semaphore(%run_scoped3A : memref<!tpu.dma_semaphore, #tpu.memory_space<semaphore_mem>>) src(%arg8 : memref<128x128xf32, #tpu.memory_space<vmem>>) dst(%dma_wait3A_38 : memref<10240x128xf32, #tpu.memory_space<vmem_shared>>)
        tpu.yield
      }) : () -> ()
    }
    %scan3A_16 = arith.constant 40 : i32
    %barrier3A_17 = arith.constant 0 : index
    tpu.barrier barrier_id(%barrier3A_17)
    %mul3A_18 = arith.constant 10240 : i32
    %mul3A_19 = arith.muli %arg0, %mul3A_18 : i32
    %mul3A_20 = arith.constant 640 : i32
    %mul3A_21 = arith.muli %arg1, %mul3A_20 : i32
    %add3A_22 = arith.addi %mul3A_19, %mul3A_21 : i32
    %scan3A_23 = arith.constant 0 : i32
    %scan3A_24 = arith.constant 5 : i32
    %scan3A_25 = arith.addi %scan3A_23, %scan3A_24 : i32
    %scan3A_26 = arith.constant 1 : i32
    scf.for %scan3A_28 = %scan3A_23 to %scan3A_25 step %scan3A_26  : i32 {
      %mul3A_29 = arith.constant 128 : i32
      %mul3A_30 = arith.muli %scan3A_28, %mul3A_29 : i32
      %add3A_31 = arith.addi %mul3A_6, %mul3A_30 : i32
      "tpu.region"() ({
        %run_scoped3A = tpu.sem_alloc : memref<!tpu.dma_semaphore, #tpu.memory_space<semaphore_mem>>
        %dma_start3A = arith.constant 0 : i32
        %dma_start3A_35 = tpu.memref_slice %arg9[%add3A_31, %dma_start3A] : memref<10240x128xf32, #tpu.memory_space<vmem_shared>> -> memref<128x128xf32, #tpu.memory_space<vmem_shared>>
        %dma_start3A_36 = arith.constant 0 : i32
        %dma_start3A_37 = tpu.memref_slice %arg9[%add3A_31, %dma_start3A_36] : memref<10240x128xf32, #tpu.memory_space<vmem_shared>> -> memref<128x128xf32, #tpu.memory_space<vmem_shared>>
        tpu.enqueue_dma source(%dma_start3A_37 : memref<128x128xf32, #tpu.memory_space<vmem_shared>>) target(%arg8 : memref<128x128xf32, #tpu.memory_space<vmem>>) target_semaphore(%run_scoped3A : memref<!tpu.dma_semaphore, #tpu.memory_space<semaphore_mem>>)
        %dma_wait3A = arith.constant 0 : i32
        %dma_wait3A_38 = tpu.memref_slice %arg9[%add3A_31, %dma_wait3A] : memref<10240x128xf32, #tpu.memory_space<vmem_shared>> -> memref<128x128xf32, #tpu.memory_space<vmem_shared>>
        %dma_wait3A_39 = arith.constant 0 : i32
        %dma_wait3A_40 = tpu.memref_slice %arg9[%add3A_31, %dma_wait3A_39] : memref<10240x128xf32, #tpu.memory_space<vmem_shared>> -> memref<128x128xf32, #tpu.memory_space<vmem_shared>>
        tpu.wait_dma2 semaphore(%run_scoped3A : memref<!tpu.dma_semaphore, #tpu.memory_space<semaphore_mem>>) src(%dma_wait3A_40 : memref<128x128xf32, #tpu.memory_space<vmem_shared>>) dst(%arg8 : memref<128x128xf32, #tpu.memory_space<vmem>>)
        tpu.yield
      }) : () -> ()
      %mul3A_32 = arith.constant 128 : i32
      %mul3A_33 = arith.muli %scan3A_28, %mul3A_32 : i32
      %add3A_34 = arith.addi %add3A_22, %mul3A_33 : i32
      "tpu.region"() ({
        %run_scoped3A = tpu.sem_alloc : memref<!tpu.dma_semaphore, #tpu.memory_space<semaphore_mem>>
        %dma_start3A = arith.constant 0 : i32
        %dma_start3A_35 = tpu.memref_slice %arg5[%add3A_34, %dma_start3A] : memref<20480x128xf32, #tpu.memory_space<hbm>> -> memref<128x128xf32, #tpu.memory_space<hbm>>
        %dma_start3A_36 = arith.constant 0 : i32
        %dma_start3A_37 = tpu.memref_slice %arg5[%add3A_34, %dma_start3A_36] : memref<20480x128xf32, #tpu.memory_space<hbm>> -> memref<128x128xf32, #tpu.memory_space<hbm>>
        tpu.enqueue_dma source(%arg8 : memref<128x128xf32, #tpu.memory_space<vmem>>) target(%dma_start3A_37 : memref<128x128xf32, #tpu.memory_space<hbm>>) target_semaphore(%run_scoped3A : memref<!tpu.dma_semaphore, #tpu.memory_space<semaphore_mem>>)
        %dma_wait3A = arith.constant 0 : i32
        %dma_wait3A_38 = tpu.memref_slice %arg5[%add3A_34, %dma_wait3A] : memref<20480x128xf32, #tpu.memory_space<hbm>> -> memref<128x128xf32, #tpu.memory_space<hbm>>
        %dma_wait3A_39 = arith.constant 0 : i32
        %dma_wait3A_40 = tpu.memref_slice %arg5[%add3A_34, %dma_wait3A_39] : memref<20480x128xf32, #tpu.memory_space<hbm>> -> memref<128x128xf32, #tpu.memory_space<hbm>>
        tpu.wait_dma2 semaphore(%run_scoped3A : memref<!tpu.dma_semaphore, #tpu.memory_space<semaphore_mem>>) src(%arg8 : memref<128x128xf32, #tpu.memory_space<vmem>>) dst(%dma_wait3A_40 : memref<128x128xf32, #tpu.memory_space<hbm>>)
        tpu.yield
      }) : () -> ()
    }
    %scan3A_27 = arith.constant 5 : i32
    return
  }
}

module attributes {stable_mosaic.version = 14 : i64} {
  func.func @body(%arg0: i32, %arg1: memref<2048x128xf32, #tpu.memory_space<vmem>>, %arg2: memref<2048x128xf32, #tpu.memory_space<vmem>>, %arg3: memref<2048x128xf32, #tpu.memory_space<vmem>>, %arg4: memref<2048x8xf32, #tpu.memory_space<vmem>>, %arg5: memref<2048x8xf32, #tpu.memory_space<vmem>>, %arg6: memref<1x128xf32, #tpu.memory_space<vmem>>, %arg7: memref<2048x128xf32, #tpu.memory_space<vmem>>) attributes {dimension_semantics = [#tpu.dimension_semantics<arbitrary>], iteration_bounds = array<i64: 5>, scalar_prefetch = 0 : i64, scratch_operands = 0 : i64, tpu.core_type = #tpu.core_type<tc>, window_params = [{transform_indices = @transform_0, window_bounds = array<i64: 2048, 128>}, {transform_indices = @transform_1, window_bounds = array<i64: 2048, 128>}, {transform_indices = @transform_2, window_bounds = array<i64: 2048, 128>}, {transform_indices = @transform_3, window_bounds = array<i64: 2048, 8>}, {transform_indices = @transform_4, window_bounds = array<i64: 2048, 8>}, {pipeline_mode = #tpu.pipeline_mode<synchronous>, transform_indices = @transform_5, window_bounds = array<i64: 1, 128>}, {transform_indices = @transform_6, window_bounds = array<i64: 2048, 128>}]} {
    %get3A = arith.constant 0 : index
    %get3A_0 = arith.constant 0 : index
    %get3A_1 = vector.load %arg4[%get3A, %get3A_0] : memref<2048x8xf32, #tpu.memory_space<vmem>>, vector<2048x1xf32>
    %get3A_2 = arith.constant 0 : index
    %get3A_3 = arith.constant 0 : index
    %get3A_4 = vector.load %arg5[%get3A_2, %get3A_3] : memref<2048x8xf32, #tpu.memory_space<vmem>>, vector<2048x1xf32>
    %add3A = arith.addf %get3A_1, %get3A_4 : vector<2048x1xf32>
    %max3A = arith.constant 1.000000e+00 : f32
    %max3A_5 = vector.broadcast %max3A : f32 to vector<2048x1xf32>
    %max3A_6 = arith.maximumf %add3A, %max3A_5 : vector<2048x1xf32>
    %get3A_7 = arith.constant 0 : index
    %get3A_8 = arith.constant 0 : index
    %get3A_9 = vector.load %arg1[%get3A_7, %get3A_8] : memref<2048x128xf32, #tpu.memory_space<vmem>>, vector<2048x128xf32>
    %get3A_10 = arith.constant 0 : index
    %get3A_11 = arith.constant 0 : index
    %get3A_12 = vector.load %arg2[%get3A_10, %get3A_11] : memref<2048x128xf32, #tpu.memory_space<vmem>>, vector<2048x128xf32>
    %get3A_13 = arith.constant 0 : index
    %get3A_14 = arith.constant 0 : index
    %get3A_15 = vector.load %arg3[%get3A_13, %get3A_14] : memref<2048x128xf32, #tpu.memory_space<vmem>>, vector<2048x128xf32>
    %add3A_16 = arith.addf %get3A_12, %get3A_15 : vector<2048x128xf32>
    %div3A = vector.broadcast %max3A_6 : vector<2048x1xf32> to vector<2048x128xf32>
    %div3A_17 = arith.divf %add3A_16, %div3A : vector<2048x128xf32>
    %add3A_18 = arith.addf %get3A_9, %div3A_17 : vector<2048x128xf32>
    %get3A_19 = arith.constant 0 : index
    %get3A_20 = arith.constant 0 : index
    %get3A_21 = vector.load %arg6[%get3A_19, %get3A_20] : memref<1x128xf32, #tpu.memory_space<vmem>>, vector<1x128xf32>
    %add3A_22 = vector.broadcast %get3A_21 : vector<1x128xf32> to vector<2048x128xf32>
    %add3A_23 = arith.addf %add3A_18, %add3A_22 : vector<2048x128xf32>
    %tanh3A = math.tanh %add3A_23 : vector<2048x128xf32>
    %swap3A = arith.constant 0 : index
    %swap3A_24 = arith.constant 0 : index
    %swap3A_25 = vector.load %arg7[%swap3A, %swap3A_24] : memref<2048x128xf32, #tpu.memory_space<vmem>>, vector<2048x128xf32>
    tpu.vector_store %arg7[%swap3A, %swap3A_24], %tanh3A {strides = array<i32>} : memref<2048x128xf32, #tpu.memory_space<vmem>>, vector<2048x128xf32>,
    return
  }
  func.func @transform_0(%arg0: i32) -> (i32, i32) {
    %c0_i32 = arith.constant 0 : i32
    %c0_i32_0 = arith.constant 0 : i32
    return %arg0, %c0_i32 : i32, i32
  }
  func.func @transform_1(%arg0: i32) -> (i32, i32) {
    %c0_i32 = arith.constant 0 : i32
    %c0_i32_0 = arith.constant 0 : i32
    return %arg0, %c0_i32 : i32, i32
  }
  func.func @transform_2(%arg0: i32) -> (i32, i32) {
    %add3A = arith.constant 5 : i32
    %add3A_0 = arith.addi %arg0, %add3A : i32
    %c0_i32 = arith.constant 0 : i32
    %c0_i32_1 = arith.constant 0 : i32
    return %add3A_0, %c0_i32 : i32, i32
  }
  func.func @transform_3(%arg0: i32) -> (i32, i32) {
    %c0_i32 = arith.constant 0 : i32
    %c0_i32_0 = arith.constant 0 : i32
    return %arg0, %c0_i32 : i32, i32
  }
  func.func @transform_4(%arg0: i32) -> (i32, i32) {
    %add3A = arith.constant 5 : i32
    %add3A_0 = arith.addi %arg0, %add3A : i32
    %c0_i32 = arith.constant 0 : i32
    %c0_i32_1 = arith.constant 0 : i32
    return %add3A_0, %c0_i32 : i32, i32
  }
  func.func @transform_5(%arg0: i32) -> (i32, i32) {
    %c0_i32 = arith.constant 0 : i32
    %c0_i32_0 = arith.constant 0 : i32
    %c0_i32_1 = arith.constant 0 : i32
    return %c0_i32, %c0_i32_0 : i32, i32
  }
  func.func @transform_6(%arg0: i32) -> (i32, i32) {
    %c0_i32 = arith.constant 0 : i32
    %c0_i32_0 = arith.constant 0 : i32
    return %arg0, %c0_i32 : i32, i32
  }
}

module attributes {stable_mosaic.version = 14 : i64} {
  func.func @body(%arg0: i32, %arg1: memref<2048x128xf32, #tpu.memory_space<vmem>>, %arg2: memref<128x128xf32, #tpu.memory_space<vmem>>, %arg3: memref<128x128xf32, #tpu.memory_space<vmem>>, %arg4: memref<2048x128xf32, #tpu.memory_space<vmem>>, %arg5: memref<2048x128xf32, #tpu.memory_space<vmem>>) attributes {dimension_semantics = [#tpu.dimension_semantics<arbitrary>], iteration_bounds = array<i64: 5>, scalar_prefetch = 0 : i64, scratch_operands = 0 : i64, tpu.core_type = #tpu.core_type<tc>, window_params = [{transform_indices = @transform_0, window_bounds = array<i64: 2048, 128>}, {pipeline_mode = #tpu.pipeline_mode<synchronous>, transform_indices = @transform_1, window_bounds = array<i64: 128, 128>}, {pipeline_mode = #tpu.pipeline_mode<synchronous>, transform_indices = @transform_2, window_bounds = array<i64: 128, 128>}, {transform_indices = @transform_3, window_bounds = array<i64: 2048, 128>}, {transform_indices = @transform_4, window_bounds = array<i64: 2048, 128>}]} {
    %get3A = arith.constant 0 : index
    %get3A_0 = arith.constant 0 : index
    %get3A_1 = vector.load %arg1[%get3A, %get3A_0] : memref<2048x128xf32, #tpu.memory_space<vmem>>, vector<2048x128xf32>
    %get3A_2 = arith.constant 0 : index
    %get3A_3 = arith.constant 0 : index
    %get3A_4 = vector.load %arg2[%get3A_2, %get3A_3] : memref<128x128xf32, #tpu.memory_space<vmem>>, vector<128x128xf32>
    %dot_general3A = arith.constant dense<0.000000e+00> : vector<2048x128xf32>
    %dot_general3A_5 = tpu.matmul %get3A_1, %get3A_4, %dot_general3A {dimension_numbers = #tpu.dot_dimension_numbers<[1], [0], [0], [1], [0, 0, 1, 1], [], []>, transpose_lhs_hint = false} : vector<2048x128xf32>, vector<128x128xf32>, vector<2048x128xf32> -> vector<2048x128xf32>
    %swap3A = arith.constant 0 : index
    %swap3A_6 = arith.constant 0 : index
    %swap3A_7 = vector.load %arg4[%swap3A, %swap3A_6] : memref<2048x128xf32, #tpu.memory_space<vmem>>, vector<2048x128xf32>
    tpu.vector_store %arg4[%swap3A, %swap3A_6], %dot_general3A_5 {strides = array<i32>} : memref<2048x128xf32, #tpu.memory_space<vmem>>, vector<2048x128xf32>,
    %get3A_8 = arith.constant 0 : index
    %get3A_9 = arith.constant 0 : index
    %get3A_10 = vector.load %arg3[%get3A_8, %get3A_9] : memref<128x128xf32, #tpu.memory_space<vmem>>, vector<128x128xf32>
    %dot_general3A_11 = arith.constant dense<0.000000e+00> : vector<2048x128xf32>
    %dot_general3A_12 = tpu.matmul %get3A_1, %get3A_10, %dot_general3A_11 {dimension_numbers = #tpu.dot_dimension_numbers<[1], [0], [0], [1], [0, 0, 1, 1], [], []>, transpose_lhs_hint = false} : vector<2048x128xf32>, vector<128x128xf32>, vector<2048x128xf32> -> vector<2048x128xf32>
    %swap3A_13 = arith.constant 0 : index
    %swap3A_14 = arith.constant 0 : index
    %swap3A_15 = vector.load %arg5[%swap3A_13, %swap3A_14] : memref<2048x128xf32, #tpu.memory_space<vmem>>, vector<2048x128xf32>
    tpu.vector_store %arg5[%swap3A_13, %swap3A_14], %dot_general3A_12 {strides = array<i32>} : memref<2048x128xf32, #tpu.memory_space<vmem>>, vector<2048x128xf32>,
    return
  }
  func.func @transform_0(%arg0: i32) -> (i32, i32) {
    %c0_i32 = arith.constant 0 : i32
    %c0_i32_0 = arith.constant 0 : i32
    return %arg0, %c0_i32 : i32, i32
  }
  func.func @transform_1(%arg0: i32) -> (i32, i32) {
    %c0_i32 = arith.constant 0 : i32
    %c0_i32_0 = arith.constant 0 : i32
    %c0_i32_1 = arith.constant 0 : i32
    return %c0_i32, %c0_i32_0 : i32, i32
  }
  func.func @transform_2(%arg0: i32) -> (i32, i32) {
    %c0_i32 = arith.constant 0 : i32
    %c0_i32_0 = arith.constant 0 : i32
    %c0_i32_1 = arith.constant 0 : i32
    return %c0_i32, %c0_i32_0 : i32, i32
  }
  func.func @transform_3(%arg0: i32) -> (i32, i32) {
    %c0_i32 = arith.constant 0 : i32
    %c0_i32_0 = arith.constant 0 : i32
    return %arg0, %c0_i32 : i32, i32
  }
  func.func @transform_4(%arg0: i32) -> (i32, i32) {
    %c0_i32 = arith.constant 0 : i32
    %c0_i32_0 = arith.constant 0 : i32
    return %arg0, %c0_i32 : i32, i32
  }
}

module attributes {stable_mosaic.version = 14 : i64} {
  func.func @body(%arg0: i32, %arg1: memref<2048x128xf32, #tpu.memory_space<vmem>>, %arg2: memref<2048x128xf32, #tpu.memory_space<vmem>>, %arg3: memref<2048x128xf32, #tpu.memory_space<vmem>>, %arg4: memref<2048x8xf32, #tpu.memory_space<vmem>>, %arg5: memref<2048x8xf32, #tpu.memory_space<vmem>>, %arg6: memref<1x128xf32, #tpu.memory_space<vmem>>, %arg7: memref<2048x128xf32, #tpu.memory_space<vmem>>) attributes {dimension_semantics = [#tpu.dimension_semantics<arbitrary>], iteration_bounds = array<i64: 5>, scalar_prefetch = 0 : i64, scratch_operands = 0 : i64, tpu.core_type = #tpu.core_type<tc>, window_params = [{transform_indices = @transform_0, window_bounds = array<i64: 2048, 128>}, {transform_indices = @transform_1, window_bounds = array<i64: 2048, 128>}, {transform_indices = @transform_2, window_bounds = array<i64: 2048, 128>}, {transform_indices = @transform_3, window_bounds = array<i64: 2048, 8>}, {transform_indices = @transform_4, window_bounds = array<i64: 2048, 8>}, {pipeline_mode = #tpu.pipeline_mode<synchronous>, transform_indices = @transform_5, window_bounds = array<i64: 1, 128>}, {transform_indices = @transform_6, window_bounds = array<i64: 2048, 128>}]} {
    %get3A = arith.constant 0 : index
    %get3A_0 = arith.constant 0 : index
    %get3A_1 = vector.load %arg4[%get3A, %get3A_0] : memref<2048x8xf32, #tpu.memory_space<vmem>>, vector<2048x1xf32>
    %get3A_2 = arith.constant 0 : index
    %get3A_3 = arith.constant 0 : index
    %get3A_4 = vector.load %arg5[%get3A_2, %get3A_3] : memref<2048x8xf32, #tpu.memory_space<vmem>>, vector<2048x1xf32>
    %add3A = arith.addf %get3A_1, %get3A_4 : vector<2048x1xf32>
    %max3A = arith.constant 1.000000e+00 : f32
    %max3A_5 = vector.broadcast %max3A : f32 to vector<2048x1xf32>
    %max3A_6 = arith.maximumf %add3A, %max3A_5 : vector<2048x1xf32>
    %get3A_7 = arith.constant 0 : index
    %get3A_8 = arith.constant 0 : index
    %get3A_9 = vector.load %arg1[%get3A_7, %get3A_8] : memref<2048x128xf32, #tpu.memory_space<vmem>>, vector<2048x128xf32>
    %get3A_10 = arith.constant 0 : index
    %get3A_11 = arith.constant 0 : index
    %get3A_12 = vector.load %arg2[%get3A_10, %get3A_11] : memref<2048x128xf32, #tpu.memory_space<vmem>>, vector<2048x128xf32>
    %get3A_13 = arith.constant 0 : index
    %get3A_14 = arith.constant 0 : index
    %get3A_15 = vector.load %arg3[%get3A_13, %get3A_14] : memref<2048x128xf32, #tpu.memory_space<vmem>>, vector<2048x128xf32>
    %add3A_16 = arith.addf %get3A_12, %get3A_15 : vector<2048x128xf32>
    %div3A = vector.broadcast %max3A_6 : vector<2048x1xf32> to vector<2048x128xf32>
    %div3A_17 = arith.divf %add3A_16, %div3A : vector<2048x128xf32>
    %add3A_18 = arith.addf %get3A_9, %div3A_17 : vector<2048x128xf32>
    %get3A_19 = arith.constant 0 : index
    %get3A_20 = arith.constant 0 : index
    %get3A_21 = vector.load %arg6[%get3A_19, %get3A_20] : memref<1x128xf32, #tpu.memory_space<vmem>>, vector<1x128xf32>
    %add3A_22 = vector.broadcast %get3A_21 : vector<1x128xf32> to vector<2048x128xf32>
    %add3A_23 = arith.addf %add3A_18, %add3A_22 : vector<2048x128xf32>
    %max3A_24 = arith.constant 0.000000e+00 : f32
    %max3A_25 = vector.broadcast %max3A_24 : f32 to vector<2048x128xf32>
    %max3A_26 = arith.maximumf %add3A_23, %max3A_25 : vector<2048x128xf32>
    %swap3A = arith.constant 0 : index
    %swap3A_27 = arith.constant 0 : index
    %swap3A_28 = vector.load %arg7[%swap3A, %swap3A_27] : memref<2048x128xf32, #tpu.memory_space<vmem>>, vector<2048x128xf32>
    tpu.vector_store %arg7[%swap3A, %swap3A_27], %max3A_26 {strides = array<i32>} : memref<2048x128xf32, #tpu.memory_space<vmem>>, vector<2048x128xf32>,
    return
  }
  func.func @transform_0(%arg0: i32) -> (i32, i32) {
    %c0_i32 = arith.constant 0 : i32
    %c0_i32_0 = arith.constant 0 : i32
    return %arg0, %c0_i32 : i32, i32
  }
  func.func @transform_1(%arg0: i32) -> (i32, i32) {
    %c0_i32 = arith.constant 0 : i32
    %c0_i32_0 = arith.constant 0 : i32
    return %arg0, %c0_i32 : i32, i32
  }
  func.func @transform_2(%arg0: i32) -> (i32, i32) {
    %add3A = arith.constant 5 : i32
    %add3A_0 = arith.addi %arg0, %add3A : i32
    %c0_i32 = arith.constant 0 : i32
    %c0_i32_1 = arith.constant 0 : i32
    return %add3A_0, %c0_i32 : i32, i32
  }
  func.func @transform_3(%arg0: i32) -> (i32, i32) {
    %c0_i32 = arith.constant 0 : i32
    %c0_i32_0 = arith.constant 0 : i32
    return %arg0, %c0_i32 : i32, i32
  }
  func.func @transform_4(%arg0: i32) -> (i32, i32) {
    %add3A = arith.constant 5 : i32
    %add3A_0 = arith.addi %arg0, %add3A : i32
    %c0_i32 = arith.constant 0 : i32
    %c0_i32_1 = arith.constant 0 : i32
    return %add3A_0, %c0_i32 : i32, i32
  }
  func.func @transform_5(%arg0: i32) -> (i32, i32) {
    %c0_i32 = arith.constant 0 : i32
    %c0_i32_0 = arith.constant 0 : i32
    %c0_i32_1 = arith.constant 0 : i32
    return %c0_i32, %c0_i32_0 : i32, i32
  }
  func.func @transform_6(%arg0: i32) -> (i32, i32) {
    %c0_i32 = arith.constant 0 : i32
    %c0_i32_0 = arith.constant 0 : i32
    return %arg0, %c0_i32 : i32, i32
  }
}

module attributes {stable_mosaic.version = 14 : i64} {
  func.func @body(%arg0: memref<5000x128xf32, #tpu.memory_space<vmem>>, %arg1: memref<5000x128xf32, #tpu.memory_space<vmem>>, %arg2: memref<5000x128xf32, #tpu.memory_space<vmem>>, %arg3: memref<5000x128xf32, #tpu.memory_space<vmem>>, %arg4: memref<2x128xf32, #tpu.memory_space<vmem>>, %arg5: memref<128x128xf32, #tpu.memory_space<vmem>>, %arg6: memref<1x128xf32, #tpu.memory_space<vmem>>, %arg7: memref<128x128xf32, #tpu.memory_space<vmem>>, %arg8: memref<1x128xf32, #tpu.memory_space<vmem>>, %arg9: memref<128x128xf32, #tpu.memory_space<vmem>>, %arg10: memref<1x128xf32, #tpu.memory_space<vmem>>, %arg11: memref<128x1xf32, #tpu.memory_space<vmem>>, %arg12: memref<128x1xf32, #tpu.memory_space<vmem>>, %arg13: memref<128x1xf32, #tpu.memory_space<vmem>>, %arg14: memref<1x1xf32, #tpu.memory_space<vmem>>, %arg15: memref<5000x1xf32, #tpu.memory_space<vmem>>) attributes {dimension_semantics = [], scalar_prefetch = 0 : i64, scratch_operands = 0 : i64, tpu.core_type = #tpu.core_type<tc>} {
    %get3A = arith.constant 0 : index
    %get3A_0 = arith.constant 0 : index
    %get3A_1 = vector.load %arg4[%get3A, %get3A_0] : memref<2x128xf32, #tpu.memory_space<vmem>>, vector<2x128xf32>
    %get3A_2 = arith.constant 0 : index
    %get3A_3 = arith.constant 0 : index
    %get3A_4 = vector.load %arg5[%get3A_2, %get3A_3] : memref<128x128xf32, #tpu.memory_space<vmem>>, vector<128x128xf32>
    %dot_general3A = arith.constant dense<0.000000e+00> : vector<2x128xf32>
    %dot_general3A_5 = tpu.matmul %get3A_1, %get3A_4, %dot_general3A {dimension_numbers = #tpu.dot_dimension_numbers<[1], [0], [0], [1], [0, 0, 1, 1], [], []>, transpose_lhs_hint = false} : vector<2x128xf32>, vector<128x128xf32>, vector<2x128xf32> -> vector<2x128xf32>
    %get3A_6 = arith.constant 0 : index
    %get3A_7 = arith.constant 0 : index
    %get3A_8 = vector.load %arg6[%get3A_6, %get3A_7] : memref<1x128xf32, #tpu.memory_space<vmem>>, vector<1x128xf32>
    %add3A = vector.broadcast %get3A_8 : vector<1x128xf32> to vector<2x128xf32>
    %add3A_9 = arith.addf %dot_general3A_5, %add3A : vector<2x128xf32>
    %get3A_10 = arith.constant 0 : index
    %get3A_11 = arith.constant 0 : index
    %get3A_12 = vector.load %arg0[%get3A_10, %get3A_11] : memref<5000x128xf32, #tpu.memory_space<vmem>>, vector<5000x128xf32>
    %get3A_13 = arith.constant 0 : index
    %get3A_14 = arith.constant 0 : index
    %get3A_15 = vector.load %arg1[%get3A_13, %get3A_14] : memref<5000x128xf32, #tpu.memory_space<vmem>>, vector<5000x128xf32>
    %slice3A = vector.extract_strided_slice %add3A_9 {offsets = [0, 0], sizes = [1, 128], strides = [1, 1]} : vector<2x128xf32> to vector<1x128xf32>
    %mul3A = vector.broadcast %slice3A : vector<1x128xf32> to vector<5000x128xf32>
    %mul3A_16 = arith.mulf %get3A_12, %mul3A : vector<5000x128xf32>
    %reduce_sum3A = arith.constant dense<0.000000e+00> : vector<5000xf32>
    %reduce_sum3A_17 = vector.multi_reduction <add>, %mul3A_16, %reduce_sum3A [1] : vector<5000x128xf32> to vector<5000xf32>
    %broadcast_in_dim3A = vector.shape_cast %reduce_sum3A_17 : vector<5000xf32> to vector<5000x1xf32>
    %mul3A_18 = arith.constant 0.0883883461 : f32
    %mul3A_19 = vector.broadcast %mul3A_18 : f32 to vector<5000x1xf32>
    %mul3A_20 = arith.mulf %broadcast_in_dim3A, %mul3A_19 : vector<5000x1xf32>
    %slice3A_21 = vector.extract_strided_slice %add3A_9 {offsets = [1, 0], sizes = [1, 128], strides = [1, 1]} : vector<2x128xf32> to vector<1x128xf32>
    %mul3A_22 = vector.broadcast %slice3A_21 : vector<1x128xf32> to vector<5000x128xf32>
    %mul3A_23 = arith.mulf %get3A_15, %mul3A_22 : vector<5000x128xf32>
    %reduce_sum3A_24 = arith.constant dense<0.000000e+00> : vector<5000xf32>
    %reduce_sum3A_25 = vector.multi_reduction <add>, %mul3A_23, %reduce_sum3A_24 [1] : vector<5000x128xf32> to vector<5000xf32>
    %broadcast_in_dim3A_26 = vector.shape_cast %reduce_sum3A_25 : vector<5000xf32> to vector<5000x1xf32>
    %mul3A_27 = arith.constant 0.0883883461 : f32
    %mul3A_28 = vector.broadcast %mul3A_27 : f32 to vector<5000x1xf32>
    %mul3A_29 = arith.mulf %broadcast_in_dim3A_26, %mul3A_28 : vector<5000x1xf32>
    %max3A = arith.maximumf %mul3A_20, %mul3A_29 : vector<5000x1xf32>
    %sub3A = arith.subf %mul3A_20, %max3A : vector<5000x1xf32>
    %exp3A = math.exp %sub3A : vector<5000x1xf32>
    %sub3A_30 = arith.subf %mul3A_29, %max3A : vector<5000x1xf32>
    %exp3A_31 = math.exp %sub3A_30 : vector<5000x1xf32>
    %add3A_32 = arith.addf %exp3A, %exp3A_31 : vector<5000x1xf32>
    %div3A = arith.divf %exp3A, %add3A_32 : vector<5000x1xf32>
    %mul3A_33 = vector.broadcast %div3A : vector<5000x1xf32> to vector<5000x128xf32>
    %mul3A_34 = arith.mulf %mul3A_33, %get3A_12 : vector<5000x128xf32>
    %div3A_35 = arith.divf %exp3A_31, %add3A_32 : vector<5000x1xf32>
    %mul3A_36 = vector.broadcast %div3A_35 : vector<5000x1xf32> to vector<5000x128xf32>
    %mul3A_37 = arith.mulf %mul3A_36, %get3A_15 : vector<5000x128xf32>
    %add3A_38 = arith.addf %mul3A_34, %mul3A_37 : vector<5000x128xf32>
    %get3A_39 = arith.constant 0 : index
    %get3A_40 = arith.constant 0 : index
    %get3A_41 = vector.load %arg7[%get3A_39, %get3A_40] : memref<128x128xf32, #tpu.memory_space<vmem>>, vector<128x128xf32>
    %dot_general3A_42 = arith.constant dense<0.000000e+00> : vector<5000x128xf32>
    %dot_general3A_43 = tpu.matmul %add3A_38, %get3A_41, %dot_general3A_42 {dimension_numbers = #tpu.dot_dimension_numbers<[1], [0], [0], [1], [0, 0, 1, 1], [], []>, transpose_lhs_hint = false} : vector<5000x128xf32>, vector<128x128xf32>, vector<5000x128xf32> -> vector<5000x128xf32>
    %get3A_44 = arith.constant 0 : index
    %get3A_45 = arith.constant 0 : index
    %get3A_46 = vector.load %arg8[%get3A_44, %get3A_45] : memref<1x128xf32, #tpu.memory_space<vmem>>, vector<1x128xf32>
    %add3A_47 = vector.broadcast %get3A_46 : vector<1x128xf32> to vector<5000x128xf32>
    %add3A_48 = arith.addf %dot_general3A_43, %add3A_47 : vector<5000x128xf32>
    %get3A_49 = arith.constant 0 : index
    %get3A_50 = arith.constant 0 : index
    %get3A_51 = vector.load %arg3[%get3A_49, %get3A_50] : memref<5000x128xf32, #tpu.memory_space<vmem>>, vector<5000x128xf32>
    %get3A_52 = arith.constant 0 : index
    %get3A_53 = arith.constant 0 : index
    %get3A_54 = vector.load %arg9[%get3A_52, %get3A_53] : memref<128x128xf32, #tpu.memory_space<vmem>>, vector<128x128xf32>
    %dot_general3A_55 = arith.constant dense<0.000000e+00> : vector<5000x128xf32>
    %dot_general3A_56 = tpu.matmul %add3A_48, %get3A_54, %dot_general3A_55 {dimension_numbers = #tpu.dot_dimension_numbers<[1], [0], [0], [1], [0, 0, 1, 1], [], []>, transpose_lhs_hint = false} : vector<5000x128xf32>, vector<128x128xf32>, vector<5000x128xf32> -> vector<5000x128xf32>
    %get3A_57 = arith.constant 0 : index
    %get3A_58 = arith.constant 0 : index
    %get3A_59 = vector.load %arg10[%get3A_57, %get3A_58] : memref<1x128xf32, #tpu.memory_space<vmem>>, vector<1x128xf32>
    %add3A_60 = vector.broadcast %get3A_59 : vector<1x128xf32> to vector<5000x128xf32>
    %add3A_61 = arith.addf %dot_general3A_56, %add3A_60 : vector<5000x128xf32>
    %tanh3A = math.tanh %add3A_61 : vector<5000x128xf32>
    %get3A_62 = arith.constant 0 : index
    %get3A_63 = arith.constant 0 : index
    %get3A_64 = vector.load %arg11[%get3A_62, %get3A_63] : memref<128x1xf32, #tpu.memory_space<vmem>>, vector<128x1xf32>
    %dot_general3A_65 = arith.constant dense<0.000000e+00> : vector<5000x1xf32>
    %dot_general3A_66 = tpu.matmul %tanh3A, %get3A_64, %dot_general3A_65 {dimension_numbers = #tpu.dot_dimension_numbers<[1], [0], [0], [1], [0, 0, 1, 1], [], []>, transpose_lhs_hint = false} : vector<5000x128xf32>, vector<128x1xf32>, vector<5000x1xf32> -> vector<5000x1xf32>
    %get3A_67 = arith.constant 0 : index
    %get3A_68 = arith.constant 0 : index
    %get3A_69 = vector.load %arg9[%get3A_67, %get3A_68] : memref<128x128xf32, #tpu.memory_space<vmem>>, vector<128x128xf32>
    %dot_general3A_70 = arith.constant dense<0.000000e+00> : vector<5000x128xf32>
    %dot_general3A_71 = tpu.matmul %get3A_51, %get3A_69, %dot_general3A_70 {dimension_numbers = #tpu.dot_dimension_numbers<[1], [0], [0], [1], [0, 0, 1, 1], [], []>, transpose_lhs_hint = false} : vector<5000x128xf32>, vector<128x128xf32>, vector<5000x128xf32> -> vector<5000x128xf32>
    %get3A_72 = arith.constant 0 : index
    %get3A_73 = arith.constant 0 : index
    %get3A_74 = vector.load %arg10[%get3A_72, %get3A_73] : memref<1x128xf32, #tpu.memory_space<vmem>>, vector<1x128xf32>
    %add3A_75 = vector.broadcast %get3A_74 : vector<1x128xf32> to vector<5000x128xf32>
    %add3A_76 = arith.addf %dot_general3A_71, %add3A_75 : vector<5000x128xf32>
    %tanh3A_77 = math.tanh %add3A_76 : vector<5000x128xf32>
    %get3A_78 = arith.constant 0 : index
    %get3A_79 = arith.constant 0 : index
    %get3A_80 = vector.load %arg11[%get3A_78, %get3A_79] : memref<128x1xf32, #tpu.memory_space<vmem>>, vector<128x1xf32>
    %dot_general3A_81 = arith.constant dense<0.000000e+00> : vector<5000x1xf32>
    %dot_general3A_82 = tpu.matmul %tanh3A_77, %get3A_80, %dot_general3A_81 {dimension_numbers = #tpu.dot_dimension_numbers<[1], [0], [0], [1], [0, 0, 1, 1], [], []>, transpose_lhs_hint = false} : vector<5000x128xf32>, vector<128x1xf32>, vector<5000x1xf32> -> vector<5000x1xf32>
    %reduce_sum3A_83 = arith.constant dense<0.000000e+00> : vector<1xf32>
    %reduce_sum3A_84 = vector.multi_reduction <add>, %dot_general3A_66, %reduce_sum3A_83 [0] : vector<5000x1xf32> to vector<1xf32>
    %broadcast_in_dim3A_85 = vector.shape_cast %reduce_sum3A_84 : vector<1xf32> to vector<1x1xf32>
    %mul3A_86 = arith.constant 2.000000e-04 : f32
    %mul3A_87 = vector.broadcast %mul3A_86 : f32 to vector<1x1xf32>
    %mul3A_88 = arith.mulf %broadcast_in_dim3A_85, %mul3A_87 : vector<1x1xf32>
    %reduce_sum3A_89 = arith.constant dense<0.000000e+00> : vector<1xf32>
    %reduce_sum3A_90 = vector.multi_reduction <add>, %dot_general3A_82, %reduce_sum3A_89 [0] : vector<5000x1xf32> to vector<1xf32>
    %broadcast_in_dim3A_91 = vector.shape_cast %reduce_sum3A_90 : vector<1xf32> to vector<1x1xf32>
    %mul3A_92 = arith.constant 2.000000e-04 : f32
    %mul3A_93 = vector.broadcast %mul3A_92 : f32 to vector<1x1xf32>
    %mul3A_94 = arith.mulf %broadcast_in_dim3A_91, %mul3A_93 : vector<1x1xf32>
    %max3A_95 = arith.maximumf %mul3A_88, %mul3A_94 : vector<1x1xf32>
    %sub3A_96 = arith.subf %mul3A_88, %max3A_95 : vector<1x1xf32>
    %exp3A_97 = math.exp %sub3A_96 : vector<1x1xf32>
    %sub3A_98 = arith.subf %mul3A_94, %max3A_95 : vector<1x1xf32>
    %exp3A_99 = math.exp %sub3A_98 : vector<1x1xf32>
    %add3A_100 = arith.addf %exp3A_97, %exp3A_99 : vector<1x1xf32>
    %div3A_101 = arith.divf %exp3A_97, %add3A_100 : vector<1x1xf32>
    %mul3A_102 = vector.broadcast %div3A_101 : vector<1x1xf32> to vector<5000x128xf32>
    %mul3A_103 = arith.mulf %mul3A_102, %add3A_48 : vector<5000x128xf32>
    %div3A_104 = arith.divf %exp3A_99, %add3A_100 : vector<1x1xf32>
    %mul3A_105 = vector.broadcast %div3A_104 : vector<1x1xf32> to vector<5000x128xf32>
    %mul3A_106 = arith.mulf %mul3A_105, %get3A_51 : vector<5000x128xf32>
    %add3A_107 = arith.addf %mul3A_103, %mul3A_106 : vector<5000x128xf32>
    %get3A_108 = arith.constant 0 : index
    %get3A_109 = arith.constant 0 : index
    %get3A_110 = vector.load %arg12[%get3A_108, %get3A_109] : memref<128x1xf32, #tpu.memory_space<vmem>>, vector<128x1xf32>
    %dot_general3A_111 = arith.constant dense<0.000000e+00> : vector<5000x1xf32>
    %dot_general3A_112 = tpu.matmul %add3A_107, %get3A_110, %dot_general3A_111 {dimension_numbers = #tpu.dot_dimension_numbers<[1], [0], [0], [1], [0, 0, 1, 1], [], []>, transpose_lhs_hint = false} : vector<5000x128xf32>, vector<128x1xf32>, vector<5000x1xf32> -> vector<5000x1xf32>
    %get3A_113 = arith.constant 0 : index
    %get3A_114 = arith.constant 0 : index
    %get3A_115 = vector.load %arg2[%get3A_113, %get3A_114] : memref<5000x128xf32, #tpu.memory_space<vmem>>, vector<5000x128xf32>
    %get3A_116 = arith.constant 0 : index
    %get3A_117 = arith.constant 0 : index
    %get3A_118 = vector.load %arg13[%get3A_116, %get3A_117] : memref<128x1xf32, #tpu.memory_space<vmem>>, vector<128x1xf32>
    %dot_general3A_119 = arith.constant dense<0.000000e+00> : vector<5000x1xf32>
    %dot_general3A_120 = tpu.matmul %get3A_115, %get3A_118, %dot_general3A_119 {dimension_numbers = #tpu.dot_dimension_numbers<[1], [0], [0], [1], [0, 0, 1, 1], [], []>, transpose_lhs_hint = false} : vector<5000x128xf32>, vector<128x1xf32>, vector<5000x1xf32> -> vector<5000x1xf32>
    %add3A_121 = arith.addf %dot_general3A_112, %dot_general3A_120 : vector<5000x1xf32>
    %get3A_122 = arith.constant 0 : index
    %get3A_123 = arith.constant 0 : index
    %get3A_124 = vector.load %arg14[%get3A_122, %get3A_123] : memref<1x1xf32, #tpu.memory_space<vmem>>, vector<1x1xf32>
    %add3A_125 = vector.broadcast %get3A_124 : vector<1x1xf32> to vector<5000x1xf32>
    %add3A_126 = arith.addf %add3A_121, %add3A_125 : vector<5000x1xf32>
    %swap3A = arith.constant 0 : index
    %swap3A_127 = arith.constant 0 : index
    %swap3A_128 = vector.load %arg15[%swap3A, %swap3A_127] : memref<5000x1xf32, #tpu.memory_space<vmem>>, vector<5000x1xf32>
    tpu.vector_store %arg15[%swap3A, %swap3A_127], %add3A_126 {strides = array<i32>} : memref<5000x1xf32, #tpu.memory_space<vmem>>, vector<5000x1xf32>,
    return
  }
}

</mosaic_0001>

<sc_bundles>
// kernel: kernel.26.cloned.1.call-start
scs
__scs_entry_jumppad:
0x0: {  	(pc) =	sbr.rel $0x88, $3  }
0x1: {  	(tag) =	ssettag $0x0;
	lr =	simm.s32 $0x1  }
0x2: {  	[smem:$0x3F7E] =	sst lr;
	_ =	strace $0xD0000000  }
0x3: {  	_ = 	snop  }
0x4: {  	_ = 	snop  }
0x5: {  	_ = 	snop  }
0x6: {  	_ = 	snop  }
0x7: {  	_ = 	snop  }
__scs_overlays_trampoline_lowered:
0x8: {  	[smem:$0x3F8D] =	sst s0  }
0x9: {  	[smem:$0x3F8E] =	sst s1  }
0xa: {  	[smem:$0x3F8F] =	sst s2  }
0xb: {  	[smem:$0x3F90] =	sst s3  }
0xc: {  	[smem:$0x3F91] =	sst s4  }
0xd: {  	[smem:$0x3F92] =	sst s5  }
0xe: {  	[smem:$0x3F93] =	sst s6  }
0xf: {  	[smem:$0x3F94] =	sst s7  }
0x10: {  	[smem:$0x3F95] =	sst s8  }
0x11: {  	[smem:$0x3F96] =	sst s9;
	s0 =	simm.s32 @!p0 $0x0  }
0x12: {  	s1 =	sld [smem:$0x3F7C];
	s0 =	simm.s32 @p0 $0x1  }
0x13: {  	[smem:$0x3F97] =	sst s0;
	s0 =	simm.s32 @!p1 $0x0  }
0x14: {  	s2 =	sld [smem:$0x3F7B];
	s0 =	simm.s32 @p1 $0x1  }
0x15: {  	[smem:$0x3F98] =	sst s0;
	s0 =	simm.s32 @!p2 $0x0  }
0x16: {  	s3 =	sld [smem:$0x3FDB];
	s0 =	simm.s32 @p2 $0x1  }
0x17: {  	s4 =	simm.s32 $0x1BF5;
	[smem:$0x3F9A] =	sst s0  }
0x18: {  	s0 =	sld [smem:$0x3F7D];
	_ =	swait.ge [sflag:s4], $0x0  }
0x19: {  	s7 =	sld [smem:$0x3F7E]  }
0x1a: {  	s8 =	sadd.s32 $0xFFFFE003, lr  }
0x1b: {  	s9 =	sadd.s32 $0xFFFFFEF7, lr;
	s5 =	simm.s32 $0xFFFFFFFF;
	p2 =	slt.u32 s8, $0xFFFFF086  }
0x1c: {  	p1 =	slt.u32 s9, $0xF7A;
	s5 =	simm.s32 @!p2 $0x0  }
0x1d: {  	s5 =	simm.s32 @p1 $0x1;
	p0 =	seq.s32 s7, s2  }
0x1e: {  	s7 =	smul.u32 @!p0 $0xF7A, s2;
	p2 =	seq.s32 @!p0 s5, $0x0  }
0x1f: {  	s9 =	smul.u32 $0xF7A, s1;
	s8 =	simm.s32 @!p0 $0x1BF5;
	p2 =	por !p2, p0  }
0x20: {  	[sflag:s8] =	ssyncset.s32 @!p0 $0xFFFFF086;
	s6 =	sadd.s32 @!p0 s3, s7;
	s7 =	simm.s32 @!p0 $0x108  }
0x21: {  	s3 =	sadd.s32 s3, s9;
	s6 =	sadd.s32 @!p0 $0x88, s6;
	s7 =	simm.s32 @p2 $0x1082  }
0x22: {  	[simem:s7], [sflag:s8] =	dma.local @!p0 [hbm:s6], $0xF7A  }
0x23: {  	s9 =	sor.u32 $0xD0000000, s2;
	s6 =	simm.s32 $0x108;
	_ =	swait.ge @!p0 [sflag:s8], $0x0  }
0x24: {  	s3 =	sadd.s32 $0x88, s3;
	s6 =	simm.s32 @!p1 $0x1082;
	[sflag:s4] =	ssyncset.s32 $0xFFFFF086  }
0x25: {  	[simem:s6], [sflag:s4] =	dma.local [hbm:s3], $0xF7A  }
0x26: {  	[smem:$0x3F7E] =	sst s1;
	(tag) =	ssettag s2;
	_ =	strace s9  }
0x27: {  	s1 =	sld [smem:$0x3F8E]  }
0x28: {  	s2 =	sld [smem:$0x3F8F]  }
0x29: {  	s4 =	sld [smem:$0x3F91]  }
0x2a: {  	p0 =	seq.s32 s5, $0x0;
	s5 =	sld [smem:$0x3F92]  }
0x2b: {  	s6 =	sld [smem:$0x3F93]  }
0x2c: {  	s7 =	sld [smem:$0x3F94]  }
0x2d: {  	s3 =	simm.s32 $0x108;
	s8 =	sld [smem:$0x3F95]  }
0x2e: {  	s3 =	simm.s32 @!p0 $0x1082;
	s9 =	sld [smem:$0x3F96]  }
0x2f: {  	lr =	sadd.s32 s0, s3;
	s0 =	sld [smem:$0x3F8D]  }
0x30: {  	s3 =	sld [smem:$0x3F90]  }
0x31: {  	[smem:$0x3F99] =	sst s10  }
0x32: {  	s10 =	sld [smem:$0x3F97];
	_ =	sdelay $0x3  }
0x33: {  	p0 =	seq.s32 s10, $0x1;
	s10 =	sld [smem:$0x3F99];
	_ =	sdelay $0x3  }
0x34: {  	[smem:$0x3F99] =	sst s10  }
0x35: {  	s10 =	sld [smem:$0x3F98];
	_ =	sdelay $0x3  }
0x36: {  	p1 =	seq.s32 s10, $0x1;
	s10 =	sld [smem:$0x3F99];
	_ =	sdelay $0x3  }
0x37: {  	[smem:$0x3F99] =	sst s10  }
0x38: {  	s10 =	sld [smem:$0x3F9A]  }
0x39: {  	_ = 	snop;
	(pc) =	sbr.ind lr, $3  }
0x3a: {  	_ = 	snop  }
0x3b: {  	_ = 	snop  }
0x3c: {  	p2 =	seq.s32 s10, $0x1;
	s10 =	sld [smem:$0x3F99]  }
0x3d: {  	_ =	shalt  }
0x3e: {  	_ =	shalt  }
0x3f: {  	_ =	shalt  }
0x40: {  	_ =	shalt  }
0x41: {  	_ =	shalt  }
0x42: {  	_ =	shalt  }
0x43: {  	_ =	shalt  }
0x44: {  	_ =	shalt  }
0x45: {  	_ =	shalt  }
0x46: {  	_ =	shalt  }
0x47: {  	_ =	shalt  }
0x48: {  	_ =	shalt  }
0x49: {  	_ =	shalt  }
0x4a: {  	_ =	shalt  }
0x4b: {  	_ =	shalt  }
0x4c: {  	_ =	shalt  }
0x4d: {  	_ =	shalt  }
0x4e: {  	_ =	shalt  }
0x4f: {  	_ =	shalt  }
0x50: {  	_ =	shalt  }
0x51: {  	_ =	shalt  }
0x52: {  	_ =	shalt  }
0x53: {  	_ =	shalt  }
0x54: {  	_ =	shalt  }
0x55: {  	_ =	shalt  }
0x56: {  	_ =	shalt  }
0x57: {  	_ =	shalt  }
0x58: {  	_ =	shalt  }
0x59: {  	_ =	shalt  }
0x5a: {  	_ =	shalt  }
0x5b: {  	_ =	shalt  }
0x5c: {  	_ =	shalt  }
0x5d: {  	_ =	shalt  }
0x5e: {  	_ =	shalt  }
0x5f: {  	_ =	shalt  }
0x60: {  	_ =	shalt  }
0x61: {  	_ =	shalt  }
0x62: {  	_ =	shalt  }
0x63: {  	_ =	shalt  }
0x64: {  	_ =	shalt  }
0x65: {  	_ =	shalt  }
0x66: {  	_ =	shalt  }
0x67: {  	_ =	shalt  }
0x68: {  	_ =	shalt  }
0x69: {  	_ =	shalt  }
0x6a: {  	_ =	shalt  }
0x6b: {  	_ =	shalt  }
0x6c: {  	_ =	shalt  }
0x6d: {  	_ =	shalt  }
0x6e: {  	_ =	shalt  }
0x6f: {  	_ =	shalt  }
0x70: {  	_ =	shalt  }
0x71: {  	_ =	shalt  }
0x72: {  	_ =	shalt  }
0x73: {  	_ =	shalt  }
0x74: {  	_ =	shalt  }
0x75: {  	_ =	shalt  }
0x76: {  	_ =	shalt  }
0x77: {  	_ =	shalt  }
0x78: {  	_ =	shalt  }
0x79: {  	_ =	shalt  }
0x7a: {  	_ =	shalt  }
0x7b: {  	_ =	shalt  }
0x7c: {  	_ =	shalt  }
0x7d: {  	_ =	shalt  }
0x7e: {  	_ =	shalt  }
0x7f: {  	_ =	shalt  }
0x80: {  	_ =	shalt  }
0x81: {  	_ =	shalt  }
0x82: {  	_ =	shalt  }
0x83: {  	_ =	shalt  }
0x84: {  	_ =	shalt  }
0x85: {  	_ =	shalt  }
0x86: {  	_ =	shalt  }
0x87: {  	_ =	shalt  }
.Lfunc_end0:
.L_simem_size_0:
called_computation_lowered:
.L_overlay_start_0:
0x88: {  	s2 =	sld [smem:$0x3FD9]  }
0x89: {  	s3 =	sld [smem:$0x3FFE];
	_ =	sdelay $0x1  }
0x8a: {  	s1 =	srdreg.scid  }
0x8b: {  	s0 =	sand.u32 $0x1, s1  }
0x8c: {  	s17 =	sshll.u32 s0, $0xA;
	s2 =	sadd.s32 s3, s2  }
0x8d: {  	s2 =	sadd.s32 s2, s17  }
0x8e: {  	[smem:$0x3FA5] =	sst s2  }
0x8f: {  	_ = 	snop  }
0x90: {  	(tm) =	ssettm $0x1  }
0x91: {  	s18 =	sld [smem:$0x3FFB];
	_ =	sdelay $0x3  }
0x92: {  	_ =	strace s18  }
0x93: {  	s2 =	sld [smem:$0x3FFC];
	_ =	sdelay $0x3  }
0x94: {  	_ =	strace s2  }
0x95: {  	s2 =	sld [smem:$0x3FFD];
	_ =	sdelay $0x3  }
0x96: {  	_ =	strace s2  }
0x97: {  	_ =	strace $0x8FFFFFFF  }
0x98: {  	s19 =	sld [smem:$0x3FDB];
	_ =	sdelay $0x1  }
0x99: {  	s20 =	simm.s32 $_scs_section_size  }
0x9a: {  	s4 =	simm.s32 $_size__tile_overlayer_lowered;
	s5 =	simm.s32 $_tile_overlayer_lowered  }
0x9b: {  	s6 =	simm.s32 $0x1BFF;
	s21 =	sshll.u32 s5, $0x1;
	s3 =	sadd.s32 s20, s19  }
0x9c: {  	s22 =	simm.s32 $0x0;
	s4 =	sshll.u32 s4, $0x1;
	s5 =	sadd.s32 s21, s3  }
0x9d: {  	[timem:s22], [sflag:s6] =	dma.local [hbm:s5], s4  }
0x9e: {  	_ =	swait.ge [sflag:s6], s4  }
0x9f: {  	s4 =	ssub.s32 $0x0, s4;
	[sflag:s6] =	ssyncset.done $0x0  }
0xa0: {  	[sflag:s6] =	ssyncadd.s32 s4;
	_ =	sdelay $0x1  }
0xa1: {  	s23 =	simm.s32 $0x1B8B  }
0xa2: {  	_ =	swait.ge [sflag:s23], $0x1  }
0xa3: {  	[sflag:s23] =	ssyncset.done $0x0  }
0xa4: {  	[sflag:s23] =	ssyncadd.s32 $0xFFFFFFFF  }
0xa5: {  	s4 =	sld [smem:$0x0]  }
0xa6: {  	s5 =	sand.u32 $0xFFFFFFFE, s1  }
0xa7: {  	p0 =	sne.s32 s1, s5  }
0xa8: {  	s5 =	sshll.u32 @p0 s5, $0xE  }
0xa9: {  	s5 =	sadd.s32 @p0 $0x11B8D, s5;
	s6 =	sshll.u32 @p0 s4, $0x11  }
0xaa: {  	s5 =	sor.u32 @p0 s6, s5  }
0xab: {  	[sflag:s5] =	ssyncadd.remote.s32 @p0 $0x1;
	_ =	sdelay $0x1  }
0xac: {  	s5 =	simm.s32 @p0 $0x1B8D  }
0xad: {  	_ =	swait.eq @p0 [sflag:s5], $0x1  }
0xae: {  	[sflag:s5] =	ssyncadd.s32 @p0 $0xFFFFFFFF  }
0xaf: {  	s6 =	sshll.u32 @!p0 s1, $0xE  }
0xb0: {  	s6 =	sor.u32 @!p0 $0x4000, s6;
	s5 =	simm.s32 @!p0 $0x1B8D  }
0xb1: {  	s4 =	sshll.u32 @!p0 s4, $0x11;
	s6 =	sadd.s32 @!p0 $0x11B8D, s6;
	_ =	swait.eq @!p0 [sflag:s5], $0x1  }
0xb2: {  	s4 =	sor.u32 @!p0 s4, s6;
	[sflag:s5] =	ssyncadd.s32 @!p0 $0xFFFFFFFF  }
0xb3: {  	s25 =	simm.s32 $0x1B8E;
	s24 =	sld [smem:$0x3FFE];
	[sflag:s4] =	ssyncadd.remote.s32 @!p0 $0x1  }
0xb4: {  	s26 =	simm.s32 $execute0_lowered;
	[smem:$0x3FD2] =	sst s25  }
0xb5: {  	s5 =	sshll.u32 s26, $0x1;
	_ =	strace $0x80000049;
	[dreg:$0x1] =	wrdreg $0xFFFFFFFF  }
0xb6: {  	s28 =	simm.s32 $_size_execute0_lowered;
	s3 =	sadd.s32 s3, s5;
	[dreg:$0x0] =	wrdreg $0x0  }
0xb7: {  	s5 =	sshll.u32 s28, $0x1;
	[dreg:$0x2] =	wrdreg s3  }
0xb8: {  	[dreg:$0x3] =	wrdreg s5  }
0xb9: {  	[dreg:$0x4] =	wrdreg $0xC0  }
0xba: {  	_ =	task [dreg:s22], $0x5FFFF  }
0xbb: {  	[dreg:$0x1] =	wrdreg $0xFFFFFFFF  }
0xbc: {  	[dreg:$0x0] =	wrdreg $0x60  }
0xbd: {  	[dreg:$0x2] =	wrdreg s24  }
0xbe: {  	[dreg:$0x3] =	wrdreg $0x40800  }
0xbf: {  	[dreg:$0x4] =	wrdreg $0x9  }
0xc0: {  	_ =	task.clear_ibuf [dreg:s22], $0x5FFFF;
	_ =	strace $0x90000049  }
0xc1: {  	s29 =	simm.s32 $0x9;
	_ =	strace $0x8000004B  }
0xc2: {  	_ =	swait.ge [sflag:s29], $0x1  }
0xc3: {  	[sflag:s29] =	ssyncadd.s32 $0xFFFFFFFF  }
0xc4: {  	_ =	strace $0x9000004B  }
0xc5: {  	_ =	sfence  }
0xc6: {  	s30 =	sld [smem:$0x0];
	_ =	sdelay $0x2  }
0xc7: {  	s31 =	sshll.u32 s1, $0xD;
	s1 =	sshrl.u32 s1, $0x2  }
0xc8: {  	s4 =	sand.u32 $0x4000, s31;
	s1 =	sadd.s32 s1, s30  }
0xc9: {  	s0 =	sor.u32 s4, s0;
	s1 =	sshll.u32 s1, $0x11  }
0xca: {  	s0 =	sor.u32 s1, s0  }
0xcb: {  	s0 =	sadd.s32 $0x8F2B, s0  }
0xcc: {  	[sflag:s0] =	ssyncadd.remote.s32 $0x1  }
0xcd: {  	_ =	sfence.sel $0xFFFF  }
0xce: {  	[dreg:$0x0] =	wrdreg $0xFFFFFFFF;
	(pc) =	sbr.abs _section_cstart, $3  }
0xcf: {  	[dreg:$0x1] =	wrdreg $0xFFFFFFFF  }
0xd0: {  	_ =	task.clear_ibuf [dreg:s22], $0x2FFFF;
	_ =	strace $0x9FFFFFFF  }
0xd1: {  	(tm) =	ssettm $0x7FFFFFFF  }
tec
execute0_lowered:
.L_overlay_start_1:
0x0: {  	(tag) =	ssettag $0x1  }
0x1: {  	s5 =	rddreg [dreg:$0x0];
	s1 =	srdreg.scid  }
0x2: {  	s0 =	stileid.u32;
	s2 =	rddreg [dreg:$0x1]  }
0x3: {  	s3 =	simm.s32 $0x0;
	s17 =	simm.s32 $0x80;
	s18 =	simm.s32 $0x1  }
0x4: {  	s6 =	sand.u32 $0x1, s1;
	s7 =	smul.u32 $0x280, s0;
	s1 =	rddreg [dreg:$0x2]  }
0x5: {  	s19 =	simm.s32 $0x0;
	[smem:$0x7FF] =	sst s3;
	s9 =	smul.u32 $0x50000, s0  }
0x6: {  	s4 =	sadd.s32 $0x13200, s5;
	s30 =	sshll.u32 s0, $0x1;
	s8 =	smul.u32 $0x2800, s6  }
0x7: {  	_ =	strace $0x8000004A;
	s28 =	ssub.s32 $0x2, s6;
	s6 =	sor.u32 s6, s30  }
0x8: {  	s29 =	sshrl.u32 s28, $0x1;
	s31 =	sshrl.u32 s9, $0x2;
	s7 =	sadd.s32 s7, s8  }
0x9: {  	s6 =	smul.u32 $0x2800, s6;
	s8 =	ssub.s32 s28, s29;
	s7 =	sshll.u32 s7, $0x4  }
0xa: {  	s16 =	sadd.s32 s7, s5;
	s5 =	sadd.s32 s31, s2;
	s7 =	smax.u32 s8, $0x1  }
0xb: {  	s8 =	sadd.s32 $0x4000, s5;
	s9 =	sadd.s32 $0x8000, s5;
	s10 =	sadd.s32 $0xC000, s5  }
0xc: {  	s11 =	sadd.s32 $0x10000, s5;
	s12 =	sadd.s32 $0x95200, s16;
	s13 =	sadd.s32 $0x95A00, s16  }
0xd: {  	v0 =	vimm.f32 $0.0e+00;
	v1 =	vimm.f32 $1.000000000e+00;
	s14 =	sadd.s32 $0x96200, s16;
	s15 =	sadd.s32 $0x96A00, s16;
	s16 =	sadd.s32 $0x97200, s16  }
.LBB2_1:
0xe: {  	s20 =	sand.u32 $0xFE00, s3  }
0xf: {  	s21 =	sand.u32 $0x70, s3;
	s22 =	sshrl.u32 s20, $0x2  }
0x10: {  	s20 =	simm.s32 $0x40;
	s22 =	sor.u32 s21, s22;
	s21 =	simm.s32 $0x0  }
.LBB2_2:
0x11: {  	p0 =	sne.s32 s20, $0xFFC0  }
0x12: {  	[tilespmem:s22+$0x80] =	vst v0;
	s21 =	sadd.s32 $0x10, s21;
	s22 =	smov.u32 s20;
	s20 =	sadd.s32 $0x40, s20  }
.Ltmp0:
0x13: {  	(pc) =	sbr.rel @p0 .LBB2_2-.Ltmp0, $4  }
0x14: {  	_ = 	snop  }
0x15: {  	s22 =	sand.u32 $0xFE00, s22  }
0x16: {  	s23 =	sand.u32 $0x70, s21;
	s22 =	sshrl.u32 s22, $0x2  }
0x17: {  	s22 =	sor.u32 s23, s22  }
0x18: {  	[tilespmem:s22+$0x80] =	vst v0  }
0x19: {  	[spmem:s5] =	stream.linear.scatter [tilespmem:s17], [sflag:$0x1], $0x4000, $0x38;
	[tilespmem:$0x18080] =	vst v63  }
0x1a: {  	_ =	swait.ge [sflag:s18], $0x4000  }
0x1b: {  	[sflag:s18] =	ssyncset.done $0x0  }
0x1c: {  	[sflag:s18] =	ssyncadd.s32 $0xFFFFC000  }
0x1d: {  	[spmem:s8] =	stream.linear.scatter [tilespmem:s17], [sflag:$0x1], $0x4000, $0x38;
	[tilespmem:$0x18080] =	vst v63  }
0x1e: {  	_ =	swait.ge [sflag:s18], $0x4000  }
0x1f: {  	[sflag:s18] =	ssyncset.done $0x0  }
0x20: {  	[sflag:s18] =	ssyncadd.s32 $0xFFFFC000  }
0x21: {  	[spmem:s9] =	stream.linear.scatter [tilespmem:s17], [sflag:$0x1], $0x4000, $0x38;
	[tilespmem:$0x18080] =	vst v63  }
0x22: {  	_ =	swait.ge [sflag:s18], $0x4000  }
0x23: {  	[sflag:s18] =	ssyncset.done $0x0  }
0x24: {  	[sflag:s18] =	ssyncadd.s32 $0xFFFFC000  }
0x25: {  	[spmem:s10] =	stream.linear.scatter [tilespmem:s17], [sflag:$0x1], $0x4000, $0x38;
	[tilespmem:$0x18080] =	vst v63  }
0x26: {  	_ =	swait.ge [sflag:s18], $0x4000  }
0x27: {  	[sflag:s18] =	ssyncset.done $0x0  }
0x28: {  	s20 =	simm.s32 $0x0;
	[sflag:s18] =	ssyncadd.s32 $0xFFFFC000  }
0x29: {  	[spmem:s11] =	stream.linear.scatter [tilespmem:s17], [sflag:$0x1], $0x4000, $0x38;
	[tilespmem:$0x18080] =	vst v63  }
0x2a: {  	s21 =	sand.u32 $0xFE00, s20;
	_ =	swait.ge [sflag:s18], $0x4000  }
0x2b: {  	s31 =	sand.u32 $0x70, s20;
	s23 =	sshrl.u32 s21, $0x2;
	[sflag:s18] =	ssyncset.done $0x0  }
0x2c: {  	s21 =	simm.s32 $0x40;
	s22 =	sor.u32 s31, s23;
	[sflag:s18] =	ssyncadd.s32 $0xFFFFC000  }
.LBB2_4:
0x2d: {  	p0 =	sne.s32 s21, $0xFFC0  }
0x2e: {  	[tilespmem:s22+$0x80] =	vst v1;
	s20 =	sadd.s32 $0x10, s20;
	s22 =	smov.u32 s21;
	s21 =	sadd.s32 $0x40, s21  }
.Ltmp1:
0x2f: {  	(pc) =	sbr.rel @p0 .LBB2_4-.Ltmp1, $4  }
0x30: {  	_ = 	snop  }
0x31: {  	s22 =	sand.u32 $0xFE00, s22  }
0x32: {  	s23 =	sand.u32 $0x70, s20;
	s22 =	sshrl.u32 s22, $0x2  }
0x33: {  	s22 =	sor.u32 s23, s22  }
0x34: {  	s20 =	simm.s32 $0x0  }
0x35: {  	s21 =	sand.u32 $0x3C00, s20  }
0x36: {  	s20 =	sand.u32 $0x380, s20;
	s21 =	sadd.s32 s6, s21  }
0x37: {  	s20 =	sor.u32 s20, s21  }
0x38: {  	[tilespmem:s22+$0x80] =	vst v1;
	s20 =	sshrl.u32 s20, $0x3  }
0x39: {  	[bflag:$0x0] =	sbarrier.arrive $0xFFFF;
	s20 =	sadd.s32 s4, s20  }
0x3a: {  	[tilespmem:s3], [sflag:$0x1] =	stream.linear.gather [hbm4b:s20+s3], $0x80, $0x38;
	[tilespmem:$0x18080] =	vst v63  }
0x3b: {  	_ =	swait.ge [sflag:s18], $0x80  }
0x3c: {  	s29 =	simm.s32 $0x80;
	[sflag:s18] =	ssyncset.done $0x0  }
0x3d: {  	s30 =	sand.u32 $0x3C00, s29;
	[sflag:s18] =	ssyncadd.s32 $0xFFFFFF80  }
0x3e: {  	[spmem:s2] =	stream.indirect.scatter.add.f32 [tilespmem:s17], [sflag:$0x1], $0x80, s3, s17, $0xb8;
	[tilespmem:$0x18080] =	vst v63  }
0x3f: {  	s31 =	sand.u32 $0x380, s29;
	s21 =	sadd.s32 s6, s30;
	_ =	swait.ge [sflag:s18], $0x4000  }
0x40: {  	s21 =	sor.u32 s31, s21;
	s20 =	simm.s32 $0x100;
	[sflag:s18] =	ssyncset.done $0x0  }
.LBB2_6:
0x41: {  	s21 =	sshrl.u32 s21, $0x3  }
0x42: {  	[sflag:s18] =	ssyncadd.s32 $0xFFFFC000;
	s22 =	smov.u32 s20;
	s23 =	sadd.s32 $0x80, s20  }
0x43: {  	p0 =	sne.s32 s20, $0x2700;
	s20 =	sadd.s32 s4, s21  }
0x44: {  	[tilespmem:s3], [sflag:$0x1] =	stream.linear.gather [hbm4b:s20+s3], $0x80, $0x38;
	[tilespmem:$0x18080] =	vst v63  }
0x45: {  	_ =	swait.ge [sflag:s18], $0x80  }
.Ltmp2:
0x46: {  	[sflag:s18] =	ssyncset.done $0x0;
	(pc) =	sbr.rel @p0 .LBB2_6-.Ltmp2, $4  }
0x47: {  	s20 =	sand.u32 $0x3C00, s22;
	[sflag:s18] =	ssyncadd.s32 $0xFFFFFF80  }
0x48: {  	[spmem:s2] =	stream.indirect.scatter.add.f32 [tilespmem:s17], [sflag:$0x1], $0x80, s3, s17, $0xb8;
	[tilespmem:$0x18080] =	vst v63  }
0x49: {  	s21 =	sand.u32 $0x380, s22;
	s20 =	sadd.s32 s6, s20;
	_ =	swait.ge [sflag:s18], $0x4000  }
0x4a: {  	s21 =	sor.u32 s21, s20;
	s20 =	smov.u32 s23;
	[sflag:s18] =	ssyncset.done $0x0  }
0x4b: {  	s20 =	sshrl.u32 s21, $0x3  }
0x4c: {  	[sflag:s18] =	ssyncadd.s32 $0xFFFFC000;
	s20 =	sadd.s32 s4, s20  }
0x4d: {  	[tilespmem:s3], [sflag:$0x1] =	stream.linear.gather [hbm4b:s20+s3], $0x80, $0x38;
	[tilespmem:$0x18080] =	vst v63  }
0x4e: {  	_ =	swait.ge [sflag:s18], $0x80  }
0x4f: {  	[sflag:s18] =	ssyncset.done $0x0  }
0x50: {  	[sflag:s18] =	ssyncadd.s32 $0xFFFFFF80  }
0x51: {  	[spmem:s2] =	stream.indirect.scatter.add.f32 [tilespmem:s17], [sflag:$0x1], $0x80, s3, s17, $0xb8;
	[tilespmem:$0x18080] =	vst v63  }
0x52: {  	_ =	swait.ge [sflag:s18], $0x4000  }
0x53: {  	[sflag:s18] =	ssyncset.done $0x0  }
0x54: {  	[sflag:s18] =	ssyncadd.s32 $0xFFFFC000  }
0x55: {  	[bflag:$0x0] =	sbarrier.arrive $0xFFFF  }
0x56: {  	[tilespmem:s17], [sflag:$0x1] =	stream.linear.gather [spmem:s5], $0x4000, $0x38;
	[tilespmem:$0x18080] =	vst v63  }
0x57: {  	_ =	swait.ge [sflag:s18], $0x4000  }
0x58: {  	[sflag:s18] =	ssyncset.done $0x0  }
0x59: {  	[sflag:s18] =	ssyncadd.s32 $0xFFFFC000  }
0x5a: {  	[hbm4b:s12+s3] =	stream.linear.scatter [tilespmem:s17], [sflag:$0x1], $0x4000, $0x38;
	[tilespmem:$0x18080] =	vst v63  }
0x5b: {  	_ =	swait.ge [sflag:s18], $0x4000  }
0x5c: {  	[sflag:s18] =	ssyncset.done $0x0  }
0x5d: {  	[sflag:s18] =	ssyncadd.s32 $0xFFFFC000  }
0x5e: {  	[tilespmem:s17], [sflag:$0x1] =	stream.linear.gather [spmem:s8], $0x4000, $0x38;
	[tilespmem:$0x18080] =	vst v63  }
0x5f: {  	_ =	swait.ge [sflag:s18], $0x4000  }
0x60: {  	[sflag:s18] =	ssyncset.done $0x0  }
0x61: {  	[sflag:s18] =	ssyncadd.s32 $0xFFFFC000  }
0x62: {  	[hbm4b:s13+s3] =	stream.linear.scatter [tilespmem:s17], [sflag:$0x1], $0x4000, $0x38;
	[tilespmem:$0x18080] =	vst v63  }
0x63: {  	_ =	swait.ge [sflag:s18], $0x4000  }
0x64: {  	[sflag:s18] =	ssyncset.done $0x0  }
0x65: {  	[sflag:s18] =	ssyncadd.s32 $0xFFFFC000  }
0x66: {  	[tilespmem:s17], [sflag:$0x1] =	stream.linear.gather [spmem:s9], $0x4000, $0x38;
	[tilespmem:$0x18080] =	vst v63  }
0x67: {  	_ =	swait.ge [sflag:s18], $0x4000  }
0x68: {  	[sflag:s18] =	ssyncset.done $0x0  }
0x69: {  	[sflag:s18] =	ssyncadd.s32 $0xFFFFC000  }
0x6a: {  	[hbm4b:s14+s3] =	stream.linear.scatter [tilespmem:s17], [sflag:$0x1], $0x4000, $0x38;
	[tilespmem:$0x18080] =	vst v63  }
0x6b: {  	_ =	swait.ge [sflag:s18], $0x4000  }
0x6c: {  	[sflag:s18] =	ssyncset.done $0x0  }
0x6d: {  	[sflag:s18] =	ssyncadd.s32 $0xFFFFC000  }
0x6e: {  	[tilespmem:s17], [sflag:$0x1] =	stream.linear.gather [spmem:s10], $0x4000, $0x38;
	[tilespmem:$0x18080] =	vst v63  }
0x6f: {  	_ =	swait.ge [sflag:s18], $0x4000  }
0x70: {  	[sflag:s18] =	ssyncset.done $0x0  }
0x71: {  	[sflag:s18] =	ssyncadd.s32 $0xFFFFC000  }
0x72: {  	[hbm4b:s15+s3] =	stream.linear.scatter [tilespmem:s17], [sflag:$0x1], $0x4000, $0x38;
	[tilespmem:$0x18080] =	vst v63  }
0x73: {  	_ =	swait.ge [sflag:s18], $0x4000  }
0x74: {  	[sflag:s18] =	ssyncset.done $0x0  }
0x75: {  	[sflag:s18] =	ssyncadd.s32 $0xFFFFC000  }
0x76: {  	[tilespmem:s17], [sflag:$0x1] =	stream.linear.gather [spmem:s11], $0x4000, $0x38;
	[tilespmem:$0x18080] =	vst v63  }
0x77: {  	s19 =	sadd.s32 $0x1, s19;
	_ =	swait.ge [sflag:s18], $0x4000  }
0x78: {  	p0 =	sne.s32 s19, s7;
	[sflag:s18] =	ssyncset.done $0x0  }
.Ltmp3:
0x79: {  	[sflag:s18] =	ssyncadd.s32 $0xFFFFC000;
	(pc) =	sbr.rel @p0 .LBB2_1-.Ltmp3, $4  }
0x7a: {  	[hbm4b:s16+s3] =	stream.linear.scatter [tilespmem:s17], [sflag:$0x1], $0x4000, $0x38;
	[tilespmem:$0x18080] =	vst v63  }
0x7b: {  	_ =	swait.ge [sflag:s18], $0x4000  }
0x7c: {  	[sflag:s18] =	ssyncset.done $0x0  }
0x7d: {  	[sflag:s18] =	ssyncadd.s32 $0xFFFFC000  }
0x7e: {  	_ =	sfence.sel $0x180000  }
0x7f: {  	[bflag:$0x0] =	sbarrier.arrive $0xFFFF  }
0x80: {  	p0 =	sne.s32 s0, $0x0;
	_ =	strace $0x9000004A  }
0x81: {  	s0 =	sadd.s32 @!p0 $0x100000, s1;
	[bflag:$0x2] =	sbarrier.arrive $0xFFFF  }
0x82: {  	[sflag:s0] =	ssyncadd.tile.s32 @!p0 $0x1;
	_ =	shalt  }
.Lfunc_end2:
_tile_overlayer_lowered:
.L_overlay_start_2:
0x83: {  	(tag) =	ssettag $0x2  }
0x84: {  	s0 =	rddreg [dreg:$0x0];
	s2 =	stileid.u32  }
0x85: {  	s1 =	rddreg [dreg:$0x1];
	p0 =	sne.s32 s2, $0x0  }
0x86: {  	s3 =	rddreg [dreg:$0x2];
	[bflag:$0x3] =	sbarrier.arrive $0xFFFF;
	s2 =	simm.s32 @!p0 $0x1C01  }
0x87: {  	[timem:s3], [sflag:s2] =	dma.local @!p0 [hbm:s0], s1  }
0x88: {  	s0 =	simm.s32 @!p0 $0x1  }
0x89: {  	_ =	swait.ge @!p0 [sflag:s0], s1  }
0x8a: {  	s1 =	ssub.s32 @!p0 $0x0, s1;
	[sflag:s0] =	ssyncset.done @!p0 $0x0  }
0x8b: {  	[sflag:s0] =	ssyncadd.s32 @!p0 s1  }
0x8c: {  	[bflag:$0x3] =	sbarrier.arrive $0xFFFF  }
0x8d: {  	_ =	shalt  }

// kernel: kernel.29.cloned.1.call-start
scs
__scs_entry_jumppad:
0x0: {  	(pc) =	sbr.rel $0x88, $3  }
0x1: {  	(tag) =	ssettag $0x0;
	lr =	simm.s32 $0x1  }
0x2: {  	[smem:$0x3F7E] =	sst lr;
	_ =	strace $0xD0000000  }
0x3: {  	_ = 	snop  }
0x4: {  	_ = 	snop  }
0x5: {  	_ = 	snop  }
0x6: {  	_ = 	snop  }
0x7: {  	_ = 	snop  }
__scs_overlays_trampoline_lowered:
0x8: {  	[smem:$0x3F8D] =	sst s0  }
0x9: {  	[smem:$0x3F8E] =	sst s1  }
0xa: {  	[smem:$0x3F8F] =	sst s2  }
0xb: {  	[smem:$0x3F90] =	sst s3  }
0xc: {  	[smem:$0x3F91] =	sst s4  }
0xd: {  	[smem:$0x3F92] =	sst s5  }
0xe: {  	[smem:$0x3F93] =	sst s6  }
0xf: {  	[smem:$0x3F94] =	sst s7  }
0x10: {  	[smem:$0x3F95] =	sst s8  }
0x11: {  	[smem:$0x3F96] =	sst s9;
	s0 =	simm.s32 @!p0 $0x0  }
0x12: {  	s1 =	sld [smem:$0x3F7C];
	s0 =	simm.s32 @p0 $0x1  }
0x13: {  	[smem:$0x3F97] =	sst s0;
	s0 =	simm.s32 @!p1 $0x0  }
0x14: {  	s2 =	sld [smem:$0x3F7B];
	s0 =	simm.s32 @p1 $0x1  }
0x15: {  	[smem:$0x3F98] =	sst s0;
	s0 =	simm.s32 @!p2 $0x0  }
0x16: {  	s3 =	sld [smem:$0x3FDB];
	s0 =	simm.s32 @p2 $0x1  }
0x17: {  	s4 =	simm.s32 $0x1BF5;
	[smem:$0x3F9A] =	sst s0  }
0x18: {  	s0 =	sld [smem:$0x3F7D];
	_ =	swait.ge [sflag:s4], $0x0  }
0x19: {  	s7 =	sld [smem:$0x3F7E]  }
0x1a: {  	s8 =	sadd.s32 $0xFFFFE003, lr  }
0x1b: {  	s9 =	sadd.s32 $0xFFFFFEF7, lr;
	s5 =	simm.s32 $0xFFFFFFFF;
	p2 =	slt.u32 s8, $0xFFFFF086  }
0x1c: {  	p1 =	slt.u32 s9, $0xF7A;
	s5 =	simm.s32 @!p2 $0x0  }
0x1d: {  	s5 =	simm.s32 @p1 $0x1;
	p0 =	seq.s32 s7, s2  }
0x1e: {  	s7 =	smul.u32 @!p0 $0xF7A, s2;
	p2 =	seq.s32 @!p0 s5, $0x0  }
0x1f: {  	s9 =	smul.u32 $0xF7A, s1;
	s8 =	simm.s32 @!p0 $0x1BF5;
	p2 =	por !p2, p0  }
0x20: {  	[sflag:s8] =	ssyncset.s32 @!p0 $0xFFFFF086;
	s6 =	sadd.s32 @!p0 s3, s7;
	s7 =	simm.s32 @!p0 $0x108  }
0x21: {  	s3 =	sadd.s32 s3, s9;
	s6 =	sadd.s32 @!p0 $0x88, s6;
	s7 =	simm.s32 @p2 $0x1082  }
0x22: {  	[simem:s7], [sflag:s8] =	dma.local @!p0 [hbm:s6], $0xF7A  }
0x23: {  	s9 =	sor.u32 $0xD0000000, s2;
	s6 =	simm.s32 $0x108;
	_ =	swait.ge @!p0 [sflag:s8], $0x0  }
0x24: {  	s3 =	sadd.s32 $0x88, s3;
	s6 =	simm.s32 @!p1 $0x1082;
	[sflag:s4] =	ssyncset.s32 $0xFFFFF086  }
0x25: {  	[simem:s6], [sflag:s4] =	dma.local [hbm:s3], $0xF7A  }
0x26: {  	[smem:$0x3F7E] =	sst s1;
	(tag) =	ssettag s2;
	_ =	strace s9  }
0x27: {  	s1 =	sld [smem:$0x3F8E]  }
0x28: {  	s2 =	sld [smem:$0x3F8F]  }
0x29: {  	s4 =	sld [smem:$0x3F91]  }
0x2a: {  	p0 =	seq.s32 s5, $0x0;
	s5 =	sld [smem:$0x3F92]  }
0x2b: {  	s6 =	sld [smem:$0x3F93]  }
0x2c: {  	s7 =	sld [smem:$0x3F94]  }
0x2d: {  	s3 =	simm.s32 $0x108;
	s8 =	sld [smem:$0x3F95]  }
0x2e: {  	s3 =	simm.s32 @!p0 $0x1082;
	s9 =	sld [smem:$0x3F96]  }
0x2f: {  	lr =	sadd.s32 s0, s3;
	s0 =	sld [smem:$0x3F8D]  }
0x30: {  	s3 =	sld [smem:$0x3F90]  }
0x31: {  	[smem:$0x3F99] =	sst s10  }
0x32: {  	s10 =	sld [smem:$0x3F97];
	_ =	sdelay $0x3  }
0x33: {  	p0 =	seq.s32 s10, $0x1;
	s10 =	sld [smem:$0x3F99];
	_ =	sdelay $0x3  }
0x34: {  	[smem:$0x3F99] =	sst s10  }
0x35: {  	s10 =	sld [smem:$0x3F98];
	_ =	sdelay $0x3  }
0x36: {  	p1 =	seq.s32 s10, $0x1;
	s10 =	sld [smem:$0x3F99];
	_ =	sdelay $0x3  }
0x37: {  	[smem:$0x3F99] =	sst s10  }
0x38: {  	s10 =	sld [smem:$0x3F9A]  }
0x39: {  	_ = 	snop;
	(pc) =	sbr.ind lr, $3  }
0x3a: {  	_ = 	snop  }
0x3b: {  	_ = 	snop  }
0x3c: {  	p2 =	seq.s32 s10, $0x1;
	s10 =	sld [smem:$0x3F99]  }
0x3d: {  	_ =	shalt  }
0x3e: {  	_ =	shalt  }
0x3f: {  	_ =	shalt  }
0x40: {  	_ =	shalt  }
0x41: {  	_ =	shalt  }
0x42: {  	_ =	shalt  }
0x43: {  	_ =	shalt  }
0x44: {  	_ =	shalt  }
0x45: {  	_ =	shalt  }
0x46: {  	_ =	shalt  }
0x47: {  	_ =	shalt  }
0x48: {  	_ =	shalt  }
0x49: {  	_ =	shalt  }
0x4a: {  	_ =	shalt  }
0x4b: {  	_ =	shalt  }
0x4c: {  	_ =	shalt  }
0x4d: {  	_ =	shalt  }
0x4e: {  	_ =	shalt  }
0x4f: {  	_ =	shalt  }
0x50: {  	_ =	shalt  }
0x51: {  	_ =	shalt  }
0x52: {  	_ =	shalt  }
0x53: {  	_ =	shalt  }
0x54: {  	_ =	shalt  }
0x55: {  	_ =	shalt  }
0x56: {  	_ =	shalt  }
0x57: {  	_ =	shalt  }
0x58: {  	_ =	shalt  }
0x59: {  	_ =	shalt  }
0x5a: {  	_ =	shalt  }
0x5b: {  	_ =	shalt  }
0x5c: {  	_ =	shalt  }
0x5d: {  	_ =	shalt  }
0x5e: {  	_ =	shalt  }
0x5f: {  	_ =	shalt  }
0x60: {  	_ =	shalt  }
0x61: {  	_ =	shalt  }
0x62: {  	_ =	shalt  }
0x63: {  	_ =	shalt  }
0x64: {  	_ =	shalt  }
0x65: {  	_ =	shalt  }
0x66: {  	_ =	shalt  }
0x67: {  	_ =	shalt  }
0x68: {  	_ =	shalt  }
0x69: {  	_ =	shalt  }
0x6a: {  	_ =	shalt  }
0x6b: {  	_ =	shalt  }
0x6c: {  	_ =	shalt  }
0x6d: {  	_ =	shalt  }
0x6e: {  	_ =	shalt  }
0x6f: {  	_ =	shalt  }
0x70: {  	_ =	shalt  }
0x71: {  	_ =	shalt  }
0x72: {  	_ =	shalt  }
0x73: {  	_ =	shalt  }
0x74: {  	_ =	shalt  }
0x75: {  	_ =	shalt  }
0x76: {  	_ =	shalt  }
0x77: {  	_ =	shalt  }
0x78: {  	_ =	shalt  }
0x79: {  	_ =	shalt  }
0x7a: {  	_ =	shalt  }
0x7b: {  	_ =	shalt  }
0x7c: {  	_ =	shalt  }
0x7d: {  	_ =	shalt  }
0x7e: {  	_ =	shalt  }
0x7f: {  	_ =	shalt  }
0x80: {  	_ =	shalt  }
0x81: {  	_ =	shalt  }
0x82: {  	_ =	shalt  }
0x83: {  	_ =	shalt  }
0x84: {  	_ =	shalt  }
0x85: {  	_ =	shalt  }
0x86: {  	_ =	shalt  }
0x87: {  	_ =	shalt  }
.Lfunc_end0:
.L_simem_size_0:
called_computation.1_lowered:
.L_overlay_start_0:
0x88: {  	s2 =	sld [smem:$0x3FD9]  }
0x89: {  	s3 =	sld [smem:$0x3FFE];
	_ =	sdelay $0x1  }
0x8a: {  	s1 =	srdreg.scid  }
0x8b: {  	s0 =	sand.u32 $0x1, s1  }
0x8c: {  	s16 =	sshll.u32 s0, $0xA;
	s2 =	sadd.s32 s3, s2  }
0x8d: {  	s2 =	sadd.s32 s2, s16  }
0x8e: {  	[smem:$0x3FA5] =	sst s2  }
0x8f: {  	_ = 	snop  }
0x90: {  	(tm) =	ssettm $0x1  }
0x91: {  	s17 =	sld [smem:$0x3FFB];
	_ =	sdelay $0x3  }
0x92: {  	_ =	strace s17  }
0x93: {  	s2 =	sld [smem:$0x3FFC];
	_ =	sdelay $0x3  }
0x94: {  	_ =	strace s2  }
0x95: {  	s2 =	sld [smem:$0x3FFD];
	_ =	sdelay $0x3  }
0x96: {  	_ =	strace s2  }
0x97: {  	_ =	strace $0x8FFFFFFF  }
0x98: {  	s18 =	sld [smem:$0x3FDB];
	_ =	sdelay $0x1  }
0x99: {  	s19 =	simm.s32 $_scs_section_size  }
0x9a: {  	s4 =	simm.s32 $_size__tile_overlayer_lowered;
	s5 =	simm.s32 $_tile_overlayer_lowered  }
0x9b: {  	s22 =	simm.s32 $0x1BFF;
	s21 =	sshll.u32 s5, $0x1;
	s2 =	sadd.s32 s19, s18  }
0x9c: {  	s6 =	simm.s32 $0x0;
	s20 =	sshll.u32 s4, $0x1;
	s4 =	sadd.s32 s21, s2  }
0x9d: {  	[timem:s6], [sflag:s22] =	dma.local [hbm:s4], s20  }
0x9e: {  	_ =	swait.ge [sflag:s22], s20  }
0x9f: {  	s3 =	ssub.s32 $0x0, s20;
	[sflag:s22] =	ssyncset.done $0x0  }
0xa0: {  	[sflag:s22] =	ssyncadd.s32 s3;
	_ =	sdelay $0x1  }
0xa1: {  	s23 =	simm.s32 $0x1B8B  }
0xa2: {  	_ =	swait.ge [sflag:s23], $0x1  }
0xa3: {  	[sflag:s23] =	ssyncset.done $0x0  }
0xa4: {  	s25 =	simm.s32 $0x1B8E;
	s24 =	sld [smem:$0x3FFE];
	[sflag:s23] =	ssyncadd.s32 $0xFFFFFFFF  }
0xa5: {  	s26 =	simm.s32 $execute0_lowered;
	[smem:$0x3FD2] =	sst s25  }
0xa6: {  	s4 =	sshll.u32 s26, $0x1;
	_ =	strace $0x80000046;
	[dreg:$0x1] =	wrdreg $0xFFFFFFFF  }
0xa7: {  	s28 =	simm.s32 $_size_execute0_lowered;
	s2 =	sadd.s32 s2, s4;
	[dreg:$0x0] =	wrdreg $0x0  }
0xa8: {  	s4 =	sshll.u32 s28, $0x1;
	[dreg:$0x2] =	wrdreg s2  }
0xa9: {  	[dreg:$0x3] =	wrdreg s4  }
0xaa: {  	[dreg:$0x4] =	wrdreg $0xC0  }
0xab: {  	_ =	task [dreg:s6], $0x5FFFF  }
0xac: {  	[dreg:$0x1] =	wrdreg $0xFFFFFFFF  }
0xad: {  	[dreg:$0x0] =	wrdreg $0x60  }
0xae: {  	[dreg:$0x2] =	wrdreg s24  }
0xaf: {  	[dreg:$0x3] =	wrdreg $0x41000  }
0xb0: {  	[dreg:$0x4] =	wrdreg $0xA  }
0xb1: {  	_ =	task.clear_ibuf [dreg:s6], $0x5FFFF;
	_ =	strace $0x90000046  }
0xb2: {  	s29 =	simm.s32 $0xA;
	_ =	strace $0x80000048  }
0xb3: {  	_ =	swait.ge [sflag:s29], $0x1  }
0xb4: {  	[sflag:s29] =	ssyncadd.s32 $0xFFFFFFFF  }
0xb5: {  	_ =	strace $0x90000048  }
0xb6: {  	_ =	sfence  }
0xb7: {  	s30 =	sld [smem:$0x0];
	_ =	sdelay $0x2  }
0xb8: {  	s31 =	sshll.u32 s1, $0xD;
	s1 =	sshrl.u32 s1, $0x2  }
0xb9: {  	s3 =	sand.u32 $0x4000, s31;
	s1 =	sadd.s32 s1, s30  }
0xba: {  	s0 =	sor.u32 s3, s0;
	s1 =	sshll.u32 s1, $0x11  }
0xbb: {  	s0 =	sor.u32 s1, s0  }
0xbc: {  	s0 =	sadd.s32 $0x8F2B, s0  }
0xbd: {  	[sflag:s0] =	ssyncadd.remote.s32 $0x1  }
0xbe: {  	_ =	sfence.sel $0xFFFF  }
0xbf: {  	[dreg:$0x0] =	wrdreg $0xFFFFFFFF;
	(pc) =	sbr.abs _section_cstart, $3  }
0xc0: {  	[dreg:$0x1] =	wrdreg $0xFFFFFFFF  }
0xc1: {  	_ =	task.clear_ibuf [dreg:s6], $0x2FFFF;
	_ =	strace $0x9FFFFFFF  }
0xc2: {  	(tm) =	ssettm $0x7FFFFFFF  }
0xc3: {  	_ =	shalt  }
tec
execute0_lowered:
.L_overlay_start_1:
0x0: {  	(tag) =	ssettag $0x1  }
0x1: {  	s7 =	rddreg [dreg:$0x0]  }
0x2: {  	s2 =	rddreg [dreg:$0x1]  }
0x3: {  	s0 =	rddreg [dreg:$0x2]  }
0x4: {  	s4 =	srdreg.scid;
	s1 =	stileid.u32  }
0x5: {  	s3 =	simm.s32 $0x0;
	s19 =	simm.s32 $0x100;
	s20 =	simm.s32 $0x2  }
0x6: {  	s21 =	simm.s32 $0x80;
	s22 =	simm.s32 $0x1;
	s23 =	simm.s32 $0x0  }
0x7: {  	s8 =	sand.u32 $0x1, s4;
	s6 =	smul.u32 $0x280, s1;
	[smem:$0x7FF] =	sst s3  }
0x8: {  	s4 =	sadd.s32 $0x1D200, s7;
	s5 =	sadd.s32 $0x9200, s7;
	s10 =	smul.u32 $0x50000, s1  }
0x9: {  	s29 =	sshll.u32 s1, $0x1;
	s9 =	smul.u32 $0x2800, s8;
	s28 =	ssub.s32 $0x2, s8  }
0xa: {  	_ =	strace $0x80000047;
	s8 =	sor.u32 s8, s29;
	s11 =	sshrl.u32 s28, $0x1  }
0xb: {  	s30 =	sshrl.u32 s10, $0x2;
	s8 =	smul.u32 $0x2800, s8;
	s9 =	sadd.s32 s6, s9  }
0xc: {  	s6 =	sadd.s32 $0x13200, s7;
	s31 =	ssub.s32 s28, s11;
	s9 =	sshll.u32 s9, $0x4  }
0xd: {  	s18 =	sadd.s32 s9, s7;
	s7 =	sadd.s32 s30, s2;
	s9 =	smax.u32 s31, $0x1  }
0xe: {  	s10 =	sadd.s32 $0x4000, s7;
	s11 =	sadd.s32 $0x8000, s7;
	s12 =	sadd.s32 $0xC000, s7  }
0xf: {  	s13 =	sadd.s32 $0x10000, s7;
	s14 =	sadd.s32 $0x45200, s18;
	s15 =	sadd.s32 $0x45A00, s18  }
0x10: {  	v0 =	vimm.f32 $0.0e+00;
	s16 =	sadd.s32 $0x46200, s18;
	s17 =	sadd.s32 $0x46A00, s18;
	s18 =	sadd.s32 $0x47200, s18  }
.LBB2_1:
0x11: {  	s24 =	sand.u32 $0xFE00, s3  }
0x12: {  	s25 =	sand.u32 $0x70, s3;
	s26 =	sshrl.u32 s24, $0x2  }
0x13: {  	s24 =	simm.s32 $0x40;
	s26 =	sor.u32 s25, s26;
	s25 =	simm.s32 $0x0  }
.LBB2_2:
0x14: {  	p0 =	sne.s32 s24, $0xFFC0  }
0x15: {  	[tilespmem:s26+$0x100] =	vst v0;
	s25 =	sadd.s32 $0x10, s25;
	s26 =	smov.u32 s24;
	s24 =	sadd.s32 $0x40, s24  }
.Ltmp0:
0x16: {  	(pc) =	sbr.rel @p0 .LBB2_2-.Ltmp0, $4  }
0x17: {  	_ = 	snop  }
0x18: {  	s26 =	sand.u32 $0xFE00, s26  }
0x19: {  	s28 =	sand.u32 $0x70, s25;
	s26 =	sshrl.u32 s26, $0x2  }
0x1a: {  	s26 =	sor.u32 s28, s26  }
0x1b: {  	[tilespmem:s26+$0x100] =	vst v0  }
0x1c: {  	[spmem:s7] =	stream.linear.scatter [tilespmem:s19], [sflag:$0x2], $0x4000, $0x38;
	[tilespmem:$0x18100] =	vst v63  }
0x1d: {  	_ =	swait.ge [sflag:s20], $0x4000  }
0x1e: {  	[sflag:s20] =	ssyncset.done $0x0  }
0x1f: {  	[sflag:s20] =	ssyncadd.s32 $0xFFFFC000  }
0x20: {  	[spmem:s10] =	stream.linear.scatter [tilespmem:s19], [sflag:$0x2], $0x4000, $0x38;
	[tilespmem:$0x18100] =	vst v63  }
0x21: {  	_ =	swait.ge [sflag:s20], $0x4000  }
0x22: {  	[sflag:s20] =	ssyncset.done $0x0  }
0x23: {  	[sflag:s20] =	ssyncadd.s32 $0xFFFFC000  }
0x24: {  	[spmem:s11] =	stream.linear.scatter [tilespmem:s19], [sflag:$0x2], $0x4000, $0x38;
	[tilespmem:$0x18100] =	vst v63  }
0x25: {  	_ =	swait.ge [sflag:s20], $0x4000  }
0x26: {  	[sflag:s20] =	ssyncset.done $0x0  }
0x27: {  	[sflag:s20] =	ssyncadd.s32 $0xFFFFC000  }
0x28: {  	[spmem:s12] =	stream.linear.scatter [tilespmem:s19], [sflag:$0x2], $0x4000, $0x38;
	[tilespmem:$0x18100] =	vst v63  }
0x29: {  	_ =	swait.ge [sflag:s20], $0x4000  }
0x2a: {  	s24 =	simm.s32 $0x0;
	[sflag:s20] =	ssyncset.done $0x0  }
0x2b: {  	s25 =	sand.u32 $0x3C00, s24;
	[sflag:s20] =	ssyncadd.s32 $0xFFFFC000  }
0x2c: {  	[spmem:s13] =	stream.linear.scatter [tilespmem:s19], [sflag:$0x2], $0x4000, $0x38;
	[tilespmem:$0x18100] =	vst v63  }
0x2d: {  	s24 =	sand.u32 $0x380, s24;
	s25 =	sadd.s32 s8, s25;
	_ =	swait.ge [sflag:s20], $0x4000  }
0x2e: {  	s24 =	sor.u32 s24, s25;
	[sflag:s20] =	ssyncset.done $0x0  }
0x2f: {  	s24 =	sshrl.u32 s24, $0x3;
	[sflag:s20] =	ssyncadd.s32 $0xFFFFC000  }
0x30: {  	s28 =	sadd.s32 s5, s24;
	[bflag:$0x0] =	sbarrier.arrive $0xFFFF  }
0x31: {  	[tilespmem:s3], [sflag:$0x2] =	stream.linear.gather [hbm4b:s28+s3], $0x80, $0x38;
	[tilespmem:$0x18100] =	vst v63  }
0x32: {  	_ =	swait.ge [sflag:s20], $0x80  }
0x33: {  	[sflag:s20] =	ssyncset.done $0x0  }
0x34: {  	s24 =	sadd.s32 s6, s24;
	[sflag:s20] =	ssyncadd.s32 $0xFFFFFF80  }
0x35: {  	[tilespmem:s21], [sflag:$0x2] =	stream.linear.gather [hbm4b:s24+s3], $0x80, $0x38;
	[tilespmem:$0x18100] =	vst v63  }
0x36: {  	_ =	swait.ge [sflag:s20], $0x80  }
0x37: {  	[sflag:s20] =	ssyncset.done $0x0  }
0x38: {  	[sflag:s20] =	ssyncadd.s32 $0xFFFFFF80  }
0x39: {  	[tilespmem:s19], [sflag:$0x1] =	stream.indirect.gather [hbm4b:s4+s21], $0x80, s3, s21, $0xb8;
	[tilespmem:$0x18100] =	vst v63  }
0x3a: {  	_ =	swait.ge [sflag:s22], $0x4000  }
0x3b: {  	s29 =	simm.s32 $0x80;
	[sflag:s22] =	ssyncset.done $0x0  }
0x3c: {  	s30 =	sand.u32 $0x3C00, s29;
	[sflag:s22] =	ssyncadd.s32 $0xFFFFC000  }
0x3d: {  	[spmem:s2] =	stream.indirect.scatter.add.f32 [tilespmem:s19], [sflag:$0x2], $0x80, s21, s21, $0xb8;
	[tilespmem:$0x18100] =	vst v63  }
0x3e: {  	s31 =	sand.u32 $0x380, s29;
	s25 =	sadd.s32 s8, s30;
	_ =	swait.ge [sflag:s20], $0x4000  }
0x3f: {  	s25 =	sor.u32 s31, s25;
	s24 =	simm.s32 $0x100;
	[sflag:s20] =	ssyncset.done $0x0  }
.LBB2_4:
0x40: {  	s25 =	sshrl.u32 s25, $0x3  }
0x41: {  	[sflag:s20] =	ssyncadd.s32 $0xFFFFC000;
	s26 =	smov.u32 s24;
	s28 =	sadd.s32 $0x80, s24  }
0x42: {  	p0 =	sne.s32 s24, $0x2700;
	s24 =	sadd.s32 s5, s25  }
0x43: {  	[tilespmem:s3], [sflag:$0x2] =	stream.linear.gather [hbm4b:s24+s3], $0x80, $0x38;
	[tilespmem:$0x18100] =	vst v63  }
0x44: {  	_ =	swait.ge [sflag:s20], $0x80  }
0x45: {  	[sflag:s20] =	ssyncset.done $0x0  }
0x46: {  	s24 =	sadd.s32 s6, s25;
	[sflag:s20] =	ssyncadd.s32 $0xFFFFFF80  }
0x47: {  	[tilespmem:s21], [sflag:$0x2] =	stream.linear.gather [hbm4b:s24+s3], $0x80, $0x38;
	[tilespmem:$0x18100] =	vst v63  }
0x48: {  	_ =	swait.ge [sflag:s20], $0x80  }
0x49: {  	[sflag:s20] =	ssyncset.done $0x0  }
0x4a: {  	[sflag:s20] =	ssyncadd.s32 $0xFFFFFF80  }
0x4b: {  	[tilespmem:s19], [sflag:$0x1] =	stream.indirect.gather [hbm4b:s4+s21], $0x80, s3, s21, $0xb8;
	[tilespmem:$0x18100] =	vst v63  }
0x4c: {  	_ =	swait.ge [sflag:s22], $0x4000  }
.Ltmp1:
0x4d: {  	[sflag:s22] =	ssyncset.done $0x0;
	(pc) =	sbr.rel @p0 .LBB2_4-.Ltmp1, $4  }
0x4e: {  	s24 =	sand.u32 $0x3C00, s26;
	[sflag:s22] =	ssyncadd.s32 $0xFFFFC000  }
0x4f: {  	[spmem:s2] =	stream.indirect.scatter.add.f32 [tilespmem:s19], [sflag:$0x2], $0x80, s21, s21, $0xb8;
	[tilespmem:$0x18100] =	vst v63  }
0x50: {  	s25 =	sand.u32 $0x380, s26;
	s24 =	sadd.s32 s8, s24;
	_ =	swait.ge [sflag:s20], $0x4000  }
0x51: {  	s25 =	sor.u32 s25, s24;
	s24 =	smov.u32 s28;
	[sflag:s20] =	ssyncset.done $0x0  }
0x52: {  	s24 =	sshrl.u32 s25, $0x3  }
0x53: {  	[sflag:s20] =	ssyncadd.s32 $0xFFFFC000;
	s25 =	sadd.s32 s5, s24  }
0x54: {  	[tilespmem:s3], [sflag:$0x2] =	stream.linear.gather [hbm4b:s25+s3], $0x80, $0x38;
	[tilespmem:$0x18100] =	vst v63  }
0x55: {  	_ =	swait.ge [sflag:s20], $0x80  }
0x56: {  	[sflag:s20] =	ssyncset.done $0x0  }
0x57: {  	s24 =	sadd.s32 s6, s24;
	[sflag:s20] =	ssyncadd.s32 $0xFFFFFF80  }
0x58: {  	[tilespmem:s21], [sflag:$0x2] =	stream.linear.gather [hbm4b:s24+s3], $0x80, $0x38;
	[tilespmem:$0x18100] =	vst v63  }
0x59: {  	_ =	swait.ge [sflag:s20], $0x80  }
0x5a: {  	[sflag:s20] =	ssyncset.done $0x0  }
0x5b: {  	[sflag:s20] =	ssyncadd.s32 $0xFFFFFF80  }
0x5c: {  	[tilespmem:s19], [sflag:$0x1] =	stream.indirect.gather [hbm4b:s4+s21], $0x80, s3, s21, $0xb8;
	[tilespmem:$0x18100] =	vst v63  }
0x5d: {  	_ =	swait.ge [sflag:s22], $0x4000  }
0x5e: {  	[sflag:s22] =	ssyncset.done $0x0  }
0x5f: {  	[sflag:s22] =	ssyncadd.s32 $0xFFFFC000  }
0x60: {  	[spmem:s2] =	stream.indirect.scatter.add.f32 [tilespmem:s19], [sflag:$0x2], $0x80, s21, s21, $0xb8;
	[tilespmem:$0x18100] =	vst v63  }
0x61: {  	_ =	swait.ge [sflag:s20], $0x4000  }
0x62: {  	[sflag:s20] =	ssyncset.done $0x0  }
0x63: {  	[sflag:s20] =	ssyncadd.s32 $0xFFFFC000  }
0x64: {  	[bflag:$0x0] =	sbarrier.arrive $0xFFFF  }
0x65: {  	[tilespmem:s19], [sflag:$0x2] =	stream.linear.gather [spmem:s7], $0x4000, $0x38;
	[tilespmem:$0x18100] =	vst v63  }
0x66: {  	_ =	swait.ge [sflag:s20], $0x4000  }
0x67: {  	[sflag:s20] =	ssyncset.done $0x0  }
0x68: {  	[sflag:s20] =	ssyncadd.s32 $0xFFFFC000  }
0x69: {  	[hbm4b:s14+s3] =	stream.linear.scatter [tilespmem:s19], [sflag:$0x2], $0x4000, $0x38;
	[tilespmem:$0x18100] =	vst v63  }
0x6a: {  	_ =	swait.ge [sflag:s20], $0x4000  }
0x6b: {  	[sflag:s20] =	ssyncset.done $0x0  }
0x6c: {  	[sflag:s20] =	ssyncadd.s32 $0xFFFFC000  }
0x6d: {  	[tilespmem:s19], [sflag:$0x2] =	stream.linear.gather [spmem:s10], $0x4000, $0x38;
	[tilespmem:$0x18100] =	vst v63  }
0x6e: {  	_ =	swait.ge [sflag:s20], $0x4000  }
0x6f: {  	[sflag:s20] =	ssyncset.done $0x0  }
0x70: {  	[sflag:s20] =	ssyncadd.s32 $0xFFFFC000  }
0x71: {  	[hbm4b:s15+s3] =	stream.linear.scatter [tilespmem:s19], [sflag:$0x2], $0x4000, $0x38;
	[tilespmem:$0x18100] =	vst v63  }
0x72: {  	_ =	swait.ge [sflag:s20], $0x4000  }
0x73: {  	[sflag:s20] =	ssyncset.done $0x0  }
0x74: {  	[sflag:s20] =	ssyncadd.s32 $0xFFFFC000  }
0x75: {  	[tilespmem:s19], [sflag:$0x2] =	stream.linear.gather [spmem:s11], $0x4000, $0x38;
	[tilespmem:$0x18100] =	vst v63  }
0x76: {  	_ =	swait.ge [sflag:s20], $0x4000  }
0x77: {  	[sflag:s20] =	ssyncset.done $0x0  }
0x78: {  	[sflag:s20] =	ssyncadd.s32 $0xFFFFC000  }
0x79: {  	[hbm4b:s16+s3] =	stream.linear.scatter [tilespmem:s19], [sflag:$0x2], $0x4000, $0x38;
	[tilespmem:$0x18100] =	vst v63  }
0x7a: {  	_ =	swait.ge [sflag:s20], $0x4000  }
0x7b: {  	[sflag:s20] =	ssyncset.done $0x0  }
0x7c: {  	[sflag:s20] =	ssyncadd.s32 $0xFFFFC000  }
0x7d: {  	[tilespmem:s19], [sflag:$0x2] =	stream.linear.gather [spmem:s12], $0x4000, $0x38;
	[tilespmem:$0x18100] =	vst v63  }
0x7e: {  	_ =	swait.ge [sflag:s20], $0x4000  }
0x7f: {  	[sflag:s20] =	ssyncset.done $0x0  }
0x80: {  	[sflag:s20] =	ssyncadd.s32 $0xFFFFC000  }
0x81: {  	[hbm4b:s17+s3] =	stream.linear.scatter [tilespmem:s19], [sflag:$0x2], $0x4000, $0x38;
	[tilespmem:$0x18100] =	vst v63  }
0x82: {  	_ =	swait.ge [sflag:s20], $0x4000  }
0x83: {  	[sflag:s20] =	ssyncset.done $0x0  }
0x84: {  	[sflag:s20] =	ssyncadd.s32 $0xFFFFC000  }
0x85: {  	[tilespmem:s19], [sflag:$0x2] =	stream.linear.gather [spmem:s13], $0x4000, $0x38;
	[tilespmem:$0x18100] =	vst v63  }
0x86: {  	s23 =	sadd.s32 $0x1, s23;
	_ =	swait.ge [sflag:s20], $0x4000  }
0x87: {  	p0 =	sne.s32 s23, s9;
	[sflag:s20] =	ssyncset.done $0x0  }
.Ltmp2:
0x88: {  	[sflag:s20] =	ssyncadd.s32 $0xFFFFC000;
	(pc) =	sbr.rel @p0 .LBB2_1-.Ltmp2, $4  }
0x89: {  	[hbm4b:s18+s3] =	stream.linear.scatter [tilespmem:s19], [sflag:$0x2], $0x4000, $0x38;
	[tilespmem:$0x18100] =	vst v63  }
0x8a: {  	_ =	swait.ge [sflag:s20], $0x4000  }
0x8b: {  	[sflag:s20] =	ssyncset.done $0x0  }
0x8c: {  	[sflag:s20] =	ssyncadd.s32 $0xFFFFC000  }
0x8d: {  	_ =	sfence.sel $0x180000  }
0x8e: {  	[bflag:$0x0] =	sbarrier.arrive $0xFFFF  }
0x8f: {  	p0 =	sne.s32 s1, $0x0;
	_ =	strace $0x90000047  }
0x90: {  	s0 =	sadd.s32 @!p0 $0x100000, s0;
	[bflag:$0x2] =	sbarrier.arrive $0xFFFF  }
0x91: {  	[sflag:s0] =	ssyncadd.tile.s32 @!p0 $0x1;
	_ =	shalt  }
.Lfunc_end2:
_tile_overlayer_lowered:
.L_overlay_start_2:
0x92: {  	(tag) =	ssettag $0x2  }
0x93: {  	s0 =	rddreg [dreg:$0x0];
	s2 =	stileid.u32  }
0x94: {  	s1 =	rddreg [dreg:$0x1];
	p0 =	sne.s32 s2, $0x0  }
0x95: {  	s3 =	rddreg [dreg:$0x2];
	[bflag:$0x3] =	sbarrier.arrive $0xFFFF;
	s2 =	simm.s32 @!p0 $0x1C02  }
0x96: {  	[timem:s3], [sflag:s2] =	dma.local @!p0 [hbm:s0], s1  }
0x97: {  	s0 =	simm.s32 @!p0 $0x2  }
0x98: {  	_ =	swait.ge @!p0 [sflag:s0], s1  }
0x99: {  	s1 =	ssub.s32 @!p0 $0x0, s1;
	[sflag:s0] =	ssyncset.done @!p0 $0x0  }
0x9a: {  	[sflag:s0] =	ssyncadd.s32 @!p0 s1  }
0x9b: {  	[bflag:$0x3] =	sbarrier.arrive $0xFFFF  }
0x9c: {  	_ =	shalt  }

// kernel: kernel.32.cloned.1.call-start
scs
__scs_entry_jumppad:
0x0: {  	(pc) =	sbr.rel $0x88, $3  }
0x1: {  	(tag) =	ssettag $0x0;
	lr =	simm.s32 $0x1  }
0x2: {  	[smem:$0x3F7E] =	sst lr;
	_ =	strace $0xD0000000  }
0x3: {  	_ = 	snop  }
0x4: {  	_ = 	snop  }
0x5: {  	_ = 	snop  }
0x6: {  	_ = 	snop  }
0x7: {  	_ = 	snop  }
__scs_overlays_trampoline_lowered:
0x8: {  	[smem:$0x3F8D] =	sst s0  }
0x9: {  	[smem:$0x3F8E] =	sst s1  }
0xa: {  	[smem:$0x3F8F] =	sst s2  }
0xb: {  	[smem:$0x3F90] =	sst s3  }
0xc: {  	[smem:$0x3F91] =	sst s4  }
0xd: {  	[smem:$0x3F92] =	sst s5  }
0xe: {  	[smem:$0x3F93] =	sst s6  }
0xf: {  	[smem:$0x3F94] =	sst s7  }
0x10: {  	[smem:$0x3F95] =	sst s8  }
0x11: {  	[smem:$0x3F96] =	sst s9;
	s0 =	simm.s32 @!p0 $0x0  }
0x12: {  	s1 =	sld [smem:$0x3F7C];
	s0 =	simm.s32 @p0 $0x1  }
0x13: {  	[smem:$0x3F97] =	sst s0;
	s0 =	simm.s32 @!p1 $0x0  }
0x14: {  	s2 =	sld [smem:$0x3F7B];
	s0 =	simm.s32 @p1 $0x1  }
0x15: {  	[smem:$0x3F98] =	sst s0;
	s0 =	simm.s32 @!p2 $0x0  }
0x16: {  	s3 =	sld [smem:$0x3FDB];
	s0 =	simm.s32 @p2 $0x1  }
0x17: {  	s4 =	simm.s32 $0x1BF5;
	[smem:$0x3F9A] =	sst s0  }
0x18: {  	s0 =	sld [smem:$0x3F7D];
	_ =	swait.ge [sflag:s4], $0x0  }
0x19: {  	s7 =	sld [smem:$0x3F7E]  }
0x1a: {  	s8 =	sadd.s32 $0xFFFFE003, lr  }
0x1b: {  	s9 =	sadd.s32 $0xFFFFFEF7, lr;
	s5 =	simm.s32 $0xFFFFFFFF;
	p2 =	slt.u32 s8, $0xFFFFF086  }
0x1c: {  	p1 =	slt.u32 s9, $0xF7A;
	s5 =	simm.s32 @!p2 $0x0  }
0x1d: {  	s5 =	simm.s32 @p1 $0x1;
	p0 =	seq.s32 s7, s2  }
0x1e: {  	s7 =	smul.u32 @!p0 $0xF7A, s2;
	p2 =	seq.s32 @!p0 s5, $0x0  }
0x1f: {  	s9 =	smul.u32 $0xF7A, s1;
	s8 =	simm.s32 @!p0 $0x1BF5;
	p2 =	por !p2, p0  }
0x20: {  	[sflag:s8] =	ssyncset.s32 @!p0 $0xFFFFF086;
	s6 =	sadd.s32 @!p0 s3, s7;
	s7 =	simm.s32 @!p0 $0x108  }
0x21: {  	s3 =	sadd.s32 s3, s9;
	s6 =	sadd.s32 @!p0 $0x88, s6;
	s7 =	simm.s32 @p2 $0x1082  }
0x22: {  	[simem:s7], [sflag:s8] =	dma.local @!p0 [hbm:s6], $0xF7A  }
0x23: {  	s9 =	sor.u32 $0xD0000000, s2;
	s6 =	simm.s32 $0x108;
	_ =	swait.ge @!p0 [sflag:s8], $0x0  }
0x24: {  	s3 =	sadd.s32 $0x88, s3;
	s6 =	simm.s32 @!p1 $0x1082;
	[sflag:s4] =	ssyncset.s32 $0xFFFFF086  }
0x25: {  	[simem:s6], [sflag:s4] =	dma.local [hbm:s3], $0xF7A  }
0x26: {  	[smem:$0x3F7E] =	sst s1;
	(tag) =	ssettag s2;
	_ =	strace s9  }
0x27: {  	s1 =	sld [smem:$0x3F8E]  }
0x28: {  	s2 =	sld [smem:$0x3F8F]  }
0x29: {  	s4 =	sld [smem:$0x3F91]  }
0x2a: {  	p0 =	seq.s32 s5, $0x0;
	s5 =	sld [smem:$0x3F92]  }
0x2b: {  	s6 =	sld [smem:$0x3F93]  }
0x2c: {  	s7 =	sld [smem:$0x3F94]  }
0x2d: {  	s3 =	simm.s32 $0x108;
	s8 =	sld [smem:$0x3F95]  }
0x2e: {  	s3 =	simm.s32 @!p0 $0x1082;
	s9 =	sld [smem:$0x3F96]  }
0x2f: {  	lr =	sadd.s32 s0, s3;
	s0 =	sld [smem:$0x3F8D]  }
0x30: {  	s3 =	sld [smem:$0x3F90]  }
0x31: {  	[smem:$0x3F99] =	sst s10  }
0x32: {  	s10 =	sld [smem:$0x3F97];
	_ =	sdelay $0x3  }
0x33: {  	p0 =	seq.s32 s10, $0x1;
	s10 =	sld [smem:$0x3F99];
	_ =	sdelay $0x3  }
0x34: {  	[smem:$0x3F99] =	sst s10  }
0x35: {  	s10 =	sld [smem:$0x3F98];
	_ =	sdelay $0x3  }
0x36: {  	p1 =	seq.s32 s10, $0x1;
	s10 =	sld [smem:$0x3F99];
	_ =	sdelay $0x3  }
0x37: {  	[smem:$0x3F99] =	sst s10  }
0x38: {  	s10 =	sld [smem:$0x3F9A]  }
0x39: {  	_ = 	snop;
	(pc) =	sbr.ind lr, $3  }
0x3a: {  	_ = 	snop  }
0x3b: {  	_ = 	snop  }
0x3c: {  	p2 =	seq.s32 s10, $0x1;
	s10 =	sld [smem:$0x3F99]  }
0x3d: {  	_ =	shalt  }
0x3e: {  	_ =	shalt  }
0x3f: {  	_ =	shalt  }
0x40: {  	_ =	shalt  }
0x41: {  	_ =	shalt  }
0x42: {  	_ =	shalt  }
0x43: {  	_ =	shalt  }
0x44: {  	_ =	shalt  }
0x45: {  	_ =	shalt  }
0x46: {  	_ =	shalt  }
0x47: {  	_ =	shalt  }
0x48: {  	_ =	shalt  }
0x49: {  	_ =	shalt  }
0x4a: {  	_ =	shalt  }
0x4b: {  	_ =	shalt  }
0x4c: {  	_ =	shalt  }
0x4d: {  	_ =	shalt  }
0x4e: {  	_ =	shalt  }
0x4f: {  	_ =	shalt  }
0x50: {  	_ =	shalt  }
0x51: {  	_ =	shalt  }
0x52: {  	_ =	shalt  }
0x53: {  	_ =	shalt  }
0x54: {  	_ =	shalt  }
0x55: {  	_ =	shalt  }
0x56: {  	_ =	shalt  }
0x57: {  	_ =	shalt  }
0x58: {  	_ =	shalt  }
0x59: {  	_ =	shalt  }
0x5a: {  	_ =	shalt  }
0x5b: {  	_ =	shalt  }
0x5c: {  	_ =	shalt  }
0x5d: {  	_ =	shalt  }
0x5e: {  	_ =	shalt  }
0x5f: {  	_ =	shalt  }
0x60: {  	_ =	shalt  }
0x61: {  	_ =	shalt  }
0x62: {  	_ =	shalt  }
0x63: {  	_ =	shalt  }
0x64: {  	_ =	shalt  }
0x65: {  	_ =	shalt  }
0x66: {  	_ =	shalt  }
0x67: {  	_ =	shalt  }
0x68: {  	_ =	shalt  }
0x69: {  	_ =	shalt  }
0x6a: {  	_ =	shalt  }
0x6b: {  	_ =	shalt  }
0x6c: {  	_ =	shalt  }
0x6d: {  	_ =	shalt  }
0x6e: {  	_ =	shalt  }
0x6f: {  	_ =	shalt  }
0x70: {  	_ =	shalt  }
0x71: {  	_ =	shalt  }
0x72: {  	_ =	shalt  }
0x73: {  	_ =	shalt  }
0x74: {  	_ =	shalt  }
0x75: {  	_ =	shalt  }
0x76: {  	_ =	shalt  }
0x77: {  	_ =	shalt  }
0x78: {  	_ =	shalt  }
0x79: {  	_ =	shalt  }
0x7a: {  	_ =	shalt  }
0x7b: {  	_ =	shalt  }
0x7c: {  	_ =	shalt  }
0x7d: {  	_ =	shalt  }
0x7e: {  	_ =	shalt  }
0x7f: {  	_ =	shalt  }
0x80: {  	_ =	shalt  }
0x81: {  	_ =	shalt  }
0x82: {  	_ =	shalt  }
0x83: {  	_ =	shalt  }
0x84: {  	_ =	shalt  }
0x85: {  	_ =	shalt  }
0x86: {  	_ =	shalt  }
0x87: {  	_ =	shalt  }
.Lfunc_end0:
.L_simem_size_0:
called_computation.2_lowered:
.L_overlay_start_0:
0x88: {  	s2 =	sld [smem:$0x3FD9]  }
0x89: {  	s3 =	sld [smem:$0x3FFE];
	_ =	sdelay $0x1  }
0x8a: {  	s1 =	srdreg.scid  }
0x8b: {  	s0 =	sand.u32 $0x1, s1  }
0x8c: {  	s16 =	sshll.u32 s0, $0xA;
	s2 =	sadd.s32 s3, s2  }
0x8d: {  	s2 =	sadd.s32 s2, s16  }
0x8e: {  	[smem:$0x3FA5] =	sst s2  }
0x8f: {  	_ = 	snop  }
0x90: {  	(tm) =	ssettm $0x1  }
0x91: {  	s17 =	sld [smem:$0x3FFB];
	_ =	sdelay $0x3  }
0x92: {  	_ =	strace s17  }
0x93: {  	s2 =	sld [smem:$0x3FFC];
	_ =	sdelay $0x3  }
0x94: {  	_ =	strace s2  }
0x95: {  	s2 =	sld [smem:$0x3FFD];
	_ =	sdelay $0x3  }
0x96: {  	_ =	strace s2  }
0x97: {  	_ =	strace $0x8FFFFFFF  }
0x98: {  	s18 =	sld [smem:$0x3FDB];
	_ =	sdelay $0x1  }
0x99: {  	s19 =	simm.s32 $_scs_section_size  }
0x9a: {  	s4 =	simm.s32 $_size__tile_overlayer_lowered;
	s5 =	simm.s32 $_tile_overlayer_lowered  }
0x9b: {  	s22 =	simm.s32 $0x1BFF;
	s21 =	sshll.u32 s5, $0x1;
	s2 =	sadd.s32 s19, s18  }
0x9c: {  	s6 =	simm.s32 $0x0;
	s20 =	sshll.u32 s4, $0x1;
	s4 =	sadd.s32 s21, s2  }
0x9d: {  	[timem:s6], [sflag:s22] =	dma.local [hbm:s4], s20  }
0x9e: {  	_ =	swait.ge [sflag:s22], s20  }
0x9f: {  	s3 =	ssub.s32 $0x0, s20;
	[sflag:s22] =	ssyncset.done $0x0  }
0xa0: {  	[sflag:s22] =	ssyncadd.s32 s3;
	_ =	sdelay $0x1  }
0xa1: {  	s23 =	simm.s32 $0x1B8B  }
0xa2: {  	_ =	swait.ge [sflag:s23], $0x1  }
0xa3: {  	[sflag:s23] =	ssyncset.done $0x0  }
0xa4: {  	s25 =	simm.s32 $0x1B8E;
	s24 =	sld [smem:$0x3FFE];
	[sflag:s23] =	ssyncadd.s32 $0xFFFFFFFF  }
0xa5: {  	s26 =	simm.s32 $execute0_lowered;
	[smem:$0x3FD2] =	sst s25  }
0xa6: {  	s4 =	sshll.u32 s26, $0x1;
	_ =	strace $0x8000004C;
	[dreg:$0x1] =	wrdreg $0xFFFFFFFF  }
0xa7: {  	s28 =	simm.s32 $_size_execute0_lowered;
	s2 =	sadd.s32 s2, s4;
	[dreg:$0x0] =	wrdreg $0x0  }
0xa8: {  	s4 =	sshll.u32 s28, $0x1;
	[dreg:$0x2] =	wrdreg s2  }
0xa9: {  	[dreg:$0x3] =	wrdreg s4  }
0xaa: {  	[dreg:$0x4] =	wrdreg $0xC0  }
0xab: {  	_ =	task [dreg:s6], $0x5FFFF  }
0xac: {  	[dreg:$0x1] =	wrdreg $0xFFFFFFFF  }
0xad: {  	[dreg:$0x0] =	wrdreg $0x60  }
0xae: {  	[dreg:$0x2] =	wrdreg s24  }
0xaf: {  	[dreg:$0x3] =	wrdreg $0x41000  }
0xb0: {  	[dreg:$0x4] =	wrdreg $0x9  }
0xb1: {  	_ =	task.clear_ibuf [dreg:s6], $0x5FFFF;
	_ =	strace $0x9000004C  }
0xb2: {  	s29 =	simm.s32 $0x9;
	_ =	strace $0x8000004E  }
0xb3: {  	_ =	swait.ge [sflag:s29], $0x1  }
0xb4: {  	[sflag:s29] =	ssyncadd.s32 $0xFFFFFFFF  }
0xb5: {  	_ =	strace $0x9000004E  }
0xb6: {  	_ =	sfence  }
0xb7: {  	s30 =	sld [smem:$0x0];
	_ =	sdelay $0x2  }
0xb8: {  	s31 =	sshll.u32 s1, $0xD;
	s1 =	sshrl.u32 s1, $0x2  }
0xb9: {  	s3 =	sand.u32 $0x4000, s31;
	s1 =	sadd.s32 s1, s30  }
0xba: {  	s0 =	sor.u32 s3, s0;
	s1 =	sshll.u32 s1, $0x11  }
0xbb: {  	s0 =	sor.u32 s1, s0  }
0xbc: {  	s0 =	sadd.s32 $0x8F2B, s0  }
0xbd: {  	[sflag:s0] =	ssyncadd.remote.s32 $0x1  }
0xbe: {  	_ =	sfence.sel $0xFFFF  }
0xbf: {  	[dreg:$0x0] =	wrdreg $0xFFFFFFFF;
	(pc) =	sbr.abs _section_cstart, $3  }
0xc0: {  	[dreg:$0x1] =	wrdreg $0xFFFFFFFF  }
0xc1: {  	_ =	task.clear_ibuf [dreg:s6], $0x2FFFF;
	_ =	strace $0x9FFFFFFF  }
0xc2: {  	(tm) =	ssettm $0x7FFFFFFF  }
0xc3: {  	_ =	shalt  }
tec
execute0_lowered:
.L_overlay_start_1:
0x0: {  	(tag) =	ssettag $0x1  }
0x1: {  	s7 =	rddreg [dreg:$0x0]  }
0x2: {  	s2 =	rddreg [dreg:$0x1]  }
0x3: {  	s0 =	rddreg [dreg:$0x2]  }
0x4: {  	s4 =	srdreg.scid;
	s1 =	stileid.u32  }
0x5: {  	s3 =	simm.s32 $0x0;
	s19 =	simm.s32 $0x100;
	s20 =	simm.s32 $0x2  }
0x6: {  	s21 =	simm.s32 $0x80;
	s22 =	simm.s32 $0x1;
	s23 =	simm.s32 $0x0  }
0x7: {  	s8 =	sand.u32 $0x1, s4;
	s6 =	smul.u32 $0x280, s1;
	[smem:$0x7FF] =	sst s3  }
0x8: {  	s4 =	sadd.s32 $0x1D200, s7;
	s5 =	sadd.s32 $0x9200, s7;
	s10 =	smul.u32 $0x50000, s1  }
0x9: {  	s29 =	sshll.u32 s1, $0x1;
	s9 =	smul.u32 $0x2800, s8;
	s28 =	ssub.s32 $0x2, s8  }
0xa: {  	_ =	strace $0x8000004D;
	s8 =	sor.u32 s8, s29;
	s11 =	sshrl.u32 s28, $0x1  }
0xb: {  	s30 =	sshrl.u32 s10, $0x2;
	s8 =	smul.u32 $0x2800, s8;
	s9 =	sadd.s32 s6, s9  }
0xc: {  	s6 =	sadd.s32 $0x13200, s7;
	s31 =	ssub.s32 s28, s11;
	s9 =	sshll.u32 s9, $0x4  }
0xd: {  	s18 =	sadd.s32 s9, s7;
	s7 =	sadd.s32 s30, s2;
	s9 =	smax.u32 s31, $0x1  }
0xe: {  	s10 =	sadd.s32 $0x4000, s7;
	s11 =	sadd.s32 $0x8000, s7;
	s12 =	sadd.s32 $0xC000, s7  }
0xf: {  	s13 =	sadd.s32 $0x10000, s7;
	s14 =	sadd.s32 $0x45200, s18;
	s15 =	sadd.s32 $0x45A00, s18  }
0x10: {  	v0 =	vimm.f32 $0.0e+00;
	s16 =	sadd.s32 $0x46200, s18;
	s17 =	sadd.s32 $0x46A00, s18;
	s18 =	sadd.s32 $0x47200, s18  }
.LBB2_1:
0x11: {  	s24 =	sand.u32 $0xFE00, s3  }
0x12: {  	s25 =	sand.u32 $0x70, s3;
	s26 =	sshrl.u32 s24, $0x2  }
0x13: {  	s24 =	simm.s32 $0x40;
	s26 =	sor.u32 s25, s26;
	s25 =	simm.s32 $0x0  }
.LBB2_2:
0x14: {  	p0 =	sne.s32 s24, $0xFFC0  }
0x15: {  	[tilespmem:s26+$0x100] =	vst v0;
	s25 =	sadd.s32 $0x10, s25;
	s26 =	smov.u32 s24;
	s24 =	sadd.s32 $0x40, s24  }
.Ltmp0:
0x16: {  	(pc) =	sbr.rel @p0 .LBB2_2-.Ltmp0, $4  }
0x17: {  	_ = 	snop  }
0x18: {  	s26 =	sand.u32 $0xFE00, s26  }
0x19: {  	s28 =	sand.u32 $0x70, s25;
	s26 =	sshrl.u32 s26, $0x2  }
0x1a: {  	s26 =	sor.u32 s28, s26  }
0x1b: {  	[tilespmem:s26+$0x100] =	vst v0  }
0x1c: {  	[spmem:s7] =	stream.linear.scatter [tilespmem:s19], [sflag:$0x2], $0x4000, $0x38;
	[tilespmem:$0x18100] =	vst v63  }
0x1d: {  	_ =	swait.ge [sflag:s20], $0x4000  }
0x1e: {  	[sflag:s20] =	ssyncset.done $0x0  }
0x1f: {  	[sflag:s20] =	ssyncadd.s32 $0xFFFFC000  }
0x20: {  	[spmem:s10] =	stream.linear.scatter [tilespmem:s19], [sflag:$0x2], $0x4000, $0x38;
	[tilespmem:$0x18100] =	vst v63  }
0x21: {  	_ =	swait.ge [sflag:s20], $0x4000  }
0x22: {  	[sflag:s20] =	ssyncset.done $0x0  }
0x23: {  	[sflag:s20] =	ssyncadd.s32 $0xFFFFC000  }
0x24: {  	[spmem:s11] =	stream.linear.scatter [tilespmem:s19], [sflag:$0x2], $0x4000, $0x38;
	[tilespmem:$0x18100] =	vst v63  }
0x25: {  	_ =	swait.ge [sflag:s20], $0x4000  }
0x26: {  	[sflag:s20] =	ssyncset.done $0x0  }
0x27: {  	[sflag:s20] =	ssyncadd.s32 $0xFFFFC000  }
0x28: {  	[spmem:s12] =	stream.linear.scatter [tilespmem:s19], [sflag:$0x2], $0x4000, $0x38;
	[tilespmem:$0x18100] =	vst v63  }
0x29: {  	_ =	swait.ge [sflag:s20], $0x4000  }
0x2a: {  	s24 =	simm.s32 $0x0;
	[sflag:s20] =	ssyncset.done $0x0  }
0x2b: {  	s25 =	sand.u32 $0x3C00, s24;
	[sflag:s20] =	ssyncadd.s32 $0xFFFFC000  }
0x2c: {  	[spmem:s13] =	stream.linear.scatter [tilespmem:s19], [sflag:$0x2], $0x4000, $0x38;
	[tilespmem:$0x18100] =	vst v63  }
0x2d: {  	s24 =	sand.u32 $0x380, s24;
	s25 =	sadd.s32 s8, s25;
	_ =	swait.ge [sflag:s20], $0x4000  }
0x2e: {  	s24 =	sor.u32 s24, s25;
	[sflag:s20] =	ssyncset.done $0x0  }
0x2f: {  	s24 =	sshrl.u32 s24, $0x3;
	[sflag:s20] =	ssyncadd.s32 $0xFFFFC000  }
0x30: {  	s28 =	sadd.s32 s5, s24;
	[bflag:$0x0] =	sbarrier.arrive $0xFFFF  }
0x31: {  	[tilespmem:s3], [sflag:$0x2] =	stream.linear.gather [hbm4b:s28+s3], $0x80, $0x38;
	[tilespmem:$0x18100] =	vst v63  }
0x32: {  	_ =	swait.ge [sflag:s20], $0x80  }
0x33: {  	[sflag:s20] =	ssyncset.done $0x0  }
0x34: {  	s24 =	sadd.s32 s6, s24;
	[sflag:s20] =	ssyncadd.s32 $0xFFFFFF80  }
0x35: {  	[tilespmem:s21], [sflag:$0x2] =	stream.linear.gather [hbm4b:s24+s3], $0x80, $0x38;
	[tilespmem:$0x18100] =	vst v63  }
0x36: {  	_ =	swait.ge [sflag:s20], $0x80  }
0x37: {  	[sflag:s20] =	ssyncset.done $0x0  }
0x38: {  	[sflag:s20] =	ssyncadd.s32 $0xFFFFFF80  }
0x39: {  	[tilespmem:s19], [sflag:$0x1] =	stream.indirect.gather [hbm4b:s4+s21], $0x80, s3, s21, $0xb8;
	[tilespmem:$0x18100] =	vst v63  }
0x3a: {  	_ =	swait.ge [sflag:s22], $0x4000  }
0x3b: {  	s29 =	simm.s32 $0x80;
	[sflag:s22] =	ssyncset.done $0x0  }
0x3c: {  	s30 =	sand.u32 $0x3C00, s29;
	[sflag:s22] =	ssyncadd.s32 $0xFFFFC000  }
0x3d: {  	[spmem:s2] =	stream.indirect.scatter.add.f32 [tilespmem:s19], [sflag:$0x2], $0x80, s21, s21, $0xb8;
	[tilespmem:$0x18100] =	vst v63  }
0x3e: {  	s31 =	sand.u32 $0x380, s29;
	s25 =	sadd.s32 s8, s30;
	_ =	swait.ge [sflag:s20], $0x4000  }
0x3f: {  	s25 =	sor.u32 s31, s25;
	s24 =	simm.s32 $0x100;
	[sflag:s20] =	ssyncset.done $0x0  }
.LBB2_4:
0x40: {  	s25 =	sshrl.u32 s25, $0x3  }
0x41: {  	[sflag:s20] =	ssyncadd.s32 $0xFFFFC000;
	s26 =	smov.u32 s24;
	s28 =	sadd.s32 $0x80, s24  }
0x42: {  	p0 =	sne.s32 s24, $0x2700;
	s24 =	sadd.s32 s5, s25  }
0x43: {  	[tilespmem:s3], [sflag:$0x2] =	stream.linear.gather [hbm4b:s24+s3], $0x80, $0x38;
	[tilespmem:$0x18100] =	vst v63  }
0x44: {  	_ =	swait.ge [sflag:s20], $0x80  }
0x45: {  	[sflag:s20] =	ssyncset.done $0x0  }
0x46: {  	s24 =	sadd.s32 s6, s25;
	[sflag:s20] =	ssyncadd.s32 $0xFFFFFF80  }
0x47: {  	[tilespmem:s21], [sflag:$0x2] =	stream.linear.gather [hbm4b:s24+s3], $0x80, $0x38;
	[tilespmem:$0x18100] =	vst v63  }
0x48: {  	_ =	swait.ge [sflag:s20], $0x80  }
0x49: {  	[sflag:s20] =	ssyncset.done $0x0  }
0x4a: {  	[sflag:s20] =	ssyncadd.s32 $0xFFFFFF80  }
0x4b: {  	[tilespmem:s19], [sflag:$0x1] =	stream.indirect.gather [hbm4b:s4+s21], $0x80, s3, s21, $0xb8;
	[tilespmem:$0x18100] =	vst v63  }
0x4c: {  	_ =	swait.ge [sflag:s22], $0x4000  }
.Ltmp1:
0x4d: {  	[sflag:s22] =	ssyncset.done $0x0;
	(pc) =	sbr.rel @p0 .LBB2_4-.Ltmp1, $4  }
0x4e: {  	s24 =	sand.u32 $0x3C00, s26;
	[sflag:s22] =	ssyncadd.s32 $0xFFFFC000  }
0x4f: {  	[spmem:s2] =	stream.indirect.scatter.add.f32 [tilespmem:s19], [sflag:$0x2], $0x80, s21, s21, $0xb8;
	[tilespmem:$0x18100] =	vst v63  }
0x50: {  	s25 =	sand.u32 $0x380, s26;
	s24 =	sadd.s32 s8, s24;
	_ =	swait.ge [sflag:s20], $0x4000  }
0x51: {  	s25 =	sor.u32 s25, s24;
	s24 =	smov.u32 s28;
	[sflag:s20] =	ssyncset.done $0x0  }
0x52: {  	s24 =	sshrl.u32 s25, $0x3  }
0x53: {  	[sflag:s20] =	ssyncadd.s32 $0xFFFFC000;
	s25 =	sadd.s32 s5, s24  }
0x54: {  	[tilespmem:s3], [sflag:$0x2] =	stream.linear.gather [hbm4b:s25+s3], $0x80, $0x38;
	[tilespmem:$0x18100] =	vst v63  }
0x55: {  	_ =	swait.ge [sflag:s20], $0x80  }
0x56: {  	[sflag:s20] =	ssyncset.done $0x0  }
0x57: {  	s24 =	sadd.s32 s6, s24;
	[sflag:s20] =	ssyncadd.s32 $0xFFFFFF80  }
0x58: {  	[tilespmem:s21], [sflag:$0x2] =	stream.linear.gather [hbm4b:s24+s3], $0x80, $0x38;
	[tilespmem:$0x18100] =	vst v63  }
0x59: {  	_ =	swait.ge [sflag:s20], $0x80  }
0x5a: {  	[sflag:s20] =	ssyncset.done $0x0  }
0x5b: {  	[sflag:s20] =	ssyncadd.s32 $0xFFFFFF80  }
0x5c: {  	[tilespmem:s19], [sflag:$0x1] =	stream.indirect.gather [hbm4b:s4+s21], $0x80, s3, s21, $0xb8;
	[tilespmem:$0x18100] =	vst v63  }
0x5d: {  	_ =	swait.ge [sflag:s22], $0x4000  }
0x5e: {  	[sflag:s22] =	ssyncset.done $0x0  }
0x5f: {  	[sflag:s22] =	ssyncadd.s32 $0xFFFFC000  }
0x60: {  	[spmem:s2] =	stream.indirect.scatter.add.f32 [tilespmem:s19], [sflag:$0x2], $0x80, s21, s21, $0xb8;
	[tilespmem:$0x18100] =	vst v63  }
0x61: {  	_ =	swait.ge [sflag:s20], $0x4000  }
0x62: {  	[sflag:s20] =	ssyncset.done $0x0  }
0x63: {  	[sflag:s20] =	ssyncadd.s32 $0xFFFFC000  }
0x64: {  	[bflag:$0x0] =	sbarrier.arrive $0xFFFF  }
0x65: {  	[tilespmem:s19], [sflag:$0x2] =	stream.linear.gather [spmem:s7], $0x4000, $0x38;
	[tilespmem:$0x18100] =	vst v63  }
0x66: {  	_ =	swait.ge [sflag:s20], $0x4000  }
0x67: {  	[sflag:s20] =	ssyncset.done $0x0  }
0x68: {  	[sflag:s20] =	ssyncadd.s32 $0xFFFFC000  }
0x69: {  	[hbm4b:s14+s3] =	stream.linear.scatter [tilespmem:s19], [sflag:$0x2], $0x4000, $0x38;
	[tilespmem:$0x18100] =	vst v63  }
0x6a: {  	_ =	swait.ge [sflag:s20], $0x4000  }
0x6b: {  	[sflag:s20] =	ssyncset.done $0x0  }
0x6c: {  	[sflag:s20] =	ssyncadd.s32 $0xFFFFC000  }
0x6d: {  	[tilespmem:s19], [sflag:$0x2] =	stream.linear.gather [spmem:s10], $0x4000, $0x38;
	[tilespmem:$0x18100] =	vst v63  }
0x6e: {  	_ =	swait.ge [sflag:s20], $0x4000  }
0x6f: {  	[sflag:s20] =	ssyncset.done $0x0  }
0x70: {  	[sflag:s20] =	ssyncadd.s32 $0xFFFFC000  }
0x71: {  	[hbm4b:s15+s3] =	stream.linear.scatter [tilespmem:s19], [sflag:$0x2], $0x4000, $0x38;
	[tilespmem:$0x18100] =	vst v63  }
0x72: {  	_ =	swait.ge [sflag:s20], $0x4000  }
0x73: {  	[sflag:s20] =	ssyncset.done $0x0  }
0x74: {  	[sflag:s20] =	ssyncadd.s32 $0xFFFFC000  }
0x75: {  	[tilespmem:s19], [sflag:$0x2] =	stream.linear.gather [spmem:s11], $0x4000, $0x38;
	[tilespmem:$0x18100] =	vst v63  }
0x76: {  	_ =	swait.ge [sflag:s20], $0x4000  }
0x77: {  	[sflag:s20] =	ssyncset.done $0x0  }
0x78: {  	[sflag:s20] =	ssyncadd.s32 $0xFFFFC000  }
0x79: {  	[hbm4b:s16+s3] =	stream.linear.scatter [tilespmem:s19], [sflag:$0x2], $0x4000, $0x38;
	[tilespmem:$0x18100] =	vst v63  }
0x7a: {  	_ =	swait.ge [sflag:s20], $0x4000  }
0x7b: {  	[sflag:s20] =	ssyncset.done $0x0  }
0x7c: {  	[sflag:s20] =	ssyncadd.s32 $0xFFFFC000  }
0x7d: {  	[tilespmem:s19], [sflag:$0x2] =	stream.linear.gather [spmem:s12], $0x4000, $0x38;
	[tilespmem:$0x18100] =	vst v63  }
0x7e: {  	_ =	swait.ge [sflag:s20], $0x4000  }
0x7f: {  	[sflag:s20] =	ssyncset.done $0x0  }
0x80: {  	[sflag:s20] =	ssyncadd.s32 $0xFFFFC000  }
0x81: {  	[hbm4b:s17+s3] =	stream.linear.scatter [tilespmem:s19], [sflag:$0x2], $0x4000, $0x38;
	[tilespmem:$0x18100] =	vst v63  }
0x82: {  	_ =	swait.ge [sflag:s20], $0x4000  }
0x83: {  	[sflag:s20] =	ssyncset.done $0x0  }
0x84: {  	[sflag:s20] =	ssyncadd.s32 $0xFFFFC000  }
0x85: {  	[tilespmem:s19], [sflag:$0x2] =	stream.linear.gather [spmem:s13], $0x4000, $0x38;
	[tilespmem:$0x18100] =	vst v63  }
0x86: {  	s23 =	sadd.s32 $0x1, s23;
	_ =	swait.ge [sflag:s20], $0x4000  }
0x87: {  	p0 =	sne.s32 s23, s9;
	[sflag:s20] =	ssyncset.done $0x0  }
.Ltmp2:
0x88: {  	[sflag:s20] =	ssyncadd.s32 $0xFFFFC000;
	(pc) =	sbr.rel @p0 .LBB2_1-.Ltmp2, $4  }
0x89: {  	[hbm4b:s18+s3] =	stream.linear.scatter [tilespmem:s19], [sflag:$0x2], $0x4000, $0x38;
	[tilespmem:$0x18100] =	vst v63  }
0x8a: {  	_ =	swait.ge [sflag:s20], $0x4000  }
0x8b: {  	[sflag:s20] =	ssyncset.done $0x0  }
0x8c: {  	[sflag:s20] =	ssyncadd.s32 $0xFFFFC000  }
0x8d: {  	_ =	sfence.sel $0x180000  }
0x8e: {  	[bflag:$0x0] =	sbarrier.arrive $0xFFFF  }
0x8f: {  	p0 =	sne.s32 s1, $0x0;
	_ =	strace $0x9000004D  }
0x90: {  	s0 =	sadd.s32 @!p0 $0x100000, s0;
	[bflag:$0x2] =	sbarrier.arrive $0xFFFF  }
0x91: {  	[sflag:s0] =	ssyncadd.tile.s32 @!p0 $0x1;
	_ =	shalt  }
.Lfunc_end2:
_tile_overlayer_lowered:
.L_overlay_start_2:
0x92: {  	(tag) =	ssettag $0x2  }
0x93: {  	s0 =	rddreg [dreg:$0x0];
	s2 =	stileid.u32  }
0x94: {  	s1 =	rddreg [dreg:$0x1];
	p0 =	sne.s32 s2, $0x0  }
0x95: {  	s3 =	rddreg [dreg:$0x2];
	[bflag:$0x3] =	sbarrier.arrive $0xFFFF;
	s2 =	simm.s32 @!p0 $0x1C02  }
0x96: {  	[timem:s3], [sflag:s2] =	dma.local @!p0 [hbm:s0], s1  }
0x97: {  	s0 =	simm.s32 @!p0 $0x2  }
0x98: {  	_ =	swait.ge @!p0 [sflag:s0], s1  }
0x99: {  	s1 =	ssub.s32 @!p0 $0x0, s1;
	[sflag:s0] =	ssyncset.done @!p0 $0x0  }
0x9a: {  	[sflag:s0] =	ssyncadd.s32 @!p0 s1  }
0x9b: {  	[bflag:$0x3] =	sbarrier.arrive $0xFFFF  }
0x9c: {  	_ =	shalt  }

// kernel: kernel.35.cloned.1.call-start
scs
__scs_entry_jumppad:
0x0: {  	(pc) =	sbr.rel $0x88, $3  }
0x1: {  	(tag) =	ssettag $0x0;
	lr =	simm.s32 $0x1  }
0x2: {  	[smem:$0x3F7E] =	sst lr;
	_ =	strace $0xD0000000  }
0x3: {  	_ = 	snop  }
0x4: {  	_ = 	snop  }
0x5: {  	_ = 	snop  }
0x6: {  	_ = 	snop  }
0x7: {  	_ = 	snop  }
__scs_overlays_trampoline_lowered:
0x8: {  	[smem:$0x3F8D] =	sst s0  }
0x9: {  	[smem:$0x3F8E] =	sst s1  }
0xa: {  	[smem:$0x3F8F] =	sst s2  }
0xb: {  	[smem:$0x3F90] =	sst s3  }
0xc: {  	[smem:$0x3F91] =	sst s4  }
0xd: {  	[smem:$0x3F92] =	sst s5  }
0xe: {  	[smem:$0x3F93] =	sst s6  }
0xf: {  	[smem:$0x3F94] =	sst s7  }
0x10: {  	[smem:$0x3F95] =	sst s8  }
0x11: {  	[smem:$0x3F96] =	sst s9;
	s0 =	simm.s32 @!p0 $0x0  }
0x12: {  	s1 =	sld [smem:$0x3F7C];
	s0 =	simm.s32 @p0 $0x1  }
0x13: {  	[smem:$0x3F97] =	sst s0;
	s0 =	simm.s32 @!p1 $0x0  }
0x14: {  	s2 =	sld [smem:$0x3F7B];
	s0 =	simm.s32 @p1 $0x1  }
0x15: {  	[smem:$0x3F98] =	sst s0;
	s0 =	simm.s32 @!p2 $0x0  }
0x16: {  	s3 =	sld [smem:$0x3FDB];
	s0 =	simm.s32 @p2 $0x1  }
0x17: {  	s4 =	simm.s32 $0x1BF5;
	[smem:$0x3F9A] =	sst s0  }
0x18: {  	s0 =	sld [smem:$0x3F7D];
	_ =	swait.ge [sflag:s4], $0x0  }
0x19: {  	s7 =	sld [smem:$0x3F7E]  }
0x1a: {  	s8 =	sadd.s32 $0xFFFFE003, lr  }
0x1b: {  	s9 =	sadd.s32 $0xFFFFFEF7, lr;
	s5 =	simm.s32 $0xFFFFFFFF;
	p2 =	slt.u32 s8, $0xFFFFF086  }
0x1c: {  	p1 =	slt.u32 s9, $0xF7A;
	s5 =	simm.s32 @!p2 $0x0  }
0x1d: {  	s5 =	simm.s32 @p1 $0x1;
	p0 =	seq.s32 s7, s2  }
0x1e: {  	s7 =	smul.u32 @!p0 $0xF7A, s2;
	p2 =	seq.s32 @!p0 s5, $0x0  }
0x1f: {  	s9 =	smul.u32 $0xF7A, s1;
	s8 =	simm.s32 @!p0 $0x1BF5;
	p2 =	por !p2, p0  }
0x20: {  	[sflag:s8] =	ssyncset.s32 @!p0 $0xFFFFF086;
	s6 =	sadd.s32 @!p0 s3, s7;
	s7 =	simm.s32 @!p0 $0x108  }
0x21: {  	s3 =	sadd.s32 s3, s9;
	s6 =	sadd.s32 @!p0 $0x88, s6;
	s7 =	simm.s32 @p2 $0x1082  }
0x22: {  	[simem:s7], [sflag:s8] =	dma.local @!p0 [hbm:s6], $0xF7A  }
0x23: {  	s9 =	sor.u32 $0xD0000000, s2;
	s6 =	simm.s32 $0x108;
	_ =	swait.ge @!p0 [sflag:s8], $0x0  }
0x24: {  	s3 =	sadd.s32 $0x88, s3;
	s6 =	simm.s32 @!p1 $0x1082;
	[sflag:s4] =	ssyncset.s32 $0xFFFFF086  }
0x25: {  	[simem:s6], [sflag:s4] =	dma.local [hbm:s3], $0xF7A  }
0x26: {  	[smem:$0x3F7E] =	sst s1;
	(tag) =	ssettag s2;
	_ =	strace s9  }
0x27: {  	s1 =	sld [smem:$0x3F8E]  }
0x28: {  	s2 =	sld [smem:$0x3F8F]  }
0x29: {  	s4 =	sld [smem:$0x3F91]  }
0x2a: {  	p0 =	seq.s32 s5, $0x0;
	s5 =	sld [smem:$0x3F92]  }
0x2b: {  	s6 =	sld [smem:$0x3F93]  }
0x2c: {  	s7 =	sld [smem:$0x3F94]  }
0x2d: {  	s3 =	simm.s32 $0x108;
	s8 =	sld [smem:$0x3F95]  }
0x2e: {  	s3 =	simm.s32 @!p0 $0x1082;
	s9 =	sld [smem:$0x3F96]  }
0x2f: {  	lr =	sadd.s32 s0, s3;
	s0 =	sld [smem:$0x3F8D]  }
0x30: {  	s3 =	sld [smem:$0x3F90]  }
0x31: {  	[smem:$0x3F99] =	sst s10  }
0x32: {  	s10 =	sld [smem:$0x3F97];
	_ =	sdelay $0x3  }
0x33: {  	p0 =	seq.s32 s10, $0x1;
	s10 =	sld [smem:$0x3F99];
	_ =	sdelay $0x3  }
0x34: {  	[smem:$0x3F99] =	sst s10  }
0x35: {  	s10 =	sld [smem:$0x3F98];
	_ =	sdelay $0x3  }
0x36: {  	p1 =	seq.s32 s10, $0x1;
	s10 =	sld [smem:$0x3F99];
	_ =	sdelay $0x3  }
0x37: {  	[smem:$0x3F99] =	sst s10  }
0x38: {  	s10 =	sld [smem:$0x3F9A]  }
0x39: {  	_ = 	snop;
	(pc) =	sbr.ind lr, $3  }
0x3a: {  	_ = 	snop  }
0x3b: {  	_ = 	snop  }
0x3c: {  	p2 =	seq.s32 s10, $0x1;
	s10 =	sld [smem:$0x3F99]  }
0x3d: {  	_ =	shalt  }
0x3e: {  	_ =	shalt  }
0x3f: {  	_ =	shalt  }
0x40: {  	_ =	shalt  }
0x41: {  	_ =	shalt  }
0x42: {  	_ =	shalt  }
0x43: {  	_ =	shalt  }
0x44: {  	_ =	shalt  }
0x45: {  	_ =	shalt  }
0x46: {  	_ =	shalt  }
0x47: {  	_ =	shalt  }
0x48: {  	_ =	shalt  }
0x49: {  	_ =	shalt  }
0x4a: {  	_ =	shalt  }
0x4b: {  	_ =	shalt  }
0x4c: {  	_ =	shalt  }
0x4d: {  	_ =	shalt  }
0x4e: {  	_ =	shalt  }
0x4f: {  	_ =	shalt  }
0x50: {  	_ =	shalt  }
0x51: {  	_ =	shalt  }
0x52: {  	_ =	shalt  }
0x53: {  	_ =	shalt  }
0x54: {  	_ =	shalt  }
0x55: {  	_ =	shalt  }
0x56: {  	_ =	shalt  }
0x57: {  	_ =	shalt  }
0x58: {  	_ =	shalt  }
0x59: {  	_ =	shalt  }
0x5a: {  	_ =	shalt  }
0x5b: {  	_ =	shalt  }
0x5c: {  	_ =	shalt  }
0x5d: {  	_ =	shalt  }
0x5e: {  	_ =	shalt  }
0x5f: {  	_ =	shalt  }
0x60: {  	_ =	shalt  }
0x61: {  	_ =	shalt  }
0x62: {  	_ =	shalt  }
0x63: {  	_ =	shalt  }
0x64: {  	_ =	shalt  }
0x65: {  	_ =	shalt  }
0x66: {  	_ =	shalt  }
0x67: {  	_ =	shalt  }
0x68: {  	_ =	shalt  }
0x69: {  	_ =	shalt  }
0x6a: {  	_ =	shalt  }
0x6b: {  	_ =	shalt  }
0x6c: {  	_ =	shalt  }
0x6d: {  	_ =	shalt  }
0x6e: {  	_ =	shalt  }
0x6f: {  	_ =	shalt  }
0x70: {  	_ =	shalt  }
0x71: {  	_ =	shalt  }
0x72: {  	_ =	shalt  }
0x73: {  	_ =	shalt  }
0x74: {  	_ =	shalt  }
0x75: {  	_ =	shalt  }
0x76: {  	_ =	shalt  }
0x77: {  	_ =	shalt  }
0x78: {  	_ =	shalt  }
0x79: {  	_ =	shalt  }
0x7a: {  	_ =	shalt  }
0x7b: {  	_ =	shalt  }
0x7c: {  	_ =	shalt  }
0x7d: {  	_ =	shalt  }
0x7e: {  	_ =	shalt  }
0x7f: {  	_ =	shalt  }
0x80: {  	_ =	shalt  }
0x81: {  	_ =	shalt  }
0x82: {  	_ =	shalt  }
0x83: {  	_ =	shalt  }
0x84: {  	_ =	shalt  }
0x85: {  	_ =	shalt  }
0x86: {  	_ =	shalt  }
0x87: {  	_ =	shalt  }
.Lfunc_end0:
.L_simem_size_0:
called_computation.3_lowered:
.L_overlay_start_0:
0x88: {  	s2 =	sld [smem:$0x3FD9]  }
0x89: {  	s3 =	sld [smem:$0x3FFE];
	_ =	sdelay $0x1  }
0x8a: {  	s1 =	srdreg.scid  }
0x8b: {  	s0 =	sand.u32 $0x1, s1  }
0x8c: {  	s16 =	sshll.u32 s0, $0xA;
	s2 =	sadd.s32 s3, s2  }
0x8d: {  	s2 =	sadd.s32 s2, s16  }
0x8e: {  	[smem:$0x3FA5] =	sst s2  }
0x8f: {  	_ = 	snop  }
0x90: {  	(tm) =	ssettm $0x1  }
0x91: {  	s17 =	sld [smem:$0x3FFB];
	_ =	sdelay $0x3  }
0x92: {  	_ =	strace s17  }
0x93: {  	s2 =	sld [smem:$0x3FFC];
	_ =	sdelay $0x3  }
0x94: {  	_ =	strace s2  }
0x95: {  	s2 =	sld [smem:$0x3FFD];
	_ =	sdelay $0x3  }
0x96: {  	_ =	strace s2  }
0x97: {  	_ =	strace $0x8FFFFFFF  }
0x98: {  	s18 =	sld [smem:$0x3FDB];
	_ =	sdelay $0x1  }
0x99: {  	s19 =	simm.s32 $_scs_section_size  }
0x9a: {  	s4 =	simm.s32 $_size__tile_overlayer_lowered;
	s5 =	simm.s32 $_tile_overlayer_lowered  }
0x9b: {  	s22 =	simm.s32 $0x1BFF;
	s21 =	sshll.u32 s5, $0x1;
	s2 =	sadd.s32 s19, s18  }
0x9c: {  	s6 =	simm.s32 $0x0;
	s20 =	sshll.u32 s4, $0x1;
	s4 =	sadd.s32 s21, s2  }
0x9d: {  	[timem:s6], [sflag:s22] =	dma.local [hbm:s4], s20  }
0x9e: {  	_ =	swait.ge [sflag:s22], s20  }
0x9f: {  	s3 =	ssub.s32 $0x0, s20;
	[sflag:s22] =	ssyncset.done $0x0  }
0xa0: {  	[sflag:s22] =	ssyncadd.s32 s3;
	_ =	sdelay $0x1  }
0xa1: {  	s23 =	simm.s32 $0x1B8B  }
0xa2: {  	_ =	swait.ge [sflag:s23], $0x1  }
0xa3: {  	[sflag:s23] =	ssyncset.done $0x0  }
0xa4: {  	s25 =	simm.s32 $0x1B8E;
	s24 =	sld [smem:$0x3FFE];
	[sflag:s23] =	ssyncadd.s32 $0xFFFFFFFF  }
0xa5: {  	s26 =	simm.s32 $execute0_lowered;
	[smem:$0x3FD2] =	sst s25  }
0xa6: {  	s4 =	sshll.u32 s26, $0x1;
	_ =	strace $0x8000004F;
	[dreg:$0x1] =	wrdreg $0xFFFFFFFF  }
0xa7: {  	s28 =	simm.s32 $_size_execute0_lowered;
	s2 =	sadd.s32 s2, s4;
	[dreg:$0x0] =	wrdreg $0x0  }
0xa8: {  	s4 =	sshll.u32 s28, $0x1;
	[dreg:$0x2] =	wrdreg s2  }
0xa9: {  	[dreg:$0x3] =	wrdreg s4  }
0xaa: {  	[dreg:$0x4] =	wrdreg $0xC0  }
0xab: {  	_ =	task [dreg:s6], $0x5FFFF  }
0xac: {  	[dreg:$0x1] =	wrdreg $0xFFFFFFFF  }
0xad: {  	[dreg:$0x0] =	wrdreg $0x60  }
0xae: {  	[dreg:$0x2] =	wrdreg s24  }
0xaf: {  	[dreg:$0x3] =	wrdreg $0xA  }
0xb0: {  	_ =	task.clear_ibuf [dreg:s6], $0x4FFFF;
	_ =	strace $0x9000004F  }
0xb1: {  	s29 =	simm.s32 $0xA;
	_ =	strace $0x80000051  }
0xb2: {  	_ =	swait.ge [sflag:s29], $0x1  }
0xb3: {  	[sflag:s29] =	ssyncadd.s32 $0xFFFFFFFF  }
0xb4: {  	_ =	strace $0x90000051  }
0xb5: {  	_ =	sfence  }
0xb6: {  	s30 =	sld [smem:$0x0];
	_ =	sdelay $0x2  }
0xb7: {  	s31 =	sshll.u32 s1, $0xD;
	s1 =	sshrl.u32 s1, $0x2  }
0xb8: {  	s3 =	sand.u32 $0x4000, s31;
	s1 =	sadd.s32 s1, s30  }
0xb9: {  	s0 =	sor.u32 s3, s0;
	s1 =	sshll.u32 s1, $0x11  }
0xba: {  	s0 =	sor.u32 s1, s0  }
0xbb: {  	s0 =	sadd.s32 $0x8F2B, s0  }
0xbc: {  	[sflag:s0] =	ssyncadd.remote.s32 $0x1  }
0xbd: {  	_ =	sfence.sel $0xFFFF  }
0xbe: {  	[dreg:$0x0] =	wrdreg $0xFFFFFFFF;
	(pc) =	sbr.abs _section_cstart, $3  }
0xbf: {  	[dreg:$0x1] =	wrdreg $0xFFFFFFFF  }
0xc0: {  	_ =	task.clear_ibuf [dreg:s6], $0x2FFFF;
	_ =	strace $0x9FFFFFFF  }
0xc1: {  	(tm) =	ssettm $0x7FFFFFFF  }
tec
execute0_lowered:
.L_overlay_start_1:
0x0: {  	(tag) =	ssettag $0x1  }
0x1: {  	s1 =	srdreg.scid;
	s0 =	stileid.u32  }
0x2: {  	s17 =	sand.u32 $0x1, s1;
	s31 =	sshll.u32 s0, $0x1  }
0x3: {  	s9 =	rddreg [dreg:$0x0];
	s6 =	sor.u32 s17, s31  }
0x4: {  	s2 =	simm.s32 $0x0;
	s1 =	rddreg [dreg:$0x1];
	s3 =	sshll.u32 s6, $0x7  }
0x5: {  	[smem:$0x7FF] =	sst s2;
	s16 =	sadd.s32 s3, s9  }
0x6: {  	_ =	strace $0x80000050;
	s3 =	simm.s32 $0x2;
	s4 =	sadd.s32 $0xE5200, s16  }
0x7: {  	[tilespmem:s2], [sflag:$0x2] =	stream.linear.gather [hbm4b:s4+s2], $0x80, $0x38;
	[tilespmem:$0x2080] =	vst v63  }
0x8: {  	s7 =	simm.s32 $0x80;
	_ =	swait.ge [sflag:s3], $0x80  }
0x9: {  	s8 =	simm.s32 $0x1;
	s5 =	sadd.s32 $0x9200, s9;
	[sflag:s3] =	ssyncset.done $0x0  }
0xa: {  	s10 =	smul.u32 $0xA000, s6;
	s6 =	simm.s32 $0x40;
	[sflag:s3] =	ssyncadd.s32 $0xFFFFFF80  }
0xb: {  	[tilespmem:s7], [sflag:$0x1] =	stream.indirect.gather [hbm4b:s5+s6], $0x80, s2, s6, $0xb8;
	[tilespmem:$0x2080] =	vst v63  }
0xc: {  	s10 =	sshrl.u32 s10, $0x3;
	_ =	swait.ge [sflag:s8], $0x2000  }
0xd: {  	s18 =	sadd.s32 s10, s9;
	[sflag:s8] =	ssyncset.done $0x0  }
0xe: {  	s9 =	sadd.s32 $0x31200, s18;
	[sflag:s8] =	ssyncadd.s32 $0xFFFFE000  }
0xf: {  	[hbm4b:s9+s2] =	stream.linear.scatter [tilespmem:s7], [sflag:$0x2], $0x2000, $0x38;
	[tilespmem:$0x2080] =	vst v63  }
0x10: {  	_ =	swait.ge [sflag:s3], $0x2000  }
0x11: {  	[sflag:s3] =	ssyncset.done $0x0  }
0x12: {  	s10 =	sadd.s32 $0xE5210, s16;
	[sflag:s3] =	ssyncadd.s32 $0xFFFFE000  }
0x13: {  	[tilespmem:s2], [sflag:$0x2] =	stream.linear.gather [hbm4b:s10+s2], $0x80, $0x38;
	[tilespmem:$0x2080] =	vst v63  }
0x14: {  	_ =	swait.ge [sflag:s3], $0x80  }
0x15: {  	[sflag:s3] =	ssyncset.done $0x0  }
0x16: {  	[sflag:s3] =	ssyncadd.s32 $0xFFFFFF80  }
0x17: {  	[tilespmem:s7], [sflag:$0x1] =	stream.indirect.gather [hbm4b:s5+s6], $0x80, s2, s6, $0xb8;
	[tilespmem:$0x2080] =	vst v63  }
0x18: {  	_ =	swait.ge [sflag:s8], $0x2000  }
0x19: {  	[sflag:s8] =	ssyncset.done $0x0  }
0x1a: {  	s11 =	sadd.s32 $0x31600, s18;
	[sflag:s8] =	ssyncadd.s32 $0xFFFFE000  }
0x1b: {  	[hbm4b:s11+s2] =	stream.linear.scatter [tilespmem:s7], [sflag:$0x2], $0x2000, $0x38;
	[tilespmem:$0x2080] =	vst v63  }
0x1c: {  	_ =	swait.ge [sflag:s3], $0x2000  }
0x1d: {  	[sflag:s3] =	ssyncset.done $0x0  }
0x1e: {  	s12 =	sadd.s32 $0xE5220, s16;
	[sflag:s3] =	ssyncadd.s32 $0xFFFFE000  }
0x1f: {  	[tilespmem:s2], [sflag:$0x2] =	stream.linear.gather [hbm4b:s12+s2], $0x80, $0x38;
	[tilespmem:$0x2080] =	vst v63  }
0x20: {  	_ =	swait.ge [sflag:s3], $0x80  }
0x21: {  	[sflag:s3] =	ssyncset.done $0x0  }
0x22: {  	[sflag:s3] =	ssyncadd.s32 $0xFFFFFF80  }
0x23: {  	[tilespmem:s7], [sflag:$0x1] =	stream.indirect.gather [hbm4b:s5+s6], $0x80, s2, s6, $0xb8;
	[tilespmem:$0x2080] =	vst v63  }
0x24: {  	_ =	swait.ge [sflag:s8], $0x2000  }
0x25: {  	[sflag:s8] =	ssyncset.done $0x0  }
0x26: {  	s13 =	sadd.s32 $0x31A00, s18;
	[sflag:s8] =	ssyncadd.s32 $0xFFFFE000  }
0x27: {  	[hbm4b:s13+s2] =	stream.linear.scatter [tilespmem:s7], [sflag:$0x2], $0x2000, $0x38;
	[tilespmem:$0x2080] =	vst v63  }
0x28: {  	_ =	swait.ge [sflag:s3], $0x2000  }
0x29: {  	[sflag:s3] =	ssyncset.done $0x0  }
0x2a: {  	s14 =	sadd.s32 $0xE5230, s16;
	[sflag:s3] =	ssyncadd.s32 $0xFFFFE000  }
0x2b: {  	[tilespmem:s2], [sflag:$0x2] =	stream.linear.gather [hbm4b:s14+s2], $0x80, $0x38;
	[tilespmem:$0x2080] =	vst v63  }
0x2c: {  	_ =	swait.ge [sflag:s3], $0x80  }
0x2d: {  	[sflag:s3] =	ssyncset.done $0x0  }
0x2e: {  	[sflag:s3] =	ssyncadd.s32 $0xFFFFFF80  }
0x2f: {  	[tilespmem:s7], [sflag:$0x1] =	stream.indirect.gather [hbm4b:s5+s6], $0x80, s2, s6, $0xb8;
	[tilespmem:$0x2080] =	vst v63  }
0x30: {  	_ =	swait.ge [sflag:s8], $0x2000  }
0x31: {  	[sflag:s8] =	ssyncset.done $0x0  }
0x32: {  	s15 =	sadd.s32 $0x31E00, s18;
	[sflag:s8] =	ssyncadd.s32 $0xFFFFE000  }
0x33: {  	[hbm4b:s15+s2] =	stream.linear.scatter [tilespmem:s7], [sflag:$0x2], $0x2000, $0x38;
	[tilespmem:$0x2080] =	vst v63  }
0x34: {  	_ =	swait.ge [sflag:s3], $0x2000  }
0x35: {  	[sflag:s3] =	ssyncset.done $0x0  }
0x36: {  	s17 =	ssub.s32 $0x2, s17;
	s16 =	sadd.s32 $0xE5240, s16;
	[sflag:s3] =	ssyncadd.s32 $0xFFFFE000  }
0x37: {  	[tilespmem:s2], [sflag:$0x2] =	stream.linear.gather [hbm4b:s16+s2], $0x80, $0x38;
	[tilespmem:$0x2080] =	vst v63  }
0x38: {  	s19 =	sshrl.u32 s17, $0x1;
	_ =	swait.ge [sflag:s3], $0x80  }
0x39: {  	s17 =	ssub.s32 s17, s19;
	[sflag:s3] =	ssyncset.done $0x0  }
0x3a: {  	s19 =	smax.u32 s17, $0x1;
	[sflag:s3] =	ssyncadd.s32 $0xFFFFFF80  }
0x3b: {  	[tilespmem:s7], [sflag:$0x1] =	stream.indirect.gather [hbm4b:s5+s6], $0x80, s2, s6, $0xb8;
	[tilespmem:$0x2080] =	vst v63  }
0x3c: {  	p0 =	sne.s32 s19, $0x1;
	_ =	swait.ge [sflag:s8], $0x2000  }
.Ltmp0:
0x3d: {  	[sflag:s8] =	ssyncset.done $0x0;
	(pc) =	sbr.rel @!p0 .LBB2_2-.Ltmp0, $4  }
0x3e: {  	s17 =	sadd.s32 $0x32200, s18;
	[sflag:s8] =	ssyncadd.s32 $0xFFFFE000  }
0x3f: {  	[hbm4b:s17+s2] =	stream.linear.scatter [tilespmem:s7], [sflag:$0x2], $0x2000, $0x38;
	[tilespmem:$0x2080] =	vst v63  }
0x40: {  	_ =	swait.ge [sflag:s3], $0x2000  }
0x41: {  	s18 =	sadd.s32 $0xFFFFFFFF, s19;
	[sflag:s3] =	ssyncset.done $0x0  }
.LBB2_1:
0x42: {  	p0 =	sne.s32 s18, $0x1;
	s18 =	sadd.s32 $0xFFFFFFFF, s18;
	[sflag:s3] =	ssyncadd.s32 $0xFFFFE000  }
0x43: {  	[tilespmem:s2], [sflag:$0x2] =	stream.linear.gather [hbm4b:s4+s2], $0x80, $0x38;
	[tilespmem:$0x2080] =	vst v63  }
0x44: {  	_ =	swait.ge [sflag:s3], $0x80  }
0x45: {  	[sflag:s3] =	ssyncset.done $0x0  }
0x46: {  	[sflag:s3] =	ssyncadd.s32 $0xFFFFFF80  }
0x47: {  	[tilespmem:s7], [sflag:$0x1] =	stream.indirect.gather [hbm4b:s5+s6], $0x80, s2, s6, $0xb8;
	[tilespmem:$0x2080] =	vst v63  }
0x48: {  	_ =	swait.ge [sflag:s8], $0x2000  }
0x49: {  	[sflag:s8] =	ssyncset.done $0x0  }
0x4a: {  	[sflag:s8] =	ssyncadd.s32 $0xFFFFE000  }
0x4b: {  	[hbm4b:s9+s2] =	stream.linear.scatter [tilespmem:s7], [sflag:$0x2], $0x2000, $0x38;
	[tilespmem:$0x2080] =	vst v63  }
0x4c: {  	_ =	swait.ge [sflag:s3], $0x2000  }
0x4d: {  	[sflag:s3] =	ssyncset.done $0x0  }
0x4e: {  	[sflag:s3] =	ssyncadd.s32 $0xFFFFE000  }
0x4f: {  	[tilespmem:s2], [sflag:$0x2] =	stream.linear.gather [hbm4b:s10+s2], $0x80, $0x38;
	[tilespmem:$0x2080] =	vst v63  }
0x50: {  	_ =	swait.ge [sflag:s3], $0x80  }
0x51: {  	[sflag:s3] =	ssyncset.done $0x0  }
0x52: {  	[sflag:s3] =	ssyncadd.s32 $0xFFFFFF80  }
0x53: {  	[tilespmem:s7], [sflag:$0x1] =	stream.indirect.gather [hbm4b:s5+s6], $0x80, s2, s6, $0xb8;
	[tilespmem:$0x2080] =	vst v63  }
0x54: {  	_ =	swait.ge [sflag:s8], $0x2000  }
0x55: {  	[sflag:s8] =	ssyncset.done $0x0  }
0x56: {  	[sflag:s8] =	ssyncadd.s32 $0xFFFFE000  }
0x57: {  	[hbm4b:s11+s2] =	stream.linear.scatter [tilespmem:s7], [sflag:$0x2], $0x2000, $0x38;
	[tilespmem:$0x2080] =	vst v63  }
0x58: {  	_ =	swait.ge [sflag:s3], $0x2000  }
0x59: {  	[sflag:s3] =	ssyncset.done $0x0  }
0x5a: {  	[sflag:s3] =	ssyncadd.s32 $0xFFFFE000  }
0x5b: {  	[tilespmem:s2], [sflag:$0x2] =	stream.linear.gather [hbm4b:s12+s2], $0x80, $0x38;
	[tilespmem:$0x2080] =	vst v63  }
0x5c: {  	_ =	swait.ge [sflag:s3], $0x80  }
0x5d: {  	[sflag:s3] =	ssyncset.done $0x0  }
0x5e: {  	[sflag:s3] =	ssyncadd.s32 $0xFFFFFF80  }
0x5f: {  	[tilespmem:s7], [sflag:$0x1] =	stream.indirect.gather [hbm4b:s5+s6], $0x80, s2, s6, $0xb8;
	[tilespmem:$0x2080] =	vst v63  }
0x60: {  	_ =	swait.ge [sflag:s8], $0x2000  }
0x61: {  	[sflag:s8] =	ssyncset.done $0x0  }
0x62: {  	[sflag:s8] =	ssyncadd.s32 $0xFFFFE000  }
0x63: {  	[hbm4b:s13+s2] =	stream.linear.scatter [tilespmem:s7], [sflag:$0x2], $0x2000, $0x38;
	[tilespmem:$0x2080] =	vst v63  }
0x64: {  	_ =	swait.ge [sflag:s3], $0x2000  }
0x65: {  	[sflag:s3] =	ssyncset.done $0x0  }
0x66: {  	[sflag:s3] =	ssyncadd.s32 $0xFFFFE000  }
0x67: {  	[tilespmem:s2], [sflag:$0x2] =	stream.linear.gather [hbm4b:s14+s2], $0x80, $0x38;
	[tilespmem:$0x2080] =	vst v63  }
0x68: {  	_ =	swait.ge [sflag:s3], $0x80  }
0x69: {  	[sflag:s3] =	ssyncset.done $0x0  }
0x6a: {  	[sflag:s3] =	ssyncadd.s32 $0xFFFFFF80  }
0x6b: {  	[tilespmem:s7], [sflag:$0x1] =	stream.indirect.gather [hbm4b:s5+s6], $0x80, s2, s6, $0xb8;
	[tilespmem:$0x2080] =	vst v63  }
0x6c: {  	_ =	swait.ge [sflag:s8], $0x2000  }
0x6d: {  	[sflag:s8] =	ssyncset.done $0x0  }
0x6e: {  	[sflag:s8] =	ssyncadd.s32 $0xFFFFE000  }
0x6f: {  	[hbm4b:s15+s2] =	stream.linear.scatter [tilespmem:s7], [sflag:$0x2], $0x2000, $0x38;
	[tilespmem:$0x2080] =	vst v63  }
0x70: {  	_ =	swait.ge [sflag:s3], $0x2000  }
0x71: {  	[sflag:s3] =	ssyncset.done $0x0  }
0x72: {  	[sflag:s3] =	ssyncadd.s32 $0xFFFFE000  }
0x73: {  	[tilespmem:s2], [sflag:$0x2] =	stream.linear.gather [hbm4b:s16+s2], $0x80, $0x38;
	[tilespmem:$0x2080] =	vst v63  }
0x74: {  	_ =	swait.ge [sflag:s3], $0x80  }
0x75: {  	[sflag:s3] =	ssyncset.done $0x0  }
0x76: {  	[sflag:s3] =	ssyncadd.s32 $0xFFFFFF80  }
0x77: {  	[tilespmem:s7], [sflag:$0x1] =	stream.indirect.gather [hbm4b:s5+s6], $0x80, s2, s6, $0xb8;
	[tilespmem:$0x2080] =	vst v63  }
0x78: {  	_ =	swait.ge [sflag:s8], $0x2000  }
.Ltmp1:
0x79: {  	[sflag:s8] =	ssyncset.done $0x0;
	(pc) =	sbr.rel @p0 .LBB2_1-.Ltmp1, $4  }
0x7a: {  	[sflag:s8] =	ssyncadd.s32 $0xFFFFE000  }
0x7b: {  	[hbm4b:s17+s2] =	stream.linear.scatter [tilespmem:s7], [sflag:$0x2], $0x2000, $0x38;
	[tilespmem:$0x2080] =	vst v63  }
0x7c: {  	_ =	swait.ge [sflag:s3], $0x2000  }
0x7d: {  	[sflag:s3] =	ssyncset.done $0x0  }
.LBB2_2:
0x7e: {  	[sflag:s3] =	ssyncadd.s32 $0xFFFFE000  }
0x7f: {  	_ =	sfence.sel $0x180000  }
0x80: {  	[bflag:$0x0] =	sbarrier.arrive $0xFFFF  }
0x81: {  	p0 =	sne.s32 s0, $0x0;
	_ =	strace $0x90000050  }
0x82: {  	s0 =	sadd.s32 @!p0 $0x100000, s1;
	[bflag:$0x2] =	sbarrier.arrive $0xFFFF  }
0x83: {  	[sflag:s0] =	ssyncadd.tile.s32 @!p0 $0x1;
	_ =	shalt  }
.Lfunc_end2:
_tile_overlayer_lowered:
.L_overlay_start_2:
0x84: {  	(tag) =	ssettag $0x2  }
0x85: {  	s0 =	rddreg [dreg:$0x0];
	s2 =	stileid.u32  }
0x86: {  	s1 =	rddreg [dreg:$0x1];
	p0 =	sne.s32 s2, $0x0  }
0x87: {  	s3 =	rddreg [dreg:$0x2];
	[bflag:$0x3] =	sbarrier.arrive $0xFFFF;
	s2 =	simm.s32 @!p0 $0x1C02  }
0x88: {  	[timem:s3], [sflag:s2] =	dma.local @!p0 [hbm:s0], s1  }
0x89: {  	s0 =	simm.s32 @!p0 $0x2  }
0x8a: {  	_ =	swait.ge @!p0 [sflag:s0], s1  }
0x8b: {  	s1 =	ssub.s32 @!p0 $0x0, s1;
	[sflag:s0] =	ssyncset.done @!p0 $0x0  }
0x8c: {  	[sflag:s0] =	ssyncadd.s32 @!p0 s1  }
0x8d: {  	[bflag:$0x3] =	sbarrier.arrive $0xFFFF  }
0x8e: {  	_ =	shalt  }

// kernel: kernel.38.cloned.1.call-start
scs
__scs_entry_jumppad:
0x0: {  	(pc) =	sbr.rel $0x88, $3  }
0x1: {  	(tag) =	ssettag $0x0;
	lr =	simm.s32 $0x1  }
0x2: {  	[smem:$0x3F7E] =	sst lr;
	_ =	strace $0xD0000000  }
0x3: {  	_ = 	snop  }
0x4: {  	_ = 	snop  }
0x5: {  	_ = 	snop  }
0x6: {  	_ = 	snop  }
0x7: {  	_ = 	snop  }
__scs_overlays_trampoline_lowered:
0x8: {  	[smem:$0x3F8D] =	sst s0  }
0x9: {  	[smem:$0x3F8E] =	sst s1  }
0xa: {  	[smem:$0x3F8F] =	sst s2  }
0xb: {  	[smem:$0x3F90] =	sst s3  }
0xc: {  	[smem:$0x3F91] =	sst s4  }
0xd: {  	[smem:$0x3F92] =	sst s5  }
0xe: {  	[smem:$0x3F93] =	sst s6  }
0xf: {  	[smem:$0x3F94] =	sst s7  }
0x10: {  	[smem:$0x3F95] =	sst s8  }
0x11: {  	[smem:$0x3F96] =	sst s9;
	s0 =	simm.s32 @!p0 $0x0  }
0x12: {  	s1 =	sld [smem:$0x3F7C];
	s0 =	simm.s32 @p0 $0x1  }
0x13: {  	[smem:$0x3F97] =	sst s0;
	s0 =	simm.s32 @!p1 $0x0  }
0x14: {  	s2 =	sld [smem:$0x3F7B];
	s0 =	simm.s32 @p1 $0x1  }
0x15: {  	[smem:$0x3F98] =	sst s0;
	s0 =	simm.s32 @!p2 $0x0  }
0x16: {  	s3 =	sld [smem:$0x3FDB];
	s0 =	simm.s32 @p2 $0x1  }
0x17: {  	s4 =	simm.s32 $0x1BF5;
	[smem:$0x3F9A] =	sst s0  }
0x18: {  	s0 =	sld [smem:$0x3F7D];
	_ =	swait.ge [sflag:s4], $0x0  }
0x19: {  	s7 =	sld [smem:$0x3F7E]  }
0x1a: {  	s8 =	sadd.s32 $0xFFFFE003, lr  }
0x1b: {  	s9 =	sadd.s32 $0xFFFFFEF7, lr;
	s5 =	simm.s32 $0xFFFFFFFF;
	p2 =	slt.u32 s8, $0xFFFFF086  }
0x1c: {  	p1 =	slt.u32 s9, $0xF7A;
	s5 =	simm.s32 @!p2 $0x0  }
0x1d: {  	s5 =	simm.s32 @p1 $0x1;
	p0 =	seq.s32 s7, s2  }
0x1e: {  	s7 =	smul.u32 @!p0 $0xF7A, s2;
	p2 =	seq.s32 @!p0 s5, $0x0  }
0x1f: {  	s9 =	smul.u32 $0xF7A, s1;
	s8 =	simm.s32 @!p0 $0x1BF5;
	p2 =	por !p2, p0  }
0x20: {  	[sflag:s8] =	ssyncset.s32 @!p0 $0xFFFFF086;
	s6 =	sadd.s32 @!p0 s3, s7;
	s7 =	simm.s32 @!p0 $0x108  }
0x21: {  	s3 =	sadd.s32 s3, s9;
	s6 =	sadd.s32 @!p0 $0x88, s6;
	s7 =	simm.s32 @p2 $0x1082  }
0x22: {  	[simem:s7], [sflag:s8] =	dma.local @!p0 [hbm:s6], $0xF7A  }
0x23: {  	s9 =	sor.u32 $0xD0000000, s2;
	s6 =	simm.s32 $0x108;
	_ =	swait.ge @!p0 [sflag:s8], $0x0  }
0x24: {  	s3 =	sadd.s32 $0x88, s3;
	s6 =	simm.s32 @!p1 $0x1082;
	[sflag:s4] =	ssyncset.s32 $0xFFFFF086  }
0x25: {  	[simem:s6], [sflag:s4] =	dma.local [hbm:s3], $0xF7A  }
0x26: {  	[smem:$0x3F7E] =	sst s1;
	(tag) =	ssettag s2;
	_ =	strace s9  }
0x27: {  	s1 =	sld [smem:$0x3F8E]  }
0x28: {  	s2 =	sld [smem:$0x3F8F]  }
0x29: {  	s4 =	sld [smem:$0x3F91]  }
0x2a: {  	p0 =	seq.s32 s5, $0x0;
	s5 =	sld [smem:$0x3F92]  }
0x2b: {  	s6 =	sld [smem:$0x3F93]  }
0x2c: {  	s7 =	sld [smem:$0x3F94]  }
0x2d: {  	s3 =	simm.s32 $0x108;
	s8 =	sld [smem:$0x3F95]  }
0x2e: {  	s3 =	simm.s32 @!p0 $0x1082;
	s9 =	sld [smem:$0x3F96]  }
0x2f: {  	lr =	sadd.s32 s0, s3;
	s0 =	sld [smem:$0x3F8D]  }
0x30: {  	s3 =	sld [smem:$0x3F90]  }
0x31: {  	[smem:$0x3F99] =	sst s10  }
0x32: {  	s10 =	sld [smem:$0x3F97];
	_ =	sdelay $0x3  }
0x33: {  	p0 =	seq.s32 s10, $0x1;
	s10 =	sld [smem:$0x3F99];
	_ =	sdelay $0x3  }
0x34: {  	[smem:$0x3F99] =	sst s10  }
0x35: {  	s10 =	sld [smem:$0x3F98];
	_ =	sdelay $0x3  }
0x36: {  	p1 =	seq.s32 s10, $0x1;
	s10 =	sld [smem:$0x3F99];
	_ =	sdelay $0x3  }
0x37: {  	[smem:$0x3F99] =	sst s10  }
0x38: {  	s10 =	sld [smem:$0x3F9A]  }
0x39: {  	_ = 	snop;
	(pc) =	sbr.ind lr, $3  }
0x3a: {  	_ = 	snop  }
0x3b: {  	_ = 	snop  }
0x3c: {  	p2 =	seq.s32 s10, $0x1;
	s10 =	sld [smem:$0x3F99]  }
0x3d: {  	_ =	shalt  }
0x3e: {  	_ =	shalt  }
0x3f: {  	_ =	shalt  }
0x40: {  	_ =	shalt  }
0x41: {  	_ =	shalt  }
0x42: {  	_ =	shalt  }
0x43: {  	_ =	shalt  }
0x44: {  	_ =	shalt  }
0x45: {  	_ =	shalt  }
0x46: {  	_ =	shalt  }
0x47: {  	_ =	shalt  }
0x48: {  	_ =	shalt  }
0x49: {  	_ =	shalt  }
0x4a: {  	_ =	shalt  }
0x4b: {  	_ =	shalt  }
0x4c: {  	_ =	shalt  }
0x4d: {  	_ =	shalt  }
0x4e: {  	_ =	shalt  }
0x4f: {  	_ =	shalt  }
0x50: {  	_ =	shalt  }
0x51: {  	_ =	shalt  }
0x52: {  	_ =	shalt  }
0x53: {  	_ =	shalt  }
0x54: {  	_ =	shalt  }
0x55: {  	_ =	shalt  }
0x56: {  	_ =	shalt  }
0x57: {  	_ =	shalt  }
0x58: {  	_ =	shalt  }
0x59: {  	_ =	shalt  }
0x5a: {  	_ =	shalt  }
0x5b: {  	_ =	shalt  }
0x5c: {  	_ =	shalt  }
0x5d: {  	_ =	shalt  }
0x5e: {  	_ =	shalt  }
0x5f: {  	_ =	shalt  }
0x60: {  	_ =	shalt  }
0x61: {  	_ =	shalt  }
0x62: {  	_ =	shalt  }
0x63: {  	_ =	shalt  }
0x64: {  	_ =	shalt  }
0x65: {  	_ =	shalt  }
0x66: {  	_ =	shalt  }
0x67: {  	_ =	shalt  }
0x68: {  	_ =	shalt  }
0x69: {  	_ =	shalt  }
0x6a: {  	_ =	shalt  }
0x6b: {  	_ =	shalt  }
0x6c: {  	_ =	shalt  }
0x6d: {  	_ =	shalt  }
0x6e: {  	_ =	shalt  }
0x6f: {  	_ =	shalt  }
0x70: {  	_ =	shalt  }
0x71: {  	_ =	shalt  }
0x72: {  	_ =	shalt  }
0x73: {  	_ =	shalt  }
0x74: {  	_ =	shalt  }
0x75: {  	_ =	shalt  }
0x76: {  	_ =	shalt  }
0x77: {  	_ =	shalt  }
0x78: {  	_ =	shalt  }
0x79: {  	_ =	shalt  }
0x7a: {  	_ =	shalt  }
0x7b: {  	_ =	shalt  }
0x7c: {  	_ =	shalt  }
0x7d: {  	_ =	shalt  }
0x7e: {  	_ =	shalt  }
0x7f: {  	_ =	shalt  }
0x80: {  	_ =	shalt  }
0x81: {  	_ =	shalt  }
0x82: {  	_ =	shalt  }
0x83: {  	_ =	shalt  }
0x84: {  	_ =	shalt  }
0x85: {  	_ =	shalt  }
0x86: {  	_ =	shalt  }
0x87: {  	_ =	shalt  }
.Lfunc_end0:
.L_simem_size_0:
called_computation.4_lowered:
.L_overlay_start_0:
0x88: {  	s2 =	sld [smem:$0x3FD9]  }
0x89: {  	s3 =	sld [smem:$0x3FFE];
	_ =	sdelay $0x1  }
0x8a: {  	s1 =	srdreg.scid  }
0x8b: {  	s0 =	sand.u32 $0x1, s1  }
0x8c: {  	s17 =	sshll.u32 s0, $0xA;
	s2 =	sadd.s32 s3, s2  }
0x8d: {  	s2 =	sadd.s32 s2, s17  }
0x8e: {  	[smem:$0x3FA5] =	sst s2  }
0x8f: {  	_ = 	snop  }
0x90: {  	(tm) =	ssettm $0x1  }
0x91: {  	s18 =	sld [smem:$0x3FFB];
	_ =	sdelay $0x3  }
0x92: {  	_ =	strace s18  }
0x93: {  	s2 =	sld [smem:$0x3FFC];
	_ =	sdelay $0x3  }
0x94: {  	_ =	strace s2  }
0x95: {  	s2 =	sld [smem:$0x3FFD];
	_ =	sdelay $0x3  }
0x96: {  	_ =	strace s2  }
0x97: {  	_ =	strace $0x8FFFFFFF  }
0x98: {  	s19 =	sld [smem:$0x3FDB];
	_ =	sdelay $0x1  }
0x99: {  	s20 =	simm.s32 $_scs_section_size  }
0x9a: {  	s4 =	simm.s32 $_size__tile_overlayer_lowered;
	s5 =	simm.s32 $_tile_overlayer_lowered  }
0x9b: {  	s6 =	simm.s32 $0x1BFF;
	s21 =	sshll.u32 s5, $0x1;
	s3 =	sadd.s32 s20, s19  }
0x9c: {  	s22 =	simm.s32 $0x0;
	s4 =	sshll.u32 s4, $0x1;
	s5 =	sadd.s32 s21, s3  }
0x9d: {  	[timem:s22], [sflag:s6] =	dma.local [hbm:s5], s4  }
0x9e: {  	_ =	swait.ge [sflag:s6], s4  }
0x9f: {  	s4 =	ssub.s32 $0x0, s4;
	[sflag:s6] =	ssyncset.done $0x0  }
0xa0: {  	[sflag:s6] =	ssyncadd.s32 s4;
	_ =	sdelay $0x1  }
0xa1: {  	s23 =	simm.s32 $0x1B8B  }
0xa2: {  	_ =	swait.ge [sflag:s23], $0x1  }
0xa3: {  	[sflag:s23] =	ssyncset.done $0x0  }
0xa4: {  	[sflag:s23] =	ssyncadd.s32 $0xFFFFFFFF  }
0xa5: {  	s4 =	sld [smem:$0x0]  }
0xa6: {  	s5 =	sand.u32 $0xFFFFFFFE, s1  }
0xa7: {  	p0 =	sne.s32 s1, s5  }
0xa8: {  	s5 =	sshll.u32 @p0 s5, $0xE  }
0xa9: {  	s5 =	sadd.s32 @p0 $0x11B8D, s5;
	s6 =	sshll.u32 @p0 s4, $0x11  }
0xaa: {  	s5 =	sor.u32 @p0 s6, s5  }
0xab: {  	[sflag:s5] =	ssyncadd.remote.s32 @p0 $0x1;
	_ =	sdelay $0x1  }
0xac: {  	s5 =	simm.s32 @p0 $0x1B8D  }
0xad: {  	_ =	swait.eq @p0 [sflag:s5], $0x1  }
0xae: {  	[sflag:s5] =	ssyncadd.s32 @p0 $0xFFFFFFFF  }
0xaf: {  	s6 =	sshll.u32 @!p0 s1, $0xE  }
0xb0: {  	s6 =	sor.u32 @!p0 $0x4000, s6;
	s5 =	simm.s32 @!p0 $0x1B8D  }
0xb1: {  	s4 =	sshll.u32 @!p0 s4, $0x11;
	s6 =	sadd.s32 @!p0 $0x11B8D, s6;
	_ =	swait.eq @!p0 [sflag:s5], $0x1  }
0xb2: {  	s4 =	sor.u32 @!p0 s4, s6;
	[sflag:s5] =	ssyncadd.s32 @!p0 $0xFFFFFFFF  }
0xb3: {  	s25 =	simm.s32 $0x1B8E;
	s24 =	sld [smem:$0x3FFE];
	[sflag:s4] =	ssyncadd.remote.s32 @!p0 $0x1  }
0xb4: {  	s26 =	simm.s32 $execute0_lowered;
	[smem:$0x3FD2] =	sst s25  }
0xb5: {  	s5 =	sshll.u32 s26, $0x1;
	_ =	strace $0x80000055;
	[dreg:$0x1] =	wrdreg $0xFFFFFFFF  }
0xb6: {  	s28 =	simm.s32 $_size_execute0_lowered;
	s3 =	sadd.s32 s3, s5;
	[dreg:$0x0] =	wrdreg $0x0  }
0xb7: {  	s5 =	sshll.u32 s28, $0x1;
	[dreg:$0x2] =	wrdreg s3  }
0xb8: {  	[dreg:$0x3] =	wrdreg s5  }
0xb9: {  	[dreg:$0x4] =	wrdreg $0xC0  }
0xba: {  	_ =	task [dreg:s22], $0x5FFFF  }
0xbb: {  	[dreg:$0x1] =	wrdreg $0xFFFFFFFF  }
0xbc: {  	[dreg:$0x0] =	wrdreg $0x60  }
0xbd: {  	[dreg:$0x2] =	wrdreg s24  }
0xbe: {  	[dreg:$0x3] =	wrdreg $0x40800  }
0xbf: {  	[dreg:$0x4] =	wrdreg $0x9  }
0xc0: {  	_ =	task.clear_ibuf [dreg:s22], $0x5FFFF;
	_ =	strace $0x90000055  }
0xc1: {  	s29 =	simm.s32 $0x9;
	_ =	strace $0x80000057  }
0xc2: {  	_ =	swait.ge [sflag:s29], $0x1  }
0xc3: {  	[sflag:s29] =	ssyncadd.s32 $0xFFFFFFFF  }
0xc4: {  	_ =	strace $0x90000057  }
0xc5: {  	_ =	sfence  }
0xc6: {  	s30 =	sld [smem:$0x0];
	_ =	sdelay $0x2  }
0xc7: {  	s31 =	sshll.u32 s1, $0xD;
	s1 =	sshrl.u32 s1, $0x2  }
0xc8: {  	s4 =	sand.u32 $0x4000, s31;
	s1 =	sadd.s32 s1, s30  }
0xc9: {  	s0 =	sor.u32 s4, s0;
	s1 =	sshll.u32 s1, $0x11  }
0xca: {  	s0 =	sor.u32 s1, s0  }
0xcb: {  	s0 =	sadd.s32 $0x8F2B, s0  }
0xcc: {  	[sflag:s0] =	ssyncadd.remote.s32 $0x1  }
0xcd: {  	_ =	sfence.sel $0xFFFF  }
0xce: {  	[dreg:$0x0] =	wrdreg $0xFFFFFFFF;
	(pc) =	sbr.abs _section_cstart, $3  }
0xcf: {  	[dreg:$0x1] =	wrdreg $0xFFFFFFFF  }
0xd0: {  	_ =	task.clear_ibuf [dreg:s22], $0x2FFFF;
	_ =	strace $0x9FFFFFFF  }
0xd1: {  	(tm) =	ssettm $0x7FFFFFFF  }
tec
execute0_lowered:
.L_overlay_start_1:
0x0: {  	(tag) =	ssettag $0x1  }
0x1: {  	s5 =	rddreg [dreg:$0x0];
	s1 =	srdreg.scid  }
0x2: {  	s0 =	stileid.u32;
	s2 =	rddreg [dreg:$0x1]  }
0x3: {  	s3 =	simm.s32 $0x0;
	s17 =	simm.s32 $0x80;
	s18 =	simm.s32 $0x1  }
0x4: {  	s6 =	sand.u32 $0x1, s1;
	s7 =	smul.u32 $0x280, s0;
	s1 =	rddreg [dreg:$0x2]  }
0x5: {  	s19 =	simm.s32 $0x0;
	[smem:$0x7FF] =	sst s3;
	s9 =	smul.u32 $0x50000, s0  }
0x6: {  	s4 =	sadd.s32 $0x82200, s5;
	s30 =	sshll.u32 s0, $0x1;
	s8 =	smul.u32 $0x2800, s6  }
0x7: {  	_ =	strace $0x80000056;
	s28 =	ssub.s32 $0x2, s6;
	s6 =	sor.u32 s6, s30  }
0x8: {  	s29 =	sshrl.u32 s28, $0x1;
	s31 =	sshrl.u32 s9, $0x2;
	s7 =	sadd.s32 s7, s8  }
0x9: {  	s6 =	smul.u32 $0x1400, s6;
	s8 =	ssub.s32 s28, s29;
	s7 =	sshll.u32 s7, $0x4  }
0xa: {  	s16 =	sadd.s32 s7, s5;
	s5 =	sadd.s32 s31, s2;
	s7 =	smax.u32 s8, $0x1  }
0xb: {  	s8 =	sadd.s32 $0x4000, s5;
	s9 =	sadd.s32 $0x8000, s5;
	s10 =	sadd.s32 $0xC000, s5  }
0xc: {  	s11 =	sadd.s32 $0x10000, s5;
	s12 =	sadd.s32 $0x87200, s16;
	s13 =	sadd.s32 $0x87A00, s16  }
0xd: {  	v0 =	vimm.f32 $0.0e+00;
	v1 =	vimm.f32 $1.000000000e+00;
	s14 =	sadd.s32 $0x88200, s16;
	s15 =	sadd.s32 $0x88A00, s16;
	s16 =	sadd.s32 $0x89200, s16  }
.LBB2_1:
0xe: {  	s20 =	sand.u32 $0xFE00, s3  }
0xf: {  	s21 =	sand.u32 $0x70, s3;
	s22 =	sshrl.u32 s20, $0x2  }
0x10: {  	s20 =	simm.s32 $0x40;
	s22 =	sor.u32 s21, s22;
	s21 =	simm.s32 $0x0  }
.LBB2_2:
0x11: {  	p0 =	sne.s32 s20, $0xFFC0  }
0x12: {  	[tilespmem:s22+$0x80] =	vst v0;
	s21 =	sadd.s32 $0x10, s21;
	s22 =	smov.u32 s20;
	s20 =	sadd.s32 $0x40, s20  }
.Ltmp0:
0x13: {  	(pc) =	sbr.rel @p0 .LBB2_2-.Ltmp0, $4  }
0x14: {  	_ = 	snop  }
0x15: {  	s22 =	sand.u32 $0xFE00, s22  }
0x16: {  	s23 =	sand.u32 $0x70, s21;
	s22 =	sshrl.u32 s22, $0x2  }
0x17: {  	s22 =	sor.u32 s23, s22  }
0x18: {  	[tilespmem:s22+$0x80] =	vst v0  }
0x19: {  	[spmem:s5] =	stream.linear.scatter [tilespmem:s17], [sflag:$0x1], $0x4000, $0x38;
	[tilespmem:$0x18080] =	vst v63  }
0x1a: {  	_ =	swait.ge [sflag:s18], $0x4000  }
0x1b: {  	[sflag:s18] =	ssyncset.done $0x0  }
0x1c: {  	[sflag:s18] =	ssyncadd.s32 $0xFFFFC000  }
0x1d: {  	[spmem:s8] =	stream.linear.scatter [tilespmem:s17], [sflag:$0x1], $0x4000, $0x38;
	[tilespmem:$0x18080] =	vst v63  }
0x1e: {  	_ =	swait.ge [sflag:s18], $0x4000  }
0x1f: {  	[sflag:s18] =	ssyncset.done $0x0  }
0x20: {  	[sflag:s18] =	ssyncadd.s32 $0xFFFFC000  }
0x21: {  	[spmem:s9] =	stream.linear.scatter [tilespmem:s17], [sflag:$0x1], $0x4000, $0x38;
	[tilespmem:$0x18080] =	vst v63  }
0x22: {  	_ =	swait.ge [sflag:s18], $0x4000  }
0x23: {  	[sflag:s18] =	ssyncset.done $0x0  }
0x24: {  	[sflag:s18] =	ssyncadd.s32 $0xFFFFC000  }
0x25: {  	[spmem:s10] =	stream.linear.scatter [tilespmem:s17], [sflag:$0x1], $0x4000, $0x38;
	[tilespmem:$0x18080] =	vst v63  }
0x26: {  	_ =	swait.ge [sflag:s18], $0x4000  }
0x27: {  	[sflag:s18] =	ssyncset.done $0x0  }
0x28: {  	s20 =	simm.s32 $0x0;
	[sflag:s18] =	ssyncadd.s32 $0xFFFFC000  }
0x29: {  	[spmem:s11] =	stream.linear.scatter [tilespmem:s17], [sflag:$0x1], $0x4000, $0x38;
	[tilespmem:$0x18080] =	vst v63  }
0x2a: {  	s21 =	sand.u32 $0xFE00, s20;
	_ =	swait.ge [sflag:s18], $0x4000  }
0x2b: {  	s31 =	sand.u32 $0x70, s20;
	s23 =	sshrl.u32 s21, $0x2;
	[sflag:s18] =	ssyncset.done $0x0  }
0x2c: {  	s21 =	simm.s32 $0x40;
	s22 =	sor.u32 s31, s23;
	[sflag:s18] =	ssyncadd.s32 $0xFFFFC000  }
.LBB2_4:
0x2d: {  	p0 =	sne.s32 s21, $0xFFC0  }
0x2e: {  	[tilespmem:s22+$0x80] =	vst v1;
	s20 =	sadd.s32 $0x10, s20;
	s22 =	smov.u32 s21;
	s21 =	sadd.s32 $0x40, s21  }
.Ltmp1:
0x2f: {  	(pc) =	sbr.rel @p0 .LBB2_4-.Ltmp1, $4  }
0x30: {  	_ = 	snop  }
0x31: {  	s22 =	sand.u32 $0xFE00, s22  }
0x32: {  	s23 =	sand.u32 $0x70, s20;
	s22 =	sshrl.u32 s22, $0x2  }
0x33: {  	s22 =	sor.u32 s23, s22  }
0x34: {  	s20 =	simm.s32 $0x0  }
0x35: {  	s21 =	sand.u32 $0x1C00, s20  }
0x36: {  	s20 =	sand.u32 $0x380, s20;
	s21 =	sadd.s32 s6, s21  }
0x37: {  	s20 =	sor.u32 s20, s21  }
0x38: {  	[tilespmem:s22+$0x80] =	vst v1;
	s20 =	sshrl.u32 s20, $0x3  }
0x39: {  	[bflag:$0x0] =	sbarrier.arrive $0xFFFF;
	s20 =	sadd.s32 s4, s20  }
0x3a: {  	[tilespmem:s3], [sflag:$0x1] =	stream.linear.gather [hbm4b:s20+s3], $0x80, $0x38;
	[tilespmem:$0x18080] =	vst v63  }
0x3b: {  	_ =	swait.ge [sflag:s18], $0x80  }
0x3c: {  	s29 =	simm.s32 $0x80;
	[sflag:s18] =	ssyncset.done $0x0  }
0x3d: {  	s30 =	sand.u32 $0x1C00, s29;
	[sflag:s18] =	ssyncadd.s32 $0xFFFFFF80  }
0x3e: {  	[spmem:s2] =	stream.indirect.scatter.add.f32 [tilespmem:s17], [sflag:$0x1], $0x80, s3, s17, $0xb8;
	[tilespmem:$0x18080] =	vst v63  }
0x3f: {  	s31 =	sand.u32 $0x380, s29;
	s21 =	sadd.s32 s6, s30;
	_ =	swait.ge [sflag:s18], $0x4000  }
0x40: {  	s21 =	sor.u32 s31, s21;
	s20 =	simm.s32 $0x100;
	[sflag:s18] =	ssyncset.done $0x0  }
.LBB2_6:
0x41: {  	s21 =	sshrl.u32 s21, $0x3  }
0x42: {  	[sflag:s18] =	ssyncadd.s32 $0xFFFFC000;
	s22 =	smov.u32 s20;
	s23 =	sadd.s32 $0x80, s20  }
0x43: {  	p0 =	sne.s32 s20, $0x1380;
	s20 =	sadd.s32 s4, s21  }
0x44: {  	[tilespmem:s3], [sflag:$0x1] =	stream.linear.gather [hbm4b:s20+s3], $0x80, $0x38;
	[tilespmem:$0x18080] =	vst v63  }
0x45: {  	_ =	swait.ge [sflag:s18], $0x80  }
.Ltmp2:
0x46: {  	[sflag:s18] =	ssyncset.done $0x0;
	(pc) =	sbr.rel @p0 .LBB2_6-.Ltmp2, $4  }
0x47: {  	s20 =	sand.u32 $0x1C00, s22;
	[sflag:s18] =	ssyncadd.s32 $0xFFFFFF80  }
0x48: {  	[spmem:s2] =	stream.indirect.scatter.add.f32 [tilespmem:s17], [sflag:$0x1], $0x80, s3, s17, $0xb8;
	[tilespmem:$0x18080] =	vst v63  }
0x49: {  	s21 =	sand.u32 $0x380, s22;
	s20 =	sadd.s32 s6, s20;
	_ =	swait.ge [sflag:s18], $0x4000  }
0x4a: {  	s21 =	sor.u32 s21, s20;
	s20 =	smov.u32 s23;
	[sflag:s18] =	ssyncset.done $0x0  }
0x4b: {  	s20 =	sshrl.u32 s21, $0x3  }
0x4c: {  	[sflag:s18] =	ssyncadd.s32 $0xFFFFC000;
	s20 =	sadd.s32 s4, s20  }
0x4d: {  	[tilespmem:s3], [sflag:$0x1] =	stream.linear.gather [hbm4b:s20+s3], $0x80, $0x38;
	[tilespmem:$0x18080] =	vst v63  }
0x4e: {  	_ =	swait.ge [sflag:s18], $0x80  }
0x4f: {  	[sflag:s18] =	ssyncset.done $0x0  }
0x50: {  	[sflag:s18] =	ssyncadd.s32 $0xFFFFFF80  }
0x51: {  	[spmem:s2] =	stream.indirect.scatter.add.f32 [tilespmem:s17], [sflag:$0x1], $0x80, s3, s17, $0xb8;
	[tilespmem:$0x18080] =	vst v63  }
0x52: {  	_ =	swait.ge [sflag:s18], $0x4000  }
0x53: {  	[sflag:s18] =	ssyncset.done $0x0  }
0x54: {  	[sflag:s18] =	ssyncadd.s32 $0xFFFFC000  }
0x55: {  	[bflag:$0x0] =	sbarrier.arrive $0xFFFF  }
0x56: {  	[tilespmem:s17], [sflag:$0x1] =	stream.linear.gather [spmem:s5], $0x4000, $0x38;
	[tilespmem:$0x18080] =	vst v63  }
0x57: {  	_ =	swait.ge [sflag:s18], $0x4000  }
0x58: {  	[sflag:s18] =	ssyncset.done $0x0  }
0x59: {  	[sflag:s18] =	ssyncadd.s32 $0xFFFFC000  }
0x5a: {  	[hbm4b:s12+s3] =	stream.linear.scatter [tilespmem:s17], [sflag:$0x1], $0x4000, $0x38;
	[tilespmem:$0x18080] =	vst v63  }
0x5b: {  	_ =	swait.ge [sflag:s18], $0x4000  }
0x5c: {  	[sflag:s18] =	ssyncset.done $0x0  }
0x5d: {  	[sflag:s18] =	ssyncadd.s32 $0xFFFFC000  }
0x5e: {  	[tilespmem:s17], [sflag:$0x1] =	stream.linear.gather [spmem:s8], $0x4000, $0x38;
	[tilespmem:$0x18080] =	vst v63  }
0x5f: {  	_ =	swait.ge [sflag:s18], $0x4000  }
0x60: {  	[sflag:s18] =	ssyncset.done $0x0  }
0x61: {  	[sflag:s18] =	ssyncadd.s32 $0xFFFFC000  }
0x62: {  	[hbm4b:s13+s3] =	stream.linear.scatter [tilespmem:s17], [sflag:$0x1], $0x4000, $0x38;
	[tilespmem:$0x18080] =	vst v63  }
0x63: {  	_ =	swait.ge [sflag:s18], $0x4000  }
0x64: {  	[sflag:s18] =	ssyncset.done $0x0  }
0x65: {  	[sflag:s18] =	ssyncadd.s32 $0xFFFFC000  }
0x66: {  	[tilespmem:s17], [sflag:$0x1] =	stream.linear.gather [spmem:s9], $0x4000, $0x38;
	[tilespmem:$0x18080] =	vst v63  }
0x67: {  	_ =	swait.ge [sflag:s18], $0x4000  }
0x68: {  	[sflag:s18] =	ssyncset.done $0x0  }
0x69: {  	[sflag:s18] =	ssyncadd.s32 $0xFFFFC000  }
0x6a: {  	[hbm4b:s14+s3] =	stream.linear.scatter [tilespmem:s17], [sflag:$0x1], $0x4000, $0x38;
	[tilespmem:$0x18080] =	vst v63  }
0x6b: {  	_ =	swait.ge [sflag:s18], $0x4000  }
0x6c: {  	[sflag:s18] =	ssyncset.done $0x0  }
0x6d: {  	[sflag:s18] =	ssyncadd.s32 $0xFFFFC000  }
0x6e: {  	[tilespmem:s17], [sflag:$0x1] =	stream.linear.gather [spmem:s10], $0x4000, $0x38;
	[tilespmem:$0x18080] =	vst v63  }
0x6f: {  	_ =	swait.ge [sflag:s18], $0x4000  }
0x70: {  	[sflag:s18] =	ssyncset.done $0x0  }
0x71: {  	[sflag:s18] =	ssyncadd.s32 $0xFFFFC000  }
0x72: {  	[hbm4b:s15+s3] =	stream.linear.scatter [tilespmem:s17], [sflag:$0x1], $0x4000, $0x38;
	[tilespmem:$0x18080] =	vst v63  }
0x73: {  	_ =	swait.ge [sflag:s18], $0x4000  }
0x74: {  	[sflag:s18] =	ssyncset.done $0x0  }
0x75: {  	[sflag:s18] =	ssyncadd.s32 $0xFFFFC000  }
0x76: {  	[tilespmem:s17], [sflag:$0x1] =	stream.linear.gather [spmem:s11], $0x4000, $0x38;
	[tilespmem:$0x18080] =	vst v63  }
0x77: {  	s19 =	sadd.s32 $0x1, s19;
	_ =	swait.ge [sflag:s18], $0x4000  }
0x78: {  	p0 =	sne.s32 s19, s7;
	[sflag:s18] =	ssyncset.done $0x0  }
.Ltmp3:
0x79: {  	[sflag:s18] =	ssyncadd.s32 $0xFFFFC000;
	(pc) =	sbr.rel @p0 .LBB2_1-.Ltmp3, $4  }
0x7a: {  	[hbm4b:s16+s3] =	stream.linear.scatter [tilespmem:s17], [sflag:$0x1], $0x4000, $0x38;
	[tilespmem:$0x18080] =	vst v63  }
0x7b: {  	_ =	swait.ge [sflag:s18], $0x4000  }
0x7c: {  	[sflag:s18] =	ssyncset.done $0x0  }
0x7d: {  	[sflag:s18] =	ssyncadd.s32 $0xFFFFC000  }
0x7e: {  	_ =	sfence.sel $0x180000  }
0x7f: {  	[bflag:$0x0] =	sbarrier.arrive $0xFFFF  }
0x80: {  	p0 =	sne.s32 s0, $0x0;
	_ =	strace $0x90000056  }
0x81: {  	s0 =	sadd.s32 @!p0 $0x100000, s1;
	[bflag:$0x2] =	sbarrier.arrive $0xFFFF  }
0x82: {  	[sflag:s0] =	ssyncadd.tile.s32 @!p0 $0x1;
	_ =	shalt  }
.Lfunc_end2:
_tile_overlayer_lowered:
.L_overlay_start_2:
0x83: {  	(tag) =	ssettag $0x2  }
0x84: {  	s0 =	rddreg [dreg:$0x0];
	s2 =	stileid.u32  }
0x85: {  	s1 =	rddreg [dreg:$0x1];
	p0 =	sne.s32 s2, $0x0  }
0x86: {  	s3 =	rddreg [dreg:$0x2];
	[bflag:$0x3] =	sbarrier.arrive $0xFFFF;
	s2 =	simm.s32 @!p0 $0x1C01  }
0x87: {  	[timem:s3], [sflag:s2] =	dma.local @!p0 [hbm:s0], s1  }
0x88: {  	s0 =	simm.s32 @!p0 $0x1  }
0x89: {  	_ =	swait.ge @!p0 [sflag:s0], s1  }
0x8a: {  	s1 =	ssub.s32 @!p0 $0x0, s1;
	[sflag:s0] =	ssyncset.done @!p0 $0x0  }
0x8b: {  	[sflag:s0] =	ssyncadd.s32 @!p0 s1  }
0x8c: {  	[bflag:$0x3] =	sbarrier.arrive $0xFFFF  }
0x8d: {  	_ =	shalt  }

// kernel: kernel.41.cloned.1.call-start
scs
__scs_entry_jumppad:
0x0: {  	(pc) =	sbr.rel $0x88, $3  }
0x1: {  	(tag) =	ssettag $0x0;
	lr =	simm.s32 $0x1  }
0x2: {  	[smem:$0x3F7E] =	sst lr;
	_ =	strace $0xD0000000  }
0x3: {  	_ = 	snop  }
0x4: {  	_ = 	snop  }
0x5: {  	_ = 	snop  }
0x6: {  	_ = 	snop  }
0x7: {  	_ = 	snop  }
__scs_overlays_trampoline_lowered:
0x8: {  	[smem:$0x3F8D] =	sst s0  }
0x9: {  	[smem:$0x3F8E] =	sst s1  }
0xa: {  	[smem:$0x3F8F] =	sst s2  }
0xb: {  	[smem:$0x3F90] =	sst s3  }
0xc: {  	[smem:$0x3F91] =	sst s4  }
0xd: {  	[smem:$0x3F92] =	sst s5  }
0xe: {  	[smem:$0x3F93] =	sst s6  }
0xf: {  	[smem:$0x3F94] =	sst s7  }
0x10: {  	[smem:$0x3F95] =	sst s8  }
0x11: {  	[smem:$0x3F96] =	sst s9;
	s0 =	simm.s32 @!p0 $0x0  }
0x12: {  	s1 =	sld [smem:$0x3F7C];
	s0 =	simm.s32 @p0 $0x1  }
0x13: {  	[smem:$0x3F97] =	sst s0;
	s0 =	simm.s32 @!p1 $0x0  }
0x14: {  	s2 =	sld [smem:$0x3F7B];
	s0 =	simm.s32 @p1 $0x1  }
0x15: {  	[smem:$0x3F98] =	sst s0;
	s0 =	simm.s32 @!p2 $0x0  }
0x16: {  	s3 =	sld [smem:$0x3FDB];
	s0 =	simm.s32 @p2 $0x1  }
0x17: {  	s4 =	simm.s32 $0x1BF5;
	[smem:$0x3F9A] =	sst s0  }
0x18: {  	s0 =	sld [smem:$0x3F7D];
	_ =	swait.ge [sflag:s4], $0x0  }
0x19: {  	s7 =	sld [smem:$0x3F7E]  }
0x1a: {  	s8 =	sadd.s32 $0xFFFFE003, lr  }
0x1b: {  	s9 =	sadd.s32 $0xFFFFFEF7, lr;
	s5 =	simm.s32 $0xFFFFFFFF;
	p2 =	slt.u32 s8, $0xFFFFF086  }
0x1c: {  	p1 =	slt.u32 s9, $0xF7A;
	s5 =	simm.s32 @!p2 $0x0  }
0x1d: {  	s5 =	simm.s32 @p1 $0x1;
	p0 =	seq.s32 s7, s2  }
0x1e: {  	s7 =	smul.u32 @!p0 $0xF7A, s2;
	p2 =	seq.s32 @!p0 s5, $0x0  }
0x1f: {  	s9 =	smul.u32 $0xF7A, s1;
	s8 =	simm.s32 @!p0 $0x1BF5;
	p2 =	por !p2, p0  }
0x20: {  	[sflag:s8] =	ssyncset.s32 @!p0 $0xFFFFF086;
	s6 =	sadd.s32 @!p0 s3, s7;
	s7 =	simm.s32 @!p0 $0x108  }
0x21: {  	s3 =	sadd.s32 s3, s9;
	s6 =	sadd.s32 @!p0 $0x88, s6;
	s7 =	simm.s32 @p2 $0x1082  }
0x22: {  	[simem:s7], [sflag:s8] =	dma.local @!p0 [hbm:s6], $0xF7A  }
0x23: {  	s9 =	sor.u32 $0xD0000000, s2;
	s6 =	simm.s32 $0x108;
	_ =	swait.ge @!p0 [sflag:s8], $0x0  }
0x24: {  	s3 =	sadd.s32 $0x88, s3;
	s6 =	simm.s32 @!p1 $0x1082;
	[sflag:s4] =	ssyncset.s32 $0xFFFFF086  }
0x25: {  	[simem:s6], [sflag:s4] =	dma.local [hbm:s3], $0xF7A  }
0x26: {  	[smem:$0x3F7E] =	sst s1;
	(tag) =	ssettag s2;
	_ =	strace s9  }
0x27: {  	s1 =	sld [smem:$0x3F8E]  }
0x28: {  	s2 =	sld [smem:$0x3F8F]  }
0x29: {  	s4 =	sld [smem:$0x3F91]  }
0x2a: {  	p0 =	seq.s32 s5, $0x0;
	s5 =	sld [smem:$0x3F92]  }
0x2b: {  	s6 =	sld [smem:$0x3F93]  }
0x2c: {  	s7 =	sld [smem:$0x3F94]  }
0x2d: {  	s3 =	simm.s32 $0x108;
	s8 =	sld [smem:$0x3F95]  }
0x2e: {  	s3 =	simm.s32 @!p0 $0x1082;
	s9 =	sld [smem:$0x3F96]  }
0x2f: {  	lr =	sadd.s32 s0, s3;
	s0 =	sld [smem:$0x3F8D]  }
0x30: {  	s3 =	sld [smem:$0x3F90]  }
0x31: {  	[smem:$0x3F99] =	sst s10  }
0x32: {  	s10 =	sld [smem:$0x3F97];
	_ =	sdelay $0x3  }
0x33: {  	p0 =	seq.s32 s10, $0x1;
	s10 =	sld [smem:$0x3F99];
	_ =	sdelay $0x3  }
0x34: {  	[smem:$0x3F99] =	sst s10  }
0x35: {  	s10 =	sld [smem:$0x3F98];
	_ =	sdelay $0x3  }
0x36: {  	p1 =	seq.s32 s10, $0x1;
	s10 =	sld [smem:$0x3F99];
	_ =	sdelay $0x3  }
0x37: {  	[smem:$0x3F99] =	sst s10  }
0x38: {  	s10 =	sld [smem:$0x3F9A]  }
0x39: {  	_ = 	snop;
	(pc) =	sbr.ind lr, $3  }
0x3a: {  	_ = 	snop  }
0x3b: {  	_ = 	snop  }
0x3c: {  	p2 =	seq.s32 s10, $0x1;
	s10 =	sld [smem:$0x3F99]  }
0x3d: {  	_ =	shalt  }
0x3e: {  	_ =	shalt  }
0x3f: {  	_ =	shalt  }
0x40: {  	_ =	shalt  }
0x41: {  	_ =	shalt  }
0x42: {  	_ =	shalt  }
0x43: {  	_ =	shalt  }
0x44: {  	_ =	shalt  }
0x45: {  	_ =	shalt  }
0x46: {  	_ =	shalt  }
0x47: {  	_ =	shalt  }
0x48: {  	_ =	shalt  }
0x49: {  	_ =	shalt  }
0x4a: {  	_ =	shalt  }
0x4b: {  	_ =	shalt  }
0x4c: {  	_ =	shalt  }
0x4d: {  	_ =	shalt  }
0x4e: {  	_ =	shalt  }
0x4f: {  	_ =	shalt  }
0x50: {  	_ =	shalt  }
0x51: {  	_ =	shalt  }
0x52: {  	_ =	shalt  }
0x53: {  	_ =	shalt  }
0x54: {  	_ =	shalt  }
0x55: {  	_ =	shalt  }
0x56: {  	_ =	shalt  }
0x57: {  	_ =	shalt  }
0x58: {  	_ =	shalt  }
0x59: {  	_ =	shalt  }
0x5a: {  	_ =	shalt  }
0x5b: {  	_ =	shalt  }
0x5c: {  	_ =	shalt  }
0x5d: {  	_ =	shalt  }
0x5e: {  	_ =	shalt  }
0x5f: {  	_ =	shalt  }
0x60: {  	_ =	shalt  }
0x61: {  	_ =	shalt  }
0x62: {  	_ =	shalt  }
0x63: {  	_ =	shalt  }
0x64: {  	_ =	shalt  }
0x65: {  	_ =	shalt  }
0x66: {  	_ =	shalt  }
0x67: {  	_ =	shalt  }
0x68: {  	_ =	shalt  }
0x69: {  	_ =	shalt  }
0x6a: {  	_ =	shalt  }
0x6b: {  	_ =	shalt  }
0x6c: {  	_ =	shalt  }
0x6d: {  	_ =	shalt  }
0x6e: {  	_ =	shalt  }
0x6f: {  	_ =	shalt  }
0x70: {  	_ =	shalt  }
0x71: {  	_ =	shalt  }
0x72: {  	_ =	shalt  }
0x73: {  	_ =	shalt  }
0x74: {  	_ =	shalt  }
0x75: {  	_ =	shalt  }
0x76: {  	_ =	shalt  }
0x77: {  	_ =	shalt  }
0x78: {  	_ =	shalt  }
0x79: {  	_ =	shalt  }
0x7a: {  	_ =	shalt  }
0x7b: {  	_ =	shalt  }
0x7c: {  	_ =	shalt  }
0x7d: {  	_ =	shalt  }
0x7e: {  	_ =	shalt  }
0x7f: {  	_ =	shalt  }
0x80: {  	_ =	shalt  }
0x81: {  	_ =	shalt  }
0x82: {  	_ =	shalt  }
0x83: {  	_ =	shalt  }
0x84: {  	_ =	shalt  }
0x85: {  	_ =	shalt  }
0x86: {  	_ =	shalt  }
0x87: {  	_ =	shalt  }
.Lfunc_end0:
.L_simem_size_0:
called_computation.5_lowered:
.L_overlay_start_0:
0x88: {  	s2 =	sld [smem:$0x3FD9]  }
0x89: {  	s3 =	sld [smem:$0x3FFE];
	_ =	sdelay $0x1  }
0x8a: {  	s1 =	srdreg.scid  }
0x8b: {  	s0 =	sand.u32 $0x1, s1  }
0x8c: {  	s17 =	sshll.u32 s0, $0xA;
	s2 =	sadd.s32 s3, s2  }
0x8d: {  	s2 =	sadd.s32 s2, s17  }
0x8e: {  	[smem:$0x3FA5] =	sst s2  }
0x8f: {  	_ = 	snop  }
0x90: {  	(tm) =	ssettm $0x1  }
0x91: {  	s18 =	sld [smem:$0x3FFB];
	_ =	sdelay $0x3  }
0x92: {  	_ =	strace s18  }
0x93: {  	s2 =	sld [smem:$0x3FFC];
	_ =	sdelay $0x3  }
0x94: {  	_ =	strace s2  }
0x95: {  	s2 =	sld [smem:$0x3FFD];
	_ =	sdelay $0x3  }
0x96: {  	_ =	strace s2  }
0x97: {  	_ =	strace $0x8FFFFFFF  }
0x98: {  	s19 =	sld [smem:$0x3FDB];
	_ =	sdelay $0x1  }
0x99: {  	s20 =	simm.s32 $_scs_section_size  }
0x9a: {  	s4 =	simm.s32 $_size__tile_overlayer_lowered;
	s5 =	simm.s32 $_tile_overlayer_lowered  }
0x9b: {  	s6 =	simm.s32 $0x1BFF;
	s21 =	sshll.u32 s5, $0x1;
	s3 =	sadd.s32 s20, s19  }
0x9c: {  	s22 =	simm.s32 $0x0;
	s4 =	sshll.u32 s4, $0x1;
	s5 =	sadd.s32 s21, s3  }
0x9d: {  	[timem:s22], [sflag:s6] =	dma.local [hbm:s5], s4  }
0x9e: {  	_ =	swait.ge [sflag:s6], s4  }
0x9f: {  	s4 =	ssub.s32 $0x0, s4;
	[sflag:s6] =	ssyncset.done $0x0  }
0xa0: {  	[sflag:s6] =	ssyncadd.s32 s4;
	_ =	sdelay $0x1  }
0xa1: {  	s23 =	simm.s32 $0x1B8B  }
0xa2: {  	_ =	swait.ge [sflag:s23], $0x1  }
0xa3: {  	[sflag:s23] =	ssyncset.done $0x0  }
0xa4: {  	[sflag:s23] =	ssyncadd.s32 $0xFFFFFFFF  }
0xa5: {  	s4 =	sld [smem:$0x0]  }
0xa6: {  	s5 =	sand.u32 $0xFFFFFFFE, s1  }
0xa7: {  	p0 =	sne.s32 s1, s5  }
0xa8: {  	s5 =	sshll.u32 @p0 s5, $0xE  }
0xa9: {  	s5 =	sadd.s32 @p0 $0x11B8D, s5;
	s6 =	sshll.u32 @p0 s4, $0x11  }
0xaa: {  	s5 =	sor.u32 @p0 s6, s5  }
0xab: {  	[sflag:s5] =	ssyncadd.remote.s32 @p0 $0x1;
	_ =	sdelay $0x1  }
0xac: {  	s5 =	simm.s32 @p0 $0x1B8D  }
0xad: {  	_ =	swait.eq @p0 [sflag:s5], $0x1  }
0xae: {  	[sflag:s5] =	ssyncadd.s32 @p0 $0xFFFFFFFF  }
0xaf: {  	s6 =	sshll.u32 @!p0 s1, $0xE  }
0xb0: {  	s6 =	sor.u32 @!p0 $0x4000, s6;
	s5 =	simm.s32 @!p0 $0x1B8D  }
0xb1: {  	s4 =	sshll.u32 @!p0 s4, $0x11;
	s6 =	sadd.s32 @!p0 $0x11B8D, s6;
	_ =	swait.eq @!p0 [sflag:s5], $0x1  }
0xb2: {  	s4 =	sor.u32 @!p0 s4, s6;
	[sflag:s5] =	ssyncadd.s32 @!p0 $0xFFFFFFFF  }
0xb3: {  	s25 =	simm.s32 $0x1B8E;
	s24 =	sld [smem:$0x3FFE];
	[sflag:s4] =	ssyncadd.remote.s32 @!p0 $0x1  }
0xb4: {  	s26 =	simm.s32 $execute0_lowered;
	[smem:$0x3FD2] =	sst s25  }
0xb5: {  	s5 =	sshll.u32 s26, $0x1;
	_ =	strace $0x80000058;
	[dreg:$0x1] =	wrdreg $0xFFFFFFFF  }
0xb6: {  	s28 =	simm.s32 $_size_execute0_lowered;
	s3 =	sadd.s32 s3, s5;
	[dreg:$0x0] =	wrdreg $0x0  }
0xb7: {  	s5 =	sshll.u32 s28, $0x1;
	[dreg:$0x2] =	wrdreg s3  }
0xb8: {  	[dreg:$0x3] =	wrdreg s5  }
0xb9: {  	[dreg:$0x4] =	wrdreg $0xC0  }
0xba: {  	_ =	task [dreg:s22], $0x5FFFF  }
0xbb: {  	[dreg:$0x1] =	wrdreg $0xFFFFFFFF  }
0xbc: {  	[dreg:$0x0] =	wrdreg $0x60  }
0xbd: {  	[dreg:$0x2] =	wrdreg s24  }
0xbe: {  	[dreg:$0x3] =	wrdreg $0x41000  }
0xbf: {  	[dreg:$0x4] =	wrdreg $0xB  }
0xc0: {  	_ =	task.clear_ibuf [dreg:s22], $0x5FFFF;
	_ =	strace $0x90000058  }
0xc1: {  	s29 =	simm.s32 $0xB;
	_ =	strace $0x8000005A  }
0xc2: {  	_ =	swait.ge [sflag:s29], $0x1  }
0xc3: {  	[sflag:s29] =	ssyncadd.s32 $0xFFFFFFFF  }
0xc4: {  	_ =	strace $0x9000005A  }
0xc5: {  	_ =	sfence  }
0xc6: {  	s30 =	sld [smem:$0x0];
	_ =	sdelay $0x2  }
0xc7: {  	s31 =	sshll.u32 s1, $0xD;
	s1 =	sshrl.u32 s1, $0x2  }
0xc8: {  	s4 =	sand.u32 $0x4000, s31;
	s1 =	sadd.s32 s1, s30  }
0xc9: {  	s0 =	sor.u32 s4, s0;
	s1 =	sshll.u32 s1, $0x11  }
0xca: {  	s0 =	sor.u32 s1, s0  }
0xcb: {  	s0 =	sadd.s32 $0x8F2B, s0  }
0xcc: {  	[sflag:s0] =	ssyncadd.remote.s32 $0x1  }
0xcd: {  	_ =	sfence.sel $0xFFFF  }
0xce: {  	[dreg:$0x0] =	wrdreg $0xFFFFFFFF;
	(pc) =	sbr.abs _section_cstart, $3  }
0xcf: {  	[dreg:$0x1] =	wrdreg $0xFFFFFFFF  }
0xd0: {  	_ =	task.clear_ibuf [dreg:s22], $0x2FFFF;
	_ =	strace $0x9FFFFFFF  }
0xd1: {  	(tm) =	ssettm $0x7FFFFFFF  }
tec
execute0_lowered:
.L_overlay_start_1:
0x0: {  	(tag) =	ssettag $0x1  }
0x1: {  	s7 =	rddreg [dreg:$0x0]  }
0x2: {  	s2 =	rddreg [dreg:$0x1]  }
0x3: {  	s0 =	rddreg [dreg:$0x2]  }
0x4: {  	s4 =	srdreg.scid;
	s1 =	stileid.u32  }
0x5: {  	s3 =	simm.s32 $0x0;
	s19 =	simm.s32 $0x100;
	s20 =	simm.s32 $0x2  }
0x6: {  	s21 =	simm.s32 $0x80;
	s22 =	simm.s32 $0x1;
	s23 =	simm.s32 $0x0  }
0x7: {  	s8 =	sand.u32 $0x1, s4;
	s6 =	smul.u32 $0x280, s1;
	[smem:$0x7FF] =	sst s3  }
0x8: {  	s4 =	sadd.s32 $0x31200, s7;
	s5 =	sadd.s32 $0xD7200, s7;
	s10 =	smul.u32 $0x50000, s1  }
0x9: {  	s29 =	sshll.u32 s1, $0x1;
	s9 =	smul.u32 $0x2800, s8;
	s28 =	ssub.s32 $0x2, s8  }
0xa: {  	_ =	strace $0x80000059;
	s8 =	sor.u32 s8, s29;
	s11 =	sshrl.u32 s28, $0x1  }
0xb: {  	s30 =	sshrl.u32 s10, $0x2;
	s8 =	smul.u32 $0x1400, s8;
	s9 =	sadd.s32 s6, s9  }
0xc: {  	s6 =	sadd.s32 $0x82200, s7;
	s31 =	ssub.s32 s28, s11;
	s9 =	sshll.u32 s9, $0x4  }
0xd: {  	s18 =	sadd.s32 s9, s7;
	s7 =	sadd.s32 s30, s2;
	s9 =	smax.u32 s31, $0x1  }
0xe: {  	s10 =	sadd.s32 $0x4000, s7;
	s11 =	sadd.s32 $0x8000, s7;
	s12 =	sadd.s32 $0xC000, s7  }
0xf: {  	s13 =	sadd.s32 $0x10000, s7;
	s14 =	sadd.s32 $0xDC200, s18;
	s15 =	sadd.s32 $0xDCA00, s18  }
0x10: {  	v0 =	vimm.f32 $0.0e+00;
	s16 =	sadd.s32 $0xDD200, s18;
	s17 =	sadd.s32 $0xDDA00, s18;
	s18 =	sadd.s32 $0xDE200, s18  }
.LBB2_1:
0x11: {  	s24 =	sand.u32 $0xFE00, s3  }
0x12: {  	s25 =	sand.u32 $0x70, s3;
	s26 =	sshrl.u32 s24, $0x2  }
0x13: {  	s24 =	simm.s32 $0x40;
	s26 =	sor.u32 s25, s26;
	s25 =	simm.s32 $0x0  }
.LBB2_2:
0x14: {  	p0 =	sne.s32 s24, $0xFFC0  }
0x15: {  	[tilespmem:s26+$0x100] =	vst v0;
	s25 =	sadd.s32 $0x10, s25;
	s26 =	smov.u32 s24;
	s24 =	sadd.s32 $0x40, s24  }
.Ltmp0:
0x16: {  	(pc) =	sbr.rel @p0 .LBB2_2-.Ltmp0, $4  }
0x17: {  	_ = 	snop  }
0x18: {  	s26 =	sand.u32 $0xFE00, s26  }
0x19: {  	s28 =	sand.u32 $0x70, s25;
	s26 =	sshrl.u32 s26, $0x2  }
0x1a: {  	s26 =	sor.u32 s28, s26  }
0x1b: {  	[tilespmem:s26+$0x100] =	vst v0  }
0x1c: {  	[spmem:s7] =	stream.linear.scatter [tilespmem:s19], [sflag:$0x2], $0x4000, $0x38;
	[tilespmem:$0x18100] =	vst v63  }
0x1d: {  	_ =	swait.ge [sflag:s20], $0x4000  }
0x1e: {  	[sflag:s20] =	ssyncset.done $0x0  }
0x1f: {  	[sflag:s20] =	ssyncadd.s32 $0xFFFFC000  }
0x20: {  	[spmem:s10] =	stream.linear.scatter [tilespmem:s19], [sflag:$0x2], $0x4000, $0x38;
	[tilespmem:$0x18100] =	vst v63  }
0x21: {  	_ =	swait.ge [sflag:s20], $0x4000  }
0x22: {  	[sflag:s20] =	ssyncset.done $0x0  }
0x23: {  	[sflag:s20] =	ssyncadd.s32 $0xFFFFC000  }
0x24: {  	[spmem:s11] =	stream.linear.scatter [tilespmem:s19], [sflag:$0x2], $0x4000, $0x38;
	[tilespmem:$0x18100] =	vst v63  }
0x25: {  	_ =	swait.ge [sflag:s20], $0x4000  }
0x26: {  	[sflag:s20] =	ssyncset.done $0x0  }
0x27: {  	[sflag:s20] =	ssyncadd.s32 $0xFFFFC000  }
0x28: {  	[spmem:s12] =	stream.linear.scatter [tilespmem:s19], [sflag:$0x2], $0x4000, $0x38;
	[tilespmem:$0x18100] =	vst v63  }
0x29: {  	_ =	swait.ge [sflag:s20], $0x4000  }
0x2a: {  	s24 =	simm.s32 $0x0;
	[sflag:s20] =	ssyncset.done $0x0  }
0x2b: {  	s25 =	sand.u32 $0x1C00, s24;
	[sflag:s20] =	ssyncadd.s32 $0xFFFFC000  }
0x2c: {  	[spmem:s13] =	stream.linear.scatter [tilespmem:s19], [sflag:$0x2], $0x4000, $0x38;
	[tilespmem:$0x18100] =	vst v63  }
0x2d: {  	s24 =	sand.u32 $0x380, s24;
	s25 =	sadd.s32 s8, s25;
	_ =	swait.ge [sflag:s20], $0x4000  }
0x2e: {  	s24 =	sor.u32 s24, s25;
	[sflag:s20] =	ssyncset.done $0x0  }
0x2f: {  	s24 =	sshrl.u32 s24, $0x3;
	[sflag:s20] =	ssyncadd.s32 $0xFFFFC000  }
0x30: {  	s28 =	sadd.s32 s5, s24;
	[bflag:$0x0] =	sbarrier.arrive $0xFFFF  }
0x31: {  	[tilespmem:s3], [sflag:$0x2] =	stream.linear.gather [hbm4b:s28+s3], $0x80, $0x38;
	[tilespmem:$0x18100] =	vst v63  }
0x32: {  	_ =	swait.ge [sflag:s20], $0x80  }
0x33: {  	[sflag:s20] =	ssyncset.done $0x0  }
0x34: {  	s24 =	sadd.s32 s6, s24;
	[sflag:s20] =	ssyncadd.s32 $0xFFFFFF80  }
0x35: {  	[tilespmem:s21], [sflag:$0x2] =	stream.linear.gather [hbm4b:s24+s3], $0x80, $0x38;
	[tilespmem:$0x18100] =	vst v63  }
0x36: {  	_ =	swait.ge [sflag:s20], $0x80  }
0x37: {  	[sflag:s20] =	ssyncset.done $0x0  }
0x38: {  	[sflag:s20] =	ssyncadd.s32 $0xFFFFFF80  }
0x39: {  	[tilespmem:s19], [sflag:$0x1] =	stream.indirect.gather [hbm4b:s4+s21], $0x80, s3, s21, $0xb8;
	[tilespmem:$0x18100] =	vst v63  }
0x3a: {  	_ =	swait.ge [sflag:s22], $0x4000  }
0x3b: {  	s29 =	simm.s32 $0x80;
	[sflag:s22] =	ssyncset.done $0x0  }
0x3c: {  	s30 =	sand.u32 $0x1C00, s29;
	[sflag:s22] =	ssyncadd.s32 $0xFFFFC000  }
0x3d: {  	[spmem:s2] =	stream.indirect.scatter.add.f32 [tilespmem:s19], [sflag:$0x2], $0x80, s21, s21, $0xb8;
	[tilespmem:$0x18100] =	vst v63  }
0x3e: {  	s31 =	sand.u32 $0x380, s29;
	s25 =	sadd.s32 s8, s30;
	_ =	swait.ge [sflag:s20], $0x4000  }
0x3f: {  	s25 =	sor.u32 s31, s25;
	s24 =	simm.s32 $0x100;
	[sflag:s20] =	ssyncset.done $0x0  }
.LBB2_4:
0x40: {  	s25 =	sshrl.u32 s25, $0x3  }
0x41: {  	[sflag:s20] =	ssyncadd.s32 $0xFFFFC000;
	s26 =	smov.u32 s24;
	s28 =	sadd.s32 $0x80, s24  }
0x42: {  	p0 =	sne.s32 s24, $0x1380;
	s24 =	sadd.s32 s5, s25  }
0x43: {  	[tilespmem:s3], [sflag:$0x2] =	stream.linear.gather [hbm4b:s24+s3], $0x80, $0x38;
	[tilespmem:$0x18100] =	vst v63  }
0x44: {  	_ =	swait.ge [sflag:s20], $0x80  }
0x45: {  	[sflag:s20] =	ssyncset.done $0x0  }
0x46: {  	s24 =	sadd.s32 s6, s25;
	[sflag:s20] =	ssyncadd.s32 $0xFFFFFF80  }
0x47: {  	[tilespmem:s21], [sflag:$0x2] =	stream.linear.gather [hbm4b:s24+s3], $0x80, $0x38;
	[tilespmem:$0x18100] =	vst v63  }
0x48: {  	_ =	swait.ge [sflag:s20], $0x80  }
0x49: {  	[sflag:s20] =	ssyncset.done $0x0  }
0x4a: {  	[sflag:s20] =	ssyncadd.s32 $0xFFFFFF80  }
0x4b: {  	[tilespmem:s19], [sflag:$0x1] =	stream.indirect.gather [hbm4b:s4+s21], $0x80, s3, s21, $0xb8;
	[tilespmem:$0x18100] =	vst v63  }
0x4c: {  	_ =	swait.ge [sflag:s22], $0x4000  }
.Ltmp1:
0x4d: {  	[sflag:s22] =	ssyncset.done $0x0;
	(pc) =	sbr.rel @p0 .LBB2_4-.Ltmp1, $4  }
0x4e: {  	s24 =	sand.u32 $0x1C00, s26;
	[sflag:s22] =	ssyncadd.s32 $0xFFFFC000  }
0x4f: {  	[spmem:s2] =	stream.indirect.scatter.add.f32 [tilespmem:s19], [sflag:$0x2], $0x80, s21, s21, $0xb8;
	[tilespmem:$0x18100] =	vst v63  }
0x50: {  	s25 =	sand.u32 $0x380, s26;
	s24 =	sadd.s32 s8, s24;
	_ =	swait.ge [sflag:s20], $0x4000  }
0x51: {  	s25 =	sor.u32 s25, s24;
	s24 =	smov.u32 s28;
	[sflag:s20] =	ssyncset.done $0x0  }
0x52: {  	s24 =	sshrl.u32 s25, $0x3  }
0x53: {  	[sflag:s20] =	ssyncadd.s32 $0xFFFFC000;
	s25 =	sadd.s32 s5, s24  }
0x54: {  	[tilespmem:s3], [sflag:$0x2] =	stream.linear.gather [hbm4b:s25+s3], $0x80, $0x38;
	[tilespmem:$0x18100] =	vst v63  }
0x55: {  	_ =	swait.ge [sflag:s20], $0x80  }
0x56: {  	[sflag:s20] =	ssyncset.done $0x0  }
0x57: {  	s24 =	sadd.s32 s6, s24;
	[sflag:s20] =	ssyncadd.s32 $0xFFFFFF80  }
0x58: {  	[tilespmem:s21], [sflag:$0x2] =	stream.linear.gather [hbm4b:s24+s3], $0x80, $0x38;
	[tilespmem:$0x18100] =	vst v63  }
0x59: {  	_ =	swait.ge [sflag:s20], $0x80  }
0x5a: {  	[sflag:s20] =	ssyncset.done $0x0  }
0x5b: {  	[sflag:s20] =	ssyncadd.s32 $0xFFFFFF80  }
0x5c: {  	[tilespmem:s19], [sflag:$0x1] =	stream.indirect.gather [hbm4b:s4+s21], $0x80, s3, s21, $0xb8;
	[tilespmem:$0x18100] =	vst v63  }
0x5d: {  	_ =	swait.ge [sflag:s22], $0x4000  }
0x5e: {  	[sflag:s22] =	ssyncset.done $0x0  }
0x5f: {  	[sflag:s22] =	ssyncadd.s32 $0xFFFFC000  }
0x60: {  	[spmem:s2] =	stream.indirect.scatter.add.f32 [tilespmem:s19], [sflag:$0x2], $0x80, s21, s21, $0xb8;
	[tilespmem:$0x18100] =	vst v63  }
0x61: {  	_ =	swait.ge [sflag:s20], $0x4000  }
0x62: {  	[sflag:s20] =	ssyncset.done $0x0  }
0x63: {  	[sflag:s20] =	ssyncadd.s32 $0xFFFFC000  }
0x64: {  	[bflag:$0x0] =	sbarrier.arrive $0xFFFF  }
0x65: {  	[tilespmem:s19], [sflag:$0x2] =	stream.linear.gather [spmem:s7], $0x4000, $0x38;
	[tilespmem:$0x18100] =	vst v63  }
0x66: {  	_ =	swait.ge [sflag:s20], $0x4000  }
0x67: {  	[sflag:s20] =	ssyncset.done $0x0  }
0x68: {  	[sflag:s20] =	ssyncadd.s32 $0xFFFFC000  }
0x69: {  	[hbm4b:s14+s3] =	stream.linear.scatter [tilespmem:s19], [sflag:$0x2], $0x4000, $0x38;
	[tilespmem:$0x18100] =	vst v63  }
0x6a: {  	_ =	swait.ge [sflag:s20], $0x4000  }
0x6b: {  	[sflag:s20] =	ssyncset.done $0x0  }
0x6c: {  	[sflag:s20] =	ssyncadd.s32 $0xFFFFC000  }
0x6d: {  	[tilespmem:s19], [sflag:$0x2] =	stream.linear.gather [spmem:s10], $0x4000, $0x38;
	[tilespmem:$0x18100] =	vst v63  }
0x6e: {  	_ =	swait.ge [sflag:s20], $0x4000  }
0x6f: {  	[sflag:s20] =	ssyncset.done $0x0  }
0x70: {  	[sflag:s20] =	ssyncadd.s32 $0xFFFFC000  }
0x71: {  	[hbm4b:s15+s3] =	stream.linear.scatter [tilespmem:s19], [sflag:$0x2], $0x4000, $0x38;
	[tilespmem:$0x18100] =	vst v63  }
0x72: {  	_ =	swait.ge [sflag:s20], $0x4000  }
0x73: {  	[sflag:s20] =	ssyncset.done $0x0  }
0x74: {  	[sflag:s20] =	ssyncadd.s32 $0xFFFFC000  }
0x75: {  	[tilespmem:s19], [sflag:$0x2] =	stream.linear.gather [spmem:s11], $0x4000, $0x38;
	[tilespmem:$0x18100] =	vst v63  }
0x76: {  	_ =	swait.ge [sflag:s20], $0x4000  }
0x77: {  	[sflag:s20] =	ssyncset.done $0x0  }
0x78: {  	[sflag:s20] =	ssyncadd.s32 $0xFFFFC000  }
0x79: {  	[hbm4b:s16+s3] =	stream.linear.scatter [tilespmem:s19], [sflag:$0x2], $0x4000, $0x38;
	[tilespmem:$0x18100] =	vst v63  }
0x7a: {  	_ =	swait.ge [sflag:s20], $0x4000  }
0x7b: {  	[sflag:s20] =	ssyncset.done $0x0  }
0x7c: {  	[sflag:s20] =	ssyncadd.s32 $0xFFFFC000  }
0x7d: {  	[tilespmem:s19], [sflag:$0x2] =	stream.linear.gather [spmem:s12], $0x4000, $0x38;
	[tilespmem:$0x18100] =	vst v63  }
0x7e: {  	_ =	swait.ge [sflag:s20], $0x4000  }
0x7f: {  	[sflag:s20] =	ssyncset.done $0x0  }
0x80: {  	[sflag:s20] =	ssyncadd.s32 $0xFFFFC000  }
0x81: {  	[hbm4b:s17+s3] =	stream.linear.scatter [tilespmem:s19], [sflag:$0x2], $0x4000, $0x38;
	[tilespmem:$0x18100] =	vst v63  }
0x82: {  	_ =	swait.ge [sflag:s20], $0x4000  }
0x83: {  	[sflag:s20] =	ssyncset.done $0x0  }
0x84: {  	[sflag:s20] =	ssyncadd.s32 $0xFFFFC000  }
0x85: {  	[tilespmem:s19], [sflag:$0x2] =	stream.linear.gather [spmem:s13], $0x4000, $0x38;
	[tilespmem:$0x18100] =	vst v63  }
0x86: {  	s23 =	sadd.s32 $0x1, s23;
	_ =	swait.ge [sflag:s20], $0x4000  }
0x87: {  	p0 =	sne.s32 s23, s9;
	[sflag:s20] =	ssyncset.done $0x0  }
.Ltmp2:
0x88: {  	[sflag:s20] =	ssyncadd.s32 $0xFFFFC000;
	(pc) =	sbr.rel @p0 .LBB2_1-.Ltmp2, $4  }
0x89: {  	[hbm4b:s18+s3] =	stream.linear.scatter [tilespmem:s19], [sflag:$0x2], $0x4000, $0x38;
	[tilespmem:$0x18100] =	vst v63  }
0x8a: {  	_ =	swait.ge [sflag:s20], $0x4000  }
0x8b: {  	[sflag:s20] =	ssyncset.done $0x0  }
0x8c: {  	[sflag:s20] =	ssyncadd.s32 $0xFFFFC000  }
0x8d: {  	_ =	sfence.sel $0x180000  }
0x8e: {  	[bflag:$0x0] =	sbarrier.arrive $0xFFFF  }
0x8f: {  	p0 =	sne.s32 s1, $0x0;
	_ =	strace $0x90000059  }
0x90: {  	s0 =	sadd.s32 @!p0 $0x100000, s0;
	[bflag:$0x2] =	sbarrier.arrive $0xFFFF  }
0x91: {  	[sflag:s0] =	ssyncadd.tile.s32 @!p0 $0x1;
	_ =	shalt  }
.Lfunc_end2:
_tile_overlayer_lowered:
.L_overlay_start_2:
0x92: {  	(tag) =	ssettag $0x2  }
0x93: {  	s0 =	rddreg [dreg:$0x0];
	s2 =	stileid.u32  }
0x94: {  	s1 =	rddreg [dreg:$0x1];
	p0 =	sne.s32 s2, $0x0  }
0x95: {  	s3 =	rddreg [dreg:$0x2];
	[bflag:$0x3] =	sbarrier.arrive $0xFFFF;
	s2 =	simm.s32 @!p0 $0x1C02  }
0x96: {  	[timem:s3], [sflag:s2] =	dma.local @!p0 [hbm:s0], s1  }
0x97: {  	s0 =	simm.s32 @!p0 $0x2  }
0x98: {  	_ =	swait.ge @!p0 [sflag:s0], s1  }
0x99: {  	s1 =	ssub.s32 @!p0 $0x0, s1;
	[sflag:s0] =	ssyncset.done @!p0 $0x0  }
0x9a: {  	[sflag:s0] =	ssyncadd.s32 @!p0 s1  }
0x9b: {  	[bflag:$0x3] =	sbarrier.arrive $0xFFFF  }
0x9c: {  	_ =	shalt  }

// kernel: kernel.44.cloned.1.call-start
scs
__scs_entry_jumppad:
0x0: {  	(pc) =	sbr.rel $0x88, $3  }
0x1: {  	(tag) =	ssettag $0x0;
	lr =	simm.s32 $0x1  }
0x2: {  	[smem:$0x3F7E] =	sst lr;
	_ =	strace $0xD0000000  }
0x3: {  	_ = 	snop  }
0x4: {  	_ = 	snop  }
0x5: {  	_ = 	snop  }
0x6: {  	_ = 	snop  }
0x7: {  	_ = 	snop  }
__scs_overlays_trampoline_lowered:
0x8: {  	[smem:$0x3F8D] =	sst s0  }
0x9: {  	[smem:$0x3F8E] =	sst s1  }
0xa: {  	[smem:$0x3F8F] =	sst s2  }
0xb: {  	[smem:$0x3F90] =	sst s3  }
0xc: {  	[smem:$0x3F91] =	sst s4  }
0xd: {  	[smem:$0x3F92] =	sst s5  }
0xe: {  	[smem:$0x3F93] =	sst s6  }
0xf: {  	[smem:$0x3F94] =	sst s7  }
0x10: {  	[smem:$0x3F95] =	sst s8  }
0x11: {  	[smem:$0x3F96] =	sst s9;
	s0 =	simm.s32 @!p0 $0x0  }
0x12: {  	s1 =	sld [smem:$0x3F7C];
	s0 =	simm.s32 @p0 $0x1  }
0x13: {  	[smem:$0x3F97] =	sst s0;
	s0 =	simm.s32 @!p1 $0x0  }
0x14: {  	s2 =	sld [smem:$0x3F7B];
	s0 =	simm.s32 @p1 $0x1  }
0x15: {  	[smem:$0x3F98] =	sst s0;
	s0 =	simm.s32 @!p2 $0x0  }
0x16: {  	s3 =	sld [smem:$0x3FDB];
	s0 =	simm.s32 @p2 $0x1  }
0x17: {  	s4 =	simm.s32 $0x1BF5;
	[smem:$0x3F9A] =	sst s0  }
0x18: {  	s0 =	sld [smem:$0x3F7D];
	_ =	swait.ge [sflag:s4], $0x0  }
0x19: {  	s7 =	sld [smem:$0x3F7E]  }
0x1a: {  	s8 =	sadd.s32 $0xFFFFE003, lr  }
0x1b: {  	s9 =	sadd.s32 $0xFFFFFEF7, lr;
	s5 =	simm.s32 $0xFFFFFFFF;
	p2 =	slt.u32 s8, $0xFFFFF086  }
0x1c: {  	p1 =	slt.u32 s9, $0xF7A;
	s5 =	simm.s32 @!p2 $0x0  }
0x1d: {  	s5 =	simm.s32 @p1 $0x1;
	p0 =	seq.s32 s7, s2  }
0x1e: {  	s7 =	smul.u32 @!p0 $0xF7A, s2;
	p2 =	seq.s32 @!p0 s5, $0x0  }
0x1f: {  	s9 =	smul.u32 $0xF7A, s1;
	s8 =	simm.s32 @!p0 $0x1BF5;
	p2 =	por !p2, p0  }
0x20: {  	[sflag:s8] =	ssyncset.s32 @!p0 $0xFFFFF086;
	s6 =	sadd.s32 @!p0 s3, s7;
	s7 =	simm.s32 @!p0 $0x108  }
0x21: {  	s3 =	sadd.s32 s3, s9;
	s6 =	sadd.s32 @!p0 $0x88, s6;
	s7 =	simm.s32 @p2 $0x1082  }
0x22: {  	[simem:s7], [sflag:s8] =	dma.local @!p0 [hbm:s6], $0xF7A  }
0x23: {  	s9 =	sor.u32 $0xD0000000, s2;
	s6 =	simm.s32 $0x108;
	_ =	swait.ge @!p0 [sflag:s8], $0x0  }
0x24: {  	s3 =	sadd.s32 $0x88, s3;
	s6 =	simm.s32 @!p1 $0x1082;
	[sflag:s4] =	ssyncset.s32 $0xFFFFF086  }
0x25: {  	[simem:s6], [sflag:s4] =	dma.local [hbm:s3], $0xF7A  }
0x26: {  	[smem:$0x3F7E] =	sst s1;
	(tag) =	ssettag s2;
	_ =	strace s9  }
0x27: {  	s1 =	sld [smem:$0x3F8E]  }
0x28: {  	s2 =	sld [smem:$0x3F8F]  }
0x29: {  	s4 =	sld [smem:$0x3F91]  }
0x2a: {  	p0 =	seq.s32 s5, $0x0;
	s5 =	sld [smem:$0x3F92]  }
0x2b: {  	s6 =	sld [smem:$0x3F93]  }
0x2c: {  	s7 =	sld [smem:$0x3F94]  }
0x2d: {  	s3 =	simm.s32 $0x108;
	s8 =	sld [smem:$0x3F95]  }
0x2e: {  	s3 =	simm.s32 @!p0 $0x1082;
	s9 =	sld [smem:$0x3F96]  }
0x2f: {  	lr =	sadd.s32 s0, s3;
	s0 =	sld [smem:$0x3F8D]  }
0x30: {  	s3 =	sld [smem:$0x3F90]  }
0x31: {  	[smem:$0x3F99] =	sst s10  }
0x32: {  	s10 =	sld [smem:$0x3F97];
	_ =	sdelay $0x3  }
0x33: {  	p0 =	seq.s32 s10, $0x1;
	s10 =	sld [smem:$0x3F99];
	_ =	sdelay $0x3  }
0x34: {  	[smem:$0x3F99] =	sst s10  }
0x35: {  	s10 =	sld [smem:$0x3F98];
	_ =	sdelay $0x3  }
0x36: {  	p1 =	seq.s32 s10, $0x1;
	s10 =	sld [smem:$0x3F99];
	_ =	sdelay $0x3  }
0x37: {  	[smem:$0x3F99] =	sst s10  }
0x38: {  	s10 =	sld [smem:$0x3F9A]  }
0x39: {  	_ = 	snop;
	(pc) =	sbr.ind lr, $3  }
0x3a: {  	_ = 	snop  }
0x3b: {  	_ = 	snop  }
0x3c: {  	p2 =	seq.s32 s10, $0x1;
	s10 =	sld [smem:$0x3F99]  }
0x3d: {  	_ =	shalt  }
0x3e: {  	_ =	shalt  }
0x3f: {  	_ =	shalt  }
0x40: {  	_ =	shalt  }
0x41: {  	_ =	shalt  }
0x42: {  	_ =	shalt  }
0x43: {  	_ =	shalt  }
0x44: {  	_ =	shalt  }
0x45: {  	_ =	shalt  }
0x46: {  	_ =	shalt  }
0x47: {  	_ =	shalt  }
0x48: {  	_ =	shalt  }
0x49: {  	_ =	shalt  }
0x4a: {  	_ =	shalt  }
0x4b: {  	_ =	shalt  }
0x4c: {  	_ =	shalt  }
0x4d: {  	_ =	shalt  }
0x4e: {  	_ =	shalt  }
0x4f: {  	_ =	shalt  }
0x50: {  	_ =	shalt  }
0x51: {  	_ =	shalt  }
0x52: {  	_ =	shalt  }
0x53: {  	_ =	shalt  }
0x54: {  	_ =	shalt  }
0x55: {  	_ =	shalt  }
0x56: {  	_ =	shalt  }
0x57: {  	_ =	shalt  }
0x58: {  	_ =	shalt  }
0x59: {  	_ =	shalt  }
0x5a: {  	_ =	shalt  }
0x5b: {  	_ =	shalt  }
0x5c: {  	_ =	shalt  }
0x5d: {  	_ =	shalt  }
0x5e: {  	_ =	shalt  }
0x5f: {  	_ =	shalt  }
0x60: {  	_ =	shalt  }
0x61: {  	_ =	shalt  }
0x62: {  	_ =	shalt  }
0x63: {  	_ =	shalt  }
0x64: {  	_ =	shalt  }
0x65: {  	_ =	shalt  }
0x66: {  	_ =	shalt  }
0x67: {  	_ =	shalt  }
0x68: {  	_ =	shalt  }
0x69: {  	_ =	shalt  }
0x6a: {  	_ =	shalt  }
0x6b: {  	_ =	shalt  }
0x6c: {  	_ =	shalt  }
0x6d: {  	_ =	shalt  }
0x6e: {  	_ =	shalt  }
0x6f: {  	_ =	shalt  }
0x70: {  	_ =	shalt  }
0x71: {  	_ =	shalt  }
0x72: {  	_ =	shalt  }
0x73: {  	_ =	shalt  }
0x74: {  	_ =	shalt  }
0x75: {  	_ =	shalt  }
0x76: {  	_ =	shalt  }
0x77: {  	_ =	shalt  }
0x78: {  	_ =	shalt  }
0x79: {  	_ =	shalt  }
0x7a: {  	_ =	shalt  }
0x7b: {  	_ =	shalt  }
0x7c: {  	_ =	shalt  }
0x7d: {  	_ =	shalt  }
0x7e: {  	_ =	shalt  }
0x7f: {  	_ =	shalt  }
0x80: {  	_ =	shalt  }
0x81: {  	_ =	shalt  }
0x82: {  	_ =	shalt  }
0x83: {  	_ =	shalt  }
0x84: {  	_ =	shalt  }
0x85: {  	_ =	shalt  }
0x86: {  	_ =	shalt  }
0x87: {  	_ =	shalt  }
.Lfunc_end0:
.L_simem_size_0:
called_computation.6_lowered:
.L_overlay_start_0:
0x88: {  	s2 =	sld [smem:$0x3FD9]  }
0x89: {  	s3 =	sld [smem:$0x3FFE];
	_ =	sdelay $0x1  }
0x8a: {  	s1 =	srdreg.scid  }
0x8b: {  	s0 =	sand.u32 $0x1, s1  }
0x8c: {  	s17 =	sshll.u32 s0, $0xA;
	s2 =	sadd.s32 s3, s2  }
0x8d: {  	s2 =	sadd.s32 s2, s17  }
0x8e: {  	[smem:$0x3FA5] =	sst s2  }
0x8f: {  	_ = 	snop  }
0x90: {  	(tm) =	ssettm $0x1  }
0x91: {  	s18 =	sld [smem:$0x3FFB];
	_ =	sdelay $0x3  }
0x92: {  	_ =	strace s18  }
0x93: {  	s2 =	sld [smem:$0x3FFC];
	_ =	sdelay $0x3  }
0x94: {  	_ =	strace s2  }
0x95: {  	s2 =	sld [smem:$0x3FFD];
	_ =	sdelay $0x3  }
0x96: {  	_ =	strace s2  }
0x97: {  	_ =	strace $0x8FFFFFFF  }
0x98: {  	s19 =	sld [smem:$0x3FDB];
	_ =	sdelay $0x1  }
0x99: {  	s20 =	simm.s32 $_scs_section_size  }
0x9a: {  	s4 =	simm.s32 $_size__tile_overlayer_lowered;
	s5 =	simm.s32 $_tile_overlayer_lowered  }
0x9b: {  	s6 =	simm.s32 $0x1BFF;
	s21 =	sshll.u32 s5, $0x1;
	s3 =	sadd.s32 s20, s19  }
0x9c: {  	s22 =	simm.s32 $0x0;
	s4 =	sshll.u32 s4, $0x1;
	s5 =	sadd.s32 s21, s3  }
0x9d: {  	[timem:s22], [sflag:s6] =	dma.local [hbm:s5], s4  }
0x9e: {  	_ =	swait.ge [sflag:s6], s4  }
0x9f: {  	s4 =	ssub.s32 $0x0, s4;
	[sflag:s6] =	ssyncset.done $0x0  }
0xa0: {  	[sflag:s6] =	ssyncadd.s32 s4;
	_ =	sdelay $0x1  }
0xa1: {  	s23 =	simm.s32 $0x1B8B  }
0xa2: {  	_ =	swait.ge [sflag:s23], $0x1  }
0xa3: {  	[sflag:s23] =	ssyncset.done $0x0  }
0xa4: {  	[sflag:s23] =	ssyncadd.s32 $0xFFFFFFFF  }
0xa5: {  	s4 =	sld [smem:$0x0]  }
0xa6: {  	s5 =	sand.u32 $0xFFFFFFFE, s1  }
0xa7: {  	p0 =	sne.s32 s1, s5  }
0xa8: {  	s5 =	sshll.u32 @p0 s5, $0xE  }
0xa9: {  	s5 =	sadd.s32 @p0 $0x11B8D, s5;
	s6 =	sshll.u32 @p0 s4, $0x11  }
0xaa: {  	s5 =	sor.u32 @p0 s6, s5  }
0xab: {  	[sflag:s5] =	ssyncadd.remote.s32 @p0 $0x1;
	_ =	sdelay $0x1  }
0xac: {  	s5 =	simm.s32 @p0 $0x1B8D  }
0xad: {  	_ =	swait.eq @p0 [sflag:s5], $0x1  }
0xae: {  	[sflag:s5] =	ssyncadd.s32 @p0 $0xFFFFFFFF  }
0xaf: {  	s6 =	sshll.u32 @!p0 s1, $0xE  }
0xb0: {  	s6 =	sor.u32 @!p0 $0x4000, s6;
	s5 =	simm.s32 @!p0 $0x1B8D  }
0xb1: {  	s4 =	sshll.u32 @!p0 s4, $0x11;
	s6 =	sadd.s32 @!p0 $0x11B8D, s6;
	_ =	swait.eq @!p0 [sflag:s5], $0x1  }
0xb2: {  	s4 =	sor.u32 @!p0 s4, s6;
	[sflag:s5] =	ssyncadd.s32 @!p0 $0xFFFFFFFF  }
0xb3: {  	s25 =	simm.s32 $0x1B8E;
	s24 =	sld [smem:$0x3FFE];
	[sflag:s4] =	ssyncadd.remote.s32 @!p0 $0x1  }
0xb4: {  	s26 =	simm.s32 $execute0_lowered;
	[smem:$0x3FD2] =	sst s25  }
0xb5: {  	s5 =	sshll.u32 s26, $0x1;
	_ =	strace $0x80000061;
	[dreg:$0x1] =	wrdreg $0xFFFFFFFF  }
0xb6: {  	s28 =	simm.s32 $_size_execute0_lowered;
	s3 =	sadd.s32 s3, s5;
	[dreg:$0x0] =	wrdreg $0x0  }
0xb7: {  	s5 =	sshll.u32 s28, $0x1;
	[dreg:$0x2] =	wrdreg s3  }
0xb8: {  	[dreg:$0x3] =	wrdreg s5  }
0xb9: {  	[dreg:$0x4] =	wrdreg $0xC0  }
0xba: {  	_ =	task [dreg:s22], $0x5FFFF  }
0xbb: {  	[dreg:$0x1] =	wrdreg $0xFFFFFFFF  }
0xbc: {  	[dreg:$0x0] =	wrdreg $0x60  }
0xbd: {  	[dreg:$0x2] =	wrdreg s24  }
0xbe: {  	[dreg:$0x3] =	wrdreg $0x41000  }
0xbf: {  	[dreg:$0x4] =	wrdreg $0x9  }
0xc0: {  	_ =	task.clear_ibuf [dreg:s22], $0x5FFFF;
	_ =	strace $0x90000061  }
0xc1: {  	s29 =	simm.s32 $0x9;
	_ =	strace $0x80000063  }
0xc2: {  	_ =	swait.ge [sflag:s29], $0x1  }
0xc3: {  	[sflag:s29] =	ssyncadd.s32 $0xFFFFFFFF  }
0xc4: {  	_ =	strace $0x90000063  }
0xc5: {  	_ =	sfence  }
0xc6: {  	s30 =	sld [smem:$0x0];
	_ =	sdelay $0x2  }
0xc7: {  	s31 =	sshll.u32 s1, $0xD;
	s1 =	sshrl.u32 s1, $0x2  }
0xc8: {  	s4 =	sand.u32 $0x4000, s31;
	s1 =	sadd.s32 s1, s30  }
0xc9: {  	s0 =	sor.u32 s4, s0;
	s1 =	sshll.u32 s1, $0x11  }
0xca: {  	s0 =	sor.u32 s1, s0  }
0xcb: {  	s0 =	sadd.s32 $0x8F2B, s0  }
0xcc: {  	[sflag:s0] =	ssyncadd.remote.s32 $0x1  }
0xcd: {  	_ =	sfence.sel $0xFFFF  }
0xce: {  	[dreg:$0x0] =	wrdreg $0xFFFFFFFF;
	(pc) =	sbr.abs _section_cstart, $3  }
0xcf: {  	[dreg:$0x1] =	wrdreg $0xFFFFFFFF  }
0xd0: {  	_ =	task.clear_ibuf [dreg:s22], $0x2FFFF;
	_ =	strace $0x9FFFFFFF  }
0xd1: {  	(tm) =	ssettm $0x7FFFFFFF  }
tec
execute0_lowered:
.L_overlay_start_1:
0x0: {  	(tag) =	ssettag $0x1  }
0x1: {  	s7 =	rddreg [dreg:$0x0]  }
0x2: {  	s2 =	rddreg [dreg:$0x1]  }
0x3: {  	s0 =	rddreg [dreg:$0x2]  }
0x4: {  	s4 =	srdreg.scid;
	s1 =	stileid.u32  }
0x5: {  	s3 =	simm.s32 $0x0;
	s19 =	simm.s32 $0x100;
	s20 =	simm.s32 $0x2  }
0x6: {  	s21 =	simm.s32 $0x80;
	s22 =	simm.s32 $0x1;
	s23 =	simm.s32 $0x0  }
0x7: {  	s8 =	sand.u32 $0x1, s4;
	s6 =	smul.u32 $0x280, s1;
	[smem:$0x7FF] =	sst s3  }
0x8: {  	s4 =	sadd.s32 $0x31200, s7;
	s5 =	sadd.s32 $0xD7200, s7;
	s10 =	smul.u32 $0x50000, s1  }
0x9: {  	s29 =	sshll.u32 s1, $0x1;
	s9 =	smul.u32 $0x2800, s8;
	s28 =	ssub.s32 $0x2, s8  }
0xa: {  	_ =	strace $0x80000062;
	s8 =	sor.u32 s8, s29;
	s11 =	sshrl.u32 s28, $0x1  }
0xb: {  	s30 =	sshrl.u32 s10, $0x2;
	s8 =	smul.u32 $0x1400, s8;
	s9 =	sadd.s32 s6, s9  }
0xc: {  	s6 =	sadd.s32 $0x82200, s7;
	s31 =	ssub.s32 s28, s11;
	s9 =	sshll.u32 s9, $0x4  }
0xd: {  	s18 =	sadd.s32 s9, s7;
	s7 =	sadd.s32 s30, s2;
	s9 =	smax.u32 s31, $0x1  }
0xe: {  	s10 =	sadd.s32 $0x4000, s7;
	s11 =	sadd.s32 $0x8000, s7;
	s12 =	sadd.s32 $0xC000, s7  }
0xf: {  	s13 =	sadd.s32 $0x10000, s7;
	s14 =	sadd.s32 $0xDC200, s18;
	s15 =	sadd.s32 $0xDCA00, s18  }
0x10: {  	v0 =	vimm.f32 $0.0e+00;
	s16 =	sadd.s32 $0xDD200, s18;
	s17 =	sadd.s32 $0xDDA00, s18;
	s18 =	sadd.s32 $0xDE200, s18  }
.LBB2_1:
0x11: {  	s24 =	sand.u32 $0xFE00, s3  }
0x12: {  	s25 =	sand.u32 $0x70, s3;
	s26 =	sshrl.u32 s24, $0x2  }
0x13: {  	s24 =	simm.s32 $0x40;
	s26 =	sor.u32 s25, s26;
	s25 =	simm.s32 $0x0  }
.LBB2_2:
0x14: {  	p0 =	sne.s32 s24, $0xFFC0  }
0x15: {  	[tilespmem:s26+$0x100] =	vst v0;
	s25 =	sadd.s32 $0x10, s25;
	s26 =	smov.u32 s24;
	s24 =	sadd.s32 $0x40, s24  }
.Ltmp0:
0x16: {  	(pc) =	sbr.rel @p0 .LBB2_2-.Ltmp0, $4  }
0x17: {  	_ = 	snop  }
0x18: {  	s26 =	sand.u32 $0xFE00, s26  }
0x19: {  	s28 =	sand.u32 $0x70, s25;
	s26 =	sshrl.u32 s26, $0x2  }
0x1a: {  	s26 =	sor.u32 s28, s26  }
0x1b: {  	[tilespmem:s26+$0x100] =	vst v0  }
0x1c: {  	[spmem:s7] =	stream.linear.scatter [tilespmem:s19], [sflag:$0x2], $0x4000, $0x38;
	[tilespmem:$0x18100] =	vst v63  }
0x1d: {  	_ =	swait.ge [sflag:s20], $0x4000  }
0x1e: {  	[sflag:s20] =	ssyncset.done $0x0  }
0x1f: {  	[sflag:s20] =	ssyncadd.s32 $0xFFFFC000  }
0x20: {  	[spmem:s10] =	stream.linear.scatter [tilespmem:s19], [sflag:$0x2], $0x4000, $0x38;
	[tilespmem:$0x18100] =	vst v63  }
0x21: {  	_ =	swait.ge [sflag:s20], $0x4000  }
0x22: {  	[sflag:s20] =	ssyncset.done $0x0  }
0x23: {  	[sflag:s20] =	ssyncadd.s32 $0xFFFFC000  }
0x24: {  	[spmem:s11] =	stream.linear.scatter [tilespmem:s19], [sflag:$0x2], $0x4000, $0x38;
	[tilespmem:$0x18100] =	vst v63  }
0x25: {  	_ =	swait.ge [sflag:s20], $0x4000  }
0x26: {  	[sflag:s20] =	ssyncset.done $0x0  }
0x27: {  	[sflag:s20] =	ssyncadd.s32 $0xFFFFC000  }
0x28: {  	[spmem:s12] =	stream.linear.scatter [tilespmem:s19], [sflag:$0x2], $0x4000, $0x38;
	[tilespmem:$0x18100] =	vst v63  }
0x29: {  	_ =	swait.ge [sflag:s20], $0x4000  }
0x2a: {  	s24 =	simm.s32 $0x0;
	[sflag:s20] =	ssyncset.done $0x0  }
0x2b: {  	s25 =	sand.u32 $0x1C00, s24;
	[sflag:s20] =	ssyncadd.s32 $0xFFFFC000  }
0x2c: {  	[spmem:s13] =	stream.linear.scatter [tilespmem:s19], [sflag:$0x2], $0x4000, $0x38;
	[tilespmem:$0x18100] =	vst v63  }
0x2d: {  	s24 =	sand.u32 $0x380, s24;
	s25 =	sadd.s32 s8, s25;
	_ =	swait.ge [sflag:s20], $0x4000  }
0x2e: {  	s24 =	sor.u32 s24, s25;
	[sflag:s20] =	ssyncset.done $0x0  }
0x2f: {  	s24 =	sshrl.u32 s24, $0x3;
	[sflag:s20] =	ssyncadd.s32 $0xFFFFC000  }
0x30: {  	s28 =	sadd.s32 s5, s24;
	[bflag:$0x0] =	sbarrier.arrive $0xFFFF  }
0x31: {  	[tilespmem:s3], [sflag:$0x2] =	stream.linear.gather [hbm4b:s28+s3], $0x80, $0x38;
	[tilespmem:$0x18100] =	vst v63  }
0x32: {  	_ =	swait.ge [sflag:s20], $0x80  }
0x33: {  	[sflag:s20] =	ssyncset.done $0x0  }
0x34: {  	s24 =	sadd.s32 s6, s24;
	[sflag:s20] =	ssyncadd.s32 $0xFFFFFF80  }
0x35: {  	[tilespmem:s21], [sflag:$0x2] =	stream.linear.gather [hbm4b:s24+s3], $0x80, $0x38;
	[tilespmem:$0x18100] =	vst v63  }
0x36: {  	_ =	swait.ge [sflag:s20], $0x80  }
0x37: {  	[sflag:s20] =	ssyncset.done $0x0  }
0x38: {  	[sflag:s20] =	ssyncadd.s32 $0xFFFFFF80  }
0x39: {  	[tilespmem:s19], [sflag:$0x1] =	stream.indirect.gather [hbm4b:s4+s21], $0x80, s3, s21, $0xb8;
	[tilespmem:$0x18100] =	vst v63  }
0x3a: {  	_ =	swait.ge [sflag:s22], $0x4000  }
0x3b: {  	s29 =	simm.s32 $0x80;
	[sflag:s22] =	ssyncset.done $0x0  }
0x3c: {  	s30 =	sand.u32 $0x1C00, s29;
	[sflag:s22] =	ssyncadd.s32 $0xFFFFC000  }
0x3d: {  	[spmem:s2] =	stream.indirect.scatter.add.f32 [tilespmem:s19], [sflag:$0x2], $0x80, s21, s21, $0xb8;
	[tilespmem:$0x18100] =	vst v63  }
0x3e: {  	s31 =	sand.u32 $0x380, s29;
	s25 =	sadd.s32 s8, s30;
	_ =	swait.ge [sflag:s20], $0x4000  }
0x3f: {  	s25 =	sor.u32 s31, s25;
	s24 =	simm.s32 $0x100;
	[sflag:s20] =	ssyncset.done $0x0  }
.LBB2_4:
0x40: {  	s25 =	sshrl.u32 s25, $0x3  }
0x41: {  	[sflag:s20] =	ssyncadd.s32 $0xFFFFC000;
	s26 =	smov.u32 s24;
	s28 =	sadd.s32 $0x80, s24  }
0x42: {  	p0 =	sne.s32 s24, $0x1380;
	s24 =	sadd.s32 s5, s25  }
0x43: {  	[tilespmem:s3], [sflag:$0x2] =	stream.linear.gather [hbm4b:s24+s3], $0x80, $0x38;
	[tilespmem:$0x18100] =	vst v63  }
0x44: {  	_ =	swait.ge [sflag:s20], $0x80  }
0x45: {  	[sflag:s20] =	ssyncset.done $0x0  }
0x46: {  	s24 =	sadd.s32 s6, s25;
	[sflag:s20] =	ssyncadd.s32 $0xFFFFFF80  }
0x47: {  	[tilespmem:s21], [sflag:$0x2] =	stream.linear.gather [hbm4b:s24+s3], $0x80, $0x38;
	[tilespmem:$0x18100] =	vst v63  }
0x48: {  	_ =	swait.ge [sflag:s20], $0x80  }
0x49: {  	[sflag:s20] =	ssyncset.done $0x0  }
0x4a: {  	[sflag:s20] =	ssyncadd.s32 $0xFFFFFF80  }
0x4b: {  	[tilespmem:s19], [sflag:$0x1] =	stream.indirect.gather [hbm4b:s4+s21], $0x80, s3, s21, $0xb8;
	[tilespmem:$0x18100] =	vst v63  }
0x4c: {  	_ =	swait.ge [sflag:s22], $0x4000  }
.Ltmp1:
0x4d: {  	[sflag:s22] =	ssyncset.done $0x0;
	(pc) =	sbr.rel @p0 .LBB2_4-.Ltmp1, $4  }
0x4e: {  	s24 =	sand.u32 $0x1C00, s26;
	[sflag:s22] =	ssyncadd.s32 $0xFFFFC000  }
0x4f: {  	[spmem:s2] =	stream.indirect.scatter.add.f32 [tilespmem:s19], [sflag:$0x2], $0x80, s21, s21, $0xb8;
	[tilespmem:$0x18100] =	vst v63  }
0x50: {  	s25 =	sand.u32 $0x380, s26;
	s24 =	sadd.s32 s8, s24;
	_ =	swait.ge [sflag:s20], $0x4000  }
0x51: {  	s25 =	sor.u32 s25, s24;
	s24 =	smov.u32 s28;
	[sflag:s20] =	ssyncset.done $0x0  }
0x52: {  	s24 =	sshrl.u32 s25, $0x3  }
0x53: {  	[sflag:s20] =	ssyncadd.s32 $0xFFFFC000;
	s25 =	sadd.s32 s5, s24  }
0x54: {  	[tilespmem:s3], [sflag:$0x2] =	stream.linear.gather [hbm4b:s25+s3], $0x80, $0x38;
	[tilespmem:$0x18100] =	vst v63  }
0x55: {  	_ =	swait.ge [sflag:s20], $0x80  }
0x56: {  	[sflag:s20] =	ssyncset.done $0x0  }
0x57: {  	s24 =	sadd.s32 s6, s24;
	[sflag:s20] =	ssyncadd.s32 $0xFFFFFF80  }
0x58: {  	[tilespmem:s21], [sflag:$0x2] =	stream.linear.gather [hbm4b:s24+s3], $0x80, $0x38;
	[tilespmem:$0x18100] =	vst v63  }
0x59: {  	_ =	swait.ge [sflag:s20], $0x80  }
0x5a: {  	[sflag:s20] =	ssyncset.done $0x0  }
0x5b: {  	[sflag:s20] =	ssyncadd.s32 $0xFFFFFF80  }
0x5c: {  	[tilespmem:s19], [sflag:$0x1] =	stream.indirect.gather [hbm4b:s4+s21], $0x80, s3, s21, $0xb8;
	[tilespmem:$0x18100] =	vst v63  }
0x5d: {  	_ =	swait.ge [sflag:s22], $0x4000  }
0x5e: {  	[sflag:s22] =	ssyncset.done $0x0  }
0x5f: {  	[sflag:s22] =	ssyncadd.s32 $0xFFFFC000  }
0x60: {  	[spmem:s2] =	stream.indirect.scatter.add.f32 [tilespmem:s19], [sflag:$0x2], $0x80, s21, s21, $0xb8;
	[tilespmem:$0x18100] =	vst v63  }
0x61: {  	_ =	swait.ge [sflag:s20], $0x4000  }
0x62: {  	[sflag:s20] =	ssyncset.done $0x0  }
0x63: {  	[sflag:s20] =	ssyncadd.s32 $0xFFFFC000  }
0x64: {  	[bflag:$0x0] =	sbarrier.arrive $0xFFFF  }
0x65: {  	[tilespmem:s19], [sflag:$0x2] =	stream.linear.gather [spmem:s7], $0x4000, $0x38;
	[tilespmem:$0x18100] =	vst v63  }
0x66: {  	_ =	swait.ge [sflag:s20], $0x4000  }
0x67: {  	[sflag:s20] =	ssyncset.done $0x0  }
0x68: {  	[sflag:s20] =	ssyncadd.s32 $0xFFFFC000  }
0x69: {  	[hbm4b:s14+s3] =	stream.linear.scatter [tilespmem:s19], [sflag:$0x2], $0x4000, $0x38;
	[tilespmem:$0x18100] =	vst v63  }
0x6a: {  	_ =	swait.ge [sflag:s20], $0x4000  }
0x6b: {  	[sflag:s20] =	ssyncset.done $0x0  }
0x6c: {  	[sflag:s20] =	ssyncadd.s32 $0xFFFFC000  }
0x6d: {  	[tilespmem:s19], [sflag:$0x2] =	stream.linear.gather [spmem:s10], $0x4000, $0x38;
	[tilespmem:$0x18100] =	vst v63  }
0x6e: {  	_ =	swait.ge [sflag:s20], $0x4000  }
0x6f: {  	[sflag:s20] =	ssyncset.done $0x0  }
0x70: {  	[sflag:s20] =	ssyncadd.s32 $0xFFFFC000  }
0x71: {  	[hbm4b:s15+s3] =	stream.linear.scatter [tilespmem:s19], [sflag:$0x2], $0x4000, $0x38;
	[tilespmem:$0x18100] =	vst v63  }
0x72: {  	_ =	swait.ge [sflag:s20], $0x4000  }
0x73: {  	[sflag:s20] =	ssyncset.done $0x0  }
0x74: {  	[sflag:s20] =	ssyncadd.s32 $0xFFFFC000  }
0x75: {  	[tilespmem:s19], [sflag:$0x2] =	stream.linear.gather [spmem:s11], $0x4000, $0x38;
	[tilespmem:$0x18100] =	vst v63  }
0x76: {  	_ =	swait.ge [sflag:s20], $0x4000  }
0x77: {  	[sflag:s20] =	ssyncset.done $0x0  }
0x78: {  	[sflag:s20] =	ssyncadd.s32 $0xFFFFC000  }
0x79: {  	[hbm4b:s16+s3] =	stream.linear.scatter [tilespmem:s19], [sflag:$0x2], $0x4000, $0x38;
	[tilespmem:$0x18100] =	vst v63  }
0x7a: {  	_ =	swait.ge [sflag:s20], $0x4000  }
0x7b: {  	[sflag:s20] =	ssyncset.done $0x0  }
0x7c: {  	[sflag:s20] =	ssyncadd.s32 $0xFFFFC000  }
0x7d: {  	[tilespmem:s19], [sflag:$0x2] =	stream.linear.gather [spmem:s12], $0x4000, $0x38;
	[tilespmem:$0x18100] =	vst v63  }
0x7e: {  	_ =	swait.ge [sflag:s20], $0x4000  }
0x7f: {  	[sflag:s20] =	ssyncset.done $0x0  }
0x80: {  	[sflag:s20] =	ssyncadd.s32 $0xFFFFC000  }
0x81: {  	[hbm4b:s17+s3] =	stream.linear.scatter [tilespmem:s19], [sflag:$0x2], $0x4000, $0x38;
	[tilespmem:$0x18100] =	vst v63  }
0x82: {  	_ =	swait.ge [sflag:s20], $0x4000  }
0x83: {  	[sflag:s20] =	ssyncset.done $0x0  }
0x84: {  	[sflag:s20] =	ssyncadd.s32 $0xFFFFC000  }
0x85: {  	[tilespmem:s19], [sflag:$0x2] =	stream.linear.gather [spmem:s13], $0x4000, $0x38;
	[tilespmem:$0x18100] =	vst v63  }
0x86: {  	s23 =	sadd.s32 $0x1, s23;
	_ =	swait.ge [sflag:s20], $0x4000  }
0x87: {  	p0 =	sne.s32 s23, s9;
	[sflag:s20] =	ssyncset.done $0x0  }
.Ltmp2:
0x88: {  	[sflag:s20] =	ssyncadd.s32 $0xFFFFC000;
	(pc) =	sbr.rel @p0 .LBB2_1-.Ltmp2, $4  }
0x89: {  	[hbm4b:s18+s3] =	stream.linear.scatter [tilespmem:s19], [sflag:$0x2], $0x4000, $0x38;
	[tilespmem:$0x18100] =	vst v63  }
0x8a: {  	_ =	swait.ge [sflag:s20], $0x4000  }
0x8b: {  	[sflag:s20] =	ssyncset.done $0x0  }
0x8c: {  	[sflag:s20] =	ssyncadd.s32 $0xFFFFC000  }
0x8d: {  	_ =	sfence.sel $0x180000  }
0x8e: {  	[bflag:$0x0] =	sbarrier.arrive $0xFFFF  }
0x8f: {  	p0 =	sne.s32 s1, $0x0;
	_ =	strace $0x90000062  }
0x90: {  	s0 =	sadd.s32 @!p0 $0x100000, s0;
	[bflag:$0x2] =	sbarrier.arrive $0xFFFF  }
0x91: {  	[sflag:s0] =	ssyncadd.tile.s32 @!p0 $0x1;
	_ =	shalt  }
.Lfunc_end2:
_tile_overlayer_lowered:
.L_overlay_start_2:
0x92: {  	(tag) =	ssettag $0x2  }
0x93: {  	s0 =	rddreg [dreg:$0x0];
	s2 =	stileid.u32  }
0x94: {  	s1 =	rddreg [dreg:$0x1];
	p0 =	sne.s32 s2, $0x0  }
0x95: {  	s3 =	rddreg [dreg:$0x2];
	[bflag:$0x3] =	sbarrier.arrive $0xFFFF;
	s2 =	simm.s32 @!p0 $0x1C02  }
0x96: {  	[timem:s3], [sflag:s2] =	dma.local @!p0 [hbm:s0], s1  }
0x97: {  	s0 =	simm.s32 @!p0 $0x2  }
0x98: {  	_ =	swait.ge @!p0 [sflag:s0], s1  }
0x99: {  	s1 =	ssub.s32 @!p0 $0x0, s1;
	[sflag:s0] =	ssyncset.done @!p0 $0x0  }
0x9a: {  	[sflag:s0] =	ssyncadd.s32 @!p0 s1  }
0x9b: {  	[bflag:$0x3] =	sbarrier.arrive $0xFFFF  }
0x9c: {  	_ =	shalt  }

// kernel: kernel.47.cloned.1.call-start
scs
__scs_entry_jumppad:
0x0: {  	(pc) =	sbr.rel $0x88, $3  }
0x1: {  	(tag) =	ssettag $0x0;
	lr =	simm.s32 $0x1  }
0x2: {  	[smem:$0x3F7E] =	sst lr;
	_ =	strace $0xD0000000  }
0x3: {  	_ = 	snop  }
0x4: {  	_ = 	snop  }
0x5: {  	_ = 	snop  }
0x6: {  	_ = 	snop  }
0x7: {  	_ = 	snop  }
__scs_overlays_trampoline_lowered:
0x8: {  	[smem:$0x3F8D] =	sst s0  }
0x9: {  	[smem:$0x3F8E] =	sst s1  }
0xa: {  	[smem:$0x3F8F] =	sst s2  }
0xb: {  	[smem:$0x3F90] =	sst s3  }
0xc: {  	[smem:$0x3F91] =	sst s4  }
0xd: {  	[smem:$0x3F92] =	sst s5  }
0xe: {  	[smem:$0x3F93] =	sst s6  }
0xf: {  	[smem:$0x3F94] =	sst s7  }
0x10: {  	[smem:$0x3F95] =	sst s8  }
0x11: {  	[smem:$0x3F96] =	sst s9;
	s0 =	simm.s32 @!p0 $0x0  }
0x12: {  	s1 =	sld [smem:$0x3F7C];
	s0 =	simm.s32 @p0 $0x1  }
0x13: {  	[smem:$0x3F97] =	sst s0;
	s0 =	simm.s32 @!p1 $0x0  }
0x14: {  	s2 =	sld [smem:$0x3F7B];
	s0 =	simm.s32 @p1 $0x1  }
0x15: {  	[smem:$0x3F98] =	sst s0;
	s0 =	simm.s32 @!p2 $0x0  }
0x16: {  	s3 =	sld [smem:$0x3FDB];
	s0 =	simm.s32 @p2 $0x1  }
0x17: {  	s4 =	simm.s32 $0x1BF5;
	[smem:$0x3F9A] =	sst s0  }
0x18: {  	s0 =	sld [smem:$0x3F7D];
	_ =	swait.ge [sflag:s4], $0x0  }
0x19: {  	s7 =	sld [smem:$0x3F7E]  }
0x1a: {  	s8 =	sadd.s32 $0xFFFFE003, lr  }
0x1b: {  	s9 =	sadd.s32 $0xFFFFFEF7, lr;
	s5 =	simm.s32 $0xFFFFFFFF;
	p2 =	slt.u32 s8, $0xFFFFF086  }
0x1c: {  	p1 =	slt.u32 s9, $0xF7A;
	s5 =	simm.s32 @!p2 $0x0  }
0x1d: {  	s5 =	simm.s32 @p1 $0x1;
	p0 =	seq.s32 s7, s2  }
0x1e: {  	s7 =	smul.u32 @!p0 $0xF7A, s2;
	p2 =	seq.s32 @!p0 s5, $0x0  }
0x1f: {  	s9 =	smul.u32 $0xF7A, s1;
	s8 =	simm.s32 @!p0 $0x1BF5;
	p2 =	por !p2, p0  }
0x20: {  	[sflag:s8] =	ssyncset.s32 @!p0 $0xFFFFF086;
	s6 =	sadd.s32 @!p0 s3, s7;
	s7 =	simm.s32 @!p0 $0x108  }
0x21: {  	s3 =	sadd.s32 s3, s9;
	s6 =	sadd.s32 @!p0 $0x88, s6;
	s7 =	simm.s32 @p2 $0x1082  }
0x22: {  	[simem:s7], [sflag:s8] =	dma.local @!p0 [hbm:s6], $0xF7A  }
0x23: {  	s9 =	sor.u32 $0xD0000000, s2;
	s6 =	simm.s32 $0x108;
	_ =	swait.ge @!p0 [sflag:s8], $0x0  }
0x24: {  	s3 =	sadd.s32 $0x88, s3;
	s6 =	simm.s32 @!p1 $0x1082;
	[sflag:s4] =	ssyncset.s32 $0xFFFFF086  }
0x25: {  	[simem:s6], [sflag:s4] =	dma.local [hbm:s3], $0xF7A  }
0x26: {  	[smem:$0x3F7E] =	sst s1;
	(tag) =	ssettag s2;
	_ =	strace s9  }
0x27: {  	s1 =	sld [smem:$0x3F8E]  }
0x28: {  	s2 =	sld [smem:$0x3F8F]  }
0x29: {  	s4 =	sld [smem:$0x3F91]  }
0x2a: {  	p0 =	seq.s32 s5, $0x0;
	s5 =	sld [smem:$0x3F92]  }
0x2b: {  	s6 =	sld [smem:$0x3F93]  }
0x2c: {  	s7 =	sld [smem:$0x3F94]  }
0x2d: {  	s3 =	simm.s32 $0x108;
	s8 =	sld [smem:$0x3F95]  }
0x2e: {  	s3 =	simm.s32 @!p0 $0x1082;
	s9 =	sld [smem:$0x3F96]  }
0x2f: {  	lr =	sadd.s32 s0, s3;
	s0 =	sld [smem:$0x3F8D]  }
0x30: {  	s3 =	sld [smem:$0x3F90]  }
0x31: {  	[smem:$0x3F99] =	sst s10  }
0x32: {  	s10 =	sld [smem:$0x3F97];
	_ =	sdelay $0x3  }
0x33: {  	p0 =	seq.s32 s10, $0x1;
	s10 =	sld [smem:$0x3F99];
	_ =	sdelay $0x3  }
0x34: {  	[smem:$0x3F99] =	sst s10  }
0x35: {  	s10 =	sld [smem:$0x3F98];
	_ =	sdelay $0x3  }
0x36: {  	p1 =	seq.s32 s10, $0x1;
	s10 =	sld [smem:$0x3F99];
	_ =	sdelay $0x3  }
0x37: {  	[smem:$0x3F99] =	sst s10  }
0x38: {  	s10 =	sld [smem:$0x3F9A]  }
0x39: {  	_ = 	snop;
	(pc) =	sbr.ind lr, $3  }
0x3a: {  	_ = 	snop  }
0x3b: {  	_ = 	snop  }
0x3c: {  	p2 =	seq.s32 s10, $0x1;
	s10 =	sld [smem:$0x3F99]  }
0x3d: {  	_ =	shalt  }
0x3e: {  	_ =	shalt  }
0x3f: {  	_ =	shalt  }
0x40: {  	_ =	shalt  }
0x41: {  	_ =	shalt  }
0x42: {  	_ =	shalt  }
0x43: {  	_ =	shalt  }
0x44: {  	_ =	shalt  }
0x45: {  	_ =	shalt  }
0x46: {  	_ =	shalt  }
0x47: {  	_ =	shalt  }
0x48: {  	_ =	shalt  }
0x49: {  	_ =	shalt  }
0x4a: {  	_ =	shalt  }
0x4b: {  	_ =	shalt  }
0x4c: {  	_ =	shalt  }
0x4d: {  	_ =	shalt  }
0x4e: {  	_ =	shalt  }
0x4f: {  	_ =	shalt  }
0x50: {  	_ =	shalt  }
0x51: {  	_ =	shalt  }
0x52: {  	_ =	shalt  }
0x53: {  	_ =	shalt  }
0x54: {  	_ =	shalt  }
0x55: {  	_ =	shalt  }
0x56: {  	_ =	shalt  }
0x57: {  	_ =	shalt  }
0x58: {  	_ =	shalt  }
0x59: {  	_ =	shalt  }
0x5a: {  	_ =	shalt  }
0x5b: {  	_ =	shalt  }
0x5c: {  	_ =	shalt  }
0x5d: {  	_ =	shalt  }
0x5e: {  	_ =	shalt  }
0x5f: {  	_ =	shalt  }
0x60: {  	_ =	shalt  }
0x61: {  	_ =	shalt  }
0x62: {  	_ =	shalt  }
0x63: {  	_ =	shalt  }
0x64: {  	_ =	shalt  }
0x65: {  	_ =	shalt  }
0x66: {  	_ =	shalt  }
0x67: {  	_ =	shalt  }
0x68: {  	_ =	shalt  }
0x69: {  	_ =	shalt  }
0x6a: {  	_ =	shalt  }
0x6b: {  	_ =	shalt  }
0x6c: {  	_ =	shalt  }
0x6d: {  	_ =	shalt  }
0x6e: {  	_ =	shalt  }
0x6f: {  	_ =	shalt  }
0x70: {  	_ =	shalt  }
0x71: {  	_ =	shalt  }
0x72: {  	_ =	shalt  }
0x73: {  	_ =	shalt  }
0x74: {  	_ =	shalt  }
0x75: {  	_ =	shalt  }
0x76: {  	_ =	shalt  }
0x77: {  	_ =	shalt  }
0x78: {  	_ =	shalt  }
0x79: {  	_ =	shalt  }
0x7a: {  	_ =	shalt  }
0x7b: {  	_ =	shalt  }
0x7c: {  	_ =	shalt  }
0x7d: {  	_ =	shalt  }
0x7e: {  	_ =	shalt  }
0x7f: {  	_ =	shalt  }
0x80: {  	_ =	shalt  }
0x81: {  	_ =	shalt  }
0x82: {  	_ =	shalt  }
0x83: {  	_ =	shalt  }
0x84: {  	_ =	shalt  }
0x85: {  	_ =	shalt  }
0x86: {  	_ =	shalt  }
0x87: {  	_ =	shalt  }
.Lfunc_end0:
.L_simem_size_0:
called_computation.7_lowered:
.L_overlay_start_0:
0x88: {  	s2 =	sld [smem:$0x3FD9]  }
0x89: {  	s3 =	sld [smem:$0x3FFE];
	_ =	sdelay $0x1  }
0x8a: {  	s1 =	srdreg.scid  }
0x8b: {  	s0 =	sand.u32 $0x1, s1  }
0x8c: {  	s17 =	sshll.u32 s0, $0xA;
	s2 =	sadd.s32 s3, s2  }
0x8d: {  	s2 =	sadd.s32 s2, s17  }
0x8e: {  	[smem:$0x3FA5] =	sst s2  }
0x8f: {  	_ = 	snop  }
0x90: {  	(tm) =	ssettm $0x1  }
0x91: {  	s18 =	sld [smem:$0x3FFB];
	_ =	sdelay $0x3  }
0x92: {  	_ =	strace s18  }
0x93: {  	s2 =	sld [smem:$0x3FFC];
	_ =	sdelay $0x3  }
0x94: {  	_ =	strace s2  }
0x95: {  	s2 =	sld [smem:$0x3FFD];
	_ =	sdelay $0x3  }
0x96: {  	_ =	strace s2  }
0x97: {  	_ =	strace $0x8FFFFFFF  }
0x98: {  	s19 =	sld [smem:$0x3FDB];
	_ =	sdelay $0x1  }
0x99: {  	s20 =	simm.s32 $_scs_section_size  }
0x9a: {  	s4 =	simm.s32 $_size__tile_overlayer_lowered;
	s5 =	simm.s32 $_tile_overlayer_lowered  }
0x9b: {  	s6 =	simm.s32 $0x1BFF;
	s21 =	sshll.u32 s5, $0x1;
	s3 =	sadd.s32 s20, s19  }
0x9c: {  	s22 =	simm.s32 $0x0;
	s4 =	sshll.u32 s4, $0x1;
	s5 =	sadd.s32 s21, s3  }
0x9d: {  	[timem:s22], [sflag:s6] =	dma.local [hbm:s5], s4  }
0x9e: {  	_ =	swait.ge [sflag:s6], s4  }
0x9f: {  	s4 =	ssub.s32 $0x0, s4;
	[sflag:s6] =	ssyncset.done $0x0  }
0xa0: {  	[sflag:s6] =	ssyncadd.s32 s4;
	_ =	sdelay $0x1  }
0xa1: {  	s23 =	simm.s32 $0x1B8B  }
0xa2: {  	_ =	swait.ge [sflag:s23], $0x1  }
0xa3: {  	[sflag:s23] =	ssyncset.done $0x0  }
0xa4: {  	[sflag:s23] =	ssyncadd.s32 $0xFFFFFFFF  }
0xa5: {  	s4 =	sld [smem:$0x0]  }
0xa6: {  	s5 =	sand.u32 $0xFFFFFFFE, s1  }
0xa7: {  	p0 =	sne.s32 s1, s5  }
0xa8: {  	s5 =	sshll.u32 @p0 s5, $0xE  }
0xa9: {  	s5 =	sadd.s32 @p0 $0x11B8D, s5;
	s6 =	sshll.u32 @p0 s4, $0x11  }
0xaa: {  	s5 =	sor.u32 @p0 s6, s5  }
0xab: {  	[sflag:s5] =	ssyncadd.remote.s32 @p0 $0x1;
	_ =	sdelay $0x1  }
0xac: {  	s5 =	simm.s32 @p0 $0x1B8D  }
0xad: {  	_ =	swait.eq @p0 [sflag:s5], $0x1  }
0xae: {  	[sflag:s5] =	ssyncadd.s32 @p0 $0xFFFFFFFF  }
0xaf: {  	s6 =	sshll.u32 @!p0 s1, $0xE  }
0xb0: {  	s6 =	sor.u32 @!p0 $0x4000, s6;
	s5 =	simm.s32 @!p0 $0x1B8D  }
0xb1: {  	s4 =	sshll.u32 @!p0 s4, $0x11;
	s6 =	sadd.s32 @!p0 $0x11B8D, s6;
	_ =	swait.eq @!p0 [sflag:s5], $0x1  }
0xb2: {  	s4 =	sor.u32 @!p0 s4, s6;
	[sflag:s5] =	ssyncadd.s32 @!p0 $0xFFFFFFFF  }
0xb3: {  	s25 =	simm.s32 $0x1B8E;
	s24 =	sld [smem:$0x3FFE];
	[sflag:s4] =	ssyncadd.remote.s32 @!p0 $0x1  }
0xb4: {  	s26 =	simm.s32 $execute0_lowered;
	[smem:$0x3FD2] =	sst s25  }
0xb5: {  	s5 =	sshll.u32 s26, $0x1;
	_ =	strace $0x80000052;
	[dreg:$0x1] =	wrdreg $0xFFFFFFFF  }
0xb6: {  	s28 =	simm.s32 $_size_execute0_lowered;
	s3 =	sadd.s32 s3, s5;
	[dreg:$0x0] =	wrdreg $0x0  }
0xb7: {  	s5 =	sshll.u32 s28, $0x1;
	[dreg:$0x2] =	wrdreg s3  }
0xb8: {  	[dreg:$0x3] =	wrdreg s5  }
0xb9: {  	[dreg:$0x4] =	wrdreg $0xC0  }
0xba: {  	_ =	task [dreg:s22], $0x5FFFF  }
0xbb: {  	[dreg:$0x1] =	wrdreg $0xFFFFFFFF  }
0xbc: {  	[dreg:$0x0] =	wrdreg $0x60  }
0xbd: {  	[dreg:$0x2] =	wrdreg s24  }
0xbe: {  	[dreg:$0x3] =	wrdreg $0xC  }
0xbf: {  	_ =	task.clear_ibuf [dreg:s22], $0x4FFFF;
	_ =	strace $0x90000052  }
0xc0: {  	s29 =	simm.s32 $0xC;
	_ =	strace $0x80000054  }
0xc1: {  	_ =	swait.ge [sflag:s29], $0x1  }
0xc2: {  	[sflag:s29] =	ssyncadd.s32 $0xFFFFFFFF  }
0xc3: {  	_ =	strace $0x90000054  }
0xc4: {  	_ =	sfence  }
0xc5: {  	s30 =	sld [smem:$0x0];
	_ =	sdelay $0x2  }
0xc6: {  	s31 =	sshll.u32 s1, $0xD;
	s1 =	sshrl.u32 s1, $0x2  }
0xc7: {  	s4 =	sand.u32 $0x4000, s31;
	s1 =	sadd.s32 s1, s30  }
0xc8: {  	s0 =	sor.u32 s4, s0;
	s1 =	sshll.u32 s1, $0x11  }
0xc9: {  	s0 =	sor.u32 s1, s0  }
0xca: {  	s0 =	sadd.s32 $0x8F2B, s0  }
0xcb: {  	[sflag:s0] =	ssyncadd.remote.s32 $0x1  }
0xcc: {  	_ =	sfence.sel $0xFFFF  }
0xcd: {  	[dreg:$0x0] =	wrdreg $0xFFFFFFFF;
	(pc) =	sbr.abs _section_cstart, $3  }
0xce: {  	[dreg:$0x1] =	wrdreg $0xFFFFFFFF  }
0xcf: {  	_ =	task.clear_ibuf [dreg:s22], $0x2FFFF;
	_ =	strace $0x9FFFFFFF  }
0xd0: {  	(tm) =	ssettm $0x7FFFFFFF  }
0xd1: {  	_ =	shalt  }
tec
execute0_lowered:
.L_overlay_start_1:
0x0: {  	(tag) =	ssettag $0x1  }
0x1: {  	s1 =	srdreg.scid;
	s0 =	stileid.u32  }
0x2: {  	s17 =	sand.u32 $0x1, s1;
	s31 =	sshll.u32 s0, $0x1  }
0x3: {  	s9 =	rddreg [dreg:$0x0];
	s6 =	sor.u32 s17, s31  }
0x4: {  	s2 =	simm.s32 $0x0;
	s1 =	rddreg [dreg:$0x1];
	s3 =	sshll.u32 s6, $0x7  }
0x5: {  	[smem:$0x7FF] =	sst s2;
	s16 =	sadd.s32 s3, s9  }
0x6: {  	_ =	strace $0x80000053;
	s3 =	simm.s32 $0x2;
	s4 =	sadd.s32 $0x59200, s16  }
0x7: {  	[tilespmem:s2], [sflag:$0x2] =	stream.linear.gather [hbm4b:s4+s2], $0x80, $0x38;
	[tilespmem:$0x2080] =	vst v63  }
0x8: {  	s7 =	simm.s32 $0x80;
	_ =	swait.ge [sflag:s3], $0x80  }
0x9: {  	s8 =	simm.s32 $0x1;
	s5 =	sadd.s32 $0x9200, s9;
	[sflag:s3] =	ssyncset.done $0x0  }
0xa: {  	s10 =	smul.u32 $0xA000, s6;
	s6 =	simm.s32 $0x40;
	[sflag:s3] =	ssyncadd.s32 $0xFFFFFF80  }
0xb: {  	[tilespmem:s7], [sflag:$0x1] =	stream.indirect.gather [hbm4b:s5+s6], $0x80, s2, s6, $0xb8;
	[tilespmem:$0x2080] =	vst v63  }
0xc: {  	s10 =	sshrl.u32 s10, $0x3;
	_ =	swait.ge [sflag:s8], $0x2000  }
0xd: {  	s18 =	sadd.s32 s10, s9;
	[sflag:s8] =	ssyncset.done $0x0  }
0xe: {  	s9 =	sadd.s32 $0x5A200, s18;
	[sflag:s8] =	ssyncadd.s32 $0xFFFFE000  }
0xf: {  	[hbm4b:s9+s2] =	stream.linear.scatter [tilespmem:s7], [sflag:$0x2], $0x2000, $0x38;
	[tilespmem:$0x2080] =	vst v63  }
0x10: {  	_ =	swait.ge [sflag:s3], $0x2000  }
0x11: {  	[sflag:s3] =	ssyncset.done $0x0  }
0x12: {  	s10 =	sadd.s32 $0x59210, s16;
	[sflag:s3] =	ssyncadd.s32 $0xFFFFE000  }
0x13: {  	[tilespmem:s2], [sflag:$0x2] =	stream.linear.gather [hbm4b:s10+s2], $0x80, $0x38;
	[tilespmem:$0x2080] =	vst v63  }
0x14: {  	_ =	swait.ge [sflag:s3], $0x80  }
0x15: {  	[sflag:s3] =	ssyncset.done $0x0  }
0x16: {  	[sflag:s3] =	ssyncadd.s32 $0xFFFFFF80  }
0x17: {  	[tilespmem:s7], [sflag:$0x1] =	stream.indirect.gather [hbm4b:s5+s6], $0x80, s2, s6, $0xb8;
	[tilespmem:$0x2080] =	vst v63  }
0x18: {  	_ =	swait.ge [sflag:s8], $0x2000  }
0x19: {  	[sflag:s8] =	ssyncset.done $0x0  }
0x1a: {  	s11 =	sadd.s32 $0x5A600, s18;
	[sflag:s8] =	ssyncadd.s32 $0xFFFFE000  }
0x1b: {  	[hbm4b:s11+s2] =	stream.linear.scatter [tilespmem:s7], [sflag:$0x2], $0x2000, $0x38;
	[tilespmem:$0x2080] =	vst v63  }
0x1c: {  	_ =	swait.ge [sflag:s3], $0x2000  }
0x1d: {  	[sflag:s3] =	ssyncset.done $0x0  }
0x1e: {  	s12 =	sadd.s32 $0x59220, s16;
	[sflag:s3] =	ssyncadd.s32 $0xFFFFE000  }
0x1f: {  	[tilespmem:s2], [sflag:$0x2] =	stream.linear.gather [hbm4b:s12+s2], $0x80, $0x38;
	[tilespmem:$0x2080] =	vst v63  }
0x20: {  	_ =	swait.ge [sflag:s3], $0x80  }
0x21: {  	[sflag:s3] =	ssyncset.done $0x0  }
0x22: {  	[sflag:s3] =	ssyncadd.s32 $0xFFFFFF80  }
0x23: {  	[tilespmem:s7], [sflag:$0x1] =	stream.indirect.gather [hbm4b:s5+s6], $0x80, s2, s6, $0xb8;
	[tilespmem:$0x2080] =	vst v63  }
0x24: {  	_ =	swait.ge [sflag:s8], $0x2000  }
0x25: {  	[sflag:s8] =	ssyncset.done $0x0  }
0x26: {  	s13 =	sadd.s32 $0x5AA00, s18;
	[sflag:s8] =	ssyncadd.s32 $0xFFFFE000  }
0x27: {  	[hbm4b:s13+s2] =	stream.linear.scatter [tilespmem:s7], [sflag:$0x2], $0x2000, $0x38;
	[tilespmem:$0x2080] =	vst v63  }
0x28: {  	_ =	swait.ge [sflag:s3], $0x2000  }
0x29: {  	[sflag:s3] =	ssyncset.done $0x0  }
0x2a: {  	s14 =	sadd.s32 $0x59230, s16;
	[sflag:s3] =	ssyncadd.s32 $0xFFFFE000  }
0x2b: {  	[tilespmem:s2], [sflag:$0x2] =	stream.linear.gather [hbm4b:s14+s2], $0x80, $0x38;
	[tilespmem:$0x2080] =	vst v63  }
0x2c: {  	_ =	swait.ge [sflag:s3], $0x80  }
0x2d: {  	[sflag:s3] =	ssyncset.done $0x0  }
0x2e: {  	[sflag:s3] =	ssyncadd.s32 $0xFFFFFF80  }
0x2f: {  	[tilespmem:s7], [sflag:$0x1] =	stream.indirect.gather [hbm4b:s5+s6], $0x80, s2, s6, $0xb8;
	[tilespmem:$0x2080] =	vst v63  }
0x30: {  	_ =	swait.ge [sflag:s8], $0x2000  }
0x31: {  	[sflag:s8] =	ssyncset.done $0x0  }
0x32: {  	s15 =	sadd.s32 $0x5AE00, s18;
	[sflag:s8] =	ssyncadd.s32 $0xFFFFE000  }
0x33: {  	[hbm4b:s15+s2] =	stream.linear.scatter [tilespmem:s7], [sflag:$0x2], $0x2000, $0x38;
	[tilespmem:$0x2080] =	vst v63  }
0x34: {  	_ =	swait.ge [sflag:s3], $0x2000  }
0x35: {  	[sflag:s3] =	ssyncset.done $0x0  }
0x36: {  	s17 =	ssub.s32 $0x2, s17;
	s16 =	sadd.s32 $0x59240, s16;
	[sflag:s3] =	ssyncadd.s32 $0xFFFFE000  }
0x37: {  	[tilespmem:s2], [sflag:$0x2] =	stream.linear.gather [hbm4b:s16+s2], $0x80, $0x38;
	[tilespmem:$0x2080] =	vst v63  }
0x38: {  	s19 =	sshrl.u32 s17, $0x1;
	_ =	swait.ge [sflag:s3], $0x80  }
0x39: {  	s17 =	ssub.s32 s17, s19;
	[sflag:s3] =	ssyncset.done $0x0  }
0x3a: {  	s19 =	smax.u32 s17, $0x1;
	[sflag:s3] =	ssyncadd.s32 $0xFFFFFF80  }
0x3b: {  	[tilespmem:s7], [sflag:$0x1] =	stream.indirect.gather [hbm4b:s5+s6], $0x80, s2, s6, $0xb8;
	[tilespmem:$0x2080] =	vst v63  }
0x3c: {  	p0 =	sne.s32 s19, $0x1;
	_ =	swait.ge [sflag:s8], $0x2000  }
.Ltmp0:
0x3d: {  	[sflag:s8] =	ssyncset.done $0x0;
	(pc) =	sbr.rel @!p0 .LBB2_2-.Ltmp0, $4  }
0x3e: {  	s17 =	sadd.s32 $0x5B200, s18;
	[sflag:s8] =	ssyncadd.s32 $0xFFFFE000  }
0x3f: {  	[hbm4b:s17+s2] =	stream.linear.scatter [tilespmem:s7], [sflag:$0x2], $0x2000, $0x38;
	[tilespmem:$0x2080] =	vst v63  }
0x40: {  	_ =	swait.ge [sflag:s3], $0x2000  }
0x41: {  	s18 =	sadd.s32 $0xFFFFFFFF, s19;
	[sflag:s3] =	ssyncset.done $0x0  }
.LBB2_1:
0x42: {  	p0 =	sne.s32 s18, $0x1;
	s18 =	sadd.s32 $0xFFFFFFFF, s18;
	[sflag:s3] =	ssyncadd.s32 $0xFFFFE000  }
0x43: {  	[tilespmem:s2], [sflag:$0x2] =	stream.linear.gather [hbm4b:s4+s2], $0x80, $0x38;
	[tilespmem:$0x2080] =	vst v63  }
0x44: {  	_ =	swait.ge [sflag:s3], $0x80  }
0x45: {  	[sflag:s3] =	ssyncset.done $0x0  }
0x46: {  	[sflag:s3] =	ssyncadd.s32 $0xFFFFFF80  }
0x47: {  	[tilespmem:s7], [sflag:$0x1] =	stream.indirect.gather [hbm4b:s5+s6], $0x80, s2, s6, $0xb8;
	[tilespmem:$0x2080] =	vst v63  }
0x48: {  	_ =	swait.ge [sflag:s8], $0x2000  }
0x49: {  	[sflag:s8] =	ssyncset.done $0x0  }
0x4a: {  	[sflag:s8] =	ssyncadd.s32 $0xFFFFE000  }
0x4b: {  	[hbm4b:s9+s2] =	stream.linear.scatter [tilespmem:s7], [sflag:$0x2], $0x2000, $0x38;
	[tilespmem:$0x2080] =	vst v63  }
0x4c: {  	_ =	swait.ge [sflag:s3], $0x2000  }
0x4d: {  	[sflag:s3] =	ssyncset.done $0x0  }
0x4e: {  	[sflag:s3] =	ssyncadd.s32 $0xFFFFE000  }
0x4f: {  	[tilespmem:s2], [sflag:$0x2] =	stream.linear.gather [hbm4b:s10+s2], $0x80, $0x38;
	[tilespmem:$0x2080] =	vst v63  }
0x50: {  	_ =	swait.ge [sflag:s3], $0x80  }
0x51: {  	[sflag:s3] =	ssyncset.done $0x0  }
0x52: {  	[sflag:s3] =	ssyncadd.s32 $0xFFFFFF80  }
0x53: {  	[tilespmem:s7], [sflag:$0x1] =	stream.indirect.gather [hbm4b:s5+s6], $0x80, s2, s6, $0xb8;
	[tilespmem:$0x2080] =	vst v63  }
0x54: {  	_ =	swait.ge [sflag:s8], $0x2000  }
0x55: {  	[sflag:s8] =	ssyncset.done $0x0  }
0x56: {  	[sflag:s8] =	ssyncadd.s32 $0xFFFFE000  }
0x57: {  	[hbm4b:s11+s2] =	stream.linear.scatter [tilespmem:s7], [sflag:$0x2], $0x2000, $0x38;
	[tilespmem:$0x2080] =	vst v63  }
0x58: {  	_ =	swait.ge [sflag:s3], $0x2000  }
0x59: {  	[sflag:s3] =	ssyncset.done $0x0  }
0x5a: {  	[sflag:s3] =	ssyncadd.s32 $0xFFFFE000  }
0x5b: {  	[tilespmem:s2], [sflag:$0x2] =	stream.linear.gather [hbm4b:s12+s2], $0x80, $0x38;
	[tilespmem:$0x2080] =	vst v63  }
0x5c: {  	_ =	swait.ge [sflag:s3], $0x80  }
0x5d: {  	[sflag:s3] =	ssyncset.done $0x0  }
0x5e: {  	[sflag:s3] =	ssyncadd.s32 $0xFFFFFF80  }
0x5f: {  	[tilespmem:s7], [sflag:$0x1] =	stream.indirect.gather [hbm4b:s5+s6], $0x80, s2, s6, $0xb8;
	[tilespmem:$0x2080] =	vst v63  }
0x60: {  	_ =	swait.ge [sflag:s8], $0x2000  }
0x61: {  	[sflag:s8] =	ssyncset.done $0x0  }
0x62: {  	[sflag:s8] =	ssyncadd.s32 $0xFFFFE000  }
0x63: {  	[hbm4b:s13+s2] =	stream.linear.scatter [tilespmem:s7], [sflag:$0x2], $0x2000, $0x38;
	[tilespmem:$0x2080] =	vst v63  }
0x64: {  	_ =	swait.ge [sflag:s3], $0x2000  }
0x65: {  	[sflag:s3] =	ssyncset.done $0x0  }
0x66: {  	[sflag:s3] =	ssyncadd.s32 $0xFFFFE000  }
0x67: {  	[tilespmem:s2], [sflag:$0x2] =	stream.linear.gather [hbm4b:s14+s2], $0x80, $0x38;
	[tilespmem:$0x2080] =	vst v63  }
0x68: {  	_ =	swait.ge [sflag:s3], $0x80  }
0x69: {  	[sflag:s3] =	ssyncset.done $0x0  }
0x6a: {  	[sflag:s3] =	ssyncadd.s32 $0xFFFFFF80  }
0x6b: {  	[tilespmem:s7], [sflag:$0x1] =	stream.indirect.gather [hbm4b:s5+s6], $0x80, s2, s6, $0xb8;
	[tilespmem:$0x2080] =	vst v63  }
0x6c: {  	_ =	swait.ge [sflag:s8], $0x2000  }
0x6d: {  	[sflag:s8] =	ssyncset.done $0x0  }
0x6e: {  	[sflag:s8] =	ssyncadd.s32 $0xFFFFE000  }
0x6f: {  	[hbm4b:s15+s2] =	stream.linear.scatter [tilespmem:s7], [sflag:$0x2], $0x2000, $0x38;
	[tilespmem:$0x2080] =	vst v63  }
0x70: {  	_ =	swait.ge [sflag:s3], $0x2000  }
0x71: {  	[sflag:s3] =	ssyncset.done $0x0  }
0x72: {  	[sflag:s3] =	ssyncadd.s32 $0xFFFFE000  }
0x73: {  	[tilespmem:s2], [sflag:$0x2] =	stream.linear.gather [hbm4b:s16+s2], $0x80, $0x38;
	[tilespmem:$0x2080] =	vst v63  }
0x74: {  	_ =	swait.ge [sflag:s3], $0x80  }
0x75: {  	[sflag:s3] =	ssyncset.done $0x0  }
0x76: {  	[sflag:s3] =	ssyncadd.s32 $0xFFFFFF80  }
0x77: {  	[tilespmem:s7], [sflag:$0x1] =	stream.indirect.gather [hbm4b:s5+s6], $0x80, s2, s6, $0xb8;
	[tilespmem:$0x2080] =	vst v63  }
0x78: {  	_ =	swait.ge [sflag:s8], $0x2000  }
.Ltmp1:
0x79: {  	[sflag:s8] =	ssyncset.done $0x0;
	(pc) =	sbr.rel @p0 .LBB2_1-.Ltmp1, $4  }
0x7a: {  	[sflag:s8] =	ssyncadd.s32 $0xFFFFE000  }
0x7b: {  	[hbm4b:s17+s2] =	stream.linear.scatter [tilespmem:s7], [sflag:$0x2], $0x2000, $0x38;
	[tilespmem:$0x2080] =	vst v63  }
0x7c: {  	_ =	swait.ge [sflag:s3], $0x2000  }
0x7d: {  	[sflag:s3] =	ssyncset.done $0x0  }
.LBB2_2:
0x7e: {  	[sflag:s3] =	ssyncadd.s32 $0xFFFFE000  }
0x7f: {  	_ =	sfence.sel $0x180000  }
0x80: {  	[bflag:$0x0] =	sbarrier.arrive $0xFFFF  }
0x81: {  	p0 =	sne.s32 s0, $0x0;
	_ =	strace $0x90000053  }
0x82: {  	s0 =	sadd.s32 @!p0 $0x100000, s1;
	[bflag:$0x2] =	sbarrier.arrive $0xFFFF  }
0x83: {  	[sflag:s0] =	ssyncadd.tile.s32 @!p0 $0x1;
	_ =	shalt  }
.Lfunc_end2:
_tile_overlayer_lowered:
.L_overlay_start_2:
0x84: {  	(tag) =	ssettag $0x2  }
0x85: {  	s0 =	rddreg [dreg:$0x0];
	s2 =	stileid.u32  }
0x86: {  	s1 =	rddreg [dreg:$0x1];
	p0 =	sne.s32 s2, $0x0  }
0x87: {  	s3 =	rddreg [dreg:$0x2];
	[bflag:$0x3] =	sbarrier.arrive $0xFFFF;
	s2 =	simm.s32 @!p0 $0x1C02  }
0x88: {  	[timem:s3], [sflag:s2] =	dma.local @!p0 [hbm:s0], s1  }
0x89: {  	s0 =	simm.s32 @!p0 $0x2  }
0x8a: {  	_ =	swait.ge @!p0 [sflag:s0], s1  }
0x8b: {  	s1 =	ssub.s32 @!p0 $0x0, s1;
	[sflag:s0] =	ssyncset.done @!p0 $0x0  }
0x8c: {  	[sflag:s0] =	ssyncadd.s32 @!p0 s1  }
0x8d: {  	[bflag:$0x3] =	sbarrier.arrive $0xFFFF  }
0x8e: {  	_ =	shalt  }

// kernel: kernel.50.cloned.1.call-start
scs
__scs_entry_jumppad:
0x0: {  	(pc) =	sbr.rel $0x88, $3  }
0x1: {  	(tag) =	ssettag $0x0;
	lr =	simm.s32 $0x1  }
0x2: {  	[smem:$0x3F7E] =	sst lr;
	_ =	strace $0xD0000000  }
0x3: {  	_ = 	snop  }
0x4: {  	_ = 	snop  }
0x5: {  	_ = 	snop  }
0x6: {  	_ = 	snop  }
0x7: {  	_ = 	snop  }
__scs_overlays_trampoline_lowered:
0x8: {  	[smem:$0x3F8D] =	sst s0  }
0x9: {  	[smem:$0x3F8E] =	sst s1  }
0xa: {  	[smem:$0x3F8F] =	sst s2  }
0xb: {  	[smem:$0x3F90] =	sst s3  }
0xc: {  	[smem:$0x3F91] =	sst s4  }
0xd: {  	[smem:$0x3F92] =	sst s5  }
0xe: {  	[smem:$0x3F93] =	sst s6  }
0xf: {  	[smem:$0x3F94] =	sst s7  }
0x10: {  	[smem:$0x3F95] =	sst s8  }
0x11: {  	[smem:$0x3F96] =	sst s9;
	s0 =	simm.s32 @!p0 $0x0  }
0x12: {  	s1 =	sld [smem:$0x3F7C];
	s0 =	simm.s32 @p0 $0x1  }
0x13: {  	[smem:$0x3F97] =	sst s0;
	s0 =	simm.s32 @!p1 $0x0  }
0x14: {  	s2 =	sld [smem:$0x3F7B];
	s0 =	simm.s32 @p1 $0x1  }
0x15: {  	[smem:$0x3F98] =	sst s0;
	s0 =	simm.s32 @!p2 $0x0  }
0x16: {  	s3 =	sld [smem:$0x3FDB];
	s0 =	simm.s32 @p2 $0x1  }
0x17: {  	s4 =	simm.s32 $0x1BF5;
	[smem:$0x3F9A] =	sst s0  }
0x18: {  	s0 =	sld [smem:$0x3F7D];
	_ =	swait.ge [sflag:s4], $0x0  }
0x19: {  	s7 =	sld [smem:$0x3F7E]  }
0x1a: {  	s8 =	sadd.s32 $0xFFFFE003, lr  }
0x1b: {  	s9 =	sadd.s32 $0xFFFFFEF7, lr;
	s5 =	simm.s32 $0xFFFFFFFF;
	p2 =	slt.u32 s8, $0xFFFFF086  }
0x1c: {  	p1 =	slt.u32 s9, $0xF7A;
	s5 =	simm.s32 @!p2 $0x0  }
0x1d: {  	s5 =	simm.s32 @p1 $0x1;
	p0 =	seq.s32 s7, s2  }
0x1e: {  	s7 =	smul.u32 @!p0 $0xF7A, s2;
	p2 =	seq.s32 @!p0 s5, $0x0  }
0x1f: {  	s9 =	smul.u32 $0xF7A, s1;
	s8 =	simm.s32 @!p0 $0x1BF5;
	p2 =	por !p2, p0  }
0x20: {  	[sflag:s8] =	ssyncset.s32 @!p0 $0xFFFFF086;
	s6 =	sadd.s32 @!p0 s3, s7;
	s7 =	simm.s32 @!p0 $0x108  }
0x21: {  	s3 =	sadd.s32 s3, s9;
	s6 =	sadd.s32 @!p0 $0x88, s6;
	s7 =	simm.s32 @p2 $0x1082  }
0x22: {  	[simem:s7], [sflag:s8] =	dma.local @!p0 [hbm:s6], $0xF7A  }
0x23: {  	s9 =	sor.u32 $0xD0000000, s2;
	s6 =	simm.s32 $0x108;
	_ =	swait.ge @!p0 [sflag:s8], $0x0  }
0x24: {  	s3 =	sadd.s32 $0x88, s3;
	s6 =	simm.s32 @!p1 $0x1082;
	[sflag:s4] =	ssyncset.s32 $0xFFFFF086  }
0x25: {  	[simem:s6], [sflag:s4] =	dma.local [hbm:s3], $0xF7A  }
0x26: {  	[smem:$0x3F7E] =	sst s1;
	(tag) =	ssettag s2;
	_ =	strace s9  }
0x27: {  	s1 =	sld [smem:$0x3F8E]  }
0x28: {  	s2 =	sld [smem:$0x3F8F]  }
0x29: {  	s4 =	sld [smem:$0x3F91]  }
0x2a: {  	p0 =	seq.s32 s5, $0x0;
	s5 =	sld [smem:$0x3F92]  }
0x2b: {  	s6 =	sld [smem:$0x3F93]  }
0x2c: {  	s7 =	sld [smem:$0x3F94]  }
0x2d: {  	s3 =	simm.s32 $0x108;
	s8 =	sld [smem:$0x3F95]  }
0x2e: {  	s3 =	simm.s32 @!p0 $0x1082;
	s9 =	sld [smem:$0x3F96]  }
0x2f: {  	lr =	sadd.s32 s0, s3;
	s0 =	sld [smem:$0x3F8D]  }
0x30: {  	s3 =	sld [smem:$0x3F90]  }
0x31: {  	[smem:$0x3F99] =	sst s10  }
0x32: {  	s10 =	sld [smem:$0x3F97];
	_ =	sdelay $0x3  }
0x33: {  	p0 =	seq.s32 s10, $0x1;
	s10 =	sld [smem:$0x3F99];
	_ =	sdelay $0x3  }
0x34: {  	[smem:$0x3F99] =	sst s10  }
0x35: {  	s10 =	sld [smem:$0x3F98];
	_ =	sdelay $0x3  }
0x36: {  	p1 =	seq.s32 s10, $0x1;
	s10 =	sld [smem:$0x3F99];
	_ =	sdelay $0x3  }
0x37: {  	[smem:$0x3F99] =	sst s10  }
0x38: {  	s10 =	sld [smem:$0x3F9A]  }
0x39: {  	_ = 	snop;
	(pc) =	sbr.ind lr, $3  }
0x3a: {  	_ = 	snop  }
0x3b: {  	_ = 	snop  }
0x3c: {  	p2 =	seq.s32 s10, $0x1;
	s10 =	sld [smem:$0x3F99]  }
0x3d: {  	_ =	shalt  }
0x3e: {  	_ =	shalt  }
0x3f: {  	_ =	shalt  }
0x40: {  	_ =	shalt  }
0x41: {  	_ =	shalt  }
0x42: {  	_ =	shalt  }
0x43: {  	_ =	shalt  }
0x44: {  	_ =	shalt  }
0x45: {  	_ =	shalt  }
0x46: {  	_ =	shalt  }
0x47: {  	_ =	shalt  }
0x48: {  	_ =	shalt  }
0x49: {  	_ =	shalt  }
0x4a: {  	_ =	shalt  }
0x4b: {  	_ =	shalt  }
0x4c: {  	_ =	shalt  }
0x4d: {  	_ =	shalt  }
0x4e: {  	_ =	shalt  }
0x4f: {  	_ =	shalt  }
0x50: {  	_ =	shalt  }
0x51: {  	_ =	shalt  }
0x52: {  	_ =	shalt  }
0x53: {  	_ =	shalt  }
0x54: {  	_ =	shalt  }
0x55: {  	_ =	shalt  }
0x56: {  	_ =	shalt  }
0x57: {  	_ =	shalt  }
0x58: {  	_ =	shalt  }
0x59: {  	_ =	shalt  }
0x5a: {  	_ =	shalt  }
0x5b: {  	_ =	shalt  }
0x5c: {  	_ =	shalt  }
0x5d: {  	_ =	shalt  }
0x5e: {  	_ =	shalt  }
0x5f: {  	_ =	shalt  }
0x60: {  	_ =	shalt  }
0x61: {  	_ =	shalt  }
0x62: {  	_ =	shalt  }
0x63: {  	_ =	shalt  }
0x64: {  	_ =	shalt  }
0x65: {  	_ =	shalt  }
0x66: {  	_ =	shalt  }
0x67: {  	_ =	shalt  }
0x68: {  	_ =	shalt  }
0x69: {  	_ =	shalt  }
0x6a: {  	_ =	shalt  }
0x6b: {  	_ =	shalt  }
0x6c: {  	_ =	shalt  }
0x6d: {  	_ =	shalt  }
0x6e: {  	_ =	shalt  }
0x6f: {  	_ =	shalt  }
0x70: {  	_ =	shalt  }
0x71: {  	_ =	shalt  }
0x72: {  	_ =	shalt  }
0x73: {  	_ =	shalt  }
0x74: {  	_ =	shalt  }
0x75: {  	_ =	shalt  }
0x76: {  	_ =	shalt  }
0x77: {  	_ =	shalt  }
0x78: {  	_ =	shalt  }
0x79: {  	_ =	shalt  }
0x7a: {  	_ =	shalt  }
0x7b: {  	_ =	shalt  }
0x7c: {  	_ =	shalt  }
0x7d: {  	_ =	shalt  }
0x7e: {  	_ =	shalt  }
0x7f: {  	_ =	shalt  }
0x80: {  	_ =	shalt  }
0x81: {  	_ =	shalt  }
0x82: {  	_ =	shalt  }
0x83: {  	_ =	shalt  }
0x84: {  	_ =	shalt  }
0x85: {  	_ =	shalt  }
0x86: {  	_ =	shalt  }
0x87: {  	_ =	shalt  }
.Lfunc_end0:
.L_simem_size_0:
called_computation.8_lowered:
.L_overlay_start_0:
0x88: {  	s2 =	sld [smem:$0x3FD9]  }
0x89: {  	s3 =	sld [smem:$0x3FFE];
	_ =	sdelay $0x1  }
0x8a: {  	s1 =	srdreg.scid  }
0x8b: {  	s0 =	sand.u32 $0x1, s1  }
0x8c: {  	s17 =	sshll.u32 s0, $0xA;
	s2 =	sadd.s32 s3, s2  }
0x8d: {  	s2 =	sadd.s32 s2, s17  }
0x8e: {  	[smem:$0x3FA5] =	sst s2  }
0x8f: {  	_ = 	snop  }
0x90: {  	(tm) =	ssettm $0x1  }
0x91: {  	s18 =	sld [smem:$0x3FFB];
	_ =	sdelay $0x3  }
0x92: {  	_ =	strace s18  }
0x93: {  	s2 =	sld [smem:$0x3FFC];
	_ =	sdelay $0x3  }
0x94: {  	_ =	strace s2  }
0x95: {  	s2 =	sld [smem:$0x3FFD];
	_ =	sdelay $0x3  }
0x96: {  	_ =	strace s2  }
0x97: {  	_ =	strace $0x8FFFFFFF  }
0x98: {  	s19 =	sld [smem:$0x3FDB];
	_ =	sdelay $0x1  }
0x99: {  	s20 =	simm.s32 $_scs_section_size  }
0x9a: {  	s4 =	simm.s32 $_size__tile_overlayer_lowered;
	s5 =	simm.s32 $_tile_overlayer_lowered  }
0x9b: {  	s6 =	simm.s32 $0x1BFF;
	s21 =	sshll.u32 s5, $0x1;
	s3 =	sadd.s32 s20, s19  }
0x9c: {  	s22 =	simm.s32 $0x0;
	s4 =	sshll.u32 s4, $0x1;
	s5 =	sadd.s32 s21, s3  }
0x9d: {  	[timem:s22], [sflag:s6] =	dma.local [hbm:s5], s4  }
0x9e: {  	_ =	swait.ge [sflag:s6], s4  }
0x9f: {  	s4 =	ssub.s32 $0x0, s4;
	[sflag:s6] =	ssyncset.done $0x0  }
0xa0: {  	[sflag:s6] =	ssyncadd.s32 s4;
	_ =	sdelay $0x1  }
0xa1: {  	s23 =	simm.s32 $0x1B8B  }
0xa2: {  	_ =	swait.ge [sflag:s23], $0x1  }
0xa3: {  	[sflag:s23] =	ssyncset.done $0x0  }
0xa4: {  	[sflag:s23] =	ssyncadd.s32 $0xFFFFFFFF  }
0xa5: {  	s4 =	sld [smem:$0x0]  }
0xa6: {  	s5 =	sand.u32 $0xFFFFFFFE, s1  }
0xa7: {  	p0 =	sne.s32 s1, s5  }
0xa8: {  	s5 =	sshll.u32 @p0 s5, $0xE  }
0xa9: {  	s5 =	sadd.s32 @p0 $0x11B8D, s5;
	s6 =	sshll.u32 @p0 s4, $0x11  }
0xaa: {  	s5 =	sor.u32 @p0 s6, s5  }
0xab: {  	[sflag:s5] =	ssyncadd.remote.s32 @p0 $0x1;
	_ =	sdelay $0x1  }
0xac: {  	s5 =	simm.s32 @p0 $0x1B8D  }
0xad: {  	_ =	swait.eq @p0 [sflag:s5], $0x1  }
0xae: {  	[sflag:s5] =	ssyncadd.s32 @p0 $0xFFFFFFFF  }
0xaf: {  	s6 =	sshll.u32 @!p0 s1, $0xE  }
0xb0: {  	s6 =	sor.u32 @!p0 $0x4000, s6;
	s5 =	simm.s32 @!p0 $0x1B8D  }
0xb1: {  	s4 =	sshll.u32 @!p0 s4, $0x11;
	s6 =	sadd.s32 @!p0 $0x11B8D, s6;
	_ =	swait.eq @!p0 [sflag:s5], $0x1  }
0xb2: {  	s4 =	sor.u32 @!p0 s4, s6;
	[sflag:s5] =	ssyncadd.s32 @!p0 $0xFFFFFFFF  }
0xb3: {  	s25 =	simm.s32 $0x1B8E;
	s24 =	sld [smem:$0x3FFE];
	[sflag:s4] =	ssyncadd.remote.s32 @!p0 $0x1  }
0xb4: {  	s26 =	simm.s32 $execute0_lowered;
	[smem:$0x3FD2] =	sst s25  }
0xb5: {  	s5 =	sshll.u32 s26, $0x1;
	_ =	strace $0x8000005B;
	[dreg:$0x1] =	wrdreg $0xFFFFFFFF  }
0xb6: {  	s28 =	simm.s32 $_size_execute0_lowered;
	s3 =	sadd.s32 s3, s5;
	[dreg:$0x0] =	wrdreg $0x0  }
0xb7: {  	s5 =	sshll.u32 s28, $0x1;
	[dreg:$0x2] =	wrdreg s3  }
0xb8: {  	[dreg:$0x3] =	wrdreg s5  }
0xb9: {  	[dreg:$0x4] =	wrdreg $0xC0  }
0xba: {  	_ =	task [dreg:s22], $0x5FFFF  }
0xbb: {  	[dreg:$0x1] =	wrdreg $0xFFFFFFFF  }
0xbc: {  	[dreg:$0x0] =	wrdreg $0x60  }
0xbd: {  	[dreg:$0x2] =	wrdreg s24  }
0xbe: {  	[dreg:$0x3] =	wrdreg $0x40800  }
0xbf: {  	[dreg:$0x4] =	wrdreg $0xA  }
0xc0: {  	_ =	task.clear_ibuf [dreg:s22], $0x5FFFF;
	_ =	strace $0x9000005B  }
0xc1: {  	s29 =	simm.s32 $0xA;
	_ =	strace $0x8000005D  }
0xc2: {  	_ =	swait.ge [sflag:s29], $0x1  }
0xc3: {  	[sflag:s29] =	ssyncadd.s32 $0xFFFFFFFF  }
0xc4: {  	_ =	strace $0x9000005D  }
0xc5: {  	_ =	sfence  }
0xc6: {  	s30 =	sld [smem:$0x0];
	_ =	sdelay $0x2  }
0xc7: {  	s31 =	sshll.u32 s1, $0xD;
	s1 =	sshrl.u32 s1, $0x2  }
0xc8: {  	s4 =	sand.u32 $0x4000, s31;
	s1 =	sadd.s32 s1, s30  }
0xc9: {  	s0 =	sor.u32 s4, s0;
	s1 =	sshll.u32 s1, $0x11  }
0xca: {  	s0 =	sor.u32 s1, s0  }
0xcb: {  	s0 =	sadd.s32 $0x8F2B, s0  }
0xcc: {  	[sflag:s0] =	ssyncadd.remote.s32 $0x1  }
0xcd: {  	_ =	sfence.sel $0xFFFF  }
0xce: {  	[dreg:$0x0] =	wrdreg $0xFFFFFFFF;
	(pc) =	sbr.abs _section_cstart, $3  }
0xcf: {  	[dreg:$0x1] =	wrdreg $0xFFFFFFFF  }
0xd0: {  	_ =	task.clear_ibuf [dreg:s22], $0x2FFFF;
	_ =	strace $0x9FFFFFFF  }
0xd1: {  	(tm) =	ssettm $0x7FFFFFFF  }
tec
execute0_lowered:
.L_overlay_start_1:
0x0: {  	(tag) =	ssettag $0x1  }
0x1: {  	s1 =	srdreg.scid;
	s6 =	rddreg [dreg:$0x0]  }
0x2: {  	s0 =	stileid.u32;
	s2 =	rddreg [dreg:$0x1]  }
0x3: {  	s3 =	simm.s32 $0x0;
	s17 =	simm.s32 $0x80;
	s4 =	smul.u32 $0x280, s0  }
0x4: {  	s18 =	simm.s32 $0x1;
	s5 =	sand.u32 $0x1, s1;
	s8 =	smul.u32 $0x50000, s0  }
0x5: {  	s19 =	simm.s32 $0x0;
	[smem:$0x7FF] =	sst s3;
	s7 =	smul.u32 $0x2800, s5  }
0x6: {  	s1 =	rddreg [dreg:$0x2];
	s30 =	sshll.u32 s0, $0x1;
	_ =	strace $0x8000005C  }
0x7: {  	s12 =	ssub.s32 $0x2, s5;
	s31 =	sshrl.u32 s8, $0x2;
	s4 =	sadd.s32 s4, s7  }
0x8: {  	s13 =	sshrl.u32 s12, $0x1;
	s7 =	sshll.u32 s4, $0x4;
	s4 =	sadd.s32 $0x12C200, s6  }
0x9: {  	s16 =	sadd.s32 s7, s6;
	s6 =	sor.u32 s5, s30;
	s5 =	sadd.s32 s31, s2  }
0xa: {  	s6 =	smul.u32 $0x1400, s6;
	s7 =	sadd.s32 $0x4000, s5;
	s8 =	sadd.s32 $0x8000, s5  }
0xb: {  	s9 =	sadd.s32 $0xC000, s5;
	s10 =	sadd.s32 $0x10000, s5;
	s11 =	sadd.s32 $0x131200, s16  }
0xc: {  	s14 =	ssub.s32 s12, s13;
	s12 =	sadd.s32 $0x131A00, s16;
	s13 =	sadd.s32 $0x132200, s16  }
0xd: {  	v0 =	vimm.f32 $0.0e+00;
	v1 =	vimm.f32 $1.000000000e+00;
	s14 =	smax.u32 s14, $0x1;
	s15 =	sadd.s32 $0x132A00, s16;
	s16 =	sadd.s32 $0x133200, s16  }
.LBB2_1:
0xe: {  	s20 =	sand.u32 $0xFE00, s3  }
0xf: {  	s21 =	sand.u32 $0x70, s3;
	s22 =	sshrl.u32 s20, $0x2  }
0x10: {  	s20 =	simm.s32 $0x40;
	s22 =	sor.u32 s21, s22;
	s21 =	simm.s32 $0x0  }
.LBB2_2:
0x11: {  	p0 =	sne.s32 s20, $0xFFC0  }
0x12: {  	[tilespmem:s22+$0x80] =	vst v0;
	s21 =	sadd.s32 $0x10, s21;
	s22 =	smov.u32 s20;
	s20 =	sadd.s32 $0x40, s20  }
.Ltmp0:
0x13: {  	(pc) =	sbr.rel @p0 .LBB2_2-.Ltmp0, $4  }
0x14: {  	_ = 	snop  }
0x15: {  	s22 =	sand.u32 $0xFE00, s22  }
0x16: {  	s23 =	sand.u32 $0x70, s21;
	s22 =	sshrl.u32 s22, $0x2  }
0x17: {  	s22 =	sor.u32 s23, s22  }
0x18: {  	[tilespmem:s22+$0x80] =	vst v0  }
0x19: {  	[spmem:s5] =	stream.linear.scatter [tilespmem:s17], [sflag:$0x1], $0x4000, $0x38;
	[tilespmem:$0x18080] =	vst v63  }
0x1a: {  	_ =	swait.ge [sflag:s18], $0x4000  }
0x1b: {  	[sflag:s18] =	ssyncset.done $0x0  }
0x1c: {  	[sflag:s18] =	ssyncadd.s32 $0xFFFFC000  }
0x1d: {  	[spmem:s7] =	stream.linear.scatter [tilespmem:s17], [sflag:$0x1], $0x4000, $0x38;
	[tilespmem:$0x18080] =	vst v63  }
0x1e: {  	_ =	swait.ge [sflag:s18], $0x4000  }
0x1f: {  	[sflag:s18] =	ssyncset.done $0x0  }
0x20: {  	[sflag:s18] =	ssyncadd.s32 $0xFFFFC000  }
0x21: {  	[spmem:s8] =	stream.linear.scatter [tilespmem:s17], [sflag:$0x1], $0x4000, $0x38;
	[tilespmem:$0x18080] =	vst v63  }
0x22: {  	_ =	swait.ge [sflag:s18], $0x4000  }
0x23: {  	[sflag:s18] =	ssyncset.done $0x0  }
0x24: {  	[sflag:s18] =	ssyncadd.s32 $0xFFFFC000  }
0x25: {  	[spmem:s9] =	stream.linear.scatter [tilespmem:s17], [sflag:$0x1], $0x4000, $0x38;
	[tilespmem:$0x18080] =	vst v63  }
0x26: {  	_ =	swait.ge [sflag:s18], $0x4000  }
0x27: {  	[sflag:s18] =	ssyncset.done $0x0  }
0x28: {  	s20 =	simm.s32 $0x0;
	[sflag:s18] =	ssyncadd.s32 $0xFFFFC000  }
0x29: {  	[spmem:s10] =	stream.linear.scatter [tilespmem:s17], [sflag:$0x1], $0x4000, $0x38;
	[tilespmem:$0x18080] =	vst v63  }
0x2a: {  	s21 =	sand.u32 $0xFE00, s20;
	_ =	swait.ge [sflag:s18], $0x4000  }
0x2b: {  	s31 =	sand.u32 $0x70, s20;
	s23 =	sshrl.u32 s21, $0x2;
	[sflag:s18] =	ssyncset.done $0x0  }
0x2c: {  	s21 =	simm.s32 $0x40;
	s22 =	sor.u32 s31, s23;
	[sflag:s18] =	ssyncadd.s32 $0xFFFFC000  }
.LBB2_4:
0x2d: {  	p0 =	sne.s32 s21, $0xFFC0  }
0x2e: {  	[tilespmem:s22+$0x80] =	vst v1;
	s20 =	sadd.s32 $0x10, s20;
	s22 =	smov.u32 s21;
	s21 =	sadd.s32 $0x40, s21  }
.Ltmp1:
0x2f: {  	(pc) =	sbr.rel @p0 .LBB2_4-.Ltmp1, $4  }
0x30: {  	_ = 	snop  }
0x31: {  	s22 =	sand.u32 $0xFE00, s22  }
0x32: {  	s23 =	sand.u32 $0x70, s20;
	s22 =	sshrl.u32 s22, $0x2  }
0x33: {  	s22 =	sor.u32 s23, s22  }
0x34: {  	s20 =	simm.s32 $0x0  }
0x35: {  	s21 =	sand.u32 $0x1C00, s20  }
0x36: {  	s20 =	sand.u32 $0x380, s20;
	s21 =	sadd.s32 s6, s21  }
0x37: {  	s20 =	sor.u32 s20, s21  }
0x38: {  	[tilespmem:s22+$0x80] =	vst v1;
	s20 =	sshrl.u32 s20, $0x3  }
0x39: {  	[bflag:$0x0] =	sbarrier.arrive $0xFFFF;
	s20 =	sadd.s32 s4, s20  }
0x3a: {  	[tilespmem:s3], [sflag:$0x1] =	stream.linear.gather [hbm4b:s20+s3], $0x80, $0x38;
	[tilespmem:$0x18080] =	vst v63  }
0x3b: {  	_ =	swait.ge [sflag:s18], $0x80  }
0x3c: {  	s29 =	simm.s32 $0x80;
	[sflag:s18] =	ssyncset.done $0x0  }
0x3d: {  	s30 =	sand.u32 $0x1C00, s29;
	[sflag:s18] =	ssyncadd.s32 $0xFFFFFF80  }
0x3e: {  	[spmem:s2] =	stream.indirect.scatter.add.f32 [tilespmem:s17], [sflag:$0x1], $0x80, s3, s17, $0xb8;
	[tilespmem:$0x18080] =	vst v63  }
0x3f: {  	s31 =	sand.u32 $0x380, s29;
	s21 =	sadd.s32 s6, s30;
	_ =	swait.ge [sflag:s18], $0x4000  }
0x40: {  	s21 =	sor.u32 s31, s21;
	s20 =	simm.s32 $0x100;
	[sflag:s18] =	ssyncset.done $0x0  }
.LBB2_6:
0x41: {  	s21 =	sshrl.u32 s21, $0x3  }
0x42: {  	[sflag:s18] =	ssyncadd.s32 $0xFFFFC000;
	s22 =	smov.u32 s20;
	s23 =	sadd.s32 $0x80, s20  }
0x43: {  	p0 =	sne.s32 s20, $0x1380;
	s20 =	sadd.s32 s4, s21  }
0x44: {  	[tilespmem:s3], [sflag:$0x1] =	stream.linear.gather [hbm4b:s20+s3], $0x80, $0x38;
	[tilespmem:$0x18080] =	vst v63  }
0x45: {  	_ =	swait.ge [sflag:s18], $0x80  }
.Ltmp2:
0x46: {  	[sflag:s18] =	ssyncset.done $0x0;
	(pc) =	sbr.rel @p0 .LBB2_6-.Ltmp2, $4  }
0x47: {  	s20 =	sand.u32 $0x1C00, s22;
	[sflag:s18] =	ssyncadd.s32 $0xFFFFFF80  }
0x48: {  	[spmem:s2] =	stream.indirect.scatter.add.f32 [tilespmem:s17], [sflag:$0x1], $0x80, s3, s17, $0xb8;
	[tilespmem:$0x18080] =	vst v63  }
0x49: {  	s21 =	sand.u32 $0x380, s22;
	s20 =	sadd.s32 s6, s20;
	_ =	swait.ge [sflag:s18], $0x4000  }
0x4a: {  	s21 =	sor.u32 s21, s20;
	s20 =	smov.u32 s23;
	[sflag:s18] =	ssyncset.done $0x0  }
0x4b: {  	s20 =	sshrl.u32 s21, $0x3  }
0x4c: {  	[sflag:s18] =	ssyncadd.s32 $0xFFFFC000;
	s20 =	sadd.s32 s4, s20  }
0x4d: {  	[tilespmem:s3], [sflag:$0x1] =	stream.linear.gather [hbm4b:s20+s3], $0x80, $0x38;
	[tilespmem:$0x18080] =	vst v63  }
0x4e: {  	_ =	swait.ge [sflag:s18], $0x80  }
0x4f: {  	[sflag:s18] =	ssyncset.done $0x0  }
0x50: {  	[sflag:s18] =	ssyncadd.s32 $0xFFFFFF80  }
0x51: {  	[spmem:s2] =	stream.indirect.scatter.add.f32 [tilespmem:s17], [sflag:$0x1], $0x80, s3, s17, $0xb8;
	[tilespmem:$0x18080] =	vst v63  }
0x52: {  	_ =	swait.ge [sflag:s18], $0x4000  }
0x53: {  	[sflag:s18] =	ssyncset.done $0x0  }
0x54: {  	[sflag:s18] =	ssyncadd.s32 $0xFFFFC000  }
0x55: {  	[bflag:$0x0] =	sbarrier.arrive $0xFFFF  }
0x56: {  	[tilespmem:s17], [sflag:$0x1] =	stream.linear.gather [spmem:s5], $0x4000, $0x38;
	[tilespmem:$0x18080] =	vst v63  }
0x57: {  	_ =	swait.ge [sflag:s18], $0x4000  }
0x58: {  	[sflag:s18] =	ssyncset.done $0x0  }
0x59: {  	[sflag:s18] =	ssyncadd.s32 $0xFFFFC000  }
0x5a: {  	[hbm4b:s11+s3] =	stream.linear.scatter [tilespmem:s17], [sflag:$0x1], $0x4000, $0x38;
	[tilespmem:$0x18080] =	vst v63  }
0x5b: {  	_ =	swait.ge [sflag:s18], $0x4000  }
0x5c: {  	[sflag:s18] =	ssyncset.done $0x0  }
0x5d: {  	[sflag:s18] =	ssyncadd.s32 $0xFFFFC000  }
0x5e: {  	[tilespmem:s17], [sflag:$0x1] =	stream.linear.gather [spmem:s7], $0x4000, $0x38;
	[tilespmem:$0x18080] =	vst v63  }
0x5f: {  	_ =	swait.ge [sflag:s18], $0x4000  }
0x60: {  	[sflag:s18] =	ssyncset.done $0x0  }
0x61: {  	[sflag:s18] =	ssyncadd.s32 $0xFFFFC000  }
0x62: {  	[hbm4b:s12+s3] =	stream.linear.scatter [tilespmem:s17], [sflag:$0x1], $0x4000, $0x38;
	[tilespmem:$0x18080] =	vst v63  }
0x63: {  	_ =	swait.ge [sflag:s18], $0x4000  }
0x64: {  	[sflag:s18] =	ssyncset.done $0x0  }
0x65: {  	[sflag:s18] =	ssyncadd.s32 $0xFFFFC000  }
0x66: {  	[tilespmem:s17], [sflag:$0x1] =	stream.linear.gather [spmem:s8], $0x4000, $0x38;
	[tilespmem:$0x18080] =	vst v63  }
0x67: {  	_ =	swait.ge [sflag:s18], $0x4000  }
0x68: {  	[sflag:s18] =	ssyncset.done $0x0  }
0x69: {  	[sflag:s18] =	ssyncadd.s32 $0xFFFFC000  }
0x6a: {  	[hbm4b:s13+s3] =	stream.linear.scatter [tilespmem:s17], [sflag:$0x1], $0x4000, $0x38;
	[tilespmem:$0x18080] =	vst v63  }
0x6b: {  	_ =	swait.ge [sflag:s18], $0x4000  }
0x6c: {  	[sflag:s18] =	ssyncset.done $0x0  }
0x6d: {  	[sflag:s18] =	ssyncadd.s32 $0xFFFFC000  }
0x6e: {  	[tilespmem:s17], [sflag:$0x1] =	stream.linear.gather [spmem:s9], $0x4000, $0x38;
	[tilespmem:$0x18080] =	vst v63  }
0x6f: {  	_ =	swait.ge [sflag:s18], $0x4000  }
0x70: {  	[sflag:s18] =	ssyncset.done $0x0  }
0x71: {  	[sflag:s18] =	ssyncadd.s32 $0xFFFFC000  }
0x72: {  	[hbm4b:s15+s3] =	stream.linear.scatter [tilespmem:s17], [sflag:$0x1], $0x4000, $0x38;
	[tilespmem:$0x18080] =	vst v63  }
0x73: {  	_ =	swait.ge [sflag:s18], $0x4000  }
0x74: {  	[sflag:s18] =	ssyncset.done $0x0  }
0x75: {  	[sflag:s18] =	ssyncadd.s32 $0xFFFFC000  }
0x76: {  	[tilespmem:s17], [sflag:$0x1] =	stream.linear.gather [spmem:s10], $0x4000, $0x38;
	[tilespmem:$0x18080] =	vst v63  }
0x77: {  	s19 =	sadd.s32 $0x1, s19;
	_ =	swait.ge [sflag:s18], $0x4000  }
0x78: {  	p0 =	sne.s32 s19, s14;
	[sflag:s18] =	ssyncset.done $0x0  }
.Ltmp3:
0x79: {  	[sflag:s18] =	ssyncadd.s32 $0xFFFFC000;
	(pc) =	sbr.rel @p0 .LBB2_1-.Ltmp3, $4  }
0x7a: {  	[hbm4b:s16+s3] =	stream.linear.scatter [tilespmem:s17], [sflag:$0x1], $0x4000, $0x38;
	[tilespmem:$0x18080] =	vst v63  }
0x7b: {  	_ =	swait.ge [sflag:s18], $0x4000  }
0x7c: {  	[sflag:s18] =	ssyncset.done $0x0  }
0x7d: {  	[sflag:s18] =	ssyncadd.s32 $0xFFFFC000  }
0x7e: {  	_ =	sfence.sel $0x180000  }
0x7f: {  	[bflag:$0x0] =	sbarrier.arrive $0xFFFF  }
0x80: {  	p0 =	sne.s32 s0, $0x0;
	_ =	strace $0x9000005C  }
0x81: {  	s0 =	sadd.s32 @!p0 $0x100000, s1;
	[bflag:$0x2] =	sbarrier.arrive $0xFFFF  }
0x82: {  	[sflag:s0] =	ssyncadd.tile.s32 @!p0 $0x1;
	_ =	shalt  }
.Lfunc_end2:
_tile_overlayer_lowered:
.L_overlay_start_2:
0x83: {  	(tag) =	ssettag $0x2  }
0x84: {  	s0 =	rddreg [dreg:$0x0];
	s2 =	stileid.u32  }
0x85: {  	s1 =	rddreg [dreg:$0x1];
	p0 =	sne.s32 s2, $0x0  }
0x86: {  	s3 =	rddreg [dreg:$0x2];
	[bflag:$0x3] =	sbarrier.arrive $0xFFFF;
	s2 =	simm.s32 @!p0 $0x1C01  }
0x87: {  	[timem:s3], [sflag:s2] =	dma.local @!p0 [hbm:s0], s1  }
0x88: {  	s0 =	simm.s32 @!p0 $0x1  }
0x89: {  	_ =	swait.ge @!p0 [sflag:s0], s1  }
0x8a: {  	s1 =	ssub.s32 @!p0 $0x0, s1;
	[sflag:s0] =	ssyncset.done @!p0 $0x0  }
0x8b: {  	[sflag:s0] =	ssyncadd.s32 @!p0 s1  }
0x8c: {  	[bflag:$0x3] =	sbarrier.arrive $0xFFFF  }
0x8d: {  	_ =	shalt  }

// kernel: kernel.53.cloned.1.call-start
scs
__scs_entry_jumppad:
0x0: {  	(pc) =	sbr.rel $0x88, $3  }
0x1: {  	(tag) =	ssettag $0x0;
	lr =	simm.s32 $0x1  }
0x2: {  	[smem:$0x3F7E] =	sst lr;
	_ =	strace $0xD0000000  }
0x3: {  	_ = 	snop  }
0x4: {  	_ = 	snop  }
0x5: {  	_ = 	snop  }
0x6: {  	_ = 	snop  }
0x7: {  	_ = 	snop  }
__scs_overlays_trampoline_lowered:
0x8: {  	[smem:$0x3F8D] =	sst s0  }
0x9: {  	[smem:$0x3F8E] =	sst s1  }
0xa: {  	[smem:$0x3F8F] =	sst s2  }
0xb: {  	[smem:$0x3F90] =	sst s3  }
0xc: {  	[smem:$0x3F91] =	sst s4  }
0xd: {  	[smem:$0x3F92] =	sst s5  }
0xe: {  	[smem:$0x3F93] =	sst s6  }
0xf: {  	[smem:$0x3F94] =	sst s7  }
0x10: {  	[smem:$0x3F95] =	sst s8  }
0x11: {  	[smem:$0x3F96] =	sst s9;
	s0 =	simm.s32 @!p0 $0x0  }
0x12: {  	s1 =	sld [smem:$0x3F7C];
	s0 =	simm.s32 @p0 $0x1  }
0x13: {  	[smem:$0x3F97] =	sst s0;
	s0 =	simm.s32 @!p1 $0x0  }
0x14: {  	s2 =	sld [smem:$0x3F7B];
	s0 =	simm.s32 @p1 $0x1  }
0x15: {  	[smem:$0x3F98] =	sst s0;
	s0 =	simm.s32 @!p2 $0x0  }
0x16: {  	s3 =	sld [smem:$0x3FDB];
	s0 =	simm.s32 @p2 $0x1  }
0x17: {  	s4 =	simm.s32 $0x1BF5;
	[smem:$0x3F9A] =	sst s0  }
0x18: {  	s0 =	sld [smem:$0x3F7D];
	_ =	swait.ge [sflag:s4], $0x0  }
0x19: {  	s7 =	sld [smem:$0x3F7E]  }
0x1a: {  	s8 =	sadd.s32 $0xFFFFE003, lr  }
0x1b: {  	s9 =	sadd.s32 $0xFFFFFEF7, lr;
	s5 =	simm.s32 $0xFFFFFFFF;
	p2 =	slt.u32 s8, $0xFFFFF086  }
0x1c: {  	p1 =	slt.u32 s9, $0xF7A;
	s5 =	simm.s32 @!p2 $0x0  }
0x1d: {  	s5 =	simm.s32 @p1 $0x1;
	p0 =	seq.s32 s7, s2  }
0x1e: {  	s7 =	smul.u32 @!p0 $0xF7A, s2;
	p2 =	seq.s32 @!p0 s5, $0x0  }
0x1f: {  	s9 =	smul.u32 $0xF7A, s1;
	s8 =	simm.s32 @!p0 $0x1BF5;
	p2 =	por !p2, p0  }
0x20: {  	[sflag:s8] =	ssyncset.s32 @!p0 $0xFFFFF086;
	s6 =	sadd.s32 @!p0 s3, s7;
	s7 =	simm.s32 @!p0 $0x108  }
0x21: {  	s3 =	sadd.s32 s3, s9;
	s6 =	sadd.s32 @!p0 $0x88, s6;
	s7 =	simm.s32 @p2 $0x1082  }
0x22: {  	[simem:s7], [sflag:s8] =	dma.local @!p0 [hbm:s6], $0xF7A  }
0x23: {  	s9 =	sor.u32 $0xD0000000, s2;
	s6 =	simm.s32 $0x108;
	_ =	swait.ge @!p0 [sflag:s8], $0x0  }
0x24: {  	s3 =	sadd.s32 $0x88, s3;
	s6 =	simm.s32 @!p1 $0x1082;
	[sflag:s4] =	ssyncset.s32 $0xFFFFF086  }
0x25: {  	[simem:s6], [sflag:s4] =	dma.local [hbm:s3], $0xF7A  }
0x26: {  	[smem:$0x3F7E] =	sst s1;
	(tag) =	ssettag s2;
	_ =	strace s9  }
0x27: {  	s1 =	sld [smem:$0x3F8E]  }
0x28: {  	s2 =	sld [smem:$0x3F8F]  }
0x29: {  	s4 =	sld [smem:$0x3F91]  }
0x2a: {  	p0 =	seq.s32 s5, $0x0;
	s5 =	sld [smem:$0x3F92]  }
0x2b: {  	s6 =	sld [smem:$0x3F93]  }
0x2c: {  	s7 =	sld [smem:$0x3F94]  }
0x2d: {  	s3 =	simm.s32 $0x108;
	s8 =	sld [smem:$0x3F95]  }
0x2e: {  	s3 =	simm.s32 @!p0 $0x1082;
	s9 =	sld [smem:$0x3F96]  }
0x2f: {  	lr =	sadd.s32 s0, s3;
	s0 =	sld [smem:$0x3F8D]  }
0x30: {  	s3 =	sld [smem:$0x3F90]  }
0x31: {  	[smem:$0x3F99] =	sst s10  }
0x32: {  	s10 =	sld [smem:$0x3F97];
	_ =	sdelay $0x3  }
0x33: {  	p0 =	seq.s32 s10, $0x1;
	s10 =	sld [smem:$0x3F99];
	_ =	sdelay $0x3  }
0x34: {  	[smem:$0x3F99] =	sst s10  }
0x35: {  	s10 =	sld [smem:$0x3F98];
	_ =	sdelay $0x3  }
0x36: {  	p1 =	seq.s32 s10, $0x1;
	s10 =	sld [smem:$0x3F99];
	_ =	sdelay $0x3  }
0x37: {  	[smem:$0x3F99] =	sst s10  }
0x38: {  	s10 =	sld [smem:$0x3F9A]  }
0x39: {  	_ = 	snop;
	(pc) =	sbr.ind lr, $3  }
0x3a: {  	_ = 	snop  }
0x3b: {  	_ = 	snop  }
0x3c: {  	p2 =	seq.s32 s10, $0x1;
	s10 =	sld [smem:$0x3F99]  }
0x3d: {  	_ =	shalt  }
0x3e: {  	_ =	shalt  }
0x3f: {  	_ =	shalt  }
0x40: {  	_ =	shalt  }
0x41: {  	_ =	shalt  }
0x42: {  	_ =	shalt  }
0x43: {  	_ =	shalt  }
0x44: {  	_ =	shalt  }
0x45: {  	_ =	shalt  }
0x46: {  	_ =	shalt  }
0x47: {  	_ =	shalt  }
0x48: {  	_ =	shalt  }
0x49: {  	_ =	shalt  }
0x4a: {  	_ =	shalt  }
0x4b: {  	_ =	shalt  }
0x4c: {  	_ =	shalt  }
0x4d: {  	_ =	shalt  }
0x4e: {  	_ =	shalt  }
0x4f: {  	_ =	shalt  }
0x50: {  	_ =	shalt  }
0x51: {  	_ =	shalt  }
0x52: {  	_ =	shalt  }
0x53: {  	_ =	shalt  }
0x54: {  	_ =	shalt  }
0x55: {  	_ =	shalt  }
0x56: {  	_ =	shalt  }
0x57: {  	_ =	shalt  }
0x58: {  	_ =	shalt  }
0x59: {  	_ =	shalt  }
0x5a: {  	_ =	shalt  }
0x5b: {  	_ =	shalt  }
0x5c: {  	_ =	shalt  }
0x5d: {  	_ =	shalt  }
0x5e: {  	_ =	shalt  }
0x5f: {  	_ =	shalt  }
0x60: {  	_ =	shalt  }
0x61: {  	_ =	shalt  }
0x62: {  	_ =	shalt  }
0x63: {  	_ =	shalt  }
0x64: {  	_ =	shalt  }
0x65: {  	_ =	shalt  }
0x66: {  	_ =	shalt  }
0x67: {  	_ =	shalt  }
0x68: {  	_ =	shalt  }
0x69: {  	_ =	shalt  }
0x6a: {  	_ =	shalt  }
0x6b: {  	_ =	shalt  }
0x6c: {  	_ =	shalt  }
0x6d: {  	_ =	shalt  }
0x6e: {  	_ =	shalt  }
0x6f: {  	_ =	shalt  }
0x70: {  	_ =	shalt  }
0x71: {  	_ =	shalt  }
0x72: {  	_ =	shalt  }
0x73: {  	_ =	shalt  }
0x74: {  	_ =	shalt  }
0x75: {  	_ =	shalt  }
0x76: {  	_ =	shalt  }
0x77: {  	_ =	shalt  }
0x78: {  	_ =	shalt  }
0x79: {  	_ =	shalt  }
0x7a: {  	_ =	shalt  }
0x7b: {  	_ =	shalt  }
0x7c: {  	_ =	shalt  }
0x7d: {  	_ =	shalt  }
0x7e: {  	_ =	shalt  }
0x7f: {  	_ =	shalt  }
0x80: {  	_ =	shalt  }
0x81: {  	_ =	shalt  }
0x82: {  	_ =	shalt  }
0x83: {  	_ =	shalt  }
0x84: {  	_ =	shalt  }
0x85: {  	_ =	shalt  }
0x86: {  	_ =	shalt  }
0x87: {  	_ =	shalt  }
.Lfunc_end0:
.L_simem_size_0:
called_computation.9_lowered:
.L_overlay_start_0:
0x88: {  	s2 =	sld [smem:$0x3FD9]  }
0x89: {  	s3 =	sld [smem:$0x3FFE];
	_ =	sdelay $0x1  }
0x8a: {  	s1 =	srdreg.scid  }
0x8b: {  	s0 =	sand.u32 $0x1, s1  }
0x8c: {  	s17 =	sshll.u32 s0, $0xA;
	s2 =	sadd.s32 s3, s2  }
0x8d: {  	s2 =	sadd.s32 s2, s17  }
0x8e: {  	[smem:$0x3FA5] =	sst s2  }
0x8f: {  	_ = 	snop  }
0x90: {  	(tm) =	ssettm $0x1  }
0x91: {  	s18 =	sld [smem:$0x3FFB];
	_ =	sdelay $0x3  }
0x92: {  	_ =	strace s18  }
0x93: {  	s2 =	sld [smem:$0x3FFC];
	_ =	sdelay $0x3  }
0x94: {  	_ =	strace s2  }
0x95: {  	s2 =	sld [smem:$0x3FFD];
	_ =	sdelay $0x3  }
0x96: {  	_ =	strace s2  }
0x97: {  	_ =	strace $0x8FFFFFFF  }
0x98: {  	s19 =	sld [smem:$0x3FDB];
	_ =	sdelay $0x1  }
0x99: {  	s20 =	simm.s32 $_scs_section_size  }
0x9a: {  	s4 =	simm.s32 $_size__tile_overlayer_lowered;
	s5 =	simm.s32 $_tile_overlayer_lowered  }
0x9b: {  	s6 =	simm.s32 $0x1BFF;
	s21 =	sshll.u32 s5, $0x1;
	s3 =	sadd.s32 s20, s19  }
0x9c: {  	s22 =	simm.s32 $0x0;
	s4 =	sshll.u32 s4, $0x1;
	s5 =	sadd.s32 s21, s3  }
0x9d: {  	[timem:s22], [sflag:s6] =	dma.local [hbm:s5], s4  }
0x9e: {  	_ =	swait.ge [sflag:s6], s4  }
0x9f: {  	s4 =	ssub.s32 $0x0, s4;
	[sflag:s6] =	ssyncset.done $0x0  }
0xa0: {  	[sflag:s6] =	ssyncadd.s32 s4;
	_ =	sdelay $0x1  }
0xa1: {  	s23 =	simm.s32 $0x1B8B  }
0xa2: {  	_ =	swait.ge [sflag:s23], $0x1  }
0xa3: {  	[sflag:s23] =	ssyncset.done $0x0  }
0xa4: {  	[sflag:s23] =	ssyncadd.s32 $0xFFFFFFFF  }
0xa5: {  	s4 =	sld [smem:$0x0]  }
0xa6: {  	s5 =	sand.u32 $0xFFFFFFFE, s1  }
0xa7: {  	p0 =	sne.s32 s1, s5  }
0xa8: {  	s5 =	sshll.u32 @p0 s5, $0xE  }
0xa9: {  	s5 =	sadd.s32 @p0 $0x11B8D, s5;
	s6 =	sshll.u32 @p0 s4, $0x11  }
0xaa: {  	s5 =	sor.u32 @p0 s6, s5  }
0xab: {  	[sflag:s5] =	ssyncadd.remote.s32 @p0 $0x1;
	_ =	sdelay $0x1  }
0xac: {  	s5 =	simm.s32 @p0 $0x1B8D  }
0xad: {  	_ =	swait.eq @p0 [sflag:s5], $0x1  }
0xae: {  	[sflag:s5] =	ssyncadd.s32 @p0 $0xFFFFFFFF  }
0xaf: {  	s6 =	sshll.u32 @!p0 s1, $0xE  }
0xb0: {  	s6 =	sor.u32 @!p0 $0x4000, s6;
	s5 =	simm.s32 @!p0 $0x1B8D  }
0xb1: {  	s4 =	sshll.u32 @!p0 s4, $0x11;
	s6 =	sadd.s32 @!p0 $0x11B8D, s6;
	_ =	swait.eq @!p0 [sflag:s5], $0x1  }
0xb2: {  	s4 =	sor.u32 @!p0 s4, s6;
	[sflag:s5] =	ssyncadd.s32 @!p0 $0xFFFFFFFF  }
0xb3: {  	s25 =	simm.s32 $0x1B8E;
	s24 =	sld [smem:$0x3FFE];
	[sflag:s4] =	ssyncadd.remote.s32 @!p0 $0x1  }
0xb4: {  	s26 =	simm.s32 $execute0_lowered;
	[smem:$0x3FD2] =	sst s25  }
0xb5: {  	s5 =	sshll.u32 s26, $0x1;
	_ =	strace $0x8000005E;
	[dreg:$0x1] =	wrdreg $0xFFFFFFFF  }
0xb6: {  	s28 =	simm.s32 $_size_execute0_lowered;
	s3 =	sadd.s32 s3, s5;
	[dreg:$0x0] =	wrdreg $0x0  }
0xb7: {  	s5 =	sshll.u32 s28, $0x1;
	[dreg:$0x2] =	wrdreg s3  }
0xb8: {  	[dreg:$0x3] =	wrdreg s5  }
0xb9: {  	[dreg:$0x4] =	wrdreg $0xC0  }
0xba: {  	_ =	task [dreg:s22], $0x5FFFF  }
0xbb: {  	[dreg:$0x1] =	wrdreg $0xFFFFFFFF  }
0xbc: {  	[dreg:$0x0] =	wrdreg $0x60  }
0xbd: {  	[dreg:$0x2] =	wrdreg s24  }
0xbe: {  	[dreg:$0x3] =	wrdreg $0x41000  }
0xbf: {  	[dreg:$0x4] =	wrdreg $0xC  }
0xc0: {  	_ =	task.clear_ibuf [dreg:s22], $0x5FFFF;
	_ =	strace $0x9000005E  }
0xc1: {  	s29 =	simm.s32 $0xC;
	_ =	strace $0x80000060  }
0xc2: {  	_ =	swait.ge [sflag:s29], $0x1  }
0xc3: {  	[sflag:s29] =	ssyncadd.s32 $0xFFFFFFFF  }
0xc4: {  	_ =	strace $0x90000060  }
0xc5: {  	_ =	sfence  }
0xc6: {  	s30 =	sld [smem:$0x0];
	_ =	sdelay $0x2  }
0xc7: {  	s31 =	sshll.u32 s1, $0xD;
	s1 =	sshrl.u32 s1, $0x2  }
0xc8: {  	s4 =	sand.u32 $0x4000, s31;
	s1 =	sadd.s32 s1, s30  }
0xc9: {  	s0 =	sor.u32 s4, s0;
	s1 =	sshll.u32 s1, $0x11  }
0xca: {  	s0 =	sor.u32 s1, s0  }
0xcb: {  	s0 =	sadd.s32 $0x8F2B, s0  }
0xcc: {  	[sflag:s0] =	ssyncadd.remote.s32 $0x1  }
0xcd: {  	_ =	sfence.sel $0xFFFF  }
0xce: {  	[dreg:$0x0] =	wrdreg $0xFFFFFFFF;
	(pc) =	sbr.abs _section_cstart, $3  }
0xcf: {  	[dreg:$0x1] =	wrdreg $0xFFFFFFFF  }
0xd0: {  	_ =	task.clear_ibuf [dreg:s22], $0x2FFFF;
	_ =	strace $0x9FFFFFFF  }
0xd1: {  	(tm) =	ssettm $0x7FFFFFFF  }
tec
execute0_lowered:
.L_overlay_start_1:
0x0: {  	(tag) =	ssettag $0x1  }
0x1: {  	s7 =	rddreg [dreg:$0x0]  }
0x2: {  	s2 =	rddreg [dreg:$0x1]  }
0x3: {  	s0 =	rddreg [dreg:$0x2]  }
0x4: {  	s4 =	srdreg.scid;
	s1 =	stileid.u32  }
0x5: {  	s3 =	simm.s32 $0x0;
	s19 =	simm.s32 $0x100;
	s20 =	simm.s32 $0x2  }
0x6: {  	s21 =	simm.s32 $0x80;
	s22 =	simm.s32 $0x1;
	s5 =	smul.u32 $0x280, s1  }
0x7: {  	s8 =	sand.u32 $0x1, s4;
	[smem:$0x7FF] =	sst s3;
	s10 =	smul.u32 $0x50000, s1  }
0x8: {  	s4 =	sadd.s32 $0x59200, s7;
	s30 =	sshll.u32 s1, $0x1;
	s6 =	smul.u32 $0x2800, s8  }
0x9: {  	_ =	strace $0x8000005F;
	s13 =	ssub.s32 $0x2, s8;
	s8 =	sor.u32 s8, s30  }
0xa: {  	s31 =	sshrl.u32 s10, $0x2;
	s14 =	sshrl.u32 s13, $0x1;
	s9 =	sadd.s32 s5, s6  }
0xb: {  	s8 =	smul.u32 $0x1400, s8;
	s5 =	sadd.s32 $0x181200, s7;
	s9 =	sshll.u32 s9, $0x4  }
0xc: {  	s6 =	sadd.s32 $0x12C200, s7;
	s18 =	sadd.s32 s9, s7;
	s7 =	sadd.s32 s31, s2  }
0xd: {  	s15 =	ssub.s32 s13, s14;
	s9 =	sadd.s32 $0x4000, s7;
	s10 =	sadd.s32 $0x8000, s7  }
0xe: {  	s11 =	sadd.s32 $0xC000, s7;
	s12 =	sadd.s32 $0x10000, s7;
	s13 =	sadd.s32 $0x1AE200, s18  }
0xf: {  	s23 =	simm.s32 $0x0;
	s14 =	sadd.s32 $0x1AEA00, s18;
	s16 =	sadd.s32 $0x1AF200, s18  }
0x10: {  	v0 =	vimm.f32 $0.0e+00;
	s15 =	smax.u32 s15, $0x1;
	s17 =	sadd.s32 $0x1AFA00, s18;
	s18 =	sadd.s32 $0x1B0200, s18  }
.LBB2_1:
0x11: {  	s24 =	sand.u32 $0xFE00, s3  }
0x12: {  	s25 =	sand.u32 $0x70, s3;
	s26 =	sshrl.u32 s24, $0x2  }
0x13: {  	s24 =	simm.s32 $0x40;
	s26 =	sor.u32 s25, s26;
	s25 =	simm.s32 $0x0  }
.LBB2_2:
0x14: {  	p0 =	sne.s32 s24, $0xFFC0  }
0x15: {  	[tilespmem:s26+$0x100] =	vst v0;
	s25 =	sadd.s32 $0x10, s25;
	s26 =	smov.u32 s24;
	s24 =	sadd.s32 $0x40, s24  }
.Ltmp0:
0x16: {  	(pc) =	sbr.rel @p0 .LBB2_2-.Ltmp0, $4  }
0x17: {  	_ = 	snop  }
0x18: {  	s26 =	sand.u32 $0xFE00, s26  }
0x19: {  	s28 =	sand.u32 $0x70, s25;
	s26 =	sshrl.u32 s26, $0x2  }
0x1a: {  	s26 =	sor.u32 s28, s26  }
0x1b: {  	[tilespmem:s26+$0x100] =	vst v0  }
0x1c: {  	[spmem:s7] =	stream.linear.scatter [tilespmem:s19], [sflag:$0x2], $0x4000, $0x38;
	[tilespmem:$0x18100] =	vst v63  }
0x1d: {  	_ =	swait.ge [sflag:s20], $0x4000  }
0x1e: {  	[sflag:s20] =	ssyncset.done $0x0  }
0x1f: {  	[sflag:s20] =	ssyncadd.s32 $0xFFFFC000  }
0x20: {  	[spmem:s9] =	stream.linear.scatter [tilespmem:s19], [sflag:$0x2], $0x4000, $0x38;
	[tilespmem:$0x18100] =	vst v63  }
0x21: {  	_ =	swait.ge [sflag:s20], $0x4000  }
0x22: {  	[sflag:s20] =	ssyncset.done $0x0  }
0x23: {  	[sflag:s20] =	ssyncadd.s32 $0xFFFFC000  }
0x24: {  	[spmem:s10] =	stream.linear.scatter [tilespmem:s19], [sflag:$0x2], $0x4000, $0x38;
	[tilespmem:$0x18100] =	vst v63  }
0x25: {  	_ =	swait.ge [sflag:s20], $0x4000  }
0x26: {  	[sflag:s20] =	ssyncset.done $0x0  }
0x27: {  	[sflag:s20] =	ssyncadd.s32 $0xFFFFC000  }
0x28: {  	[spmem:s11] =	stream.linear.scatter [tilespmem:s19], [sflag:$0x2], $0x4000, $0x38;
	[tilespmem:$0x18100] =	vst v63  }
0x29: {  	_ =	swait.ge [sflag:s20], $0x4000  }
0x2a: {  	s24 =	simm.s32 $0x0;
	[sflag:s20] =	ssyncset.done $0x0  }
0x2b: {  	s25 =	sand.u32 $0x1C00, s24;
	[sflag:s20] =	ssyncadd.s32 $0xFFFFC000  }
0x2c: {  	[spmem:s12] =	stream.linear.scatter [tilespmem:s19], [sflag:$0x2], $0x4000, $0x38;
	[tilespmem:$0x18100] =	vst v63  }
0x2d: {  	s24 =	sand.u32 $0x380, s24;
	s25 =	sadd.s32 s8, s25;
	_ =	swait.ge [sflag:s20], $0x4000  }
0x2e: {  	s24 =	sor.u32 s24, s25;
	[sflag:s20] =	ssyncset.done $0x0  }
0x2f: {  	s24 =	sshrl.u32 s24, $0x3;
	[sflag:s20] =	ssyncadd.s32 $0xFFFFC000  }
0x30: {  	s28 =	sadd.s32 s5, s24;
	[bflag:$0x0] =	sbarrier.arrive $0xFFFF  }
0x31: {  	[tilespmem:s3], [sflag:$0x2] =	stream.linear.gather [hbm4b:s28+s3], $0x80, $0x38;
	[tilespmem:$0x18100] =	vst v63  }
0x32: {  	_ =	swait.ge [sflag:s20], $0x80  }
0x33: {  	[sflag:s20] =	ssyncset.done $0x0  }
0x34: {  	s24 =	sadd.s32 s6, s24;
	[sflag:s20] =	ssyncadd.s32 $0xFFFFFF80  }
0x35: {  	[tilespmem:s21], [sflag:$0x2] =	stream.linear.gather [hbm4b:s24+s3], $0x80, $0x38;
	[tilespmem:$0x18100] =	vst v63  }
0x36: {  	_ =	swait.ge [sflag:s20], $0x80  }
0x37: {  	[sflag:s20] =	ssyncset.done $0x0  }
0x38: {  	[sflag:s20] =	ssyncadd.s32 $0xFFFFFF80  }
0x39: {  	[tilespmem:s19], [sflag:$0x1] =	stream.indirect.gather [hbm4b:s4+s21], $0x80, s3, s21, $0xb8;
	[tilespmem:$0x18100] =	vst v63  }
0x3a: {  	_ =	swait.ge [sflag:s22], $0x4000  }
0x3b: {  	s29 =	simm.s32 $0x80;
	[sflag:s22] =	ssyncset.done $0x0  }
0x3c: {  	s30 =	sand.u32 $0x1C00, s29;
	[sflag:s22] =	ssyncadd.s32 $0xFFFFC000  }
0x3d: {  	[spmem:s2] =	stream.indirect.scatter.add.f32 [tilespmem:s19], [sflag:$0x2], $0x80, s21, s21, $0xb8;
	[tilespmem:$0x18100] =	vst v63  }
0x3e: {  	s31 =	sand.u32 $0x380, s29;
	s25 =	sadd.s32 s8, s30;
	_ =	swait.ge [sflag:s20], $0x4000  }
0x3f: {  	s25 =	sor.u32 s31, s25;
	s24 =	simm.s32 $0x100;
	[sflag:s20] =	ssyncset.done $0x0  }
.LBB2_4:
0x40: {  	s25 =	sshrl.u32 s25, $0x3  }
0x41: {  	[sflag:s20] =	ssyncadd.s32 $0xFFFFC000;
	s26 =	smov.u32 s24;
	s28 =	sadd.s32 $0x80, s24  }
0x42: {  	p0 =	sne.s32 s24, $0x1380;
	s24 =	sadd.s32 s5, s25  }
0x43: {  	[tilespmem:s3], [sflag:$0x2] =	stream.linear.gather [hbm4b:s24+s3], $0x80, $0x38;
	[tilespmem:$0x18100] =	vst v63  }
0x44: {  	_ =	swait.ge [sflag:s20], $0x80  }
0x45: {  	[sflag:s20] =	ssyncset.done $0x0  }
0x46: {  	s24 =	sadd.s32 s6, s25;
	[sflag:s20] =	ssyncadd.s32 $0xFFFFFF80  }
0x47: {  	[tilespmem:s21], [sflag:$0x2] =	stream.linear.gather [hbm4b:s24+s3], $0x80, $0x38;
	[tilespmem:$0x18100] =	vst v63  }
0x48: {  	_ =	swait.ge [sflag:s20], $0x80  }
0x49: {  	[sflag:s20] =	ssyncset.done $0x0  }
0x4a: {  	[sflag:s20] =	ssyncadd.s32 $0xFFFFFF80  }
0x4b: {  	[tilespmem:s19], [sflag:$0x1] =	stream.indirect.gather [hbm4b:s4+s21], $0x80, s3, s21, $0xb8;
	[tilespmem:$0x18100] =	vst v63  }
0x4c: {  	_ =	swait.ge [sflag:s22], $0x4000  }
.Ltmp1:
0x4d: {  	[sflag:s22] =	ssyncset.done $0x0;
	(pc) =	sbr.rel @p0 .LBB2_4-.Ltmp1, $4  }
0x4e: {  	s24 =	sand.u32 $0x1C00, s26;
	[sflag:s22] =	ssyncadd.s32 $0xFFFFC000  }
0x4f: {  	[spmem:s2] =	stream.indirect.scatter.add.f32 [tilespmem:s19], [sflag:$0x2], $0x80, s21, s21, $0xb8;
	[tilespmem:$0x18100] =	vst v63  }
0x50: {  	s25 =	sand.u32 $0x380, s26;
	s24 =	sadd.s32 s8, s24;
	_ =	swait.ge [sflag:s20], $0x4000  }
0x51: {  	s25 =	sor.u32 s25, s24;
	s24 =	smov.u32 s28;
	[sflag:s20] =	ssyncset.done $0x0  }
0x52: {  	s24 =	sshrl.u32 s25, $0x3  }
0x53: {  	[sflag:s20] =	ssyncadd.s32 $0xFFFFC000;
	s25 =	sadd.s32 s5, s24  }
0x54: {  	[tilespmem:s3], [sflag:$0x2] =	stream.linear.gather [hbm4b:s25+s3], $0x80, $0x38;
	[tilespmem:$0x18100] =	vst v63  }
0x55: {  	_ =	swait.ge [sflag:s20], $0x80  }
0x56: {  	[sflag:s20] =	ssyncset.done $0x0  }
0x57: {  	s24 =	sadd.s32 s6, s24;
	[sflag:s20] =	ssyncadd.s32 $0xFFFFFF80  }
0x58: {  	[tilespmem:s21], [sflag:$0x2] =	stream.linear.gather [hbm4b:s24+s3], $0x80, $0x38;
	[tilespmem:$0x18100] =	vst v63  }
0x59: {  	_ =	swait.ge [sflag:s20], $0x80  }
0x5a: {  	[sflag:s20] =	ssyncset.done $0x0  }
0x5b: {  	[sflag:s20] =	ssyncadd.s32 $0xFFFFFF80  }
0x5c: {  	[tilespmem:s19], [sflag:$0x1] =	stream.indirect.gather [hbm4b:s4+s21], $0x80, s3, s21, $0xb8;
	[tilespmem:$0x18100] =	vst v63  }
0x5d: {  	_ =	swait.ge [sflag:s22], $0x4000  }
0x5e: {  	[sflag:s22] =	ssyncset.done $0x0  }
0x5f: {  	[sflag:s22] =	ssyncadd.s32 $0xFFFFC000  }
0x60: {  	[spmem:s2] =	stream.indirect.scatter.add.f32 [tilespmem:s19], [sflag:$0x2], $0x80, s21, s21, $0xb8;
	[tilespmem:$0x18100] =	vst v63  }
0x61: {  	_ =	swait.ge [sflag:s20], $0x4000  }
0x62: {  	[sflag:s20] =	ssyncset.done $0x0  }
0x63: {  	[sflag:s20] =	ssyncadd.s32 $0xFFFFC000  }
0x64: {  	[bflag:$0x0] =	sbarrier.arrive $0xFFFF  }
0x65: {  	[tilespmem:s19], [sflag:$0x2] =	stream.linear.gather [spmem:s7], $0x4000, $0x38;
	[tilespmem:$0x18100] =	vst v63  }
0x66: {  	_ =	swait.ge [sflag:s20], $0x4000  }
0x67: {  	[sflag:s20] =	ssyncset.done $0x0  }
0x68: {  	[sflag:s20] =	ssyncadd.s32 $0xFFFFC000  }
0x69: {  	[hbm4b:s13+s3] =	stream.linear.scatter [tilespmem:s19], [sflag:$0x2], $0x4000, $0x38;
	[tilespmem:$0x18100] =	vst v63  }
0x6a: {  	_ =	swait.ge [sflag:s20], $0x4000  }
0x6b: {  	[sflag:s20] =	ssyncset.done $0x0  }
0x6c: {  	[sflag:s20] =	ssyncadd.s32 $0xFFFFC000  }
0x6d: {  	[tilespmem:s19], [sflag:$0x2] =	stream.linear.gather [spmem:s9], $0x4000, $0x38;
	[tilespmem:$0x18100] =	vst v63  }
0x6e: {  	_ =	swait.ge [sflag:s20], $0x4000  }
0x6f: {  	[sflag:s20] =	ssyncset.done $0x0  }
0x70: {  	[sflag:s20] =	ssyncadd.s32 $0xFFFFC000  }
0x71: {  	[hbm4b:s14+s3] =	stream.linear.scatter [tilespmem:s19], [sflag:$0x2], $0x4000, $0x38;
	[tilespmem:$0x18100] =	vst v63  }
0x72: {  	_ =	swait.ge [sflag:s20], $0x4000  }
0x73: {  	[sflag:s20] =	ssyncset.done $0x0  }
0x74: {  	[sflag:s20] =	ssyncadd.s32 $0xFFFFC000  }
0x75: {  	[tilespmem:s19], [sflag:$0x2] =	stream.linear.gather [spmem:s10], $0x4000, $0x38;
	[tilespmem:$0x18100] =	vst v63  }
0x76: {  	_ =	swait.ge [sflag:s20], $0x4000  }
0x77: {  	[sflag:s20] =	ssyncset.done $0x0  }
0x78: {  	[sflag:s20] =	ssyncadd.s32 $0xFFFFC000  }
0x79: {  	[hbm4b:s16+s3] =	stream.linear.scatter [tilespmem:s19], [sflag:$0x2], $0x4000, $0x38;
	[tilespmem:$0x18100] =	vst v63  }
0x7a: {  	_ =	swait.ge [sflag:s20], $0x4000  }
0x7b: {  	[sflag:s20] =	ssyncset.done $0x0  }
0x7c: {  	[sflag:s20] =	ssyncadd.s32 $0xFFFFC000  }
0x7d: {  	[tilespmem:s19], [sflag:$0x2] =	stream.linear.gather [spmem:s11], $0x4000, $0x38;
	[tilespmem:$0x18100] =	vst v63  }
0x7e: {  	_ =	swait.ge [sflag:s20], $0x4000  }
0x7f: {  	[sflag:s20] =	ssyncset.done $0x0  }
0x80: {  	[sflag:s20] =	ssyncadd.s32 $0xFFFFC000  }
0x81: {  	[hbm4b:s17+s3] =	stream.linear.scatter [tilespmem:s19], [sflag:$0x2], $0x4000, $0x38;
	[tilespmem:$0x18100] =	vst v63  }
0x82: {  	_ =	swait.ge [sflag:s20], $0x4000  }
0x83: {  	[sflag:s20] =	ssyncset.done $0x0  }
0x84: {  	[sflag:s20] =	ssyncadd.s32 $0xFFFFC000  }
0x85: {  	[tilespmem:s19], [sflag:$0x2] =	stream.linear.gather [spmem:s12], $0x4000, $0x38;
	[tilespmem:$0x18100] =	vst v63  }
0x86: {  	s23 =	sadd.s32 $0x1, s23;
	_ =	swait.ge [sflag:s20], $0x4000  }
0x87: {  	p0 =	sne.s32 s23, s15;
	[sflag:s20] =	ssyncset.done $0x0  }
.Ltmp2:
0x88: {  	[sflag:s20] =	ssyncadd.s32 $0xFFFFC000;
	(pc) =	sbr.rel @p0 .LBB2_1-.Ltmp2, $4  }
0x89: {  	[hbm4b:s18+s3] =	stream.linear.scatter [tilespmem:s19], [sflag:$0x2], $0x4000, $0x38;
	[tilespmem:$0x18100] =	vst v63  }
0x8a: {  	_ =	swait.ge [sflag:s20], $0x4000  }
0x8b: {  	[sflag:s20] =	ssyncset.done $0x0  }
0x8c: {  	[sflag:s20] =	ssyncadd.s32 $0xFFFFC000  }
0x8d: {  	_ =	sfence.sel $0x180000  }
0x8e: {  	[bflag:$0x0] =	sbarrier.arrive $0xFFFF  }
0x8f: {  	p0 =	sne.s32 s1, $0x0;
	_ =	strace $0x9000005F  }
0x90: {  	s0 =	sadd.s32 @!p0 $0x100000, s0;
	[bflag:$0x2] =	sbarrier.arrive $0xFFFF  }
0x91: {  	[sflag:s0] =	ssyncadd.tile.s32 @!p0 $0x1;
	_ =	shalt  }
.Lfunc_end2:
_tile_overlayer_lowered:
.L_overlay_start_2:
0x92: {  	(tag) =	ssettag $0x2  }
0x93: {  	s0 =	rddreg [dreg:$0x0];
	s2 =	stileid.u32  }
0x94: {  	s1 =	rddreg [dreg:$0x1];
	p0 =	sne.s32 s2, $0x0  }
0x95: {  	s3 =	rddreg [dreg:$0x2];
	[bflag:$0x3] =	sbarrier.arrive $0xFFFF;
	s2 =	simm.s32 @!p0 $0x1C02  }
0x96: {  	[timem:s3], [sflag:s2] =	dma.local @!p0 [hbm:s0], s1  }
0x97: {  	s0 =	simm.s32 @!p0 $0x2  }
0x98: {  	_ =	swait.ge @!p0 [sflag:s0], s1  }
0x99: {  	s1 =	ssub.s32 @!p0 $0x0, s1;
	[sflag:s0] =	ssyncset.done @!p0 $0x0  }
0x9a: {  	[sflag:s0] =	ssyncadd.s32 @!p0 s1  }
0x9b: {  	[bflag:$0x3] =	sbarrier.arrive $0xFFFF  }
0x9c: {  	_ =	shalt  }

// kernel: kernel.56.cloned.1.call-start
scs
__scs_entry_jumppad:
0x0: {  	(pc) =	sbr.rel $0x88, $3  }
0x1: {  	(tag) =	ssettag $0x0;
	lr =	simm.s32 $0x1  }
0x2: {  	[smem:$0x3F7E] =	sst lr;
	_ =	strace $0xD0000000  }
0x3: {  	_ = 	snop  }
0x4: {  	_ = 	snop  }
0x5: {  	_ = 	snop  }
0x6: {  	_ = 	snop  }
0x7: {  	_ = 	snop  }
__scs_overlays_trampoline_lowered:
0x8: {  	[smem:$0x3F8D] =	sst s0  }
0x9: {  	[smem:$0x3F8E] =	sst s1  }
0xa: {  	[smem:$0x3F8F] =	sst s2  }
0xb: {  	[smem:$0x3F90] =	sst s3  }
0xc: {  	[smem:$0x3F91] =	sst s4  }
0xd: {  	[smem:$0x3F92] =	sst s5  }
0xe: {  	[smem:$0x3F93] =	sst s6  }
0xf: {  	[smem:$0x3F94] =	sst s7  }
0x10: {  	[smem:$0x3F95] =	sst s8  }
0x11: {  	[smem:$0x3F96] =	sst s9;
	s0 =	simm.s32 @!p0 $0x0  }
0x12: {  	s1 =	sld [smem:$0x3F7C];
	s0 =	simm.s32 @p0 $0x1  }
0x13: {  	[smem:$0x3F97] =	sst s0;
	s0 =	simm.s32 @!p1 $0x0  }
0x14: {  	s2 =	sld [smem:$0x3F7B];
	s0 =	simm.s32 @p1 $0x1  }
0x15: {  	[smem:$0x3F98] =	sst s0;
	s0 =	simm.s32 @!p2 $0x0  }
0x16: {  	s3 =	sld [smem:$0x3FDB];
	s0 =	simm.s32 @p2 $0x1  }
0x17: {  	s4 =	simm.s32 $0x1BF5;
	[smem:$0x3F9A] =	sst s0  }
0x18: {  	s0 =	sld [smem:$0x3F7D];
	_ =	swait.ge [sflag:s4], $0x0  }
0x19: {  	s7 =	sld [smem:$0x3F7E]  }
0x1a: {  	s8 =	sadd.s32 $0xFFFFE003, lr  }
0x1b: {  	s9 =	sadd.s32 $0xFFFFFEF7, lr;
	s5 =	simm.s32 $0xFFFFFFFF;
	p2 =	slt.u32 s8, $0xFFFFF086  }
0x1c: {  	p1 =	slt.u32 s9, $0xF7A;
	s5 =	simm.s32 @!p2 $0x0  }
0x1d: {  	s5 =	simm.s32 @p1 $0x1;
	p0 =	seq.s32 s7, s2  }
0x1e: {  	s7 =	smul.u32 @!p0 $0xF7A, s2;
	p2 =	seq.s32 @!p0 s5, $0x0  }
0x1f: {  	s9 =	smul.u32 $0xF7A, s1;
	s8 =	simm.s32 @!p0 $0x1BF5;
	p2 =	por !p2, p0  }
0x20: {  	[sflag:s8] =	ssyncset.s32 @!p0 $0xFFFFF086;
	s6 =	sadd.s32 @!p0 s3, s7;
	s7 =	simm.s32 @!p0 $0x108  }
0x21: {  	s3 =	sadd.s32 s3, s9;
	s6 =	sadd.s32 @!p0 $0x88, s6;
	s7 =	simm.s32 @p2 $0x1082  }
0x22: {  	[simem:s7], [sflag:s8] =	dma.local @!p0 [hbm:s6], $0xF7A  }
0x23: {  	s9 =	sor.u32 $0xD0000000, s2;
	s6 =	simm.s32 $0x108;
	_ =	swait.ge @!p0 [sflag:s8], $0x0  }
0x24: {  	s3 =	sadd.s32 $0x88, s3;
	s6 =	simm.s32 @!p1 $0x1082;
	[sflag:s4] =	ssyncset.s32 $0xFFFFF086  }
0x25: {  	[simem:s6], [sflag:s4] =	dma.local [hbm:s3], $0xF7A  }
0x26: {  	[smem:$0x3F7E] =	sst s1;
	(tag) =	ssettag s2;
	_ =	strace s9  }
0x27: {  	s1 =	sld [smem:$0x3F8E]  }
0x28: {  	s2 =	sld [smem:$0x3F8F]  }
0x29: {  	s4 =	sld [smem:$0x3F91]  }
0x2a: {  	p0 =	seq.s32 s5, $0x0;
	s5 =	sld [smem:$0x3F92]  }
0x2b: {  	s6 =	sld [smem:$0x3F93]  }
0x2c: {  	s7 =	sld [smem:$0x3F94]  }
0x2d: {  	s3 =	simm.s32 $0x108;
	s8 =	sld [smem:$0x3F95]  }
0x2e: {  	s3 =	simm.s32 @!p0 $0x1082;
	s9 =	sld [smem:$0x3F96]  }
0x2f: {  	lr =	sadd.s32 s0, s3;
	s0 =	sld [smem:$0x3F8D]  }
0x30: {  	s3 =	sld [smem:$0x3F90]  }
0x31: {  	[smem:$0x3F99] =	sst s10  }
0x32: {  	s10 =	sld [smem:$0x3F97];
	_ =	sdelay $0x3  }
0x33: {  	p0 =	seq.s32 s10, $0x1;
	s10 =	sld [smem:$0x3F99];
	_ =	sdelay $0x3  }
0x34: {  	[smem:$0x3F99] =	sst s10  }
0x35: {  	s10 =	sld [smem:$0x3F98];
	_ =	sdelay $0x3  }
0x36: {  	p1 =	seq.s32 s10, $0x1;
	s10 =	sld [smem:$0x3F99];
	_ =	sdelay $0x3  }
0x37: {  	[smem:$0x3F99] =	sst s10  }
0x38: {  	s10 =	sld [smem:$0x3F9A]  }
0x39: {  	_ = 	snop;
	(pc) =	sbr.ind lr, $3  }
0x3a: {  	_ = 	snop  }
0x3b: {  	_ = 	snop  }
0x3c: {  	p2 =	seq.s32 s10, $0x1;
	s10 =	sld [smem:$0x3F99]  }
0x3d: {  	_ =	shalt  }
0x3e: {  	_ =	shalt  }
0x3f: {  	_ =	shalt  }
0x40: {  	_ =	shalt  }
0x41: {  	_ =	shalt  }
0x42: {  	_ =	shalt  }
0x43: {  	_ =	shalt  }
0x44: {  	_ =	shalt  }
0x45: {  	_ =	shalt  }
0x46: {  	_ =	shalt  }
0x47: {  	_ =	shalt  }
0x48: {  	_ =	shalt  }
0x49: {  	_ =	shalt  }
0x4a: {  	_ =	shalt  }
0x4b: {  	_ =	shalt  }
0x4c: {  	_ =	shalt  }
0x4d: {  	_ =	shalt  }
0x4e: {  	_ =	shalt  }
0x4f: {  	_ =	shalt  }
0x50: {  	_ =	shalt  }
0x51: {  	_ =	shalt  }
0x52: {  	_ =	shalt  }
0x53: {  	_ =	shalt  }
0x54: {  	_ =	shalt  }
0x55: {  	_ =	shalt  }
0x56: {  	_ =	shalt  }
0x57: {  	_ =	shalt  }
0x58: {  	_ =	shalt  }
0x59: {  	_ =	shalt  }
0x5a: {  	_ =	shalt  }
0x5b: {  	_ =	shalt  }
0x5c: {  	_ =	shalt  }
0x5d: {  	_ =	shalt  }
0x5e: {  	_ =	shalt  }
0x5f: {  	_ =	shalt  }
0x60: {  	_ =	shalt  }
0x61: {  	_ =	shalt  }
0x62: {  	_ =	shalt  }
0x63: {  	_ =	shalt  }
0x64: {  	_ =	shalt  }
0x65: {  	_ =	shalt  }
0x66: {  	_ =	shalt  }
0x67: {  	_ =	shalt  }
0x68: {  	_ =	shalt  }
0x69: {  	_ =	shalt  }
0x6a: {  	_ =	shalt  }
0x6b: {  	_ =	shalt  }
0x6c: {  	_ =	shalt  }
0x6d: {  	_ =	shalt  }
0x6e: {  	_ =	shalt  }
0x6f: {  	_ =	shalt  }
0x70: {  	_ =	shalt  }
0x71: {  	_ =	shalt  }
0x72: {  	_ =	shalt  }
0x73: {  	_ =	shalt  }
0x74: {  	_ =	shalt  }
0x75: {  	_ =	shalt  }
0x76: {  	_ =	shalt  }
0x77: {  	_ =	shalt  }
0x78: {  	_ =	shalt  }
0x79: {  	_ =	shalt  }
0x7a: {  	_ =	shalt  }
0x7b: {  	_ =	shalt  }
0x7c: {  	_ =	shalt  }
0x7d: {  	_ =	shalt  }
0x7e: {  	_ =	shalt  }
0x7f: {  	_ =	shalt  }
0x80: {  	_ =	shalt  }
0x81: {  	_ =	shalt  }
0x82: {  	_ =	shalt  }
0x83: {  	_ =	shalt  }
0x84: {  	_ =	shalt  }
0x85: {  	_ =	shalt  }
0x86: {  	_ =	shalt  }
0x87: {  	_ =	shalt  }
.Lfunc_end0:
.L_simem_size_0:
called_computation.10_lowered:
.L_overlay_start_0:
0x88: {  	s2 =	sld [smem:$0x3FD9]  }
0x89: {  	s3 =	sld [smem:$0x3FFE];
	_ =	sdelay $0x1  }
0x8a: {  	s1 =	srdreg.scid  }
0x8b: {  	s0 =	sand.u32 $0x1, s1  }
0x8c: {  	s17 =	sshll.u32 s0, $0xA;
	s2 =	sadd.s32 s3, s2  }
0x8d: {  	s2 =	sadd.s32 s2, s17  }
0x8e: {  	[smem:$0x3FA5] =	sst s2  }
0x8f: {  	_ = 	snop  }
0x90: {  	(tm) =	ssettm $0x1  }
0x91: {  	s18 =	sld [smem:$0x3FFB];
	_ =	sdelay $0x3  }
0x92: {  	_ =	strace s18  }
0x93: {  	s2 =	sld [smem:$0x3FFC];
	_ =	sdelay $0x3  }
0x94: {  	_ =	strace s2  }
0x95: {  	s2 =	sld [smem:$0x3FFD];
	_ =	sdelay $0x3  }
0x96: {  	_ =	strace s2  }
0x97: {  	_ =	strace $0x8FFFFFFF  }
0x98: {  	s19 =	sld [smem:$0x3FDB];
	_ =	sdelay $0x1  }
0x99: {  	s20 =	simm.s32 $_scs_section_size  }
0x9a: {  	s4 =	simm.s32 $_size__tile_overlayer_lowered;
	s5 =	simm.s32 $_tile_overlayer_lowered  }
0x9b: {  	s6 =	simm.s32 $0x1BFF;
	s21 =	sshll.u32 s5, $0x1;
	s3 =	sadd.s32 s20, s19  }
0x9c: {  	s22 =	simm.s32 $0x0;
	s4 =	sshll.u32 s4, $0x1;
	s5 =	sadd.s32 s21, s3  }
0x9d: {  	[timem:s22], [sflag:s6] =	dma.local [hbm:s5], s4  }
0x9e: {  	_ =	swait.ge [sflag:s6], s4  }
0x9f: {  	s4 =	ssub.s32 $0x0, s4;
	[sflag:s6] =	ssyncset.done $0x0  }
0xa0: {  	[sflag:s6] =	ssyncadd.s32 s4;
	_ =	sdelay $0x1  }
0xa1: {  	s23 =	simm.s32 $0x1B8B  }
0xa2: {  	_ =	swait.ge [sflag:s23], $0x1  }
0xa3: {  	[sflag:s23] =	ssyncset.done $0x0  }
0xa4: {  	[sflag:s23] =	ssyncadd.s32 $0xFFFFFFFF  }
0xa5: {  	s4 =	sld [smem:$0x0]  }
0xa6: {  	s5 =	sand.u32 $0xFFFFFFFE, s1  }
0xa7: {  	p0 =	sne.s32 s1, s5  }
0xa8: {  	s5 =	sshll.u32 @p0 s5, $0xE  }
0xa9: {  	s5 =	sadd.s32 @p0 $0x11B8D, s5;
	s6 =	sshll.u32 @p0 s4, $0x11  }
0xaa: {  	s5 =	sor.u32 @p0 s6, s5  }
0xab: {  	[sflag:s5] =	ssyncadd.remote.s32 @p0 $0x1;
	_ =	sdelay $0x1  }
0xac: {  	s5 =	simm.s32 @p0 $0x1B8D  }
0xad: {  	_ =	swait.eq @p0 [sflag:s5], $0x1  }
0xae: {  	[sflag:s5] =	ssyncadd.s32 @p0 $0xFFFFFFFF  }
0xaf: {  	s6 =	sshll.u32 @!p0 s1, $0xE  }
0xb0: {  	s6 =	sor.u32 @!p0 $0x4000, s6;
	s5 =	simm.s32 @!p0 $0x1B8D  }
0xb1: {  	s4 =	sshll.u32 @!p0 s4, $0x11;
	s6 =	sadd.s32 @!p0 $0x11B8D, s6;
	_ =	swait.eq @!p0 [sflag:s5], $0x1  }
0xb2: {  	s4 =	sor.u32 @!p0 s4, s6;
	[sflag:s5] =	ssyncadd.s32 @!p0 $0xFFFFFFFF  }
0xb3: {  	s25 =	simm.s32 $0x1B8E;
	s24 =	sld [smem:$0x3FFE];
	[sflag:s4] =	ssyncadd.remote.s32 @!p0 $0x1  }
0xb4: {  	s26 =	simm.s32 $execute0_lowered;
	[smem:$0x3FD2] =	sst s25  }
0xb5: {  	s5 =	sshll.u32 s26, $0x1;
	_ =	strace $0x80000064;
	[dreg:$0x1] =	wrdreg $0xFFFFFFFF  }
0xb6: {  	s28 =	simm.s32 $_size_execute0_lowered;
	s3 =	sadd.s32 s3, s5;
	[dreg:$0x0] =	wrdreg $0x0  }
0xb7: {  	s5 =	sshll.u32 s28, $0x1;
	[dreg:$0x2] =	wrdreg s3  }
0xb8: {  	[dreg:$0x3] =	wrdreg s5  }
0xb9: {  	[dreg:$0x4] =	wrdreg $0xC0  }
0xba: {  	_ =	task [dreg:s22], $0x5FFFF  }
0xbb: {  	[dreg:$0x1] =	wrdreg $0xFFFFFFFF  }
0xbc: {  	[dreg:$0x0] =	wrdreg $0x60  }
0xbd: {  	[dreg:$0x2] =	wrdreg s24  }
0xbe: {  	[dreg:$0x3] =	wrdreg $0x41000  }
0xbf: {  	[dreg:$0x4] =	wrdreg $0xA  }
0xc0: {  	_ =	task.clear_ibuf [dreg:s22], $0x5FFFF;
	_ =	strace $0x90000064  }
0xc1: {  	s29 =	simm.s32 $0xA;
	_ =	strace $0x80000066  }
0xc2: {  	_ =	swait.ge [sflag:s29], $0x1  }
0xc3: {  	[sflag:s29] =	ssyncadd.s32 $0xFFFFFFFF  }
0xc4: {  	_ =	strace $0x90000066  }
0xc5: {  	_ =	sfence  }
0xc6: {  	s30 =	sld [smem:$0x0];
	_ =	sdelay $0x2  }
0xc7: {  	s31 =	sshll.u32 s1, $0xD;
	s1 =	sshrl.u32 s1, $0x2  }
0xc8: {  	s4 =	sand.u32 $0x4000, s31;
	s1 =	sadd.s32 s1, s30  }
0xc9: {  	s0 =	sor.u32 s4, s0;
	s1 =	sshll.u32 s1, $0x11  }
0xca: {  	s0 =	sor.u32 s1, s0  }
0xcb: {  	s0 =	sadd.s32 $0x8F2B, s0  }
0xcc: {  	[sflag:s0] =	ssyncadd.remote.s32 $0x1  }
0xcd: {  	_ =	sfence.sel $0xFFFF  }
0xce: {  	[dreg:$0x0] =	wrdreg $0xFFFFFFFF;
	(pc) =	sbr.abs _section_cstart, $3  }
0xcf: {  	[dreg:$0x1] =	wrdreg $0xFFFFFFFF  }
0xd0: {  	_ =	task.clear_ibuf [dreg:s22], $0x2FFFF;
	_ =	strace $0x9FFFFFFF  }
0xd1: {  	(tm) =	ssettm $0x7FFFFFFF  }
tec
execute0_lowered:
.L_overlay_start_1:
0x0: {  	(tag) =	ssettag $0x1  }
0x1: {  	s7 =	rddreg [dreg:$0x0]  }
0x2: {  	s2 =	rddreg [dreg:$0x1]  }
0x3: {  	s0 =	rddreg [dreg:$0x2]  }
0x4: {  	s4 =	srdreg.scid;
	s1 =	stileid.u32  }
0x5: {  	s3 =	simm.s32 $0x0;
	s19 =	simm.s32 $0x100;
	s20 =	simm.s32 $0x2  }
0x6: {  	s21 =	simm.s32 $0x80;
	s22 =	simm.s32 $0x1;
	s5 =	smul.u32 $0x280, s1  }
0x7: {  	s8 =	sand.u32 $0x1, s4;
	[smem:$0x7FF] =	sst s3;
	s10 =	smul.u32 $0x50000, s1  }
0x8: {  	s4 =	sadd.s32 $0x59200, s7;
	s30 =	sshll.u32 s1, $0x1;
	s6 =	smul.u32 $0x2800, s8  }
0x9: {  	_ =	strace $0x80000065;
	s13 =	ssub.s32 $0x2, s8;
	s8 =	sor.u32 s8, s30  }
0xa: {  	s31 =	sshrl.u32 s10, $0x2;
	s14 =	sshrl.u32 s13, $0x1;
	s9 =	sadd.s32 s5, s6  }
0xb: {  	s8 =	smul.u32 $0x1400, s8;
	s5 =	sadd.s32 $0x181200, s7;
	s9 =	sshll.u32 s9, $0x4  }
0xc: {  	s6 =	sadd.s32 $0x12C200, s7;
	s18 =	sadd.s32 s9, s7;
	s7 =	sadd.s32 s31, s2  }
0xd: {  	s15 =	ssub.s32 s13, s14;
	s9 =	sadd.s32 $0x4000, s7;
	s10 =	sadd.s32 $0x8000, s7  }
0xe: {  	s11 =	sadd.s32 $0xC000, s7;
	s12 =	sadd.s32 $0x10000, s7;
	s13 =	sadd.s32 $0x1AE200, s18  }
0xf: {  	s23 =	simm.s32 $0x0;
	s14 =	sadd.s32 $0x1AEA00, s18;
	s16 =	sadd.s32 $0x1AF200, s18  }
0x10: {  	v0 =	vimm.f32 $0.0e+00;
	s15 =	smax.u32 s15, $0x1;
	s17 =	sadd.s32 $0x1AFA00, s18;
	s18 =	sadd.s32 $0x1B0200, s18  }
.LBB2_1:
0x11: {  	s24 =	sand.u32 $0xFE00, s3  }
0x12: {  	s25 =	sand.u32 $0x70, s3;
	s26 =	sshrl.u32 s24, $0x2  }
0x13: {  	s24 =	simm.s32 $0x40;
	s26 =	sor.u32 s25, s26;
	s25 =	simm.s32 $0x0  }
.LBB2_2:
0x14: {  	p0 =	sne.s32 s24, $0xFFC0  }
0x15: {  	[tilespmem:s26+$0x100] =	vst v0;
	s25 =	sadd.s32 $0x10, s25;
	s26 =	smov.u32 s24;
	s24 =	sadd.s32 $0x40, s24  }
.Ltmp0:
0x16: {  	(pc) =	sbr.rel @p0 .LBB2_2-.Ltmp0, $4  }
0x17: {  	_ = 	snop  }
0x18: {  	s26 =	sand.u32 $0xFE00, s26  }
0x19: {  	s28 =	sand.u32 $0x70, s25;
	s26 =	sshrl.u32 s26, $0x2  }
0x1a: {  	s26 =	sor.u32 s28, s26  }
0x1b: {  	[tilespmem:s26+$0x100] =	vst v0  }
0x1c: {  	[spmem:s7] =	stream.linear.scatter [tilespmem:s19], [sflag:$0x2], $0x4000, $0x38;
	[tilespmem:$0x18100] =	vst v63  }
0x1d: {  	_ =	swait.ge [sflag:s20], $0x4000  }
0x1e: {  	[sflag:s20] =	ssyncset.done $0x0  }
0x1f: {  	[sflag:s20] =	ssyncadd.s32 $0xFFFFC000  }
0x20: {  	[spmem:s9] =	stream.linear.scatter [tilespmem:s19], [sflag:$0x2], $0x4000, $0x38;
	[tilespmem:$0x18100] =	vst v63  }
0x21: {  	_ =	swait.ge [sflag:s20], $0x4000  }
0x22: {  	[sflag:s20] =	ssyncset.done $0x0  }
0x23: {  	[sflag:s20] =	ssyncadd.s32 $0xFFFFC000  }
0x24: {  	[spmem:s10] =	stream.linear.scatter [tilespmem:s19], [sflag:$0x2], $0x4000, $0x38;
	[tilespmem:$0x18100] =	vst v63  }
0x25: {  	_ =	swait.ge [sflag:s20], $0x4000  }
0x26: {  	[sflag:s20] =	ssyncset.done $0x0  }
0x27: {  	[sflag:s20] =	ssyncadd.s32 $0xFFFFC000  }
0x28: {  	[spmem:s11] =	stream.linear.scatter [tilespmem:s19], [sflag:$0x2], $0x4000, $0x38;
	[tilespmem:$0x18100] =	vst v63  }
0x29: {  	_ =	swait.ge [sflag:s20], $0x4000  }
0x2a: {  	s24 =	simm.s32 $0x0;
	[sflag:s20] =	ssyncset.done $0x0  }
0x2b: {  	s25 =	sand.u32 $0x1C00, s24;
	[sflag:s20] =	ssyncadd.s32 $0xFFFFC000  }
0x2c: {  	[spmem:s12] =	stream.linear.scatter [tilespmem:s19], [sflag:$0x2], $0x4000, $0x38;
	[tilespmem:$0x18100] =	vst v63  }
0x2d: {  	s24 =	sand.u32 $0x380, s24;
	s25 =	sadd.s32 s8, s25;
	_ =	swait.ge [sflag:s20], $0x4000  }
0x2e: {  	s24 =	sor.u32 s24, s25;
	[sflag:s20] =	ssyncset.done $0x0  }
0x2f: {  	s24 =	sshrl.u32 s24, $0x3;
	[sflag:s20] =	ssyncadd.s32 $0xFFFFC000  }
0x30: {  	s28 =	sadd.s32 s5, s24;
	[bflag:$0x0] =	sbarrier.arrive $0xFFFF  }
0x31: {  	[tilespmem:s3], [sflag:$0x2] =	stream.linear.gather [hbm4b:s28+s3], $0x80, $0x38;
	[tilespmem:$0x18100] =	vst v63  }
0x32: {  	_ =	swait.ge [sflag:s20], $0x80  }
0x33: {  	[sflag:s20] =	ssyncset.done $0x0  }
0x34: {  	s24 =	sadd.s32 s6, s24;
	[sflag:s20] =	ssyncadd.s32 $0xFFFFFF80  }
0x35: {  	[tilespmem:s21], [sflag:$0x2] =	stream.linear.gather [hbm4b:s24+s3], $0x80, $0x38;
	[tilespmem:$0x18100] =	vst v63  }
0x36: {  	_ =	swait.ge [sflag:s20], $0x80  }
0x37: {  	[sflag:s20] =	ssyncset.done $0x0  }
0x38: {  	[sflag:s20] =	ssyncadd.s32 $0xFFFFFF80  }
0x39: {  	[tilespmem:s19], [sflag:$0x1] =	stream.indirect.gather [hbm4b:s4+s21], $0x80, s3, s21, $0xb8;
	[tilespmem:$0x18100] =	vst v63  }
0x3a: {  	_ =	swait.ge [sflag:s22], $0x4000  }
0x3b: {  	s29 =	simm.s32 $0x80;
	[sflag:s22] =	ssyncset.done $0x0  }
0x3c: {  	s30 =	sand.u32 $0x1C00, s29;
	[sflag:s22] =	ssyncadd.s32 $0xFFFFC000  }
0x3d: {  	[spmem:s2] =	stream.indirect.scatter.add.f32 [tilespmem:s19], [sflag:$0x2], $0x80, s21, s21, $0xb8;
	[tilespmem:$0x18100] =	vst v63  }
0x3e: {  	s31 =	sand.u32 $0x380, s29;
	s25 =	sadd.s32 s8, s30;
	_ =	swait.ge [sflag:s20], $0x4000  }
0x3f: {  	s25 =	sor.u32 s31, s25;
	s24 =	simm.s32 $0x100;
	[sflag:s20] =	ssyncset.done $0x0  }
.LBB2_4:
0x40: {  	s25 =	sshrl.u32 s25, $0x3  }
0x41: {  	[sflag:s20] =	ssyncadd.s32 $0xFFFFC000;
	s26 =	smov.u32 s24;
	s28 =	sadd.s32 $0x80, s24  }
0x42: {  	p0 =	sne.s32 s24, $0x1380;
	s24 =	sadd.s32 s5, s25  }
0x43: {  	[tilespmem:s3], [sflag:$0x2] =	stream.linear.gather [hbm4b:s24+s3], $0x80, $0x38;
	[tilespmem:$0x18100] =	vst v63  }
0x44: {  	_ =	swait.ge [sflag:s20], $0x80  }
0x45: {  	[sflag:s20] =	ssyncset.done $0x0  }
0x46: {  	s24 =	sadd.s32 s6, s25;
	[sflag:s20] =	ssyncadd.s32 $0xFFFFFF80  }
0x47: {  	[tilespmem:s21], [sflag:$0x2] =	stream.linear.gather [hbm4b:s24+s3], $0x80, $0x38;
	[tilespmem:$0x18100] =	vst v63  }
0x48: {  	_ =	swait.ge [sflag:s20], $0x80  }
0x49: {  	[sflag:s20] =	ssyncset.done $0x0  }
0x4a: {  	[sflag:s20] =	ssyncadd.s32 $0xFFFFFF80  }
0x4b: {  	[tilespmem:s19], [sflag:$0x1] =	stream.indirect.gather [hbm4b:s4+s21], $0x80, s3, s21, $0xb8;
	[tilespmem:$0x18100] =	vst v63  }
0x4c: {  	_ =	swait.ge [sflag:s22], $0x4000  }
.Ltmp1:
0x4d: {  	[sflag:s22] =	ssyncset.done $0x0;
	(pc) =	sbr.rel @p0 .LBB2_4-.Ltmp1, $4  }
0x4e: {  	s24 =	sand.u32 $0x1C00, s26;
	[sflag:s22] =	ssyncadd.s32 $0xFFFFC000  }
0x4f: {  	[spmem:s2] =	stream.indirect.scatter.add.f32 [tilespmem:s19], [sflag:$0x2], $0x80, s21, s21, $0xb8;
	[tilespmem:$0x18100] =	vst v63  }
0x50: {  	s25 =	sand.u32 $0x380, s26;
	s24 =	sadd.s32 s8, s24;
	_ =	swait.ge [sflag:s20], $0x4000  }
0x51: {  	s25 =	sor.u32 s25, s24;
	s24 =	smov.u32 s28;
	[sflag:s20] =	ssyncset.done $0x0  }
0x52: {  	s24 =	sshrl.u32 s25, $0x3  }
0x53: {  	[sflag:s20] =	ssyncadd.s32 $0xFFFFC000;
	s25 =	sadd.s32 s5, s24  }
0x54: {  	[tilespmem:s3], [sflag:$0x2] =	stream.linear.gather [hbm4b:s25+s3], $0x80, $0x38;
	[tilespmem:$0x18100] =	vst v63  }
0x55: {  	_ =	swait.ge [sflag:s20], $0x80  }
0x56: {  	[sflag:s20] =	ssyncset.done $0x0  }
0x57: {  	s24 =	sadd.s32 s6, s24;
	[sflag:s20] =	ssyncadd.s32 $0xFFFFFF80  }
0x58: {  	[tilespmem:s21], [sflag:$0x2] =	stream.linear.gather [hbm4b:s24+s3], $0x80, $0x38;
	[tilespmem:$0x18100] =	vst v63  }
0x59: {  	_ =	swait.ge [sflag:s20], $0x80  }
0x5a: {  	[sflag:s20] =	ssyncset.done $0x0  }
0x5b: {  	[sflag:s20] =	ssyncadd.s32 $0xFFFFFF80  }
0x5c: {  	[tilespmem:s19], [sflag:$0x1] =	stream.indirect.gather [hbm4b:s4+s21], $0x80, s3, s21, $0xb8;
	[tilespmem:$0x18100] =	vst v63  }
0x5d: {  	_ =	swait.ge [sflag:s22], $0x4000  }
0x5e: {  	[sflag:s22] =	ssyncset.done $0x0  }
0x5f: {  	[sflag:s22] =	ssyncadd.s32 $0xFFFFC000  }
0x60: {  	[spmem:s2] =	stream.indirect.scatter.add.f32 [tilespmem:s19], [sflag:$0x2], $0x80, s21, s21, $0xb8;
	[tilespmem:$0x18100] =	vst v63  }
0x61: {  	_ =	swait.ge [sflag:s20], $0x4000  }
0x62: {  	[sflag:s20] =	ssyncset.done $0x0  }
0x63: {  	[sflag:s20] =	ssyncadd.s32 $0xFFFFC000  }
0x64: {  	[bflag:$0x0] =	sbarrier.arrive $0xFFFF  }
0x65: {  	[tilespmem:s19], [sflag:$0x2] =	stream.linear.gather [spmem:s7], $0x4000, $0x38;
	[tilespmem:$0x18100] =	vst v63  }
0x66: {  	_ =	swait.ge [sflag:s20], $0x4000  }
0x67: {  	[sflag:s20] =	ssyncset.done $0x0  }
0x68: {  	[sflag:s20] =	ssyncadd.s32 $0xFFFFC000  }
0x69: {  	[hbm4b:s13+s3] =	stream.linear.scatter [tilespmem:s19], [sflag:$0x2], $0x4000, $0x38;
	[tilespmem:$0x18100] =	vst v63  }
0x6a: {  	_ =	swait.ge [sflag:s20], $0x4000  }
0x6b: {  	[sflag:s20] =	ssyncset.done $0x0  }
0x6c: {  	[sflag:s20] =	ssyncadd.s32 $0xFFFFC000  }
0x6d: {  	[tilespmem:s19], [sflag:$0x2] =	stream.linear.gather [spmem:s9], $0x4000, $0x38;
	[tilespmem:$0x18100] =	vst v63  }
0x6e: {  	_ =	swait.ge [sflag:s20], $0x4000  }
0x6f: {  	[sflag:s20] =	ssyncset.done $0x0  }
0x70: {  	[sflag:s20] =	ssyncadd.s32 $0xFFFFC000  }
0x71: {  	[hbm4b:s14+s3] =	stream.linear.scatter [tilespmem:s19], [sflag:$0x2], $0x4000, $0x38;
	[tilespmem:$0x18100] =	vst v63  }
0x72: {  	_ =	swait.ge [sflag:s20], $0x4000  }
0x73: {  	[sflag:s20] =	ssyncset.done $0x0  }
0x74: {  	[sflag:s20] =	ssyncadd.s32 $0xFFFFC000  }
0x75: {  	[tilespmem:s19], [sflag:$0x2] =	stream.linear.gather [spmem:s10], $0x4000, $0x38;
	[tilespmem:$0x18100] =	vst v63  }
0x76: {  	_ =	swait.ge [sflag:s20], $0x4000  }
0x77: {  	[sflag:s20] =	ssyncset.done $0x0  }
0x78: {  	[sflag:s20] =	ssyncadd.s32 $0xFFFFC000  }
0x79: {  	[hbm4b:s16+s3] =	stream.linear.scatter [tilespmem:s19], [sflag:$0x2], $0x4000, $0x38;
	[tilespmem:$0x18100] =	vst v63  }
0x7a: {  	_ =	swait.ge [sflag:s20], $0x4000  }
0x7b: {  	[sflag:s20] =	ssyncset.done $0x0  }
0x7c: {  	[sflag:s20] =	ssyncadd.s32 $0xFFFFC000  }
0x7d: {  	[tilespmem:s19], [sflag:$0x2] =	stream.linear.gather [spmem:s11], $0x4000, $0x38;
	[tilespmem:$0x18100] =	vst v63  }
0x7e: {  	_ =	swait.ge [sflag:s20], $0x4000  }
0x7f: {  	[sflag:s20] =	ssyncset.done $0x0  }
0x80: {  	[sflag:s20] =	ssyncadd.s32 $0xFFFFC000  }
0x81: {  	[hbm4b:s17+s3] =	stream.linear.scatter [tilespmem:s19], [sflag:$0x2], $0x4000, $0x38;
	[tilespmem:$0x18100] =	vst v63  }
0x82: {  	_ =	swait.ge [sflag:s20], $0x4000  }
0x83: {  	[sflag:s20] =	ssyncset.done $0x0  }
0x84: {  	[sflag:s20] =	ssyncadd.s32 $0xFFFFC000  }
0x85: {  	[tilespmem:s19], [sflag:$0x2] =	stream.linear.gather [spmem:s12], $0x4000, $0x38;
	[tilespmem:$0x18100] =	vst v63  }
0x86: {  	s23 =	sadd.s32 $0x1, s23;
	_ =	swait.ge [sflag:s20], $0x4000  }
0x87: {  	p0 =	sne.s32 s23, s15;
	[sflag:s20] =	ssyncset.done $0x0  }
.Ltmp2:
0x88: {  	[sflag:s20] =	ssyncadd.s32 $0xFFFFC000;
	(pc) =	sbr.rel @p0 .LBB2_1-.Ltmp2, $4  }
0x89: {  	[hbm4b:s18+s3] =	stream.linear.scatter [tilespmem:s19], [sflag:$0x2], $0x4000, $0x38;
	[tilespmem:$0x18100] =	vst v63  }
0x8a: {  	_ =	swait.ge [sflag:s20], $0x4000  }
0x8b: {  	[sflag:s20] =	ssyncset.done $0x0  }
0x8c: {  	[sflag:s20] =	ssyncadd.s32 $0xFFFFC000  }
0x8d: {  	_ =	sfence.sel $0x180000  }
0x8e: {  	[bflag:$0x0] =	sbarrier.arrive $0xFFFF  }
0x8f: {  	p0 =	sne.s32 s1, $0x0;
	_ =	strace $0x90000065  }
0x90: {  	s0 =	sadd.s32 @!p0 $0x100000, s0;
	[bflag:$0x2] =	sbarrier.arrive $0xFFFF  }
0x91: {  	[sflag:s0] =	ssyncadd.tile.s32 @!p0 $0x1;
	_ =	shalt  }
.Lfunc_end2:
_tile_overlayer_lowered:
.L_overlay_start_2:
0x92: {  	(tag) =	ssettag $0x2  }
0x93: {  	s0 =	rddreg [dreg:$0x0];
	s2 =	stileid.u32  }
0x94: {  	s1 =	rddreg [dreg:$0x1];
	p0 =	sne.s32 s2, $0x0  }
0x95: {  	s3 =	rddreg [dreg:$0x2];
	[bflag:$0x3] =	sbarrier.arrive $0xFFFF;
	s2 =	simm.s32 @!p0 $0x1C02  }
0x96: {  	[timem:s3], [sflag:s2] =	dma.local @!p0 [hbm:s0], s1  }
0x97: {  	s0 =	simm.s32 @!p0 $0x2  }
0x98: {  	_ =	swait.ge @!p0 [sflag:s0], s1  }
0x99: {  	s1 =	ssub.s32 @!p0 $0x0, s1;
	[sflag:s0] =	ssyncset.done @!p0 $0x0  }
0x9a: {  	[sflag:s0] =	ssyncadd.s32 @!p0 s1  }
0x9b: {  	[bflag:$0x3] =	sbarrier.arrive $0xFFFF  }
0x9c: {  	_ =	shalt  }

</sc_bundles>
